<compile_context>
chip_gen: v7x
topology: tpu7x:2x2x1
jax: 0.10.2.dev20260603
libtpu: 0.0.44.dev20260713+nightly
codegen_flags: <defaults>
</compile_context>

<pallas_src>
import functools

import jax
import jax.numpy as jnp
from jax import lax
from jax.experimental import pallas as pl
from jax.experimental.pallas import tpu as pltpu
from jax.experimental.pallas import tpu_sc as plsc

N_NODES = 10000
N_EDGES = 320000
D = 128
NEG = 0.01

NPAD = 10240
NC, NS = 2, 16
NW = NC * NS
EPW = N_EDGES // NW
EPW2 = 10240
E_PAD = NW * EPW2
IR = EPW2 // 128
KSTEPS = EPW2 // 16
NBUF = 5
GROUPS = KSTEPS // NBUF
ROWS_PER_TILE = NPAD // NS
DEG_W = 128

_MESH = plsc.VectorSubcoreMesh(core_axis_name="c", subcore_axis_name="s")


def _zero_vmem_2d(ref, nrows, ncols):
    z16 = jnp.zeros((16,), jnp.float32)
    per_row = ncols // 16

    def body(i, carry):
        r = i // per_row
        c = (i % per_row) * 16
        ref[r, pl.ds(c, 16)] = z16
        return carry

    lax.fori_loop(0, nrows * per_row, body, 0)


@functools.partial(
    pl.kernel,
    out_type=jax.ShapeDtypeStruct((NC, NPAD, DEG_W), jnp.float32),
    mesh=_MESH,
    scratch_types=[
        pltpu.VMEM((IR, 128), jnp.int32),
        pltpu.VMEM((16, DEG_W), jnp.float32),
        pltpu.VMEM_SHARED((NPAD, DEG_W), jnp.float32),
        pltpu.SemaphoreType.DMA,
    ]
    + [pltpu.SemaphoreType.DMA for _ in range(NBUF)],
)
def _sc_deg(dstr_hbm, out_hbm, didx, ones, acc, sem_i, *sem_s):
    cid = lax.axis_index("c")
    sid = lax.axis_index("s")
    wid = sid * NC + cid

    pltpu.async_copy(dstr_hbm.at[wid], didx, sem_i)

    def _dvec(k):
        return didx[k // 8, pl.ds((k % 8) * 16, 16)]

    _zero_vmem_2d(ones, 16, DEG_W)

    def zero_acc(j, carry):
        pltpu.sync_copy(ones, acc.at[pl.ds(sid * ROWS_PER_TILE + j * 16, 16)])
        return carry

    lax.fori_loop(0, ROWS_PER_TILE // 16, zero_acc, 0)

    one16 = jnp.full((16,), 1.0, jnp.float32)

    def fill_ones(i, carry):
        ones[i // 8, pl.ds((i % 8) * 16, 16)] = one16
        return carry

    lax.fori_loop(0, 16 * 8, fill_ones, 0)
    pltpu.make_async_copy(dstr_hbm.at[wid], didx, sem_i).wait()
    plsc.subcore_barrier()

    for b in range(NBUF):
        pltpu.async_copy(ones, acc.at[_dvec(b)], sem_s[b], add=True)

    def outer(g, carry):
        for b in range(NBUF):
            k = g * NBUF + b
            pltpu.make_async_copy(ones, acc.at[_dvec(k)], sem_s[b]).wait()

            @pl.when(g < GROUPS - 1)
            def _():
                pltpu.async_copy(ones, acc.at[_dvec(k + NBUF)], sem_s[b], add=True)

        return carry

    lax.fori_loop(0, GROUPS, outer, 0)
    plsc.subcore_barrier()

    pltpu.sync_copy(
        acc.at[pl.ds(sid * ROWS_PER_TILE, ROWS_PER_TILE)],
        out_hbm.at[cid, pl.ds(sid * ROWS_PER_TILE, ROWS_PER_TILE)],
    )


KD = EPW2 // 128
NIDX = 4
NROW = 2


@functools.partial(
    pl.kernel,
    out_type=jax.ShapeDtypeStruct((NC, NPAD, D), jnp.float32),
    mesh=_MESH,
    scratch_types=[pltpu.VMEM((2, 128), jnp.int32) for _ in range(NIDX)]
    + [pltpu.VMEM((128, D), jnp.float32) for _ in range(NROW)]
    + [pltpu.VMEM_SHARED((NPAD, D), jnp.float32)]
    + [pltpu.SemaphoreType.DMA for _ in range(NIDX + 2 * NROW)],
)
def _sc_scatter(g_hbm, pairs_hbm, out_hbm, *rest):
    idx = rest[:NIDX]
    rows = rest[NIDX:NIDX + NROW]
    acc = rest[NIDX + NROW]
    sem_i = rest[NIDX + NROW + 1:2 * NIDX + NROW + 1]
    sem_g = rest[2 * NIDX + NROW + 1:2 * NIDX + 2 * NROW + 1]
    sem_s = rest[2 * NIDX + 2 * NROW + 1:]

    cid = lax.axis_index("c")
    sid = lax.axis_index("s")
    wid = sid * NC + cid

    for b in range(NIDX):
        pltpu.async_copy(pairs_hbm.at[wid * KD + b], idx[b], sem_i[b])

    _zero_vmem_2d(rows[0], 128, D)

    def zero_acc(j, carry):
        pltpu.sync_copy(rows[0],
                        acc.at[pl.ds(sid * ROWS_PER_TILE + j * 128, 128)])
        return carry

    lax.fori_loop(0, ROWS_PER_TILE // 128, zero_acc, 0)
    plsc.subcore_barrier()

    def outer(g, carry):
        for b in range(NIDX):
            k = g * NIDX + b
            br = b % NROW
            bi2 = (b + 2) % NIDX

            @pl.when(k >= 2)
            def _():
                pltpu.make_async_copy(rows[br], acc.at[idx[bi2].at[1]],
                                      sem_s[br]).wait()

                @pl.when(k + 2 < KD)
                def _():
                    pltpu.async_copy(pairs_hbm.at[wid * KD + k + 2],
                                     idx[bi2], sem_i[bi2])

            pltpu.make_async_copy(pairs_hbm.at[wid * KD + k], idx[b],
                                  sem_i[b]).wait()
            pltpu.async_copy(g_hbm.at[idx[b].at[0]], rows[br], sem_g[br])
            pltpu.make_async_copy(g_hbm.at[idx[b].at[0]], rows[br],
                                  sem_g[br]).wait()
            pltpu.async_copy(rows[br], acc.at[idx[b].at[1]], sem_s[br],
                             add=True)
        return carry

    lax.fori_loop(0, KD // NIDX, outer, 0)
    for k in (KD - 2, KD - 1):
        b = k % NIDX
        pltpu.make_async_copy(rows[k % NROW], acc.at[idx[b].at[1]],
                              sem_s[k % NROW]).wait()
    plsc.subcore_barrier()

    pltpu.sync_copy(
        acc.at[pl.ds(sid * ROWS_PER_TILE, ROWS_PER_TILE)],
        out_hbm.at[cid, pl.ds(sid * ROWS_PER_TILE, ROWS_PER_TILE)],
    )



BLK = 512
GRID = NPAD // BLK


def _dinv_from(deg_ref):
    deg = 1.0 + deg_ref[0, :, 0:1] + deg_ref[1, :, 0:1]
    return lax.rsqrt(deg)


def _tc_pre_body(x_ref, w_ref, deg_ref, h_ref, g_ref):
    h = jnp.dot(x_ref[...], w_ref[...], preferred_element_type=jnp.float32)
    dinv = _dinv_from(deg_ref)
    h_ref[...] = h
    g_ref[...] = h * dinv


def _tc_mid_body(s_ref, h_ref, deg_ref, b_ref, w_ref, hn_ref, gn_ref):
    dinv = _dinv_from(deg_ref)
    h = h_ref[...]
    v = dinv * (s_ref[0] + s_ref[1]) + (dinv * dinv) * h + b_ref[...]
    a = jnp.where(v >= 0, v, NEG * v)
    hn = jnp.dot(a, w_ref[...], preferred_element_type=jnp.float32)
    hn_ref[...] = hn
    gn_ref[...] = hn * dinv


def _tc_post_body(s_ref, h_ref, deg_ref, b_ref, o_ref):
    dinv = _dinv_from(deg_ref)
    h = h_ref[...]
    v = dinv * (s_ref[0] + s_ref[1]) + (dinv * dinv) * h + b_ref[...]
    o_ref[...] = jnp.where(v >= 0, v, NEG * v)


_ROWBLK = pl.BlockSpec((BLK, D), lambda i: (i, 0))
_WSPEC = pl.BlockSpec((D, D), lambda i: (0, 0))
_DEGSPEC = pl.BlockSpec((NC, BLK, DEG_W), lambda i: (0, i, 0))
_SSPEC = pl.BlockSpec((NC, BLK, D), lambda i: (0, i, 0))
_BSPEC = pl.BlockSpec((1, D), lambda i: (0, 0))
_F32ROW = jax.ShapeDtypeStruct((NPAD, D), jnp.float32)

_tc_pre = pl.pallas_call(
    _tc_pre_body,
    grid=(GRID,),
    in_specs=[_ROWBLK, _WSPEC, _DEGSPEC],
    out_specs=[_ROWBLK, _ROWBLK],
    out_shape=[_F32ROW, _F32ROW],
)

_tc_mid = pl.pallas_call(
    _tc_mid_body,
    grid=(GRID,),
    in_specs=[_SSPEC, _ROWBLK, _DEGSPEC, _BSPEC, _WSPEC],
    out_specs=[_ROWBLK, _ROWBLK],
    out_shape=[_F32ROW, _F32ROW],
)

_tc_post = pl.pallas_call(
    _tc_post_body,
    grid=(GRID,),
    in_specs=[_SSPEC, _ROWBLK, _DEGSPEC, _BSPEC],
    out_specs=_ROWBLK,
    out_shape=_F32ROW,
)


def kernel(x, edge_index, W1, b1, W2, b2, W3, b3):
    pad = E_PAD - N_EDGES
    tpos = jnp.arange(pad, dtype=jnp.int32)
    src_s = jnp.concatenate(
        [edge_index[0], tpos % N_NODES]).reshape(NW, IR, 128)
    dst_s = jnp.concatenate(
        [edge_index[1], N_NODES + tpos % (NPAD - N_NODES)]).reshape(NW, IR, 128)
    pairs = jnp.stack([src_s, dst_s], axis=2).reshape(NW * KD, 2, 128)
    x_pad = jnp.zeros((NPAD, D), jnp.float32).at[:N_NODES].set(x)
    b1r = b1.reshape(1, D)
    b2r = b2.reshape(1, D)
    b3r = b3.reshape(1, D)

    degp = _sc_deg(dst_s)
    h1, g1 = _tc_pre(x_pad, W1, degp)
    s1 = _sc_scatter(g1, pairs)
    h2, g2 = _tc_mid(s1, h1, degp, b1r, W2)
    s2 = _sc_scatter(g2, pairs)
    h3, g3 = _tc_mid(s2, h2, degp, b2r, W3)
    s3 = _sc_scatter(g3, pairs)
    out = _tc_post(s3, h3, degp, b3r)
    return out[:N_NODES]

# --- scband reference (transcript-rebuilt; emitter-appended) ---
"""Pipeline reference for scband-pre-train-gnn-7464653160644 (READ-ONLY COPY).

The authoritative reference and input builder live on the scoring server;
editing this copy changes nothing except your own understanding.
"""

import jax, jax.numpy as jnp
import numpy as np

N = 10000
E = 320000
D_IN = 128
D_H = 128
NEG_SLOPE = 0.01


def _glorot(key, fan_in, fan_out):
    limit = np.sqrt(6.0 / (fan_in + fan_out))
    return jax.random.uniform(key, (fan_in, fan_out), dtype=jnp.float32, minval=-limit, maxval=limit)


def setup_inputs(seed: int = 0) -> dict:
    key = jax.random.key(seed)
    ks = jax.random.split(key, 8)
    x = jax.random.normal(ks[0], (N, D_IN), dtype=jnp.float32)
    edge_index = jax.random.randint(ks[1], (2, E), 0, N, dtype=jnp.int32)
    W1 = _glorot(ks[2], D_IN, D_H)
    b1 = jnp.zeros((D_H,), dtype=jnp.float32)
    W2 = _glorot(ks[3], D_H, D_H)
    b2 = jnp.zeros((D_H,), dtype=jnp.float32)
    W3 = _glorot(ks[4], D_H, D_H)
    b3 = jnp.zeros((D_H,), dtype=jnp.float32)
    return {"x": x, "edge_index": edge_index, "W1": W1, "b1": b1, "W2": W2, "b2": b2, "W3": W3, "b3": b3}


def _gcn_conv(x, edge_index, W, b):
    # GCNConv: out = D^{-1/2} (A + I) D^{-1/2} X W + b
    h = x @ W
    src = edge_index[0]
    dst = edge_index[1]
    loop = jnp.arange(N, dtype=src.dtype)
    src = jnp.concatenate([src, loop])
    dst = jnp.concatenate([dst, loop])
    deg = jax.ops.segment_sum(jnp.ones(src.shape[0], dtype=h.dtype), dst, num_segments=N)
    dinv = jnp.where(deg > 0, jax.lax.rsqrt(jnp.maximum(deg, 1e-12)), 0.0)
    norm = dinv[src] * dinv[dst]
    msg = h[src] * norm[:, None]
    out = jax.ops.segment_sum(msg, dst, num_segments=N)
    return out + b


def _leaky_relu(v):
    return jnp.where(v >= 0, v, NEG_SLOPE * v)


def reference(x, edge_index, W1, b1, W2, b2, W3, b3):
    h = _leaky_relu(_gcn_conv(x, edge_index, W1, b1))
    h = _leaky_relu(_gcn_conv(h, edge_index, W2, b2))
    h = _leaky_relu(_gcn_conv(h, edge_index, W3, b3))
    return h

if __name__ == "__main__":
    import jax
    _d = setup_inputs()
    print(jax.jit(kernel)(*tuple(_d.values())))

</pallas_src>

<mosaic_0001>
#map = affine_map<(d0, d1) -> (0, 0, 0)>
module attributes {stable_mosaic.version = 14 : i64} {
  func.func @_sc_deg(%arg0: i32, %arg1: i32, %arg2: memref<32x80x128xi32, #tpu.memory_space<hbm>>, %arg3: memref<2x10240x128xf32, #tpu.memory_space<hbm>>, %arg4: memref<80x128xi32, #tpu.memory_space<vmem>>, %arg5: memref<16x128xf32, #tpu.memory_space<vmem>>, %arg6: memref<10240x128xf32, #tpu.memory_space<vmem_shared>>, %arg7: memref<!tpu.dma_semaphore, #tpu.memory_space<semaphore_mem>>, %arg8: memref<!tpu.dma_semaphore, #tpu.memory_space<semaphore_mem>>, %arg9: memref<!tpu.dma_semaphore, #tpu.memory_space<semaphore_mem>>, %arg10: memref<!tpu.dma_semaphore, #tpu.memory_space<semaphore_mem>>, %arg11: memref<!tpu.dma_semaphore, #tpu.memory_space<semaphore_mem>>, %arg12: memref<!tpu.dma_semaphore, #tpu.memory_space<semaphore_mem>>) attributes {dimension_semantics = [#tpu.dimension_semantics<core_parallel>, #tpu.dimension_semantics<subcore_parallel>], iteration_bounds = array<i64: 2, 16>, scalar_prefetch = 0 : i64, scratch_operands = 9 : i64, tpu.core_type = #tpu.core_type<sc_vector_subcore>, window_params = [{transform_indices = #map}, {transform_indices = #map}]} {
    %mul3A = arith.constant 2 : i32
    %mul3A_0 = arith.muli %arg1, %mul3A : i32
    %add3A = arith.addi %mul3A_0, %arg0 : i32
    %dma_start3A = arith.constant 0 : i32
    %dma_start3A_1 = arith.constant 0 : i32
    %dma_start3A_2 = tpu.memref_slice %arg2[%add3A, %dma_start3A, %dma_start3A_1] : memref<32x80x128xi32, #tpu.memory_space<hbm>> -> memref<1x80x128xi32, #tpu.memory_space<hbm>>
    %dma_start3A_3 = tpu.memref_squeeze %dma_start3A_2 : memref<1x80x128xi32, #tpu.memory_space<hbm>> -> memref<80x128xi32, #tpu.memory_space<hbm>>
    %dma_start3A_4 = arith.constant 0 : i32
    %dma_start3A_5 = arith.constant 0 : i32
    %dma_start3A_6 = tpu.memref_slice %arg2[%add3A, %dma_start3A_4, %dma_start3A_5] : memref<32x80x128xi32, #tpu.memory_space<hbm>> -> memref<1x80x128xi32, #tpu.memory_space<hbm>>
    %dma_start3A_7 = tpu.memref_squeeze %dma_start3A_6 : memref<1x80x128xi32, #tpu.memory_space<hbm>> -> memref<80x128xi32, #tpu.memory_space<hbm>>
    tpu.enqueue_dma source(%dma_start3A_7 : memref<80x128xi32, #tpu.memory_space<hbm>>) target(%arg4 : memref<80x128xi32, #tpu.memory_space<vmem>>) target_semaphore(%arg7 : memref<!tpu.dma_semaphore, #tpu.memory_space<semaphore_mem>>)
    %broadcast_in_dim3A = arith.constant 0.000000e+00 : f32
    %broadcast_in_dim3A_8 = vector.broadcast %broadcast_in_dim3A : f32 to vector<16xf32>
    %scan3A = arith.constant 0 : i32
    %scan3A_9 = arith.constant 0 : i32
    %scan3A_10 = arith.constant 128 : i32
    %scan3A_11 = arith.addi %scan3A_9, %scan3A_10 : i32
    %scan3A_12 = arith.constant 1 : i32
    scf.for %scan3A_85 = %scan3A_9 to %scan3A_11 step %scan3A_12  : i32 {
      %jit3A = arith.constant 8 : i32
      %div3A = arith.divsi %scan3A_85, %jit3A : i32
      %sign3A = arith.constant 0 : i32
      %sign3A_86 = arith.cmpi sgt, %scan3A_85, %sign3A : i32
      %sign3A_87 = arith.extui %sign3A_86 : i1 to i32
      %sign3A_88 = arith.constant 0 : i32
      %sign3A_89 = arith.cmpi slt, %scan3A_85, %sign3A_88 : i32
      %sign3A_90 = arith.extui %sign3A_89 : i1 to i32
      %sign3A_91 = arith.subi %sign3A_87, %sign3A_90 : i32
      %sign3A_92 = arith.constant 0 : i32
      %sign3A_93 = arith.cmpi sgt, %jit3A, %sign3A_92 : i32
      %sign3A_94 = arith.extui %sign3A_93 : i1 to i32
      %sign3A_95 = arith.constant 0 : i32
      %sign3A_96 = arith.cmpi slt, %jit3A, %sign3A_95 : i32
      %sign3A_97 = arith.extui %sign3A_96 : i1 to i32
      %sign3A_98 = arith.subi %sign3A_94, %sign3A_97 : i32
      %ne3A = arith.cmpi ne, %sign3A_91, %sign3A_98 : i32
      %rem3A = arith.remsi %scan3A_85, %jit3A : i32
      %ne3A_99 = arith.constant 0 : i32
      %ne3A_100 = arith.cmpi ne, %rem3A, %ne3A_99 : i32
      %and3A = arith.andi %ne3A, %ne3A_100 : i1
      %sub3A = arith.constant 1 : i32
      %sub3A_101 = arith.subi %div3A, %sub3A : i32
      %select_n3A = arith.select %and3A, %sub3A_101, %div3A : i32
      %jit3A_102 = arith.constant 8 : i32
      %eq3A = arith.constant 0 : i32
      %eq3A_103 = arith.cmpi eq, %jit3A_102, %eq3A : i32
      %jit3A_104 = arith.constant 1 : i32
      %select_n3A_105 = arith.select %eq3A_103, %jit3A_104, %jit3A_102 : i32
      %rem3A_106 = arith.remsi %scan3A_85, %select_n3A_105 : i32
      %ne3A_107 = arith.constant 0 : i32
      %ne3A_108 = arith.cmpi ne, %rem3A_106, %ne3A_107 : i32
      %lt3A = arith.constant 0 : i32
      %lt3A_109 = arith.cmpi slt, %rem3A_106, %lt3A : i32
      %lt3A_110 = arith.constant 0 : i32
      %lt3A_111 = arith.cmpi slt, %select_n3A_105, %lt3A_110 : i32
      %ne3A_112 = arith.xori %lt3A_109, %lt3A_111 : i1
      %and3A_113 = arith.andi %ne3A_112, %ne3A_108 : i1
      %add3A_114 = arith.addi %rem3A_106, %select_n3A_105 : i32
      %select_n3A_115 = arith.select %and3A_113, %add3A_114, %rem3A_106 : i32
      %mul3A_116 = arith.constant 16 : i32
      %mul3A_117 = arith.muli %select_n3A_115, %mul3A_116 : i32
      %swap3A = arith.index_cast %select_n3A : i32 to index
      %swap3A_118 = arith.index_cast %mul3A_117 : i32 to index
      %swap3A_119 = tpu.vector_load %arg5[%swap3A, %swap3A_118] {strides = array<i32>} : memref<16x128xf32, #tpu.memory_space<vmem>>, vector<1x16xf32>,
      %swap3A_120 = vector.shape_cast %swap3A_119 : vector<1x16xf32> to vector<16xf32>
      %swap3A_121 = vector.shape_cast %broadcast_in_dim3A_8 : vector<16xf32> to vector<1x16xf32>
      tpu.vector_store %arg5[%swap3A, %swap3A_118], %swap3A_121 {strides = array<i32>} : memref<16x128xf32, #tpu.memory_space<vmem>>, vector<1x16xf32>,
    }
    %scan3A_13 = arith.constant 128 : i32
    %scan3A_14 = arith.constant 0 : i32
    %scan3A_15 = arith.constant 0 : i32
    %scan3A_16 = arith.constant 40 : i32
    %scan3A_17 = arith.addi %scan3A_15, %scan3A_16 : i32
    %scan3A_18 = arith.constant 1 : i32
    scf.for %scan3A_85 = %scan3A_15 to %scan3A_17 step %scan3A_18  : i32 {
      %mul3A_86 = arith.constant 640 : i32
      %mul3A_87 = arith.muli %arg1, %mul3A_86 : i32
      %mul3A_88 = arith.constant 16 : i32
      %mul3A_89 = arith.muli %scan3A_85, %mul3A_88 : i32
      %add3A_90 = arith.addi %mul3A_87, %mul3A_89 : i32
      "tpu.region"() ({
        %run_scoped3A = tpu.sem_alloc : memref<!tpu.dma_semaphore, #tpu.memory_space<semaphore_mem>>
        %dma_start3A_91 = arith.constant 0 : i32
        %dma_start3A_92 = tpu.memref_slice %arg6[%add3A_90, %dma_start3A_91] : memref<10240x128xf32, #tpu.memory_space<vmem_shared>> -> memref<16x128xf32, #tpu.memory_space<vmem_shared>>
        %dma_start3A_93 = arith.constant 0 : i32
        %dma_start3A_94 = tpu.memref_slice %arg6[%add3A_90, %dma_start3A_93] : memref<10240x128xf32, #tpu.memory_space<vmem_shared>> -> memref<16x128xf32, #tpu.memory_space<vmem_shared>>
        tpu.enqueue_dma source(%arg5 : memref<16x128xf32, #tpu.memory_space<vmem>>) target(%dma_start3A_94 : memref<16x128xf32, #tpu.memory_space<vmem_shared>>) target_semaphore(%run_scoped3A : memref<!tpu.dma_semaphore, #tpu.memory_space<semaphore_mem>>)
        %dma_wait3A_95 = arith.constant 0 : i32
        %dma_wait3A_96 = tpu.memref_slice %arg6[%add3A_90, %dma_wait3A_95] : memref<10240x128xf32, #tpu.memory_space<vmem_shared>> -> memref<16x128xf32, #tpu.memory_space<vmem_shared>>
        %dma_wait3A_97 = arith.constant 0 : i32
        %dma_wait3A_98 = tpu.memref_slice %arg6[%add3A_90, %dma_wait3A_97] : memref<10240x128xf32, #tpu.memory_space<vmem_shared>> -> memref<16x128xf32, #tpu.memory_space<vmem_shared>>
        tpu.wait_dma2 semaphore(%run_scoped3A : memref<!tpu.dma_semaphore, #tpu.memory_space<semaphore_mem>>) src(%arg5 : memref<16x128xf32, #tpu.memory_space<vmem>>) dst(%dma_wait3A_98 : memref<16x128xf32, #tpu.memory_space<vmem_shared>>)
        tpu.yield
      }) : () -> ()
    }
    %scan3A_19 = arith.constant 40 : i32
    %broadcast_in_dim3A_20 = arith.constant 1.000000e+00 : f32
    %broadcast_in_dim3A_21 = vector.broadcast %broadcast_in_dim3A_20 : f32 to vector<16xf32>
    %scan3A_22 = arith.constant 0 : i32
    %scan3A_23 = arith.constant 0 : i32
    %scan3A_24 = arith.constant 128 : i32
    %scan3A_25 = arith.addi %scan3A_23, %scan3A_24 : i32
    %scan3A_26 = arith.constant 1 : i32
    scf.for %scan3A_85 = %scan3A_23 to %scan3A_25 step %scan3A_26  : i32 {
      %jit3A = arith.constant 8 : i32
      %div3A = arith.divsi %scan3A_85, %jit3A : i32
      %sign3A = arith.constant 0 : i32
      %sign3A_86 = arith.cmpi sgt, %scan3A_85, %sign3A : i32
      %sign3A_87 = arith.extui %sign3A_86 : i1 to i32
      %sign3A_88 = arith.constant 0 : i32
      %sign3A_89 = arith.cmpi slt, %scan3A_85, %sign3A_88 : i32
      %sign3A_90 = arith.extui %sign3A_89 : i1 to i32
      %sign3A_91 = arith.subi %sign3A_87, %sign3A_90 : i32
      %sign3A_92 = arith.constant 0 : i32
      %sign3A_93 = arith.cmpi sgt, %jit3A, %sign3A_92 : i32
      %sign3A_94 = arith.extui %sign3A_93 : i1 to i32
      %sign3A_95 = arith.constant 0 : i32
      %sign3A_96 = arith.cmpi slt, %jit3A, %sign3A_95 : i32
      %sign3A_97 = arith.extui %sign3A_96 : i1 to i32
      %sign3A_98 = arith.subi %sign3A_94, %sign3A_97 : i32
      %ne3A = arith.cmpi ne, %sign3A_91, %sign3A_98 : i32
      %rem3A = arith.remsi %scan3A_85, %jit3A : i32
      %ne3A_99 = arith.constant 0 : i32
      %ne3A_100 = arith.cmpi ne, %rem3A, %ne3A_99 : i32
      %and3A = arith.andi %ne3A, %ne3A_100 : i1
      %sub3A = arith.constant 1 : i32
      %sub3A_101 = arith.subi %div3A, %sub3A : i32
      %select_n3A = arith.select %and3A, %sub3A_101, %div3A : i32
      %jit3A_102 = arith.constant 8 : i32
      %eq3A = arith.constant 0 : i32
      %eq3A_103 = arith.cmpi eq, %jit3A_102, %eq3A : i32
      %jit3A_104 = arith.constant 1 : i32
      %select_n3A_105 = arith.select %eq3A_103, %jit3A_104, %jit3A_102 : i32
      %rem3A_106 = arith.remsi %scan3A_85, %select_n3A_105 : i32
      %ne3A_107 = arith.constant 0 : i32
      %ne3A_108 = arith.cmpi ne, %rem3A_106, %ne3A_107 : i32
      %lt3A = arith.constant 0 : i32
      %lt3A_109 = arith.cmpi slt, %rem3A_106, %lt3A : i32
      %lt3A_110 = arith.constant 0 : i32
      %lt3A_111 = arith.cmpi slt, %select_n3A_105, %lt3A_110 : i32
      %ne3A_112 = arith.xori %lt3A_109, %lt3A_111 : i1
      %and3A_113 = arith.andi %ne3A_112, %ne3A_108 : i1
      %add3A_114 = arith.addi %rem3A_106, %select_n3A_105 : i32
      %select_n3A_115 = arith.select %and3A_113, %add3A_114, %rem3A_106 : i32
      %mul3A_116 = arith.constant 16 : i32
      %mul3A_117 = arith.muli %select_n3A_115, %mul3A_116 : i32
      %swap3A = arith.index_cast %select_n3A : i32 to index
      %swap3A_118 = arith.index_cast %mul3A_117 : i32 to index
      %swap3A_119 = tpu.vector_load %arg5[%swap3A, %swap3A_118] {strides = array<i32>} : memref<16x128xf32, #tpu.memory_space<vmem>>, vector<1x16xf32>,
      %swap3A_120 = vector.shape_cast %swap3A_119 : vector<1x16xf32> to vector<16xf32>
      %swap3A_121 = vector.shape_cast %broadcast_in_dim3A_21 : vector<16xf32> to vector<1x16xf32>
      tpu.vector_store %arg5[%swap3A, %swap3A_118], %swap3A_121 {strides = array<i32>} : memref<16x128xf32, #tpu.memory_space<vmem>>, vector<1x16xf32>,
    }
    %scan3A_27 = arith.constant 128 : i32
    %dma_wait3A = arith.constant 0 : i32
    %dma_wait3A_28 = arith.constant 0 : i32
    %dma_wait3A_29 = tpu.memref_slice %arg2[%add3A, %dma_wait3A, %dma_wait3A_28] : memref<32x80x128xi32, #tpu.memory_space<hbm>> -> memref<1x80x128xi32, #tpu.memory_space<hbm>>
    %dma_wait3A_30 = tpu.memref_squeeze %dma_wait3A_29 : memref<1x80x128xi32, #tpu.memory_space<hbm>> -> memref<80x128xi32, #tpu.memory_space<hbm>>
    %dma_wait3A_31 = arith.constant 0 : i32
    %dma_wait3A_32 = arith.constant 0 : i32
    %dma_wait3A_33 = tpu.memref_slice %arg2[%add3A, %dma_wait3A_31, %dma_wait3A_32] : memref<32x80x128xi32, #tpu.memory_space<hbm>> -> memref<1x80x128xi32, #tpu.memory_space<hbm>>
    %dma_wait3A_34 = tpu.memref_squeeze %dma_wait3A_33 : memref<1x80x128xi32, #tpu.memory_space<hbm>> -> memref<80x128xi32, #tpu.memory_space<hbm>>
    tpu.wait_dma2 semaphore(%arg7 : memref<!tpu.dma_semaphore, #tpu.memory_space<semaphore_mem>>) src(%dma_wait3A_34 : memref<80x128xi32, #tpu.memory_space<hbm>>) dst(%arg4 : memref<80x128xi32, #tpu.memory_space<vmem>>)
    %barrier3A = arith.constant 0 : index
    tpu.barrier barrier_id(%barrier3A)
    %get3A = arith.constant 0 : i32
    %get3A_35 = arith.index_cast %get3A : i32 to index
    %get3A_36 = arith.constant 0 : index
    %get3A_37 = tpu.vector_load %arg4[%get3A_35, %get3A_36] {strides = array<i32>} : memref<80x128xi32, #tpu.memory_space<vmem>>, vector<1x16xi32>,
    %get3A_38 = vector.shape_cast %get3A_37 : vector<1x16xi32> to vector<16xi32>
    %dma_start3A_39 = arith.constant 0 : i32
    %dma_start3A_40 = arith.constant 0 : i32
    %dma_start3A_41 = tpu.memref_slice %arg6[%dma_start3A_39, %dma_start3A_40] : memref<10240x128xf32, #tpu.memory_space<vmem_shared>> -> memref<10240x128xf32, #tpu.memory_space<vmem_shared>>
    tpu.enqueue_indirect_dma source(%arg5 : memref<16x128xf32, #tpu.memory_space<vmem>>) target(%dma_start3A_41 : memref<10240x128xf32, #tpu.memory_space<vmem_shared>>) offsets(%get3A_38 : vector<16xi32>) semaphore(%arg8 : memref<!tpu.dma_semaphore, #tpu.memory_space<semaphore_mem>>) {add = true}
    %get3A_42 = arith.constant 0 : i32
    %get3A_43 = arith.index_cast %get3A_42 : i32 to index
    %get3A_44 = arith.constant 16 : index
    %get3A_45 = tpu.vector_load %arg4[%get3A_43, %get3A_44] {strides = array<i32>} : memref<80x128xi32, #tpu.memory_space<vmem>>, vector<1x16xi32>,
    %get3A_46 = vector.shape_cast %get3A_45 : vector<1x16xi32> to vector<16xi32>
    %dma_start3A_47 = arith.constant 0 : i32
    %dma_start3A_48 = arith.constant 0 : i32
    %dma_start3A_49 = tpu.memref_slice %arg6[%dma_start3A_47, %dma_start3A_48] : memref<10240x128xf32, #tpu.memory_space<vmem_shared>> -> memref<10240x128xf32, #tpu.memory_space<vmem_shared>>
    tpu.enqueue_indirect_dma source(%arg5 : memref<16x128xf32, #tpu.memory_space<vmem>>) target(%dma_start3A_49 : memref<10240x128xf32, #tpu.memory_space<vmem_shared>>) offsets(%get3A_46 : vector<16xi32>) semaphore(%arg9 : memref<!tpu.dma_semaphore, #tpu.memory_space<semaphore_mem>>) {add = true}
    %get3A_50 = arith.constant 0 : i32
    %get3A_51 = arith.index_cast %get3A_50 : i32 to index
    %get3A_52 = arith.constant 32 : index
    %get3A_53 = tpu.vector_load %arg4[%get3A_51, %get3A_52] {strides = array<i32>} : memref<80x128xi32, #tpu.memory_space<vmem>>, vector<1x16xi32>,
    %get3A_54 = vector.shape_cast %get3A_53 : vector<1x16xi32> to vector<16xi32>
    %dma_start3A_55 = arith.constant 0 : i32
    %dma_start3A_56 = arith.constant 0 : i32
    %dma_start3A_57 = tpu.memref_slice %arg6[%dma_start3A_55, %dma_start3A_56] : memref<10240x128xf32, #tpu.memory_space<vmem_shared>> -> memref<10240x128xf32, #tpu.memory_space<vmem_shared>>
    tpu.enqueue_indirect_dma source(%arg5 : memref<16x128xf32, #tpu.memory_space<vmem>>) target(%dma_start3A_57 : memref<10240x128xf32, #tpu.memory_space<vmem_shared>>) offsets(%get3A_54 : vector<16xi32>) semaphore(%arg10 : memref<!tpu.dma_semaphore, #tpu.memory_space<semaphore_mem>>) {add = true}
    %get3A_58 = arith.constant 0 : i32
    %get3A_59 = arith.index_cast %get3A_58 : i32 to index
    %get3A_60 = arith.constant 48 : index
    %get3A_61 = tpu.vector_load %arg4[%get3A_59, %get3A_60] {strides = array<i32>} : memref<80x128xi32, #tpu.memory_space<vmem>>, vector<1x16xi32>,
    %get3A_62 = vector.shape_cast %get3A_61 : vector<1x16xi32> to vector<16xi32>
    %dma_start3A_63 = arith.constant 0 : i32
    %dma_start3A_64 = arith.constant 0 : i32
    %dma_start3A_65 = tpu.memref_slice %arg6[%dma_start3A_63, %dma_start3A_64] : memref<10240x128xf32, #tpu.memory_space<vmem_shared>> -> memref<10240x128xf32, #tpu.memory_space<vmem_shared>>
    tpu.enqueue_indirect_dma source(%arg5 : memref<16x128xf32, #tpu.memory_space<vmem>>) target(%dma_start3A_65 : memref<10240x128xf32, #tpu.memory_space<vmem_shared>>) offsets(%get3A_62 : vector<16xi32>) semaphore(%arg11 : memref<!tpu.dma_semaphore, #tpu.memory_space<semaphore_mem>>) {add = true}
    %get3A_66 = arith.constant 0 : i32
    %get3A_67 = arith.index_cast %get3A_66 : i32 to index
    %get3A_68 = arith.constant 64 : index
    %get3A_69 = tpu.vector_load %arg4[%get3A_67, %get3A_68] {strides = array<i32>} : memref<80x128xi32, #tpu.memory_space<vmem>>, vector<1x16xi32>,
    %get3A_70 = vector.shape_cast %get3A_69 : vector<1x16xi32> to vector<16xi32>
    %dma_start3A_71 = arith.constant 0 : i32
    %dma_start3A_72 = arith.constant 0 : i32
    %dma_start3A_73 = tpu.memref_slice %arg6[%dma_start3A_71, %dma_start3A_72] : memref<10240x128xf32, #tpu.memory_space<vmem_shared>> -> memref<10240x128xf32, #tpu.memory_space<vmem_shared>>
    tpu.enqueue_indirect_dma source(%arg5 : memref<16x128xf32, #tpu.memory_space<vmem>>) target(%dma_start3A_73 : memref<10240x128xf32, #tpu.memory_space<vmem_shared>>) offsets(%get3A_70 : vector<16xi32>) semaphore(%arg12 : memref<!tpu.dma_semaphore, #tpu.memory_space<semaphore_mem>>) {add = true}
    %scan3A_74 = arith.constant 0 : i32
    %scan3A_75 = arith.constant 0 : i32
    %scan3A_76 = arith.constant 128 : i32
    %scan3A_77 = arith.addi %scan3A_75, %scan3A_76 : i32
    %scan3A_78 = arith.constant 1 : i32
    scf.for %scan3A_85 = %scan3A_75 to %scan3A_77 step %scan3A_78  : i32 {
      %mul3A_86 = arith.constant 5 : i32
      %mul3A_87 = arith.muli %scan3A_85, %mul3A_86 : i32
      %add3A_88 = arith.constant 0 : i32
      %add3A_89 = arith.addi %mul3A_87, %add3A_88 : i32
      %jit3A = arith.constant 8 : i32
      %div3A = arith.divsi %add3A_89, %jit3A : i32
      %sign3A = arith.constant 0 : i32
      %sign3A_90 = arith.cmpi sgt, %add3A_89, %sign3A : i32
      %sign3A_91 = arith.extui %sign3A_90 : i1 to i32
      %sign3A_92 = arith.constant 0 : i32
      %sign3A_93 = arith.cmpi slt, %add3A_89, %sign3A_92 : i32
      %sign3A_94 = arith.extui %sign3A_93 : i1 to i32
      %sign3A_95 = arith.subi %sign3A_91, %sign3A_94 : i32
      %sign3A_96 = arith.constant 0 : i32
      %sign3A_97 = arith.cmpi sgt, %jit3A, %sign3A_96 : i32
      %sign3A_98 = arith.extui %sign3A_97 : i1 to i32
      %sign3A_99 = arith.constant 0 : i32
      %sign3A_100 = arith.cmpi slt, %jit3A, %sign3A_99 : i32
      %sign3A_101 = arith.extui %sign3A_100 : i1 to i32
      %sign3A_102 = arith.subi %sign3A_98, %sign3A_101 : i32
      %ne3A = arith.cmpi ne, %sign3A_95, %sign3A_102 : i32
      %rem3A = arith.remsi %add3A_89, %jit3A : i32
      %ne3A_103 = arith.constant 0 : i32
      %ne3A_104 = arith.cmpi ne, %rem3A, %ne3A_103 : i32
      %and3A = arith.andi %ne3A, %ne3A_104 : i1
      %sub3A = arith.constant 1 : i32
      %sub3A_105 = arith.subi %div3A, %sub3A : i32
      %select_n3A = arith.select %and3A, %sub3A_105, %div3A : i32
      %jit3A_106 = arith.constant 8 : i32
      %eq3A = arith.constant 0 : i32
      %eq3A_107 = arith.cmpi eq, %jit3A_106, %eq3A : i32
      %jit3A_108 = arith.constant 1 : i32
      %select_n3A_109 = arith.select %eq3A_107, %jit3A_108, %jit3A_106 : i32
      %rem3A_110 = arith.remsi %add3A_89, %select_n3A_109 : i32
      %ne3A_111 = arith.constant 0 : i32
      %ne3A_112 = arith.cmpi ne, %rem3A_110, %ne3A_111 : i32
      %lt3A = arith.constant 0 : i32
      %lt3A_113 = arith.cmpi slt, %rem3A_110, %lt3A : i32
      %lt3A_114 = arith.constant 0 : i32
      %lt3A_115 = arith.cmpi slt, %select_n3A_109, %lt3A_114 : i32
      %ne3A_116 = arith.xori %lt3A_113, %lt3A_115 : i1
      %and3A_117 = arith.andi %ne3A_116, %ne3A_112 : i1
      %add3A_118 = arith.addi %rem3A_110, %select_n3A_109 : i32
      %select_n3A_119 = arith.select %and3A_117, %add3A_118, %rem3A_110 : i32
      %mul3A_120 = arith.constant 16 : i32
      %mul3A_121 = arith.muli %select_n3A_119, %mul3A_120 : i32
      %get3A_122 = arith.index_cast %select_n3A : i32 to index
      %get3A_123 = arith.index_cast %mul3A_121 : i32 to index
      %get3A_124 = tpu.vector_load %arg4[%get3A_122, %get3A_123] {strides = array<i32>} : memref<80x128xi32, #tpu.memory_space<vmem>>, vector<1x16xi32>,
      %get3A_125 = vector.shape_cast %get3A_124 : vector<1x16xi32> to vector<16xi32>
      %dma_wait3A_126 = arith.constant 0 : i32
      %dma_wait3A_127 = arith.constant 0 : i32
      %dma_wait3A_128 = tpu.memref_slice %arg6[%dma_wait3A_126, %dma_wait3A_127] : memref<10240x128xf32, #tpu.memory_space<vmem_shared>> -> memref<10240x128xf32, #tpu.memory_space<vmem_shared>>
      tpu.wait_indirect_dma semaphore(%arg8 : memref<!tpu.dma_semaphore, #tpu.memory_space<semaphore_mem>>) src(%arg5 : memref<16x128xf32, #tpu.memory_space<vmem>>) dst(%dma_wait3A_128 : memref<10240x128xf32, #tpu.memory_space<vmem_shared>>)
      %lt3A_129 = arith.constant 127 : i32
      %lt3A_130 = arith.cmpi slt, %scan3A_85, %lt3A_129 : i32
      %convert_element_type3A = arith.extui %lt3A_130 : i1 to i32
      %cond3A = arith.constant 0 : i32
      %cond3A_131 = arith.cmpi ne, %convert_element_type3A, %cond3A : i32
      scf.if %cond3A_131 {
        %add3A_364 = arith.constant 5 : i32
        %add3A_365 = arith.addi %add3A_89, %add3A_364 : i32
        %jit3A_366 = arith.constant 8 : i32
        %div3A_367 = arith.divsi %add3A_365, %jit3A_366 : i32
        %sign3A_368 = arith.constant 0 : i32
        %sign3A_369 = arith.cmpi sgt, %add3A_365, %sign3A_368 : i32
        %sign3A_370 = arith.extui %sign3A_369 : i1 to i32
        %sign3A_371 = arith.constant 0 : i32
        %sign3A_372 = arith.cmpi slt, %add3A_365, %sign3A_371 : i32
        %sign3A_373 = arith.extui %sign3A_372 : i1 to i32
        %sign3A_374 = arith.subi %sign3A_370, %sign3A_373 : i32
        %sign3A_375 = arith.constant 0 : i32
        %sign3A_376 = arith.cmpi sgt, %jit3A_366, %sign3A_375 : i32
        %sign3A_377 = arith.extui %sign3A_376 : i1 to i32
        %sign3A_378 = arith.constant 0 : i32
        %sign3A_379 = arith.cmpi slt, %jit3A_366, %sign3A_378 : i32
        %sign3A_380 = arith.extui %sign3A_379 : i1 to i32
        %sign3A_381 = arith.subi %sign3A_377, %sign3A_380 : i32
        %ne3A_382 = arith.cmpi ne, %sign3A_374, %sign3A_381 : i32
        %rem3A_383 = arith.remsi %add3A_365, %jit3A_366 : i32
        %ne3A_384 = arith.constant 0 : i32
        %ne3A_385 = arith.cmpi ne, %rem3A_383, %ne3A_384 : i32
        %and3A_386 = arith.andi %ne3A_382, %ne3A_385 : i1
        %sub3A_387 = arith.constant 1 : i32
        %sub3A_388 = arith.subi %div3A_367, %sub3A_387 : i32
        %select_n3A_389 = arith.select %and3A_386, %sub3A_388, %div3A_367 : i32
        %jit3A_390 = arith.constant 8 : i32
        %eq3A_391 = arith.constant 0 : i32
        %eq3A_392 = arith.cmpi eq, %jit3A_390, %eq3A_391 : i32
        %jit3A_393 = arith.constant 1 : i32
        %select_n3A_394 = arith.select %eq3A_392, %jit3A_393, %jit3A_390 : i32
        %rem3A_395 = arith.remsi %add3A_365, %select_n3A_394 : i32
        %ne3A_396 = arith.constant 0 : i32
        %ne3A_397 = arith.cmpi ne, %rem3A_395, %ne3A_396 : i32
        %lt3A_398 = arith.constant 0 : i32
        %lt3A_399 = arith.cmpi slt, %rem3A_395, %lt3A_398 : i32
        %lt3A_400 = arith.constant 0 : i32
        %lt3A_401 = arith.cmpi slt, %select_n3A_394, %lt3A_400 : i32
        %ne3A_402 = arith.xori %lt3A_399, %lt3A_401 : i1
        %and3A_403 = arith.andi %ne3A_402, %ne3A_397 : i1
        %add3A_404 = arith.addi %rem3A_395, %select_n3A_394 : i32
        %select_n3A_405 = arith.select %and3A_403, %add3A_404, %rem3A_395 : i32
        %mul3A_406 = arith.constant 16 : i32
        %mul3A_407 = arith.muli %select_n3A_405, %mul3A_406 : i32
        %get3A_408 = arith.index_cast %select_n3A_389 : i32 to index
        %get3A_409 = arith.index_cast %mul3A_407 : i32 to index
        %get3A_410 = tpu.vector_load %arg4[%get3A_408, %get3A_409] {strides = array<i32>} : memref<80x128xi32, #tpu.memory_space<vmem>>, vector<1x16xi32>,
        %get3A_411 = vector.shape_cast %get3A_410 : vector<1x16xi32> to vector<16xi32>
        %dma_start3A_412 = arith.constant 0 : i32
        %dma_start3A_413 = arith.constant 0 : i32
        %dma_start3A_414 = tpu.memref_slice %arg6[%dma_start3A_412, %dma_start3A_413] : memref<10240x128xf32, #tpu.memory_space<vmem_shared>> -> memref<10240x128xf32, #tpu.memory_space<vmem_shared>>
        tpu.enqueue_indirect_dma source(%arg5 : memref<16x128xf32, #tpu.memory_space<vmem>>) target(%dma_start3A_414 : memref<10240x128xf32, #tpu.memory_space<vmem_shared>>) offsets(%get3A_411 : vector<16xi32>) semaphore(%arg8 : memref<!tpu.dma_semaphore, #tpu.memory_space<semaphore_mem>>) {add = true}
      } else {
      }
      %mul3A_132 = arith.constant 5 : i32
      %mul3A_133 = arith.muli %scan3A_85, %mul3A_132 : i32
      %add3A_134 = arith.constant 1 : i32
      %add3A_135 = arith.addi %mul3A_133, %add3A_134 : i32
      %jit3A_136 = arith.constant 8 : i32
      %div3A_137 = arith.divsi %add3A_135, %jit3A_136 : i32
      %sign3A_138 = arith.constant 0 : i32
      %sign3A_139 = arith.cmpi sgt, %add3A_135, %sign3A_138 : i32
      %sign3A_140 = arith.extui %sign3A_139 : i1 to i32
      %sign3A_141 = arith.constant 0 : i32
      %sign3A_142 = arith.cmpi slt, %add3A_135, %sign3A_141 : i32
      %sign3A_143 = arith.extui %sign3A_142 : i1 to i32
      %sign3A_144 = arith.subi %sign3A_140, %sign3A_143 : i32
      %sign3A_145 = arith.constant 0 : i32
      %sign3A_146 = arith.cmpi sgt, %jit3A_136, %sign3A_145 : i32
      %sign3A_147 = arith.extui %sign3A_146 : i1 to i32
      %sign3A_148 = arith.constant 0 : i32
      %sign3A_149 = arith.cmpi slt, %jit3A_136, %sign3A_148 : i32
      %sign3A_150 = arith.extui %sign3A_149 : i1 to i32
      %sign3A_151 = arith.subi %sign3A_147, %sign3A_150 : i32
      %ne3A_152 = arith.cmpi ne, %sign3A_144, %sign3A_151 : i32
      %rem3A_153 = arith.remsi %add3A_135, %jit3A_136 : i32
      %ne3A_154 = arith.constant 0 : i32
      %ne3A_155 = arith.cmpi ne, %rem3A_153, %ne3A_154 : i32
      %and3A_156 = arith.andi %ne3A_152, %ne3A_155 : i1
      %sub3A_157 = arith.constant 1 : i32
      %sub3A_158 = arith.subi %div3A_137, %sub3A_157 : i32
      %select_n3A_159 = arith.select %and3A_156, %sub3A_158, %div3A_137 : i32
      %jit3A_160 = arith.constant 8 : i32
      %eq3A_161 = arith.constant 0 : i32
      %eq3A_162 = arith.cmpi eq, %jit3A_160, %eq3A_161 : i32
      %jit3A_163 = arith.constant 1 : i32
      %select_n3A_164 = arith.select %eq3A_162, %jit3A_163, %jit3A_160 : i32
      %rem3A_165 = arith.remsi %add3A_135, %select_n3A_164 : i32
      %ne3A_166 = arith.constant 0 : i32
      %ne3A_167 = arith.cmpi ne, %rem3A_165, %ne3A_166 : i32
      %lt3A_168 = arith.constant 0 : i32
      %lt3A_169 = arith.cmpi slt, %rem3A_165, %lt3A_168 : i32
      %lt3A_170 = arith.constant 0 : i32
      %lt3A_171 = arith.cmpi slt, %select_n3A_164, %lt3A_170 : i32
      %ne3A_172 = arith.xori %lt3A_169, %lt3A_171 : i1
      %and3A_173 = arith.andi %ne3A_172, %ne3A_167 : i1
      %add3A_174 = arith.addi %rem3A_165, %select_n3A_164 : i32
      %select_n3A_175 = arith.select %and3A_173, %add3A_174, %rem3A_165 : i32
      %mul3A_176 = arith.constant 16 : i32
      %mul3A_177 = arith.muli %select_n3A_175, %mul3A_176 : i32
      %get3A_178 = arith.index_cast %select_n3A_159 : i32 to index
      %get3A_179 = arith.index_cast %mul3A_177 : i32 to index
      %get3A_180 = tpu.vector_load %arg4[%get3A_178, %get3A_179] {strides = array<i32>} : memref<80x128xi32, #tpu.memory_space<vmem>>, vector<1x16xi32>,
      %get3A_181 = vector.shape_cast %get3A_180 : vector<1x16xi32> to vector<16xi32>
      %dma_wait3A_182 = arith.constant 0 : i32
      %dma_wait3A_183 = arith.constant 0 : i32
      %dma_wait3A_184 = tpu.memref_slice %arg6[%dma_wait3A_182, %dma_wait3A_183] : memref<10240x128xf32, #tpu.memory_space<vmem_shared>> -> memref<10240x128xf32, #tpu.memory_space<vmem_shared>>
      tpu.wait_indirect_dma semaphore(%arg9 : memref<!tpu.dma_semaphore, #tpu.memory_space<semaphore_mem>>) src(%arg5 : memref<16x128xf32, #tpu.memory_space<vmem>>) dst(%dma_wait3A_184 : memref<10240x128xf32, #tpu.memory_space<vmem_shared>>)
      %lt3A_185 = arith.constant 127 : i32
      %lt3A_186 = arith.cmpi slt, %scan3A_85, %lt3A_185 : i32
      %convert_element_type3A_187 = arith.extui %lt3A_186 : i1 to i32
      %cond3A_188 = arith.constant 0 : i32
      %cond3A_189 = arith.cmpi ne, %convert_element_type3A_187, %cond3A_188 : i32
      scf.if %cond3A_189 {
        %add3A_364 = arith.constant 5 : i32
        %add3A_365 = arith.addi %add3A_135, %add3A_364 : i32
        %jit3A_366 = arith.constant 8 : i32
        %div3A_367 = arith.divsi %add3A_365, %jit3A_366 : i32
        %sign3A_368 = arith.constant 0 : i32
        %sign3A_369 = arith.cmpi sgt, %add3A_365, %sign3A_368 : i32
        %sign3A_370 = arith.extui %sign3A_369 : i1 to i32
        %sign3A_371 = arith.constant 0 : i32
        %sign3A_372 = arith.cmpi slt, %add3A_365, %sign3A_371 : i32
        %sign3A_373 = arith.extui %sign3A_372 : i1 to i32
        %sign3A_374 = arith.subi %sign3A_370, %sign3A_373 : i32
        %sign3A_375 = arith.constant 0 : i32
        %sign3A_376 = arith.cmpi sgt, %jit3A_366, %sign3A_375 : i32
        %sign3A_377 = arith.extui %sign3A_376 : i1 to i32
        %sign3A_378 = arith.constant 0 : i32
        %sign3A_379 = arith.cmpi slt, %jit3A_366, %sign3A_378 : i32
        %sign3A_380 = arith.extui %sign3A_379 : i1 to i32
        %sign3A_381 = arith.subi %sign3A_377, %sign3A_380 : i32
        %ne3A_382 = arith.cmpi ne, %sign3A_374, %sign3A_381 : i32
        %rem3A_383 = arith.remsi %add3A_365, %jit3A_366 : i32
        %ne3A_384 = arith.constant 0 : i32
        %ne3A_385 = arith.cmpi ne, %rem3A_383, %ne3A_384 : i32
        %and3A_386 = arith.andi %ne3A_382, %ne3A_385 : i1
        %sub3A_387 = arith.constant 1 : i32
        %sub3A_388 = arith.subi %div3A_367, %sub3A_387 : i32
        %select_n3A_389 = arith.select %and3A_386, %sub3A_388, %div3A_367 : i32
        %jit3A_390 = arith.constant 8 : i32
        %eq3A_391 = arith.constant 0 : i32
        %eq3A_392 = arith.cmpi eq, %jit3A_390, %eq3A_391 : i32
        %jit3A_393 = arith.constant 1 : i32
        %select_n3A_394 = arith.select %eq3A_392, %jit3A_393, %jit3A_390 : i32
        %rem3A_395 = arith.remsi %add3A_365, %select_n3A_394 : i32
        %ne3A_396 = arith.constant 0 : i32
        %ne3A_397 = arith.cmpi ne, %rem3A_395, %ne3A_396 : i32
        %lt3A_398 = arith.constant 0 : i32
        %lt3A_399 = arith.cmpi slt, %rem3A_395, %lt3A_398 : i32
        %lt3A_400 = arith.constant 0 : i32
        %lt3A_401 = arith.cmpi slt, %select_n3A_394, %lt3A_400 : i32
        %ne3A_402 = arith.xori %lt3A_399, %lt3A_401 : i1
        %and3A_403 = arith.andi %ne3A_402, %ne3A_397 : i1
        %add3A_404 = arith.addi %rem3A_395, %select_n3A_394 : i32
        %select_n3A_405 = arith.select %and3A_403, %add3A_404, %rem3A_395 : i32
        %mul3A_406 = arith.constant 16 : i32
        %mul3A_407 = arith.muli %select_n3A_405, %mul3A_406 : i32
        %get3A_408 = arith.index_cast %select_n3A_389 : i32 to index
        %get3A_409 = arith.index_cast %mul3A_407 : i32 to index
        %get3A_410 = tpu.vector_load %arg4[%get3A_408, %get3A_409] {strides = array<i32>} : memref<80x128xi32, #tpu.memory_space<vmem>>, vector<1x16xi32>,
        %get3A_411 = vector.shape_cast %get3A_410 : vector<1x16xi32> to vector<16xi32>
        %dma_start3A_412 = arith.constant 0 : i32
        %dma_start3A_413 = arith.constant 0 : i32
        %dma_start3A_414 = tpu.memref_slice %arg6[%dma_start3A_412, %dma_start3A_413] : memref<10240x128xf32, #tpu.memory_space<vmem_shared>> -> memref<10240x128xf32, #tpu.memory_space<vmem_shared>>
        tpu.enqueue_indirect_dma source(%arg5 : memref<16x128xf32, #tpu.memory_space<vmem>>) target(%dma_start3A_414 : memref<10240x128xf32, #tpu.memory_space<vmem_shared>>) offsets(%get3A_411 : vector<16xi32>) semaphore(%arg9 : memref<!tpu.dma_semaphore, #tpu.memory_space<semaphore_mem>>) {add = true}
      } else {
      }
      %mul3A_190 = arith.constant 5 : i32
      %mul3A_191 = arith.muli %scan3A_85, %mul3A_190 : i32
      %add3A_192 = arith.constant 2 : i32
      %add3A_193 = arith.addi %mul3A_191, %add3A_192 : i32
      %jit3A_194 = arith.constant 8 : i32
      %div3A_195 = arith.divsi %add3A_193, %jit3A_194 : i32
      %sign3A_196 = arith.constant 0 : i32
      %sign3A_197 = arith.cmpi sgt, %add3A_193, %sign3A_196 : i32
      %sign3A_198 = arith.extui %sign3A_197 : i1 to i32
      %sign3A_199 = arith.constant 0 : i32
      %sign3A_200 = arith.cmpi slt, %add3A_193, %sign3A_199 : i32
      %sign3A_201 = arith.extui %sign3A_200 : i1 to i32
      %sign3A_202 = arith.subi %sign3A_198, %sign3A_201 : i32
      %sign3A_203 = arith.constant 0 : i32
      %sign3A_204 = arith.cmpi sgt, %jit3A_194, %sign3A_203 : i32
      %sign3A_205 = arith.extui %sign3A_204 : i1 to i32
      %sign3A_206 = arith.constant 0 : i32
      %sign3A_207 = arith.cmpi slt, %jit3A_194, %sign3A_206 : i32
      %sign3A_208 = arith.extui %sign3A_207 : i1 to i32
      %sign3A_209 = arith.subi %sign3A_205, %sign3A_208 : i32
      %ne3A_210 = arith.cmpi ne, %sign3A_202, %sign3A_209 : i32
      %rem3A_211 = arith.remsi %add3A_193, %jit3A_194 : i32
      %ne3A_212 = arith.constant 0 : i32
      %ne3A_213 = arith.cmpi ne, %rem3A_211, %ne3A_212 : i32
      %and3A_214 = arith.andi %ne3A_210, %ne3A_213 : i1
      %sub3A_215 = arith.constant 1 : i32
      %sub3A_216 = arith.subi %div3A_195, %sub3A_215 : i32
      %select_n3A_217 = arith.select %and3A_214, %sub3A_216, %div3A_195 : i32
      %jit3A_218 = arith.constant 8 : i32
      %eq3A_219 = arith.constant 0 : i32
      %eq3A_220 = arith.cmpi eq, %jit3A_218, %eq3A_219 : i32
      %jit3A_221 = arith.constant 1 : i32
      %select_n3A_222 = arith.select %eq3A_220, %jit3A_221, %jit3A_218 : i32
      %rem3A_223 = arith.remsi %add3A_193, %select_n3A_222 : i32
      %ne3A_224 = arith.constant 0 : i32
      %ne3A_225 = arith.cmpi ne, %rem3A_223, %ne3A_224 : i32
      %lt3A_226 = arith.constant 0 : i32
      %lt3A_227 = arith.cmpi slt, %rem3A_223, %lt3A_226 : i32
      %lt3A_228 = arith.constant 0 : i32
      %lt3A_229 = arith.cmpi slt, %select_n3A_222, %lt3A_228 : i32
      %ne3A_230 = arith.xori %lt3A_227, %lt3A_229 : i1
      %and3A_231 = arith.andi %ne3A_230, %ne3A_225 : i1
      %add3A_232 = arith.addi %rem3A_223, %select_n3A_222 : i32
      %select_n3A_233 = arith.select %and3A_231, %add3A_232, %rem3A_223 : i32
      %mul3A_234 = arith.constant 16 : i32
      %mul3A_235 = arith.muli %select_n3A_233, %mul3A_234 : i32
      %get3A_236 = arith.index_cast %select_n3A_217 : i32 to index
      %get3A_237 = arith.index_cast %mul3A_235 : i32 to index
      %get3A_238 = tpu.vector_load %arg4[%get3A_236, %get3A_237] {strides = array<i32>} : memref<80x128xi32, #tpu.memory_space<vmem>>, vector<1x16xi32>,
      %get3A_239 = vector.shape_cast %get3A_238 : vector<1x16xi32> to vector<16xi32>
      %dma_wait3A_240 = arith.constant 0 : i32
      %dma_wait3A_241 = arith.constant 0 : i32
      %dma_wait3A_242 = tpu.memref_slice %arg6[%dma_wait3A_240, %dma_wait3A_241] : memref<10240x128xf32, #tpu.memory_space<vmem_shared>> -> memref<10240x128xf32, #tpu.memory_space<vmem_shared>>
      tpu.wait_indirect_dma semaphore(%arg10 : memref<!tpu.dma_semaphore, #tpu.memory_space<semaphore_mem>>) src(%arg5 : memref<16x128xf32, #tpu.memory_space<vmem>>) dst(%dma_wait3A_242 : memref<10240x128xf32, #tpu.memory_space<vmem_shared>>)
      %lt3A_243 = arith.constant 127 : i32
      %lt3A_244 = arith.cmpi slt, %scan3A_85, %lt3A_243 : i32
      %convert_element_type3A_245 = arith.extui %lt3A_244 : i1 to i32
      %cond3A_246 = arith.constant 0 : i32
      %cond3A_247 = arith.cmpi ne, %convert_element_type3A_245, %cond3A_246 : i32
      scf.if %cond3A_247 {
        %add3A_364 = arith.constant 5 : i32
        %add3A_365 = arith.addi %add3A_193, %add3A_364 : i32
        %jit3A_366 = arith.constant 8 : i32
        %div3A_367 = arith.divsi %add3A_365, %jit3A_366 : i32
        %sign3A_368 = arith.constant 0 : i32
        %sign3A_369 = arith.cmpi sgt, %add3A_365, %sign3A_368 : i32
        %sign3A_370 = arith.extui %sign3A_369 : i1 to i32
        %sign3A_371 = arith.constant 0 : i32
        %sign3A_372 = arith.cmpi slt, %add3A_365, %sign3A_371 : i32
        %sign3A_373 = arith.extui %sign3A_372 : i1 to i32
        %sign3A_374 = arith.subi %sign3A_370, %sign3A_373 : i32
        %sign3A_375 = arith.constant 0 : i32
        %sign3A_376 = arith.cmpi sgt, %jit3A_366, %sign3A_375 : i32
        %sign3A_377 = arith.extui %sign3A_376 : i1 to i32
        %sign3A_378 = arith.constant 0 : i32
        %sign3A_379 = arith.cmpi slt, %jit3A_366, %sign3A_378 : i32
        %sign3A_380 = arith.extui %sign3A_379 : i1 to i32
        %sign3A_381 = arith.subi %sign3A_377, %sign3A_380 : i32
        %ne3A_382 = arith.cmpi ne, %sign3A_374, %sign3A_381 : i32
        %rem3A_383 = arith.remsi %add3A_365, %jit3A_366 : i32
        %ne3A_384 = arith.constant 0 : i32
        %ne3A_385 = arith.cmpi ne, %rem3A_383, %ne3A_384 : i32
        %and3A_386 = arith.andi %ne3A_382, %ne3A_385 : i1
        %sub3A_387 = arith.constant 1 : i32
        %sub3A_388 = arith.subi %div3A_367, %sub3A_387 : i32
        %select_n3A_389 = arith.select %and3A_386, %sub3A_388, %div3A_367 : i32
        %jit3A_390 = arith.constant 8 : i32
        %eq3A_391 = arith.constant 0 : i32
        %eq3A_392 = arith.cmpi eq, %jit3A_390, %eq3A_391 : i32
        %jit3A_393 = arith.constant 1 : i32
        %select_n3A_394 = arith.select %eq3A_392, %jit3A_393, %jit3A_390 : i32
        %rem3A_395 = arith.remsi %add3A_365, %select_n3A_394 : i32
        %ne3A_396 = arith.constant 0 : i32
        %ne3A_397 = arith.cmpi ne, %rem3A_395, %ne3A_396 : i32
        %lt3A_398 = arith.constant 0 : i32
        %lt3A_399 = arith.cmpi slt, %rem3A_395, %lt3A_398 : i32
        %lt3A_400 = arith.constant 0 : i32
        %lt3A_401 = arith.cmpi slt, %select_n3A_394, %lt3A_400 : i32
        %ne3A_402 = arith.xori %lt3A_399, %lt3A_401 : i1
        %and3A_403 = arith.andi %ne3A_402, %ne3A_397 : i1
        %add3A_404 = arith.addi %rem3A_395, %select_n3A_394 : i32
        %select_n3A_405 = arith.select %and3A_403, %add3A_404, %rem3A_395 : i32
        %mul3A_406 = arith.constant 16 : i32
        %mul3A_407 = arith.muli %select_n3A_405, %mul3A_406 : i32
        %get3A_408 = arith.index_cast %select_n3A_389 : i32 to index
        %get3A_409 = arith.index_cast %mul3A_407 : i32 to index
        %get3A_410 = tpu.vector_load %arg4[%get3A_408, %get3A_409] {strides = array<i32>} : memref<80x128xi32, #tpu.memory_space<vmem>>, vector<1x16xi32>,
        %get3A_411 = vector.shape_cast %get3A_410 : vector<1x16xi32> to vector<16xi32>
        %dma_start3A_412 = arith.constant 0 : i32
        %dma_start3A_413 = arith.constant 0 : i32
        %dma_start3A_414 = tpu.memref_slice %arg6[%dma_start3A_412, %dma_start3A_413] : memref<10240x128xf32, #tpu.memory_space<vmem_shared>> -> memref<10240x128xf32, #tpu.memory_space<vmem_shared>>
        tpu.enqueue_indirect_dma source(%arg5 : memref<16x128xf32, #tpu.memory_space<vmem>>) target(%dma_start3A_414 : memref<10240x128xf32, #tpu.memory_space<vmem_shared>>) offsets(%get3A_411 : vector<16xi32>) semaphore(%arg10 : memref<!tpu.dma_semaphore, #tpu.memory_space<semaphore_mem>>) {add = true}
      } else {
      }
      %mul3A_248 = arith.constant 5 : i32
      %mul3A_249 = arith.muli %scan3A_85, %mul3A_248 : i32
      %add3A_250 = arith.constant 3 : i32
      %add3A_251 = arith.addi %mul3A_249, %add3A_250 : i32
      %jit3A_252 = arith.constant 8 : i32
      %div3A_253 = arith.divsi %add3A_251, %jit3A_252 : i32
      %sign3A_254 = arith.constant 0 : i32
      %sign3A_255 = arith.cmpi sgt, %add3A_251, %sign3A_254 : i32
      %sign3A_256 = arith.extui %sign3A_255 : i1 to i32
      %sign3A_257 = arith.constant 0 : i32
      %sign3A_258 = arith.cmpi slt, %add3A_251, %sign3A_257 : i32
      %sign3A_259 = arith.extui %sign3A_258 : i1 to i32
      %sign3A_260 = arith.subi %sign3A_256, %sign3A_259 : i32
      %sign3A_261 = arith.constant 0 : i32
      %sign3A_262 = arith.cmpi sgt, %jit3A_252, %sign3A_261 : i32
      %sign3A_263 = arith.extui %sign3A_262 : i1 to i32
      %sign3A_264 = arith.constant 0 : i32
      %sign3A_265 = arith.cmpi slt, %jit3A_252, %sign3A_264 : i32
      %sign3A_266 = arith.extui %sign3A_265 : i1 to i32
      %sign3A_267 = arith.subi %sign3A_263, %sign3A_266 : i32
      %ne3A_268 = arith.cmpi ne, %sign3A_260, %sign3A_267 : i32
      %rem3A_269 = arith.remsi %add3A_251, %jit3A_252 : i32
      %ne3A_270 = arith.constant 0 : i32
      %ne3A_271 = arith.cmpi ne, %rem3A_269, %ne3A_270 : i32
      %and3A_272 = arith.andi %ne3A_268, %ne3A_271 : i1
      %sub3A_273 = arith.constant 1 : i32
      %sub3A_274 = arith.subi %div3A_253, %sub3A_273 : i32
      %select_n3A_275 = arith.select %and3A_272, %sub3A_274, %div3A_253 : i32
      %jit3A_276 = arith.constant 8 : i32
      %eq3A_277 = arith.constant 0 : i32
      %eq3A_278 = arith.cmpi eq, %jit3A_276, %eq3A_277 : i32
      %jit3A_279 = arith.constant 1 : i32
      %select_n3A_280 = arith.select %eq3A_278, %jit3A_279, %jit3A_276 : i32
      %rem3A_281 = arith.remsi %add3A_251, %select_n3A_280 : i32
      %ne3A_282 = arith.constant 0 : i32
      %ne3A_283 = arith.cmpi ne, %rem3A_281, %ne3A_282 : i32
      %lt3A_284 = arith.constant 0 : i32
      %lt3A_285 = arith.cmpi slt, %rem3A_281, %lt3A_284 : i32
      %lt3A_286 = arith.constant 0 : i32
      %lt3A_287 = arith.cmpi slt, %select_n3A_280, %lt3A_286 : i32
      %ne3A_288 = arith.xori %lt3A_285, %lt3A_287 : i1
      %and3A_289 = arith.andi %ne3A_288, %ne3A_283 : i1
      %add3A_290 = arith.addi %rem3A_281, %select_n3A_280 : i32
      %select_n3A_291 = arith.select %and3A_289, %add3A_290, %rem3A_281 : i32
      %mul3A_292 = arith.constant 16 : i32
      %mul3A_293 = arith.muli %select_n3A_291, %mul3A_292 : i32
      %get3A_294 = arith.index_cast %select_n3A_275 : i32 to index
      %get3A_295 = arith.index_cast %mul3A_293 : i32 to index
      %get3A_296 = tpu.vector_load %arg4[%get3A_294, %get3A_295] {strides = array<i32>} : memref<80x128xi32, #tpu.memory_space<vmem>>, vector<1x16xi32>,
      %get3A_297 = vector.shape_cast %get3A_296 : vector<1x16xi32> to vector<16xi32>
      %dma_wait3A_298 = arith.constant 0 : i32
      %dma_wait3A_299 = arith.constant 0 : i32
      %dma_wait3A_300 = tpu.memref_slice %arg6[%dma_wait3A_298, %dma_wait3A_299] : memref<10240x128xf32, #tpu.memory_space<vmem_shared>> -> memref<10240x128xf32, #tpu.memory_space<vmem_shared>>
      tpu.wait_indirect_dma semaphore(%arg11 : memref<!tpu.dma_semaphore, #tpu.memory_space<semaphore_mem>>) src(%arg5 : memref<16x128xf32, #tpu.memory_space<vmem>>) dst(%dma_wait3A_300 : memref<10240x128xf32, #tpu.memory_space<vmem_shared>>)
      %lt3A_301 = arith.constant 127 : i32
      %lt3A_302 = arith.cmpi slt, %scan3A_85, %lt3A_301 : i32
      %convert_element_type3A_303 = arith.extui %lt3A_302 : i1 to i32
      %cond3A_304 = arith.constant 0 : i32
      %cond3A_305 = arith.cmpi ne, %convert_element_type3A_303, %cond3A_304 : i32
      scf.if %cond3A_305 {
        %add3A_364 = arith.constant 5 : i32
        %add3A_365 = arith.addi %add3A_251, %add3A_364 : i32
        %jit3A_366 = arith.constant 8 : i32
        %div3A_367 = arith.divsi %add3A_365, %jit3A_366 : i32
        %sign3A_368 = arith.constant 0 : i32
        %sign3A_369 = arith.cmpi sgt, %add3A_365, %sign3A_368 : i32
        %sign3A_370 = arith.extui %sign3A_369 : i1 to i32
        %sign3A_371 = arith.constant 0 : i32
        %sign3A_372 = arith.cmpi slt, %add3A_365, %sign3A_371 : i32
        %sign3A_373 = arith.extui %sign3A_372 : i1 to i32
        %sign3A_374 = arith.subi %sign3A_370, %sign3A_373 : i32
        %sign3A_375 = arith.constant 0 : i32
        %sign3A_376 = arith.cmpi sgt, %jit3A_366, %sign3A_375 : i32
        %sign3A_377 = arith.extui %sign3A_376 : i1 to i32
        %sign3A_378 = arith.constant 0 : i32
        %sign3A_379 = arith.cmpi slt, %jit3A_366, %sign3A_378 : i32
        %sign3A_380 = arith.extui %sign3A_379 : i1 to i32
        %sign3A_381 = arith.subi %sign3A_377, %sign3A_380 : i32
        %ne3A_382 = arith.cmpi ne, %sign3A_374, %sign3A_381 : i32
        %rem3A_383 = arith.remsi %add3A_365, %jit3A_366 : i32
        %ne3A_384 = arith.constant 0 : i32
        %ne3A_385 = arith.cmpi ne, %rem3A_383, %ne3A_384 : i32
        %and3A_386 = arith.andi %ne3A_382, %ne3A_385 : i1
        %sub3A_387 = arith.constant 1 : i32
        %sub3A_388 = arith.subi %div3A_367, %sub3A_387 : i32
        %select_n3A_389 = arith.select %and3A_386, %sub3A_388, %div3A_367 : i32
        %jit3A_390 = arith.constant 8 : i32
        %eq3A_391 = arith.constant 0 : i32
        %eq3A_392 = arith.cmpi eq, %jit3A_390, %eq3A_391 : i32
        %jit3A_393 = arith.constant 1 : i32
        %select_n3A_394 = arith.select %eq3A_392, %jit3A_393, %jit3A_390 : i32
        %rem3A_395 = arith.remsi %add3A_365, %select_n3A_394 : i32
        %ne3A_396 = arith.constant 0 : i32
        %ne3A_397 = arith.cmpi ne, %rem3A_395, %ne3A_396 : i32
        %lt3A_398 = arith.constant 0 : i32
        %lt3A_399 = arith.cmpi slt, %rem3A_395, %lt3A_398 : i32
        %lt3A_400 = arith.constant 0 : i32
        %lt3A_401 = arith.cmpi slt, %select_n3A_394, %lt3A_400 : i32
        %ne3A_402 = arith.xori %lt3A_399, %lt3A_401 : i1
        %and3A_403 = arith.andi %ne3A_402, %ne3A_397 : i1
        %add3A_404 = arith.addi %rem3A_395, %select_n3A_394 : i32
        %select_n3A_405 = arith.select %and3A_403, %add3A_404, %rem3A_395 : i32
        %mul3A_406 = arith.constant 16 : i32
        %mul3A_407 = arith.muli %select_n3A_405, %mul3A_406 : i32
        %get3A_408 = arith.index_cast %select_n3A_389 : i32 to index
        %get3A_409 = arith.index_cast %mul3A_407 : i32 to index
        %get3A_410 = tpu.vector_load %arg4[%get3A_408, %get3A_409] {strides = array<i32>} : memref<80x128xi32, #tpu.memory_space<vmem>>, vector<1x16xi32>,
        %get3A_411 = vector.shape_cast %get3A_410 : vector<1x16xi32> to vector<16xi32>
        %dma_start3A_412 = arith.constant 0 : i32
        %dma_start3A_413 = arith.constant 0 : i32
        %dma_start3A_414 = tpu.memref_slice %arg6[%dma_start3A_412, %dma_start3A_413] : memref<10240x128xf32, #tpu.memory_space<vmem_shared>> -> memref<10240x128xf32, #tpu.memory_space<vmem_shared>>
        tpu.enqueue_indirect_dma source(%arg5 : memref<16x128xf32, #tpu.memory_space<vmem>>) target(%dma_start3A_414 : memref<10240x128xf32, #tpu.memory_space<vmem_shared>>) offsets(%get3A_411 : vector<16xi32>) semaphore(%arg11 : memref<!tpu.dma_semaphore, #tpu.memory_space<semaphore_mem>>) {add = true}
      } else {
      }
      %mul3A_306 = arith.constant 5 : i32
      %mul3A_307 = arith.muli %scan3A_85, %mul3A_306 : i32
      %add3A_308 = arith.constant 4 : i32
      %add3A_309 = arith.addi %mul3A_307, %add3A_308 : i32
      %jit3A_310 = arith.constant 8 : i32
      %div3A_311 = arith.divsi %add3A_309, %jit3A_310 : i32
      %sign3A_312 = arith.constant 0 : i32
      %sign3A_313 = arith.cmpi sgt, %add3A_309, %sign3A_312 : i32
      %sign3A_314 = arith.extui %sign3A_313 : i1 to i32
      %sign3A_315 = arith.constant 0 : i32
      %sign3A_316 = arith.cmpi slt, %add3A_309, %sign3A_315 : i32
      %sign3A_317 = arith.extui %sign3A_316 : i1 to i32
      %sign3A_318 = arith.subi %sign3A_314, %sign3A_317 : i32
      %sign3A_319 = arith.constant 0 : i32
      %sign3A_320 = arith.cmpi sgt, %jit3A_310, %sign3A_319 : i32
      %sign3A_321 = arith.extui %sign3A_320 : i1 to i32
      %sign3A_322 = arith.constant 0 : i32
      %sign3A_323 = arith.cmpi slt, %jit3A_310, %sign3A_322 : i32
      %sign3A_324 = arith.extui %sign3A_323 : i1 to i32
      %sign3A_325 = arith.subi %sign3A_321, %sign3A_324 : i32
      %ne3A_326 = arith.cmpi ne, %sign3A_318, %sign3A_325 : i32
      %rem3A_327 = arith.remsi %add3A_309, %jit3A_310 : i32
      %ne3A_328 = arith.constant 0 : i32
      %ne3A_329 = arith.cmpi ne, %rem3A_327, %ne3A_328 : i32
      %and3A_330 = arith.andi %ne3A_326, %ne3A_329 : i1
      %sub3A_331 = arith.constant 1 : i32
      %sub3A_332 = arith.subi %div3A_311, %sub3A_331 : i32
      %select_n3A_333 = arith.select %and3A_330, %sub3A_332, %div3A_311 : i32
      %jit3A_334 = arith.constant 8 : i32
      %eq3A_335 = arith.constant 0 : i32
      %eq3A_336 = arith.cmpi eq, %jit3A_334, %eq3A_335 : i32
      %jit3A_337 = arith.constant 1 : i32
      %select_n3A_338 = arith.select %eq3A_336, %jit3A_337, %jit3A_334 : i32
      %rem3A_339 = arith.remsi %add3A_309, %select_n3A_338 : i32
      %ne3A_340 = arith.constant 0 : i32
      %ne3A_341 = arith.cmpi ne, %rem3A_339, %ne3A_340 : i32
      %lt3A_342 = arith.constant 0 : i32
      %lt3A_343 = arith.cmpi slt, %rem3A_339, %lt3A_342 : i32
      %lt3A_344 = arith.constant 0 : i32
      %lt3A_345 = arith.cmpi slt, %select_n3A_338, %lt3A_344 : i32
      %ne3A_346 = arith.xori %lt3A_343, %lt3A_345 : i1
      %and3A_347 = arith.andi %ne3A_346, %ne3A_341 : i1
      %add3A_348 = arith.addi %rem3A_339, %select_n3A_338 : i32
      %select_n3A_349 = arith.select %and3A_347, %add3A_348, %rem3A_339 : i32
      %mul3A_350 = arith.constant 16 : i32
      %mul3A_351 = arith.muli %select_n3A_349, %mul3A_350 : i32
      %get3A_352 = arith.index_cast %select_n3A_333 : i32 to index
      %get3A_353 = arith.index_cast %mul3A_351 : i32 to index
      %get3A_354 = tpu.vector_load %arg4[%get3A_352, %get3A_353] {strides = array<i32>} : memref<80x128xi32, #tpu.memory_space<vmem>>, vector<1x16xi32>,
      %get3A_355 = vector.shape_cast %get3A_354 : vector<1x16xi32> to vector<16xi32>
      %dma_wait3A_356 = arith.constant 0 : i32
      %dma_wait3A_357 = arith.constant 0 : i32
      %dma_wait3A_358 = tpu.memref_slice %arg6[%dma_wait3A_356, %dma_wait3A_357] : memref<10240x128xf32, #tpu.memory_space<vmem_shared>> -> memref<10240x128xf32, #tpu.memory_space<vmem_shared>>
      tpu.wait_indirect_dma semaphore(%arg12 : memref<!tpu.dma_semaphore, #tpu.memory_space<semaphore_mem>>) src(%arg5 : memref<16x128xf32, #tpu.memory_space<vmem>>) dst(%dma_wait3A_358 : memref<10240x128xf32, #tpu.memory_space<vmem_shared>>)
      %lt3A_359 = arith.constant 127 : i32
      %lt3A_360 = arith.cmpi slt, %scan3A_85, %lt3A_359 : i32
      %convert_element_type3A_361 = arith.extui %lt3A_360 : i1 to i32
      %cond3A_362 = arith.constant 0 : i32
      %cond3A_363 = arith.cmpi ne, %convert_element_type3A_361, %cond3A_362 : i32
      scf.if %cond3A_363 {
        %add3A_364 = arith.constant 5 : i32
        %add3A_365 = arith.addi %add3A_309, %add3A_364 : i32
        %jit3A_366 = arith.constant 8 : i32
        %div3A_367 = arith.divsi %add3A_365, %jit3A_366 : i32
        %sign3A_368 = arith.constant 0 : i32
        %sign3A_369 = arith.cmpi sgt, %add3A_365, %sign3A_368 : i32
        %sign3A_370 = arith.extui %sign3A_369 : i1 to i32
        %sign3A_371 = arith.constant 0 : i32
        %sign3A_372 = arith.cmpi slt, %add3A_365, %sign3A_371 : i32
        %sign3A_373 = arith.extui %sign3A_372 : i1 to i32
        %sign3A_374 = arith.subi %sign3A_370, %sign3A_373 : i32
        %sign3A_375 = arith.constant 0 : i32
        %sign3A_376 = arith.cmpi sgt, %jit3A_366, %sign3A_375 : i32
        %sign3A_377 = arith.extui %sign3A_376 : i1 to i32
        %sign3A_378 = arith.constant 0 : i32
        %sign3A_379 = arith.cmpi slt, %jit3A_366, %sign3A_378 : i32
        %sign3A_380 = arith.extui %sign3A_379 : i1 to i32
        %sign3A_381 = arith.subi %sign3A_377, %sign3A_380 : i32
        %ne3A_382 = arith.cmpi ne, %sign3A_374, %sign3A_381 : i32
        %rem3A_383 = arith.remsi %add3A_365, %jit3A_366 : i32
        %ne3A_384 = arith.constant 0 : i32
        %ne3A_385 = arith.cmpi ne, %rem3A_383, %ne3A_384 : i32
        %and3A_386 = arith.andi %ne3A_382, %ne3A_385 : i1
        %sub3A_387 = arith.constant 1 : i32
        %sub3A_388 = arith.subi %div3A_367, %sub3A_387 : i32
        %select_n3A_389 = arith.select %and3A_386, %sub3A_388, %div3A_367 : i32
        %jit3A_390 = arith.constant 8 : i32
        %eq3A_391 = arith.constant 0 : i32
        %eq3A_392 = arith.cmpi eq, %jit3A_390, %eq3A_391 : i32
        %jit3A_393 = arith.constant 1 : i32
        %select_n3A_394 = arith.select %eq3A_392, %jit3A_393, %jit3A_390 : i32
        %rem3A_395 = arith.remsi %add3A_365, %select_n3A_394 : i32
        %ne3A_396 = arith.constant 0 : i32
        %ne3A_397 = arith.cmpi ne, %rem3A_395, %ne3A_396 : i32
        %lt3A_398 = arith.constant 0 : i32
        %lt3A_399 = arith.cmpi slt, %rem3A_395, %lt3A_398 : i32
        %lt3A_400 = arith.constant 0 : i32
        %lt3A_401 = arith.cmpi slt, %select_n3A_394, %lt3A_400 : i32
        %ne3A_402 = arith.xori %lt3A_399, %lt3A_401 : i1
        %and3A_403 = arith.andi %ne3A_402, %ne3A_397 : i1
        %add3A_404 = arith.addi %rem3A_395, %select_n3A_394 : i32
        %select_n3A_405 = arith.select %and3A_403, %add3A_404, %rem3A_395 : i32
        %mul3A_406 = arith.constant 16 : i32
        %mul3A_407 = arith.muli %select_n3A_405, %mul3A_406 : i32
        %get3A_408 = arith.index_cast %select_n3A_389 : i32 to index
        %get3A_409 = arith.index_cast %mul3A_407 : i32 to index
        %get3A_410 = tpu.vector_load %arg4[%get3A_408, %get3A_409] {strides = array<i32>} : memref<80x128xi32, #tpu.memory_space<vmem>>, vector<1x16xi32>,
        %get3A_411 = vector.shape_cast %get3A_410 : vector<1x16xi32> to vector<16xi32>
        %dma_start3A_412 = arith.constant 0 : i32
        %dma_start3A_413 = arith.constant 0 : i32
        %dma_start3A_414 = tpu.memref_slice %arg6[%dma_start3A_412, %dma_start3A_413] : memref<10240x128xf32, #tpu.memory_space<vmem_shared>> -> memref<10240x128xf32, #tpu.memory_space<vmem_shared>>
        tpu.enqueue_indirect_dma source(%arg5 : memref<16x128xf32, #tpu.memory_space<vmem>>) target(%dma_start3A_414 : memref<10240x128xf32, #tpu.memory_space<vmem_shared>>) offsets(%get3A_411 : vector<16xi32>) semaphore(%arg12 : memref<!tpu.dma_semaphore, #tpu.memory_space<semaphore_mem>>) {add = true}
      } else {
      }
    }
    %scan3A_79 = arith.constant 128 : i32
    %barrier3A_80 = arith.constant 0 : index
    tpu.barrier barrier_id(%barrier3A_80)
    %mul3A_81 = arith.constant 640 : i32
    %mul3A_82 = arith.muli %arg1, %mul3A_81 : i32
    %mul3A_83 = arith.constant 640 : i32
    %mul3A_84 = arith.muli %arg1, %mul3A_83 : i32
    "tpu.region"() ({
      %run_scoped3A = tpu.sem_alloc : memref<!tpu.dma_semaphore, #tpu.memory_space<semaphore_mem>>
      %dma_start3A_85 = arith.constant 0 : i32
      %dma_start3A_86 = tpu.memref_slice %arg3[%arg0, %mul3A_84, %dma_start3A_85] : memref<2x10240x128xf32, #tpu.memory_space<hbm>> -> memref<1x640x128xf32, #tpu.memory_space<hbm>>
      %dma_start3A_87 = tpu.memref_squeeze %dma_start3A_86 : memref<1x640x128xf32, #tpu.memory_space<hbm>> -> memref<640x128xf32, #tpu.memory_space<hbm>>
      %dma_start3A_88 = arith.constant 0 : i32
      %dma_start3A_89 = tpu.memref_slice %arg6[%mul3A_82, %dma_start3A_88] : memref<10240x128xf32, #tpu.memory_space<vmem_shared>> -> memref<640x128xf32, #tpu.memory_space<vmem_shared>>
      tpu.enqueue_dma source(%dma_start3A_89 : memref<640x128xf32, #tpu.memory_space<vmem_shared>>) target(%dma_start3A_87 : memref<640x128xf32, #tpu.memory_space<hbm>>) target_semaphore(%run_scoped3A : memref<!tpu.dma_semaphore, #tpu.memory_space<semaphore_mem>>)
      %dma_wait3A_90 = arith.constant 0 : i32
      %dma_wait3A_91 = tpu.memref_slice %arg3[%arg0, %mul3A_84, %dma_wait3A_90] : memref<2x10240x128xf32, #tpu.memory_space<hbm>> -> memref<1x640x128xf32, #tpu.memory_space<hbm>>
      %dma_wait3A_92 = tpu.memref_squeeze %dma_wait3A_91 : memref<1x640x128xf32, #tpu.memory_space<hbm>> -> memref<640x128xf32, #tpu.memory_space<hbm>>
      %dma_wait3A_93 = arith.constant 0 : i32
      %dma_wait3A_94 = tpu.memref_slice %arg6[%mul3A_82, %dma_wait3A_93] : memref<10240x128xf32, #tpu.memory_space<vmem_shared>> -> memref<640x128xf32, #tpu.memory_space<vmem_shared>>
      tpu.wait_dma2 semaphore(%run_scoped3A : memref<!tpu.dma_semaphore, #tpu.memory_space<semaphore_mem>>) src(%dma_wait3A_94 : memref<640x128xf32, #tpu.memory_space<vmem_shared>>) dst(%dma_wait3A_92 : memref<640x128xf32, #tpu.memory_space<hbm>>)
      tpu.yield
    }) : () -> ()
    return
  }
}

#map = affine_map<(d0, d1) -> (0, 0)>
#map1 = affine_map<(d0, d1) -> (0, 0, 0)>
module attributes {stable_mosaic.version = 14 : i64} {
  func.func @_sc_scatter(%arg0: i32, %arg1: i32, %arg2: memref<10240x128xf32, #tpu.memory_space<hbm>>, %arg3: memref<2560x2x128xi32, #tpu.memory_space<hbm>>, %arg4: memref<2x10240x128xf32, #tpu.memory_space<hbm>>, %arg5: memref<2x128xi32, #tpu.memory_space<vmem>>, %arg6: memref<2x128xi32, #tpu.memory_space<vmem>>, %arg7: memref<2x128xi32, #tpu.memory_space<vmem>>, %arg8: memref<2x128xi32, #tpu.memory_space<vmem>>, %arg9: memref<128x128xf32, #tpu.memory_space<vmem>>, %arg10: memref<128x128xf32, #tpu.memory_space<vmem>>, %arg11: memref<10240x128xf32, #tpu.memory_space<vmem_shared>>, %arg12: memref<!tpu.dma_semaphore, #tpu.memory_space<semaphore_mem>>, %arg13: memref<!tpu.dma_semaphore, #tpu.memory_space<semaphore_mem>>, %arg14: memref<!tpu.dma_semaphore, #tpu.memory_space<semaphore_mem>>, %arg15: memref<!tpu.dma_semaphore, #tpu.memory_space<semaphore_mem>>, %arg16: memref<!tpu.dma_semaphore, #tpu.memory_space<semaphore_mem>>, %arg17: memref<!tpu.dma_semaphore, #tpu.memory_space<semaphore_mem>>, %arg18: memref<!tpu.dma_semaphore, #tpu.memory_space<semaphore_mem>>, %arg19: memref<!tpu.dma_semaphore, #tpu.memory_space<semaphore_mem>>) attributes {dimension_semantics = [#tpu.dimension_semantics<core_parallel>, #tpu.dimension_semantics<subcore_parallel>], iteration_bounds = array<i64: 2, 16>, scalar_prefetch = 0 : i64, scratch_operands = 15 : i64, tpu.core_type = #tpu.core_type<sc_vector_subcore>, window_params = [{transform_indices = #map}, {transform_indices = #map1}, {transform_indices = #map1}]} {
    %mul3A = arith.constant 2 : i32
    %mul3A_0 = arith.muli %arg1, %mul3A : i32
    %add3A = arith.addi %mul3A_0, %arg0 : i32
    %mul3A_1 = arith.constant 80 : i32
    %mul3A_2 = arith.muli %add3A, %mul3A_1 : i32
    %add3A_3 = arith.constant 0 : i32
    %add3A_4 = arith.addi %mul3A_2, %add3A_3 : i32
    %dma_start3A = arith.constant 0 : i32
    %dma_start3A_5 = arith.constant 0 : i32
    %dma_start3A_6 = tpu.memref_slice %arg3[%add3A_4, %dma_start3A, %dma_start3A_5] : memref<2560x2x128xi32, #tpu.memory_space<hbm>> -> memref<1x2x128xi32, #tpu.memory_space<hbm>>
    %dma_start3A_7 = tpu.memref_squeeze %dma_start3A_6 : memref<1x2x128xi32, #tpu.memory_space<hbm>> -> memref<2x128xi32, #tpu.memory_space<hbm>>
    %dma_start3A_8 = arith.constant 0 : i32
    %dma_start3A_9 = arith.constant 0 : i32
    %dma_start3A_10 = tpu.memref_slice %arg3[%add3A_4, %dma_start3A_8, %dma_start3A_9] : memref<2560x2x128xi32, #tpu.memory_space<hbm>> -> memref<1x2x128xi32, #tpu.memory_space<hbm>>
    %dma_start3A_11 = tpu.memref_squeeze %dma_start3A_10 : memref<1x2x128xi32, #tpu.memory_space<hbm>> -> memref<2x128xi32, #tpu.memory_space<hbm>>
    tpu.enqueue_dma source(%dma_start3A_11 : memref<2x128xi32, #tpu.memory_space<hbm>>) target(%arg5 : memref<2x128xi32, #tpu.memory_space<vmem>>) target_semaphore(%arg12 : memref<!tpu.dma_semaphore, #tpu.memory_space<semaphore_mem>>)
    %mul3A_12 = arith.constant 80 : i32
    %mul3A_13 = arith.muli %add3A, %mul3A_12 : i32
    %add3A_14 = arith.constant 1 : i32
    %add3A_15 = arith.addi %mul3A_13, %add3A_14 : i32
    %dma_start3A_16 = arith.constant 0 : i32
    %dma_start3A_17 = arith.constant 0 : i32
    %dma_start3A_18 = tpu.memref_slice %arg3[%add3A_15, %dma_start3A_16, %dma_start3A_17] : memref<2560x2x128xi32, #tpu.memory_space<hbm>> -> memref<1x2x128xi32, #tpu.memory_space<hbm>>
    %dma_start3A_19 = tpu.memref_squeeze %dma_start3A_18 : memref<1x2x128xi32, #tpu.memory_space<hbm>> -> memref<2x128xi32, #tpu.memory_space<hbm>>
    %dma_start3A_20 = arith.constant 0 : i32
    %dma_start3A_21 = arith.constant 0 : i32
    %dma_start3A_22 = tpu.memref_slice %arg3[%add3A_15, %dma_start3A_20, %dma_start3A_21] : memref<2560x2x128xi32, #tpu.memory_space<hbm>> -> memref<1x2x128xi32, #tpu.memory_space<hbm>>
    %dma_start3A_23 = tpu.memref_squeeze %dma_start3A_22 : memref<1x2x128xi32, #tpu.memory_space<hbm>> -> memref<2x128xi32, #tpu.memory_space<hbm>>
    tpu.enqueue_dma source(%dma_start3A_23 : memref<2x128xi32, #tpu.memory_space<hbm>>) target(%arg6 : memref<2x128xi32, #tpu.memory_space<vmem>>) target_semaphore(%arg13 : memref<!tpu.dma_semaphore, #tpu.memory_space<semaphore_mem>>)
    %mul3A_24 = arith.constant 80 : i32
    %mul3A_25 = arith.muli %add3A, %mul3A_24 : i32
    %add3A_26 = arith.constant 2 : i32
    %add3A_27 = arith.addi %mul3A_25, %add3A_26 : i32
    %dma_start3A_28 = arith.constant 0 : i32
    %dma_start3A_29 = arith.constant 0 : i32
    %dma_start3A_30 = tpu.memref_slice %arg3[%add3A_27, %dma_start3A_28, %dma_start3A_29] : memref<2560x2x128xi32, #tpu.memory_space<hbm>> -> memref<1x2x128xi32, #tpu.memory_space<hbm>>
    %dma_start3A_31 = tpu.memref_squeeze %dma_start3A_30 : memref<1x2x128xi32, #tpu.memory_space<hbm>> -> memref<2x128xi32, #tpu.memory_space<hbm>>
    %dma_start3A_32 = arith.constant 0 : i32
    %dma_start3A_33 = arith.constant 0 : i32
    %dma_start3A_34 = tpu.memref_slice %arg3[%add3A_27, %dma_start3A_32, %dma_start3A_33] : memref<2560x2x128xi32, #tpu.memory_space<hbm>> -> memref<1x2x128xi32, #tpu.memory_space<hbm>>
    %dma_start3A_35 = tpu.memref_squeeze %dma_start3A_34 : memref<1x2x128xi32, #tpu.memory_space<hbm>> -> memref<2x128xi32, #tpu.memory_space<hbm>>
    tpu.enqueue_dma source(%dma_start3A_35 : memref<2x128xi32, #tpu.memory_space<hbm>>) target(%arg7 : memref<2x128xi32, #tpu.memory_space<vmem>>) target_semaphore(%arg14 : memref<!tpu.dma_semaphore, #tpu.memory_space<semaphore_mem>>)
    %mul3A_36 = arith.constant 80 : i32
    %mul3A_37 = arith.muli %add3A, %mul3A_36 : i32
    %add3A_38 = arith.constant 3 : i32
    %add3A_39 = arith.addi %mul3A_37, %add3A_38 : i32
    %dma_start3A_40 = arith.constant 0 : i32
    %dma_start3A_41 = arith.constant 0 : i32
    %dma_start3A_42 = tpu.memref_slice %arg3[%add3A_39, %dma_start3A_40, %dma_start3A_41] : memref<2560x2x128xi32, #tpu.memory_space<hbm>> -> memref<1x2x128xi32, #tpu.memory_space<hbm>>
    %dma_start3A_43 = tpu.memref_squeeze %dma_start3A_42 : memref<1x2x128xi32, #tpu.memory_space<hbm>> -> memref<2x128xi32, #tpu.memory_space<hbm>>
    %dma_start3A_44 = arith.constant 0 : i32
    %dma_start3A_45 = arith.constant 0 : i32
    %dma_start3A_46 = tpu.memref_slice %arg3[%add3A_39, %dma_start3A_44, %dma_start3A_45] : memref<2560x2x128xi32, #tpu.memory_space<hbm>> -> memref<1x2x128xi32, #tpu.memory_space<hbm>>
    %dma_start3A_47 = tpu.memref_squeeze %dma_start3A_46 : memref<1x2x128xi32, #tpu.memory_space<hbm>> -> memref<2x128xi32, #tpu.memory_space<hbm>>
    tpu.enqueue_dma source(%dma_start3A_47 : memref<2x128xi32, #tpu.memory_space<hbm>>) target(%arg8 : memref<2x128xi32, #tpu.memory_space<vmem>>) target_semaphore(%arg15 : memref<!tpu.dma_semaphore, #tpu.memory_space<semaphore_mem>>)
    %broadcast_in_dim3A = arith.constant 0.000000e+00 : f32
    %broadcast_in_dim3A_48 = vector.broadcast %broadcast_in_dim3A : f32 to vector<16xf32>
    %scan3A = arith.constant 0 : i32
    %scan3A_49 = arith.constant 0 : i32
    %scan3A_50 = arith.constant 1024 : i32
    %scan3A_51 = arith.addi %scan3A_49, %scan3A_50 : i32
    %scan3A_52 = arith.constant 1 : i32
    scf.for %scan3A_84 = %scan3A_49 to %scan3A_51 step %scan3A_52  : i32 {
      %jit3A = arith.constant 8 : i32
      %div3A = arith.divsi %scan3A_84, %jit3A : i32
      %sign3A = arith.constant 0 : i32
      %sign3A_85 = arith.cmpi sgt, %scan3A_84, %sign3A : i32
      %sign3A_86 = arith.extui %sign3A_85 : i1 to i32
      %sign3A_87 = arith.constant 0 : i32
      %sign3A_88 = arith.cmpi slt, %scan3A_84, %sign3A_87 : i32
      %sign3A_89 = arith.extui %sign3A_88 : i1 to i32
      %sign3A_90 = arith.subi %sign3A_86, %sign3A_89 : i32
      %sign3A_91 = arith.constant 0 : i32
      %sign3A_92 = arith.cmpi sgt, %jit3A, %sign3A_91 : i32
      %sign3A_93 = arith.extui %sign3A_92 : i1 to i32
      %sign3A_94 = arith.constant 0 : i32
      %sign3A_95 = arith.cmpi slt, %jit3A, %sign3A_94 : i32
      %sign3A_96 = arith.extui %sign3A_95 : i1 to i32
      %sign3A_97 = arith.subi %sign3A_93, %sign3A_96 : i32
      %ne3A = arith.cmpi ne, %sign3A_90, %sign3A_97 : i32
      %rem3A = arith.remsi %scan3A_84, %jit3A : i32
      %ne3A_98 = arith.constant 0 : i32
      %ne3A_99 = arith.cmpi ne, %rem3A, %ne3A_98 : i32
      %and3A = arith.andi %ne3A, %ne3A_99 : i1
      %sub3A = arith.constant 1 : i32
      %sub3A_100 = arith.subi %div3A, %sub3A : i32
      %select_n3A = arith.select %and3A, %sub3A_100, %div3A : i32
      %jit3A_101 = arith.constant 8 : i32
      %eq3A = arith.constant 0 : i32
      %eq3A_102 = arith.cmpi eq, %jit3A_101, %eq3A : i32
      %jit3A_103 = arith.constant 1 : i32
      %select_n3A_104 = arith.select %eq3A_102, %jit3A_103, %jit3A_101 : i32
      %rem3A_105 = arith.remsi %scan3A_84, %select_n3A_104 : i32
      %ne3A_106 = arith.constant 0 : i32
      %ne3A_107 = arith.cmpi ne, %rem3A_105, %ne3A_106 : i32
      %lt3A = arith.constant 0 : i32
      %lt3A_108 = arith.cmpi slt, %rem3A_105, %lt3A : i32
      %lt3A_109 = arith.constant 0 : i32
      %lt3A_110 = arith.cmpi slt, %select_n3A_104, %lt3A_109 : i32
      %ne3A_111 = arith.xori %lt3A_108, %lt3A_110 : i1
      %and3A_112 = arith.andi %ne3A_111, %ne3A_107 : i1
      %add3A_113 = arith.addi %rem3A_105, %select_n3A_104 : i32
      %select_n3A_114 = arith.select %and3A_112, %add3A_113, %rem3A_105 : i32
      %mul3A_115 = arith.constant 16 : i32
      %mul3A_116 = arith.muli %select_n3A_114, %mul3A_115 : i32
      %swap3A = arith.index_cast %select_n3A : i32 to index
      %swap3A_117 = arith.index_cast %mul3A_116 : i32 to index
      %swap3A_118 = tpu.vector_load %arg9[%swap3A, %swap3A_117] {strides = array<i32>} : memref<128x128xf32, #tpu.memory_space<vmem>>, vector<1x16xf32>,
      %swap3A_119 = vector.shape_cast %swap3A_118 : vector<1x16xf32> to vector<16xf32>
      %swap3A_120 = vector.shape_cast %broadcast_in_dim3A_48 : vector<16xf32> to vector<1x16xf32>
      tpu.vector_store %arg9[%swap3A, %swap3A_117], %swap3A_120 {strides = array<i32>} : memref<128x128xf32, #tpu.memory_space<vmem>>, vector<1x16xf32>,
    }
    %scan3A_53 = arith.constant 1024 : i32
    %scan3A_54 = arith.constant 0 : i32
    %scan3A_55 = arith.constant 0 : i32
    %scan3A_56 = arith.constant 5 : i32
    %scan3A_57 = arith.addi %scan3A_55, %scan3A_56 : i32
    %scan3A_58 = arith.constant 1 : i32
    scf.for %scan3A_84 = %scan3A_55 to %scan3A_57 step %scan3A_58  : i32 {
      %mul3A_85 = arith.constant 640 : i32
      %mul3A_86 = arith.muli %arg1, %mul3A_85 : i32
      %mul3A_87 = arith.constant 128 : i32
      %mul3A_88 = arith.muli %scan3A_84, %mul3A_87 : i32
      %add3A_89 = arith.addi %mul3A_86, %mul3A_88 : i32
      "tpu.region"() ({
        %run_scoped3A = tpu.sem_alloc : memref<!tpu.dma_semaphore, #tpu.memory_space<semaphore_mem>>
        %dma_start3A_90 = arith.constant 0 : i32
        %dma_start3A_91 = tpu.memref_slice %arg11[%add3A_89, %dma_start3A_90] : memref<10240x128xf32, #tpu.memory_space<vmem_shared>> -> memref<128x128xf32, #tpu.memory_space<vmem_shared>>
        %dma_start3A_92 = arith.constant 0 : i32
        %dma_start3A_93 = tpu.memref_slice %arg11[%add3A_89, %dma_start3A_92] : memref<10240x128xf32, #tpu.memory_space<vmem_shared>> -> memref<128x128xf32, #tpu.memory_space<vmem_shared>>
        tpu.enqueue_dma source(%arg9 : memref<128x128xf32, #tpu.memory_space<vmem>>) target(%dma_start3A_93 : memref<128x128xf32, #tpu.memory_space<vmem_shared>>) target_semaphore(%run_scoped3A : memref<!tpu.dma_semaphore, #tpu.memory_space<semaphore_mem>>)
        %dma_wait3A_94 = arith.constant 0 : i32
        %dma_wait3A_95 = tpu.memref_slice %arg11[%add3A_89, %dma_wait3A_94] : memref<10240x128xf32, #tpu.memory_space<vmem_shared>> -> memref<128x128xf32, #tpu.memory_space<vmem_shared>>
        %dma_wait3A_96 = arith.constant 0 : i32
        %dma_wait3A_97 = tpu.memref_slice %arg11[%add3A_89, %dma_wait3A_96] : memref<10240x128xf32, #tpu.memory_space<vmem_shared>> -> memref<128x128xf32, #tpu.memory_space<vmem_shared>>
        tpu.wait_dma2 semaphore(%run_scoped3A : memref<!tpu.dma_semaphore, #tpu.memory_space<semaphore_mem>>) src(%arg9 : memref<128x128xf32, #tpu.memory_space<vmem>>) dst(%dma_wait3A_97 : memref<128x128xf32, #tpu.memory_space<vmem_shared>>)
        tpu.yield
      }) : () -> ()
    }
    %scan3A_59 = arith.constant 5 : i32
    %barrier3A = arith.constant 0 : index
    tpu.barrier barrier_id(%barrier3A)
    %scan3A_60 = arith.constant 0 : i32
    %scan3A_61 = arith.constant 0 : i32
    %scan3A_62 = arith.constant 20 : i32
    %scan3A_63 = arith.addi %scan3A_61, %scan3A_62 : i32
    %scan3A_64 = arith.constant 1 : i32
    scf.for %scan3A_84 = %scan3A_61 to %scan3A_63 step %scan3A_64  : i32 {
      %mul3A_85 = arith.constant 4 : i32
      %mul3A_86 = arith.muli %scan3A_84, %mul3A_85 : i32
      %add3A_87 = arith.constant 0 : i32
      %add3A_88 = arith.addi %mul3A_86, %add3A_87 : i32
      %ge3A = arith.constant 2 : i32
      %ge3A_89 = arith.cmpi sge, %add3A_88, %ge3A : i32
      %convert_element_type3A = arith.extui %ge3A_89 : i1 to i32
      %cond3A = arith.constant 0 : i32
      %cond3A_90 = arith.cmpi ne, %convert_element_type3A, %cond3A : i32
      scf.if %cond3A_90 {
        %dma_wait3A_246 = arith.constant 1 : i32
        %dma_wait3A_247 = arith.constant 0 : i32
        %dma_wait3A_248 = tpu.memref_slice %arg7[%dma_wait3A_246, %dma_wait3A_247] : memref<2x128xi32, #tpu.memory_space<vmem>> -> memref<1x128xi32, #tpu.memory_space<vmem>>
        %dma_wait3A_249 = tpu.memref_squeeze %dma_wait3A_248 : memref<1x128xi32, #tpu.memory_space<vmem>> -> memref<128xi32, #tpu.memory_space<vmem>>
        %dma_wait3A_250 = arith.constant 0 : i32
        %dma_wait3A_251 = arith.constant 0 : i32
        %dma_wait3A_252 = tpu.memref_slice %arg11[%dma_wait3A_250, %dma_wait3A_251] : memref<10240x128xf32, #tpu.memory_space<vmem_shared>> -> memref<10240x128xf32, #tpu.memory_space<vmem_shared>>
        tpu.wait_indirect_dma semaphore(%arg18 : memref<!tpu.dma_semaphore, #tpu.memory_space<semaphore_mem>>) src(%arg9 : memref<128x128xf32, #tpu.memory_space<vmem>>) dst(%dma_wait3A_252 : memref<10240x128xf32, #tpu.memory_space<vmem_shared>>)
        %add3A_253 = arith.constant 2 : i32
        %add3A_254 = arith.addi %add3A_88, %add3A_253 : i32
        %lt3A = arith.constant 80 : i32
        %lt3A_255 = arith.cmpi slt, %add3A_254, %lt3A : i32
        %convert_element_type3A_256 = arith.extui %lt3A_255 : i1 to i32
        %cond3A_257 = arith.constant 0 : i32
        %cond3A_258 = arith.cmpi ne, %convert_element_type3A_256, %cond3A_257 : i32
        scf.if %cond3A_258 {
          %mul3A_259 = arith.constant 80 : i32
          %mul3A_260 = arith.muli %add3A, %mul3A_259 : i32
          %add3A_261 = arith.addi %mul3A_260, %add3A_88 : i32
          %add3A_262 = arith.constant 2 : i32
          %add3A_263 = arith.addi %add3A_261, %add3A_262 : i32
          %dma_start3A_264 = arith.constant 0 : i32
          %dma_start3A_265 = arith.constant 0 : i32
          %dma_start3A_266 = tpu.memref_slice %arg3[%add3A_263, %dma_start3A_264, %dma_start3A_265] : memref<2560x2x128xi32, #tpu.memory_space<hbm>> -> memref<1x2x128xi32, #tpu.memory_space<hbm>>
          %dma_start3A_267 = tpu.memref_squeeze %dma_start3A_266 : memref<1x2x128xi32, #tpu.memory_space<hbm>> -> memref<2x128xi32, #tpu.memory_space<hbm>>
          %dma_start3A_268 = arith.constant 0 : i32
          %dma_start3A_269 = arith.constant 0 : i32
          %dma_start3A_270 = tpu.memref_slice %arg3[%add3A_263, %dma_start3A_268, %dma_start3A_269] : memref<2560x2x128xi32, #tpu.memory_space<hbm>> -> memref<1x2x128xi32, #tpu.memory_space<hbm>>
          %dma_start3A_271 = tpu.memref_squeeze %dma_start3A_270 : memref<1x2x128xi32, #tpu.memory_space<hbm>> -> memref<2x128xi32, #tpu.memory_space<hbm>>
          tpu.enqueue_dma source(%dma_start3A_271 : memref<2x128xi32, #tpu.memory_space<hbm>>) target(%arg7 : memref<2x128xi32, #tpu.memory_space<vmem>>) target_semaphore(%arg14 : memref<!tpu.dma_semaphore, #tpu.memory_space<semaphore_mem>>)
        } else {
        }
      } else {
      }
      %mul3A_91 = arith.constant 80 : i32
      %mul3A_92 = arith.muli %add3A, %mul3A_91 : i32
      %add3A_93 = arith.addi %mul3A_92, %add3A_88 : i32
      %dma_wait3A_94 = arith.constant 0 : i32
      %dma_wait3A_95 = arith.constant 0 : i32
      %dma_wait3A_96 = tpu.memref_slice %arg3[%add3A_93, %dma_wait3A_94, %dma_wait3A_95] : memref<2560x2x128xi32, #tpu.memory_space<hbm>> -> memref<1x2x128xi32, #tpu.memory_space<hbm>>
      %dma_wait3A_97 = tpu.memref_squeeze %dma_wait3A_96 : memref<1x2x128xi32, #tpu.memory_space<hbm>> -> memref<2x128xi32, #tpu.memory_space<hbm>>
      %dma_wait3A_98 = arith.constant 0 : i32
      %dma_wait3A_99 = arith.constant 0 : i32
      %dma_wait3A_100 = tpu.memref_slice %arg3[%add3A_93, %dma_wait3A_98, %dma_wait3A_99] : memref<2560x2x128xi32, #tpu.memory_space<hbm>> -> memref<1x2x128xi32, #tpu.memory_space<hbm>>
      %dma_wait3A_101 = tpu.memref_squeeze %dma_wait3A_100 : memref<1x2x128xi32, #tpu.memory_space<hbm>> -> memref<2x128xi32, #tpu.memory_space<hbm>>
      tpu.wait_dma2 semaphore(%arg12 : memref<!tpu.dma_semaphore, #tpu.memory_space<semaphore_mem>>) src(%dma_wait3A_101 : memref<2x128xi32, #tpu.memory_space<hbm>>) dst(%arg5 : memref<2x128xi32, #tpu.memory_space<vmem>>)
      %dma_start3A_102 = arith.constant 0 : i32
      %dma_start3A_103 = arith.constant 0 : i32
      %dma_start3A_104 = tpu.memref_slice %arg5[%dma_start3A_102, %dma_start3A_103] : memref<2x128xi32, #tpu.memory_space<vmem>> -> memref<1x128xi32, #tpu.memory_space<vmem>>
      %dma_start3A_105 = tpu.memref_squeeze %dma_start3A_104 : memref<1x128xi32, #tpu.memory_space<vmem>> -> memref<128xi32, #tpu.memory_space<vmem>>
      %dma_start3A_106 = arith.constant 0 : i32
      %dma_start3A_107 = arith.constant 0 : i32
      %dma_start3A_108 = tpu.memref_slice %arg2[%dma_start3A_106, %dma_start3A_107] : memref<10240x128xf32, #tpu.memory_space<hbm>> -> memref<10240x128xf32, #tpu.memory_space<hbm>>
      tpu.enqueue_indirect_dma source(%dma_start3A_108 : memref<10240x128xf32, #tpu.memory_space<hbm>>) target(%arg9 : memref<128x128xf32, #tpu.memory_space<vmem>>) offsets(%dma_start3A_105 : memref<128xi32, #tpu.memory_space<vmem>>) semaphore(%arg16 : memref<!tpu.dma_semaphore, #tpu.memory_space<semaphore_mem>>)
      %dma_wait3A_109 = arith.constant 0 : i32
      %dma_wait3A_110 = arith.constant 0 : i32
      %dma_wait3A_111 = tpu.memref_slice %arg5[%dma_wait3A_109, %dma_wait3A_110] : memref<2x128xi32, #tpu.memory_space<vmem>> -> memref<1x128xi32, #tpu.memory_space<vmem>>
      %dma_wait3A_112 = tpu.memref_squeeze %dma_wait3A_111 : memref<1x128xi32, #tpu.memory_space<vmem>> -> memref<128xi32, #tpu.memory_space<vmem>>
      %dma_wait3A_113 = arith.constant 0 : i32
      %dma_wait3A_114 = arith.constant 0 : i32
      %dma_wait3A_115 = tpu.memref_slice %arg2[%dma_wait3A_113, %dma_wait3A_114] : memref<10240x128xf32, #tpu.memory_space<hbm>> -> memref<10240x128xf32, #tpu.memory_space<hbm>>
      tpu.wait_indirect_dma semaphore(%arg16 : memref<!tpu.dma_semaphore, #tpu.memory_space<semaphore_mem>>) src(%dma_wait3A_115 : memref<10240x128xf32, #tpu.memory_space<hbm>>) dst(%arg9 : memref<128x128xf32, #tpu.memory_space<vmem>>)
      %dma_start3A_116 = arith.constant 1 : i32
      %dma_start3A_117 = arith.constant 0 : i32
      %dma_start3A_118 = tpu.memref_slice %arg5[%dma_start3A_116, %dma_start3A_117] : memref<2x128xi32, #tpu.memory_space<vmem>> -> memref<1x128xi32, #tpu.memory_space<vmem>>
      %dma_start3A_119 = tpu.memref_squeeze %dma_start3A_118 : memref<1x128xi32, #tpu.memory_space<vmem>> -> memref<128xi32, #tpu.memory_space<vmem>>
      %dma_start3A_120 = arith.constant 0 : i32
      %dma_start3A_121 = arith.constant 0 : i32
      %dma_start3A_122 = tpu.memref_slice %arg11[%dma_start3A_120, %dma_start3A_121] : memref<10240x128xf32, #tpu.memory_space<vmem_shared>> -> memref<10240x128xf32, #tpu.memory_space<vmem_shared>>
      tpu.enqueue_indirect_dma source(%arg9 : memref<128x128xf32, #tpu.memory_space<vmem>>) target(%dma_start3A_122 : memref<10240x128xf32, #tpu.memory_space<vmem_shared>>) offsets(%dma_start3A_119 : memref<128xi32, #tpu.memory_space<vmem>>) semaphore(%arg18 : memref<!tpu.dma_semaphore, #tpu.memory_space<semaphore_mem>>) {add = true}
      %mul3A_123 = arith.constant 4 : i32
      %mul3A_124 = arith.muli %scan3A_84, %mul3A_123 : i32
      %add3A_125 = arith.constant 1 : i32
      %add3A_126 = arith.addi %mul3A_124, %add3A_125 : i32
      %ge3A_127 = arith.constant 2 : i32
      %ge3A_128 = arith.cmpi sge, %add3A_126, %ge3A_127 : i32
      %convert_element_type3A_129 = arith.extui %ge3A_128 : i1 to i32
      %cond3A_130 = arith.constant 0 : i32
      %cond3A_131 = arith.cmpi ne, %convert_element_type3A_129, %cond3A_130 : i32
      scf.if %cond3A_131 {
        %dma_wait3A_246 = arith.constant 1 : i32
        %dma_wait3A_247 = arith.constant 0 : i32
        %dma_wait3A_248 = tpu.memref_slice %arg8[%dma_wait3A_246, %dma_wait3A_247] : memref<2x128xi32, #tpu.memory_space<vmem>> -> memref<1x128xi32, #tpu.memory_space<vmem>>
        %dma_wait3A_249 = tpu.memref_squeeze %dma_wait3A_248 : memref<1x128xi32, #tpu.memory_space<vmem>> -> memref<128xi32, #tpu.memory_space<vmem>>
        %dma_wait3A_250 = arith.constant 0 : i32
        %dma_wait3A_251 = arith.constant 0 : i32
        %dma_wait3A_252 = tpu.memref_slice %arg11[%dma_wait3A_250, %dma_wait3A_251] : memref<10240x128xf32, #tpu.memory_space<vmem_shared>> -> memref<10240x128xf32, #tpu.memory_space<vmem_shared>>
        tpu.wait_indirect_dma semaphore(%arg19 : memref<!tpu.dma_semaphore, #tpu.memory_space<semaphore_mem>>) src(%arg10 : memref<128x128xf32, #tpu.memory_space<vmem>>) dst(%dma_wait3A_252 : memref<10240x128xf32, #tpu.memory_space<vmem_shared>>)
        %add3A_253 = arith.constant 2 : i32
        %add3A_254 = arith.addi %add3A_126, %add3A_253 : i32
        %lt3A = arith.constant 80 : i32
        %lt3A_255 = arith.cmpi slt, %add3A_254, %lt3A : i32
        %convert_element_type3A_256 = arith.extui %lt3A_255 : i1 to i32
        %cond3A_257 = arith.constant 0 : i32
        %cond3A_258 = arith.cmpi ne, %convert_element_type3A_256, %cond3A_257 : i32
        scf.if %cond3A_258 {
          %mul3A_259 = arith.constant 80 : i32
          %mul3A_260 = arith.muli %add3A, %mul3A_259 : i32
          %add3A_261 = arith.addi %mul3A_260, %add3A_126 : i32
          %add3A_262 = arith.constant 2 : i32
          %add3A_263 = arith.addi %add3A_261, %add3A_262 : i32
          %dma_start3A_264 = arith.constant 0 : i32
          %dma_start3A_265 = arith.constant 0 : i32
          %dma_start3A_266 = tpu.memref_slice %arg3[%add3A_263, %dma_start3A_264, %dma_start3A_265] : memref<2560x2x128xi32, #tpu.memory_space<hbm>> -> memref<1x2x128xi32, #tpu.memory_space<hbm>>
          %dma_start3A_267 = tpu.memref_squeeze %dma_start3A_266 : memref<1x2x128xi32, #tpu.memory_space<hbm>> -> memref<2x128xi32, #tpu.memory_space<hbm>>
          %dma_start3A_268 = arith.constant 0 : i32
          %dma_start3A_269 = arith.constant 0 : i32
          %dma_start3A_270 = tpu.memref_slice %arg3[%add3A_263, %dma_start3A_268, %dma_start3A_269] : memref<2560x2x128xi32, #tpu.memory_space<hbm>> -> memref<1x2x128xi32, #tpu.memory_space<hbm>>
          %dma_start3A_271 = tpu.memref_squeeze %dma_start3A_270 : memref<1x2x128xi32, #tpu.memory_space<hbm>> -> memref<2x128xi32, #tpu.memory_space<hbm>>
          tpu.enqueue_dma source(%dma_start3A_271 : memref<2x128xi32, #tpu.memory_space<hbm>>) target(%arg8 : memref<2x128xi32, #tpu.memory_space<vmem>>) target_semaphore(%arg15 : memref<!tpu.dma_semaphore, #tpu.memory_space<semaphore_mem>>)
        } else {
        }
      } else {
      }
      %mul3A_132 = arith.constant 80 : i32
      %mul3A_133 = arith.muli %add3A, %mul3A_132 : i32
      %add3A_134 = arith.addi %mul3A_133, %add3A_126 : i32
      %dma_wait3A_135 = arith.constant 0 : i32
      %dma_wait3A_136 = arith.constant 0 : i32
      %dma_wait3A_137 = tpu.memref_slice %arg3[%add3A_134, %dma_wait3A_135, %dma_wait3A_136] : memref<2560x2x128xi32, #tpu.memory_space<hbm>> -> memref<1x2x128xi32, #tpu.memory_space<hbm>>
      %dma_wait3A_138 = tpu.memref_squeeze %dma_wait3A_137 : memref<1x2x128xi32, #tpu.memory_space<hbm>> -> memref<2x128xi32, #tpu.memory_space<hbm>>
      %dma_wait3A_139 = arith.constant 0 : i32
      %dma_wait3A_140 = arith.constant 0 : i32
      %dma_wait3A_141 = tpu.memref_slice %arg3[%add3A_134, %dma_wait3A_139, %dma_wait3A_140] : memref<2560x2x128xi32, #tpu.memory_space<hbm>> -> memref<1x2x128xi32, #tpu.memory_space<hbm>>
      %dma_wait3A_142 = tpu.memref_squeeze %dma_wait3A_141 : memref<1x2x128xi32, #tpu.memory_space<hbm>> -> memref<2x128xi32, #tpu.memory_space<hbm>>
      tpu.wait_dma2 semaphore(%arg13 : memref<!tpu.dma_semaphore, #tpu.memory_space<semaphore_mem>>) src(%dma_wait3A_142 : memref<2x128xi32, #tpu.memory_space<hbm>>) dst(%arg6 : memref<2x128xi32, #tpu.memory_space<vmem>>)
      %dma_start3A_143 = arith.constant 0 : i32
      %dma_start3A_144 = arith.constant 0 : i32
      %dma_start3A_145 = tpu.memref_slice %arg6[%dma_start3A_143, %dma_start3A_144] : memref<2x128xi32, #tpu.memory_space<vmem>> -> memref<1x128xi32, #tpu.memory_space<vmem>>
      %dma_start3A_146 = tpu.memref_squeeze %dma_start3A_145 : memref<1x128xi32, #tpu.memory_space<vmem>> -> memref<128xi32, #tpu.memory_space<vmem>>
      %dma_start3A_147 = arith.constant 0 : i32
      %dma_start3A_148 = arith.constant 0 : i32
      %dma_start3A_149 = tpu.memref_slice %arg2[%dma_start3A_147, %dma_start3A_148] : memref<10240x128xf32, #tpu.memory_space<hbm>> -> memref<10240x128xf32, #tpu.memory_space<hbm>>
      tpu.enqueue_indirect_dma source(%dma_start3A_149 : memref<10240x128xf32, #tpu.memory_space<hbm>>) target(%arg10 : memref<128x128xf32, #tpu.memory_space<vmem>>) offsets(%dma_start3A_146 : memref<128xi32, #tpu.memory_space<vmem>>) semaphore(%arg17 : memref<!tpu.dma_semaphore, #tpu.memory_space<semaphore_mem>>)
      %dma_wait3A_150 = arith.constant 0 : i32
      %dma_wait3A_151 = arith.constant 0 : i32
      %dma_wait3A_152 = tpu.memref_slice %arg6[%dma_wait3A_150, %dma_wait3A_151] : memref<2x128xi32, #tpu.memory_space<vmem>> -> memref<1x128xi32, #tpu.memory_space<vmem>>
      %dma_wait3A_153 = tpu.memref_squeeze %dma_wait3A_152 : memref<1x128xi32, #tpu.memory_space<vmem>> -> memref<128xi32, #tpu.memory_space<vmem>>
      %dma_wait3A_154 = arith.constant 0 : i32
      %dma_wait3A_155 = arith.constant 0 : i32
      %dma_wait3A_156 = tpu.memref_slice %arg2[%dma_wait3A_154, %dma_wait3A_155] : memref<10240x128xf32, #tpu.memory_space<hbm>> -> memref<10240x128xf32, #tpu.memory_space<hbm>>
      tpu.wait_indirect_dma semaphore(%arg17 : memref<!tpu.dma_semaphore, #tpu.memory_space<semaphore_mem>>) src(%dma_wait3A_156 : memref<10240x128xf32, #tpu.memory_space<hbm>>) dst(%arg10 : memref<128x128xf32, #tpu.memory_space<vmem>>)
      %dma_start3A_157 = arith.constant 1 : i32
      %dma_start3A_158 = arith.constant 0 : i32
      %dma_start3A_159 = tpu.memref_slice %arg6[%dma_start3A_157, %dma_start3A_158] : memref<2x128xi32, #tpu.memory_space<vmem>> -> memref<1x128xi32, #tpu.memory_space<vmem>>
      %dma_start3A_160 = tpu.memref_squeeze %dma_start3A_159 : memref<1x128xi32, #tpu.memory_space<vmem>> -> memref<128xi32, #tpu.memory_space<vmem>>
      %dma_start3A_161 = arith.constant 0 : i32
      %dma_start3A_162 = arith.constant 0 : i32
      %dma_start3A_163 = tpu.memref_slice %arg11[%dma_start3A_161, %dma_start3A_162] : memref<10240x128xf32, #tpu.memory_space<vmem_shared>> -> memref<10240x128xf32, #tpu.memory_space<vmem_shared>>
      tpu.enqueue_indirect_dma source(%arg10 : memref<128x128xf32, #tpu.memory_space<vmem>>) target(%dma_start3A_163 : memref<10240x128xf32, #tpu.memory_space<vmem_shared>>) offsets(%dma_start3A_160 : memref<128xi32, #tpu.memory_space<vmem>>) semaphore(%arg19 : memref<!tpu.dma_semaphore, #tpu.memory_space<semaphore_mem>>) {add = true}
      %mul3A_164 = arith.constant 4 : i32
      %mul3A_165 = arith.muli %scan3A_84, %mul3A_164 : i32
      %add3A_166 = arith.constant 2 : i32
      %add3A_167 = arith.addi %mul3A_165, %add3A_166 : i32
      %ge3A_168 = arith.constant 2 : i32
      %ge3A_169 = arith.cmpi sge, %add3A_167, %ge3A_168 : i32
      %convert_element_type3A_170 = arith.extui %ge3A_169 : i1 to i32
      %cond3A_171 = arith.constant 0 : i32
      %cond3A_172 = arith.cmpi ne, %convert_element_type3A_170, %cond3A_171 : i32
      scf.if %cond3A_172 {
        %dma_wait3A_246 = arith.constant 1 : i32
        %dma_wait3A_247 = arith.constant 0 : i32
        %dma_wait3A_248 = tpu.memref_slice %arg5[%dma_wait3A_246, %dma_wait3A_247] : memref<2x128xi32, #tpu.memory_space<vmem>> -> memref<1x128xi32, #tpu.memory_space<vmem>>
        %dma_wait3A_249 = tpu.memref_squeeze %dma_wait3A_248 : memref<1x128xi32, #tpu.memory_space<vmem>> -> memref<128xi32, #tpu.memory_space<vmem>>
        %dma_wait3A_250 = arith.constant 0 : i32
        %dma_wait3A_251 = arith.constant 0 : i32
        %dma_wait3A_252 = tpu.memref_slice %arg11[%dma_wait3A_250, %dma_wait3A_251] : memref<10240x128xf32, #tpu.memory_space<vmem_shared>> -> memref<10240x128xf32, #tpu.memory_space<vmem_shared>>
        tpu.wait_indirect_dma semaphore(%arg18 : memref<!tpu.dma_semaphore, #tpu.memory_space<semaphore_mem>>) src(%arg9 : memref<128x128xf32, #tpu.memory_space<vmem>>) dst(%dma_wait3A_252 : memref<10240x128xf32, #tpu.memory_space<vmem_shared>>)
        %add3A_253 = arith.constant 2 : i32
        %add3A_254 = arith.addi %add3A_167, %add3A_253 : i32
        %lt3A = arith.constant 80 : i32
        %lt3A_255 = arith.cmpi slt, %add3A_254, %lt3A : i32
        %convert_element_type3A_256 = arith.extui %lt3A_255 : i1 to i32
        %cond3A_257 = arith.constant 0 : i32
        %cond3A_258 = arith.cmpi ne, %convert_element_type3A_256, %cond3A_257 : i32
        scf.if %cond3A_258 {
          %mul3A_259 = arith.constant 80 : i32
          %mul3A_260 = arith.muli %add3A, %mul3A_259 : i32
          %add3A_261 = arith.addi %mul3A_260, %add3A_167 : i32
          %add3A_262 = arith.constant 2 : i32
          %add3A_263 = arith.addi %add3A_261, %add3A_262 : i32
          %dma_start3A_264 = arith.constant 0 : i32
          %dma_start3A_265 = arith.constant 0 : i32
          %dma_start3A_266 = tpu.memref_slice %arg3[%add3A_263, %dma_start3A_264, %dma_start3A_265] : memref<2560x2x128xi32, #tpu.memory_space<hbm>> -> memref<1x2x128xi32, #tpu.memory_space<hbm>>
          %dma_start3A_267 = tpu.memref_squeeze %dma_start3A_266 : memref<1x2x128xi32, #tpu.memory_space<hbm>> -> memref<2x128xi32, #tpu.memory_space<hbm>>
          %dma_start3A_268 = arith.constant 0 : i32
          %dma_start3A_269 = arith.constant 0 : i32
          %dma_start3A_270 = tpu.memref_slice %arg3[%add3A_263, %dma_start3A_268, %dma_start3A_269] : memref<2560x2x128xi32, #tpu.memory_space<hbm>> -> memref<1x2x128xi32, #tpu.memory_space<hbm>>
          %dma_start3A_271 = tpu.memref_squeeze %dma_start3A_270 : memref<1x2x128xi32, #tpu.memory_space<hbm>> -> memref<2x128xi32, #tpu.memory_space<hbm>>
          tpu.enqueue_dma source(%dma_start3A_271 : memref<2x128xi32, #tpu.memory_space<hbm>>) target(%arg5 : memref<2x128xi32, #tpu.memory_space<vmem>>) target_semaphore(%arg12 : memref<!tpu.dma_semaphore, #tpu.memory_space<semaphore_mem>>)
        } else {
        }
      } else {
      }
      %mul3A_173 = arith.constant 80 : i32
      %mul3A_174 = arith.muli %add3A, %mul3A_173 : i32
      %add3A_175 = arith.addi %mul3A_174, %add3A_167 : i32
      %dma_wait3A_176 = arith.constant 0 : i32
      %dma_wait3A_177 = arith.constant 0 : i32
      %dma_wait3A_178 = tpu.memref_slice %arg3[%add3A_175, %dma_wait3A_176, %dma_wait3A_177] : memref<2560x2x128xi32, #tpu.memory_space<hbm>> -> memref<1x2x128xi32, #tpu.memory_space<hbm>>
      %dma_wait3A_179 = tpu.memref_squeeze %dma_wait3A_178 : memref<1x2x128xi32, #tpu.memory_space<hbm>> -> memref<2x128xi32, #tpu.memory_space<hbm>>
      %dma_wait3A_180 = arith.constant 0 : i32
      %dma_wait3A_181 = arith.constant 0 : i32
      %dma_wait3A_182 = tpu.memref_slice %arg3[%add3A_175, %dma_wait3A_180, %dma_wait3A_181] : memref<2560x2x128xi32, #tpu.memory_space<hbm>> -> memref<1x2x128xi32, #tpu.memory_space<hbm>>
      %dma_wait3A_183 = tpu.memref_squeeze %dma_wait3A_182 : memref<1x2x128xi32, #tpu.memory_space<hbm>> -> memref<2x128xi32, #tpu.memory_space<hbm>>
      tpu.wait_dma2 semaphore(%arg14 : memref<!tpu.dma_semaphore, #tpu.memory_space<semaphore_mem>>) src(%dma_wait3A_183 : memref<2x128xi32, #tpu.memory_space<hbm>>) dst(%arg7 : memref<2x128xi32, #tpu.memory_space<vmem>>)
      %dma_start3A_184 = arith.constant 0 : i32
      %dma_start3A_185 = arith.constant 0 : i32
      %dma_start3A_186 = tpu.memref_slice %arg7[%dma_start3A_184, %dma_start3A_185] : memref<2x128xi32, #tpu.memory_space<vmem>> -> memref<1x128xi32, #tpu.memory_space<vmem>>
      %dma_start3A_187 = tpu.memref_squeeze %dma_start3A_186 : memref<1x128xi32, #tpu.memory_space<vmem>> -> memref<128xi32, #tpu.memory_space<vmem>>
      %dma_start3A_188 = arith.constant 0 : i32
      %dma_start3A_189 = arith.constant 0 : i32
      %dma_start3A_190 = tpu.memref_slice %arg2[%dma_start3A_188, %dma_start3A_189] : memref<10240x128xf32, #tpu.memory_space<hbm>> -> memref<10240x128xf32, #tpu.memory_space<hbm>>
      tpu.enqueue_indirect_dma source(%dma_start3A_190 : memref<10240x128xf32, #tpu.memory_space<hbm>>) target(%arg9 : memref<128x128xf32, #tpu.memory_space<vmem>>) offsets(%dma_start3A_187 : memref<128xi32, #tpu.memory_space<vmem>>) semaphore(%arg16 : memref<!tpu.dma_semaphore, #tpu.memory_space<semaphore_mem>>)
      %dma_wait3A_191 = arith.constant 0 : i32
      %dma_wait3A_192 = arith.constant 0 : i32
      %dma_wait3A_193 = tpu.memref_slice %arg7[%dma_wait3A_191, %dma_wait3A_192] : memref<2x128xi32, #tpu.memory_space<vmem>> -> memref<1x128xi32, #tpu.memory_space<vmem>>
      %dma_wait3A_194 = tpu.memref_squeeze %dma_wait3A_193 : memref<1x128xi32, #tpu.memory_space<vmem>> -> memref<128xi32, #tpu.memory_space<vmem>>
      %dma_wait3A_195 = arith.constant 0 : i32
      %dma_wait3A_196 = arith.constant 0 : i32
      %dma_wait3A_197 = tpu.memref_slice %arg2[%dma_wait3A_195, %dma_wait3A_196] : memref<10240x128xf32, #tpu.memory_space<hbm>> -> memref<10240x128xf32, #tpu.memory_space<hbm>>
      tpu.wait_indirect_dma semaphore(%arg16 : memref<!tpu.dma_semaphore, #tpu.memory_space<semaphore_mem>>) src(%dma_wait3A_197 : memref<10240x128xf32, #tpu.memory_space<hbm>>) dst(%arg9 : memref<128x128xf32, #tpu.memory_space<vmem>>)
      %dma_start3A_198 = arith.constant 1 : i32
      %dma_start3A_199 = arith.constant 0 : i32
      %dma_start3A_200 = tpu.memref_slice %arg7[%dma_start3A_198, %dma_start3A_199] : memref<2x128xi32, #tpu.memory_space<vmem>> -> memref<1x128xi32, #tpu.memory_space<vmem>>
      %dma_start3A_201 = tpu.memref_squeeze %dma_start3A_200 : memref<1x128xi32, #tpu.memory_space<vmem>> -> memref<128xi32, #tpu.memory_space<vmem>>
      %dma_start3A_202 = arith.constant 0 : i32
      %dma_start3A_203 = arith.constant 0 : i32
      %dma_start3A_204 = tpu.memref_slice %arg11[%dma_start3A_202, %dma_start3A_203] : memref<10240x128xf32, #tpu.memory_space<vmem_shared>> -> memref<10240x128xf32, #tpu.memory_space<vmem_shared>>
      tpu.enqueue_indirect_dma source(%arg9 : memref<128x128xf32, #tpu.memory_space<vmem>>) target(%dma_start3A_204 : memref<10240x128xf32, #tpu.memory_space<vmem_shared>>) offsets(%dma_start3A_201 : memref<128xi32, #tpu.memory_space<vmem>>) semaphore(%arg18 : memref<!tpu.dma_semaphore, #tpu.memory_space<semaphore_mem>>) {add = true}
      %mul3A_205 = arith.constant 4 : i32
      %mul3A_206 = arith.muli %scan3A_84, %mul3A_205 : i32
      %add3A_207 = arith.constant 3 : i32
      %add3A_208 = arith.addi %mul3A_206, %add3A_207 : i32
      %ge3A_209 = arith.constant 2 : i32
      %ge3A_210 = arith.cmpi sge, %add3A_208, %ge3A_209 : i32
      %convert_element_type3A_211 = arith.extui %ge3A_210 : i1 to i32
      %cond3A_212 = arith.constant 0 : i32
      %cond3A_213 = arith.cmpi ne, %convert_element_type3A_211, %cond3A_212 : i32
      scf.if %cond3A_213 {
        %dma_wait3A_246 = arith.constant 1 : i32
        %dma_wait3A_247 = arith.constant 0 : i32
        %dma_wait3A_248 = tpu.memref_slice %arg6[%dma_wait3A_246, %dma_wait3A_247] : memref<2x128xi32, #tpu.memory_space<vmem>> -> memref<1x128xi32, #tpu.memory_space<vmem>>
        %dma_wait3A_249 = tpu.memref_squeeze %dma_wait3A_248 : memref<1x128xi32, #tpu.memory_space<vmem>> -> memref<128xi32, #tpu.memory_space<vmem>>
        %dma_wait3A_250 = arith.constant 0 : i32
        %dma_wait3A_251 = arith.constant 0 : i32
        %dma_wait3A_252 = tpu.memref_slice %arg11[%dma_wait3A_250, %dma_wait3A_251] : memref<10240x128xf32, #tpu.memory_space<vmem_shared>> -> memref<10240x128xf32, #tpu.memory_space<vmem_shared>>
        tpu.wait_indirect_dma semaphore(%arg19 : memref<!tpu.dma_semaphore, #tpu.memory_space<semaphore_mem>>) src(%arg10 : memref<128x128xf32, #tpu.memory_space<vmem>>) dst(%dma_wait3A_252 : memref<10240x128xf32, #tpu.memory_space<vmem_shared>>)
        %add3A_253 = arith.constant 2 : i32
        %add3A_254 = arith.addi %add3A_208, %add3A_253 : i32
        %lt3A = arith.constant 80 : i32
        %lt3A_255 = arith.cmpi slt, %add3A_254, %lt3A : i32
        %convert_element_type3A_256 = arith.extui %lt3A_255 : i1 to i32
        %cond3A_257 = arith.constant 0 : i32
        %cond3A_258 = arith.cmpi ne, %convert_element_type3A_256, %cond3A_257 : i32
        scf.if %cond3A_258 {
          %mul3A_259 = arith.constant 80 : i32
          %mul3A_260 = arith.muli %add3A, %mul3A_259 : i32
          %add3A_261 = arith.addi %mul3A_260, %add3A_208 : i32
          %add3A_262 = arith.constant 2 : i32
          %add3A_263 = arith.addi %add3A_261, %add3A_262 : i32
          %dma_start3A_264 = arith.constant 0 : i32
          %dma_start3A_265 = arith.constant 0 : i32
          %dma_start3A_266 = tpu.memref_slice %arg3[%add3A_263, %dma_start3A_264, %dma_start3A_265] : memref<2560x2x128xi32, #tpu.memory_space<hbm>> -> memref<1x2x128xi32, #tpu.memory_space<hbm>>
          %dma_start3A_267 = tpu.memref_squeeze %dma_start3A_266 : memref<1x2x128xi32, #tpu.memory_space<hbm>> -> memref<2x128xi32, #tpu.memory_space<hbm>>
          %dma_start3A_268 = arith.constant 0 : i32
          %dma_start3A_269 = arith.constant 0 : i32
          %dma_start3A_270 = tpu.memref_slice %arg3[%add3A_263, %dma_start3A_268, %dma_start3A_269] : memref<2560x2x128xi32, #tpu.memory_space<hbm>> -> memref<1x2x128xi32, #tpu.memory_space<hbm>>
          %dma_start3A_271 = tpu.memref_squeeze %dma_start3A_270 : memref<1x2x128xi32, #tpu.memory_space<hbm>> -> memref<2x128xi32, #tpu.memory_space<hbm>>
          tpu.enqueue_dma source(%dma_start3A_271 : memref<2x128xi32, #tpu.memory_space<hbm>>) target(%arg6 : memref<2x128xi32, #tpu.memory_space<vmem>>) target_semaphore(%arg13 : memref<!tpu.dma_semaphore, #tpu.memory_space<semaphore_mem>>)
        } else {
        }
      } else {
      }
      %mul3A_214 = arith.constant 80 : i32
      %mul3A_215 = arith.muli %add3A, %mul3A_214 : i32
      %add3A_216 = arith.addi %mul3A_215, %add3A_208 : i32
      %dma_wait3A_217 = arith.constant 0 : i32
      %dma_wait3A_218 = arith.constant 0 : i32
      %dma_wait3A_219 = tpu.memref_slice %arg3[%add3A_216, %dma_wait3A_217, %dma_wait3A_218] : memref<2560x2x128xi32, #tpu.memory_space<hbm>> -> memref<1x2x128xi32, #tpu.memory_space<hbm>>
      %dma_wait3A_220 = tpu.memref_squeeze %dma_wait3A_219 : memref<1x2x128xi32, #tpu.memory_space<hbm>> -> memref<2x128xi32, #tpu.memory_space<hbm>>
      %dma_wait3A_221 = arith.constant 0 : i32
      %dma_wait3A_222 = arith.constant 0 : i32
      %dma_wait3A_223 = tpu.memref_slice %arg3[%add3A_216, %dma_wait3A_221, %dma_wait3A_222] : memref<2560x2x128xi32, #tpu.memory_space<hbm>> -> memref<1x2x128xi32, #tpu.memory_space<hbm>>
      %dma_wait3A_224 = tpu.memref_squeeze %dma_wait3A_223 : memref<1x2x128xi32, #tpu.memory_space<hbm>> -> memref<2x128xi32, #tpu.memory_space<hbm>>
      tpu.wait_dma2 semaphore(%arg15 : memref<!tpu.dma_semaphore, #tpu.memory_space<semaphore_mem>>) src(%dma_wait3A_224 : memref<2x128xi32, #tpu.memory_space<hbm>>) dst(%arg8 : memref<2x128xi32, #tpu.memory_space<vmem>>)
      %dma_start3A_225 = arith.constant 0 : i32
      %dma_start3A_226 = arith.constant 0 : i32
      %dma_start3A_227 = tpu.memref_slice %arg8[%dma_start3A_225, %dma_start3A_226] : memref<2x128xi32, #tpu.memory_space<vmem>> -> memref<1x128xi32, #tpu.memory_space<vmem>>
      %dma_start3A_228 = tpu.memref_squeeze %dma_start3A_227 : memref<1x128xi32, #tpu.memory_space<vmem>> -> memref<128xi32, #tpu.memory_space<vmem>>
      %dma_start3A_229 = arith.constant 0 : i32
      %dma_start3A_230 = arith.constant 0 : i32
      %dma_start3A_231 = tpu.memref_slice %arg2[%dma_start3A_229, %dma_start3A_230] : memref<10240x128xf32, #tpu.memory_space<hbm>> -> memref<10240x128xf32, #tpu.memory_space<hbm>>
      tpu.enqueue_indirect_dma source(%dma_start3A_231 : memref<10240x128xf32, #tpu.memory_space<hbm>>) target(%arg10 : memref<128x128xf32, #tpu.memory_space<vmem>>) offsets(%dma_start3A_228 : memref<128xi32, #tpu.memory_space<vmem>>) semaphore(%arg17 : memref<!tpu.dma_semaphore, #tpu.memory_space<semaphore_mem>>)
      %dma_wait3A_232 = arith.constant 0 : i32
      %dma_wait3A_233 = arith.constant 0 : i32
      %dma_wait3A_234 = tpu.memref_slice %arg8[%dma_wait3A_232, %dma_wait3A_233] : memref<2x128xi32, #tpu.memory_space<vmem>> -> memref<1x128xi32, #tpu.memory_space<vmem>>
      %dma_wait3A_235 = tpu.memref_squeeze %dma_wait3A_234 : memref<1x128xi32, #tpu.memory_space<vmem>> -> memref<128xi32, #tpu.memory_space<vmem>>
      %dma_wait3A_236 = arith.constant 0 : i32
      %dma_wait3A_237 = arith.constant 0 : i32
      %dma_wait3A_238 = tpu.memref_slice %arg2[%dma_wait3A_236, %dma_wait3A_237] : memref<10240x128xf32, #tpu.memory_space<hbm>> -> memref<10240x128xf32, #tpu.memory_space<hbm>>
      tpu.wait_indirect_dma semaphore(%arg17 : memref<!tpu.dma_semaphore, #tpu.memory_space<semaphore_mem>>) src(%dma_wait3A_238 : memref<10240x128xf32, #tpu.memory_space<hbm>>) dst(%arg10 : memref<128x128xf32, #tpu.memory_space<vmem>>)
      %dma_start3A_239 = arith.constant 1 : i32
      %dma_start3A_240 = arith.constant 0 : i32
      %dma_start3A_241 = tpu.memref_slice %arg8[%dma_start3A_239, %dma_start3A_240] : memref<2x128xi32, #tpu.memory_space<vmem>> -> memref<1x128xi32, #tpu.memory_space<vmem>>
      %dma_start3A_242 = tpu.memref_squeeze %dma_start3A_241 : memref<1x128xi32, #tpu.memory_space<vmem>> -> memref<128xi32, #tpu.memory_space<vmem>>
      %dma_start3A_243 = arith.constant 0 : i32
      %dma_start3A_244 = arith.constant 0 : i32
      %dma_start3A_245 = tpu.memref_slice %arg11[%dma_start3A_243, %dma_start3A_244] : memref<10240x128xf32, #tpu.memory_space<vmem_shared>> -> memref<10240x128xf32, #tpu.memory_space<vmem_shared>>
      tpu.enqueue_indirect_dma source(%arg10 : memref<128x128xf32, #tpu.memory_space<vmem>>) target(%dma_start3A_245 : memref<10240x128xf32, #tpu.memory_space<vmem_shared>>) offsets(%dma_start3A_242 : memref<128xi32, #tpu.memory_space<vmem>>) semaphore(%arg19 : memref<!tpu.dma_semaphore, #tpu.memory_space<semaphore_mem>>) {add = true}
    }
    %scan3A_65 = arith.constant 20 : i32
    %dma_wait3A = arith.constant 1 : i32
    %dma_wait3A_66 = arith.constant 0 : i32
    %dma_wait3A_67 = tpu.memref_slice %arg7[%dma_wait3A, %dma_wait3A_66] : memref<2x128xi32, #tpu.memory_space<vmem>> -> memref<1x128xi32, #tpu.memory_space<vmem>>
    %dma_wait3A_68 = tpu.memref_squeeze %dma_wait3A_67 : memref<1x128xi32, #tpu.memory_space<vmem>> -> memref<128xi32, #tpu.memory_space<vmem>>
    %dma_wait3A_69 = arith.constant 0 : i32
    %dma_wait3A_70 = arith.constant 0 : i32
    %dma_wait3A_71 = tpu.memref_slice %arg11[%dma_wait3A_69, %dma_wait3A_70] : memref<10240x128xf32, #tpu.memory_space<vmem_shared>> -> memref<10240x128xf32, #tpu.memory_space<vmem_shared>>
    tpu.wait_indirect_dma semaphore(%arg18 : memref<!tpu.dma_semaphore, #tpu.memory_space<semaphore_mem>>) src(%arg9 : memref<128x128xf32, #tpu.memory_space<vmem>>) dst(%dma_wait3A_71 : memref<10240x128xf32, #tpu.memory_space<vmem_shared>>)
    %dma_wait3A_72 = arith.constant 1 : i32
    %dma_wait3A_73 = arith.constant 0 : i32
    %dma_wait3A_74 = tpu.memref_slice %arg8[%dma_wait3A_72, %dma_wait3A_73] : memref<2x128xi32, #tpu.memory_space<vmem>> -> memref<1x128xi32, #tpu.memory_space<vmem>>
    %dma_wait3A_75 = tpu.memref_squeeze %dma_wait3A_74 : memref<1x128xi32, #tpu.memory_space<vmem>> -> memref<128xi32, #tpu.memory_space<vmem>>
    %dma_wait3A_76 = arith.constant 0 : i32
    %dma_wait3A_77 = arith.constant 0 : i32
    %dma_wait3A_78 = tpu.memref_slice %arg11[%dma_wait3A_76, %dma_wait3A_77] : memref<10240x128xf32, #tpu.memory_space<vmem_shared>> -> memref<10240x128xf32, #tpu.memory_space<vmem_shared>>
    tpu.wait_indirect_dma semaphore(%arg19 : memref<!tpu.dma_semaphore, #tpu.memory_space<semaphore_mem>>) src(%arg10 : memref<128x128xf32, #tpu.memory_space<vmem>>) dst(%dma_wait3A_78 : memref<10240x128xf32, #tpu.memory_space<vmem_shared>>)
    %barrier3A_79 = arith.constant 0 : index
    tpu.barrier barrier_id(%barrier3A_79)
    %mul3A_80 = arith.constant 640 : i32
    %mul3A_81 = arith.muli %arg1, %mul3A_80 : i32
    %mul3A_82 = arith.constant 640 : i32
    %mul3A_83 = arith.muli %arg1, %mul3A_82 : i32
    "tpu.region"() ({
      %run_scoped3A = tpu.sem_alloc : memref<!tpu.dma_semaphore, #tpu.memory_space<semaphore_mem>>
      %dma_start3A_84 = arith.constant 0 : i32
      %dma_start3A_85 = tpu.memref_slice %arg4[%arg0, %mul3A_83, %dma_start3A_84] : memref<2x10240x128xf32, #tpu.memory_space<hbm>> -> memref<1x640x128xf32, #tpu.memory_space<hbm>>
      %dma_start3A_86 = tpu.memref_squeeze %dma_start3A_85 : memref<1x640x128xf32, #tpu.memory_space<hbm>> -> memref<640x128xf32, #tpu.memory_space<hbm>>
      %dma_start3A_87 = arith.constant 0 : i32
      %dma_start3A_88 = tpu.memref_slice %arg11[%mul3A_81, %dma_start3A_87] : memref<10240x128xf32, #tpu.memory_space<vmem_shared>> -> memref<640x128xf32, #tpu.memory_space<vmem_shared>>
      tpu.enqueue_dma source(%dma_start3A_88 : memref<640x128xf32, #tpu.memory_space<vmem_shared>>) target(%dma_start3A_86 : memref<640x128xf32, #tpu.memory_space<hbm>>) target_semaphore(%run_scoped3A : memref<!tpu.dma_semaphore, #tpu.memory_space<semaphore_mem>>)
      %dma_wait3A_89 = arith.constant 0 : i32
      %dma_wait3A_90 = tpu.memref_slice %arg4[%arg0, %mul3A_83, %dma_wait3A_89] : memref<2x10240x128xf32, #tpu.memory_space<hbm>> -> memref<1x640x128xf32, #tpu.memory_space<hbm>>
      %dma_wait3A_91 = tpu.memref_squeeze %dma_wait3A_90 : memref<1x640x128xf32, #tpu.memory_space<hbm>> -> memref<640x128xf32, #tpu.memory_space<hbm>>
      %dma_wait3A_92 = arith.constant 0 : i32
      %dma_wait3A_93 = tpu.memref_slice %arg11[%mul3A_81, %dma_wait3A_92] : memref<10240x128xf32, #tpu.memory_space<vmem_shared>> -> memref<640x128xf32, #tpu.memory_space<vmem_shared>>
      tpu.wait_dma2 semaphore(%run_scoped3A : memref<!tpu.dma_semaphore, #tpu.memory_space<semaphore_mem>>) src(%dma_wait3A_93 : memref<640x128xf32, #tpu.memory_space<vmem_shared>>) dst(%dma_wait3A_91 : memref<640x128xf32, #tpu.memory_space<hbm>>)
      tpu.yield
    }) : () -> ()
    return
  }
}

#map = affine_map<(d0, d1) -> (0, 0)>
#map1 = affine_map<(d0, d1) -> (0, 0, 0)>
module attributes {stable_mosaic.version = 14 : i64} {
  func.func @_sc_scatter(%arg0: i32, %arg1: i32, %arg2: memref<10240x128xf32, #tpu.memory_space<hbm>>, %arg3: memref<2560x2x128xi32, #tpu.memory_space<hbm>>, %arg4: memref<2x10240x128xf32, #tpu.memory_space<hbm>>, %arg5: memref<2x128xi32, #tpu.memory_space<vmem>>, %arg6: memref<2x128xi32, #tpu.memory_space<vmem>>, %arg7: memref<2x128xi32, #tpu.memory_space<vmem>>, %arg8: memref<2x128xi32, #tpu.memory_space<vmem>>, %arg9: memref<128x128xf32, #tpu.memory_space<vmem>>, %arg10: memref<128x128xf32, #tpu.memory_space<vmem>>, %arg11: memref<10240x128xf32, #tpu.memory_space<vmem_shared>>, %arg12: memref<!tpu.dma_semaphore, #tpu.memory_space<semaphore_mem>>, %arg13: memref<!tpu.dma_semaphore, #tpu.memory_space<semaphore_mem>>, %arg14: memref<!tpu.dma_semaphore, #tpu.memory_space<semaphore_mem>>, %arg15: memref<!tpu.dma_semaphore, #tpu.memory_space<semaphore_mem>>, %arg16: memref<!tpu.dma_semaphore, #tpu.memory_space<semaphore_mem>>, %arg17: memref<!tpu.dma_semaphore, #tpu.memory_space<semaphore_mem>>, %arg18: memref<!tpu.dma_semaphore, #tpu.memory_space<semaphore_mem>>, %arg19: memref<!tpu.dma_semaphore, #tpu.memory_space<semaphore_mem>>) attributes {dimension_semantics = [#tpu.dimension_semantics<core_parallel>, #tpu.dimension_semantics<subcore_parallel>], iteration_bounds = array<i64: 2, 16>, scalar_prefetch = 0 : i64, scratch_operands = 15 : i64, tpu.core_type = #tpu.core_type<sc_vector_subcore>, window_params = [{transform_indices = #map}, {transform_indices = #map1}, {transform_indices = #map1}]} {
    %mul3A = arith.constant 2 : i32
    %mul3A_0 = arith.muli %arg1, %mul3A : i32
    %add3A = arith.addi %mul3A_0, %arg0 : i32
    %mul3A_1 = arith.constant 80 : i32
    %mul3A_2 = arith.muli %add3A, %mul3A_1 : i32
    %add3A_3 = arith.constant 0 : i32
    %add3A_4 = arith.addi %mul3A_2, %add3A_3 : i32
    %dma_start3A = arith.constant 0 : i32
    %dma_start3A_5 = arith.constant 0 : i32
    %dma_start3A_6 = tpu.memref_slice %arg3[%add3A_4, %dma_start3A, %dma_start3A_5] : memref<2560x2x128xi32, #tpu.memory_space<hbm>> -> memref<1x2x128xi32, #tpu.memory_space<hbm>>
    %dma_start3A_7 = tpu.memref_squeeze %dma_start3A_6 : memref<1x2x128xi32, #tpu.memory_space<hbm>> -> memref<2x128xi32, #tpu.memory_space<hbm>>
    %dma_start3A_8 = arith.constant 0 : i32
    %dma_start3A_9 = arith.constant 0 : i32
    %dma_start3A_10 = tpu.memref_slice %arg3[%add3A_4, %dma_start3A_8, %dma_start3A_9] : memref<2560x2x128xi32, #tpu.memory_space<hbm>> -> memref<1x2x128xi32, #tpu.memory_space<hbm>>
    %dma_start3A_11 = tpu.memref_squeeze %dma_start3A_10 : memref<1x2x128xi32, #tpu.memory_space<hbm>> -> memref<2x128xi32, #tpu.memory_space<hbm>>
    tpu.enqueue_dma source(%dma_start3A_11 : memref<2x128xi32, #tpu.memory_space<hbm>>) target(%arg5 : memref<2x128xi32, #tpu.memory_space<vmem>>) target_semaphore(%arg12 : memref<!tpu.dma_semaphore, #tpu.memory_space<semaphore_mem>>)
    %mul3A_12 = arith.constant 80 : i32
    %mul3A_13 = arith.muli %add3A, %mul3A_12 : i32
    %add3A_14 = arith.constant 1 : i32
    %add3A_15 = arith.addi %mul3A_13, %add3A_14 : i32
    %dma_start3A_16 = arith.constant 0 : i32
    %dma_start3A_17 = arith.constant 0 : i32
    %dma_start3A_18 = tpu.memref_slice %arg3[%add3A_15, %dma_start3A_16, %dma_start3A_17] : memref<2560x2x128xi32, #tpu.memory_space<hbm>> -> memref<1x2x128xi32, #tpu.memory_space<hbm>>
    %dma_start3A_19 = tpu.memref_squeeze %dma_start3A_18 : memref<1x2x128xi32, #tpu.memory_space<hbm>> -> memref<2x128xi32, #tpu.memory_space<hbm>>
    %dma_start3A_20 = arith.constant 0 : i32
    %dma_start3A_21 = arith.constant 0 : i32
    %dma_start3A_22 = tpu.memref_slice %arg3[%add3A_15, %dma_start3A_20, %dma_start3A_21] : memref<2560x2x128xi32, #tpu.memory_space<hbm>> -> memref<1x2x128xi32, #tpu.memory_space<hbm>>
    %dma_start3A_23 = tpu.memref_squeeze %dma_start3A_22 : memref<1x2x128xi32, #tpu.memory_space<hbm>> -> memref<2x128xi32, #tpu.memory_space<hbm>>
    tpu.enqueue_dma source(%dma_start3A_23 : memref<2x128xi32, #tpu.memory_space<hbm>>) target(%arg6 : memref<2x128xi32, #tpu.memory_space<vmem>>) target_semaphore(%arg13 : memref<!tpu.dma_semaphore, #tpu.memory_space<semaphore_mem>>)
    %mul3A_24 = arith.constant 80 : i32
    %mul3A_25 = arith.muli %add3A, %mul3A_24 : i32
    %add3A_26 = arith.constant 2 : i32
    %add3A_27 = arith.addi %mul3A_25, %add3A_26 : i32
    %dma_start3A_28 = arith.constant 0 : i32
    %dma_start3A_29 = arith.constant 0 : i32
    %dma_start3A_30 = tpu.memref_slice %arg3[%add3A_27, %dma_start3A_28, %dma_start3A_29] : memref<2560x2x128xi32, #tpu.memory_space<hbm>> -> memref<1x2x128xi32, #tpu.memory_space<hbm>>
    %dma_start3A_31 = tpu.memref_squeeze %dma_start3A_30 : memref<1x2x128xi32, #tpu.memory_space<hbm>> -> memref<2x128xi32, #tpu.memory_space<hbm>>
    %dma_start3A_32 = arith.constant 0 : i32
    %dma_start3A_33 = arith.constant 0 : i32
    %dma_start3A_34 = tpu.memref_slice %arg3[%add3A_27, %dma_start3A_32, %dma_start3A_33] : memref<2560x2x128xi32, #tpu.memory_space<hbm>> -> memref<1x2x128xi32, #tpu.memory_space<hbm>>
    %dma_start3A_35 = tpu.memref_squeeze %dma_start3A_34 : memref<1x2x128xi32, #tpu.memory_space<hbm>> -> memref<2x128xi32, #tpu.memory_space<hbm>>
    tpu.enqueue_dma source(%dma_start3A_35 : memref<2x128xi32, #tpu.memory_space<hbm>>) target(%arg7 : memref<2x128xi32, #tpu.memory_space<vmem>>) target_semaphore(%arg14 : memref<!tpu.dma_semaphore, #tpu.memory_space<semaphore_mem>>)
    %mul3A_36 = arith.constant 80 : i32
    %mul3A_37 = arith.muli %add3A, %mul3A_36 : i32
    %add3A_38 = arith.constant 3 : i32
    %add3A_39 = arith.addi %mul3A_37, %add3A_38 : i32
    %dma_start3A_40 = arith.constant 0 : i32
    %dma_start3A_41 = arith.constant 0 : i32
    %dma_start3A_42 = tpu.memref_slice %arg3[%add3A_39, %dma_start3A_40, %dma_start3A_41] : memref<2560x2x128xi32, #tpu.memory_space<hbm>> -> memref<1x2x128xi32, #tpu.memory_space<hbm>>
    %dma_start3A_43 = tpu.memref_squeeze %dma_start3A_42 : memref<1x2x128xi32, #tpu.memory_space<hbm>> -> memref<2x128xi32, #tpu.memory_space<hbm>>
    %dma_start3A_44 = arith.constant 0 : i32
    %dma_start3A_45 = arith.constant 0 : i32
    %dma_start3A_46 = tpu.memref_slice %arg3[%add3A_39, %dma_start3A_44, %dma_start3A_45] : memref<2560x2x128xi32, #tpu.memory_space<hbm>> -> memref<1x2x128xi32, #tpu.memory_space<hbm>>
    %dma_start3A_47 = tpu.memref_squeeze %dma_start3A_46 : memref<1x2x128xi32, #tpu.memory_space<hbm>> -> memref<2x128xi32, #tpu.memory_space<hbm>>
    tpu.enqueue_dma source(%dma_start3A_47 : memref<2x128xi32, #tpu.memory_space<hbm>>) target(%arg8 : memref<2x128xi32, #tpu.memory_space<vmem>>) target_semaphore(%arg15 : memref<!tpu.dma_semaphore, #tpu.memory_space<semaphore_mem>>)
    %broadcast_in_dim3A = arith.constant 0.000000e+00 : f32
    %broadcast_in_dim3A_48 = vector.broadcast %broadcast_in_dim3A : f32 to vector<16xf32>
    %scan3A = arith.constant 0 : i32
    %scan3A_49 = arith.constant 0 : i32
    %scan3A_50 = arith.constant 1024 : i32
    %scan3A_51 = arith.addi %scan3A_49, %scan3A_50 : i32
    %scan3A_52 = arith.constant 1 : i32
    scf.for %scan3A_84 = %scan3A_49 to %scan3A_51 step %scan3A_52  : i32 {
      %jit3A = arith.constant 8 : i32
      %div3A = arith.divsi %scan3A_84, %jit3A : i32
      %sign3A = arith.constant 0 : i32
      %sign3A_85 = arith.cmpi sgt, %scan3A_84, %sign3A : i32
      %sign3A_86 = arith.extui %sign3A_85 : i1 to i32
      %sign3A_87 = arith.constant 0 : i32
      %sign3A_88 = arith.cmpi slt, %scan3A_84, %sign3A_87 : i32
      %sign3A_89 = arith.extui %sign3A_88 : i1 to i32
      %sign3A_90 = arith.subi %sign3A_86, %sign3A_89 : i32
      %sign3A_91 = arith.constant 0 : i32
      %sign3A_92 = arith.cmpi sgt, %jit3A, %sign3A_91 : i32
      %sign3A_93 = arith.extui %sign3A_92 : i1 to i32
      %sign3A_94 = arith.constant 0 : i32
      %sign3A_95 = arith.cmpi slt, %jit3A, %sign3A_94 : i32
      %sign3A_96 = arith.extui %sign3A_95 : i1 to i32
      %sign3A_97 = arith.subi %sign3A_93, %sign3A_96 : i32
      %ne3A = arith.cmpi ne, %sign3A_90, %sign3A_97 : i32
      %rem3A = arith.remsi %scan3A_84, %jit3A : i32
      %ne3A_98 = arith.constant 0 : i32
      %ne3A_99 = arith.cmpi ne, %rem3A, %ne3A_98 : i32
      %and3A = arith.andi %ne3A, %ne3A_99 : i1
      %sub3A = arith.constant 1 : i32
      %sub3A_100 = arith.subi %div3A, %sub3A : i32
      %select_n3A = arith.select %and3A, %sub3A_100, %div3A : i32
      %jit3A_101 = arith.constant 8 : i32
      %eq3A = arith.constant 0 : i32
      %eq3A_102 = arith.cmpi eq, %jit3A_101, %eq3A : i32
      %jit3A_103 = arith.constant 1 : i32
      %select_n3A_104 = arith.select %eq3A_102, %jit3A_103, %jit3A_101 : i32
      %rem3A_105 = arith.remsi %scan3A_84, %select_n3A_104 : i32
      %ne3A_106 = arith.constant 0 : i32
      %ne3A_107 = arith.cmpi ne, %rem3A_105, %ne3A_106 : i32
      %lt3A = arith.constant 0 : i32
      %lt3A_108 = arith.cmpi slt, %rem3A_105, %lt3A : i32
      %lt3A_109 = arith.constant 0 : i32
      %lt3A_110 = arith.cmpi slt, %select_n3A_104, %lt3A_109 : i32
      %ne3A_111 = arith.xori %lt3A_108, %lt3A_110 : i1
      %and3A_112 = arith.andi %ne3A_111, %ne3A_107 : i1
      %add3A_113 = arith.addi %rem3A_105, %select_n3A_104 : i32
      %select_n3A_114 = arith.select %and3A_112, %add3A_113, %rem3A_105 : i32
      %mul3A_115 = arith.constant 16 : i32
      %mul3A_116 = arith.muli %select_n3A_114, %mul3A_115 : i32
      %swap3A = arith.index_cast %select_n3A : i32 to index
      %swap3A_117 = arith.index_cast %mul3A_116 : i32 to index
      %swap3A_118 = tpu.vector_load %arg9[%swap3A, %swap3A_117] {strides = array<i32>} : memref<128x128xf32, #tpu.memory_space<vmem>>, vector<1x16xf32>,
      %swap3A_119 = vector.shape_cast %swap3A_118 : vector<1x16xf32> to vector<16xf32>
      %swap3A_120 = vector.shape_cast %broadcast_in_dim3A_48 : vector<16xf32> to vector<1x16xf32>
      tpu.vector_store %arg9[%swap3A, %swap3A_117], %swap3A_120 {strides = array<i32>} : memref<128x128xf32, #tpu.memory_space<vmem>>, vector<1x16xf32>,
    }
    %scan3A_53 = arith.constant 1024 : i32
    %scan3A_54 = arith.constant 0 : i32
    %scan3A_55 = arith.constant 0 : i32
    %scan3A_56 = arith.constant 5 : i32
    %scan3A_57 = arith.addi %scan3A_55, %scan3A_56 : i32
    %scan3A_58 = arith.constant 1 : i32
    scf.for %scan3A_84 = %scan3A_55 to %scan3A_57 step %scan3A_58  : i32 {
      %mul3A_85 = arith.constant 640 : i32
      %mul3A_86 = arith.muli %arg1, %mul3A_85 : i32
      %mul3A_87 = arith.constant 128 : i32
      %mul3A_88 = arith.muli %scan3A_84, %mul3A_87 : i32
      %add3A_89 = arith.addi %mul3A_86, %mul3A_88 : i32
      "tpu.region"() ({
        %run_scoped3A = tpu.sem_alloc : memref<!tpu.dma_semaphore, #tpu.memory_space<semaphore_mem>>
        %dma_start3A_90 = arith.constant 0 : i32
        %dma_start3A_91 = tpu.memref_slice %arg11[%add3A_89, %dma_start3A_90] : memref<10240x128xf32, #tpu.memory_space<vmem_shared>> -> memref<128x128xf32, #tpu.memory_space<vmem_shared>>
        %dma_start3A_92 = arith.constant 0 : i32
        %dma_start3A_93 = tpu.memref_slice %arg11[%add3A_89, %dma_start3A_92] : memref<10240x128xf32, #tpu.memory_space<vmem_shared>> -> memref<128x128xf32, #tpu.memory_space<vmem_shared>>
        tpu.enqueue_dma source(%arg9 : memref<128x128xf32, #tpu.memory_space<vmem>>) target(%dma_start3A_93 : memref<128x128xf32, #tpu.memory_space<vmem_shared>>) target_semaphore(%run_scoped3A : memref<!tpu.dma_semaphore, #tpu.memory_space<semaphore_mem>>)
        %dma_wait3A_94 = arith.constant 0 : i32
        %dma_wait3A_95 = tpu.memref_slice %arg11[%add3A_89, %dma_wait3A_94] : memref<10240x128xf32, #tpu.memory_space<vmem_shared>> -> memref<128x128xf32, #tpu.memory_space<vmem_shared>>
        %dma_wait3A_96 = arith.constant 0 : i32
        %dma_wait3A_97 = tpu.memref_slice %arg11[%add3A_89, %dma_wait3A_96] : memref<10240x128xf32, #tpu.memory_space<vmem_shared>> -> memref<128x128xf32, #tpu.memory_space<vmem_shared>>
        tpu.wait_dma2 semaphore(%run_scoped3A : memref<!tpu.dma_semaphore, #tpu.memory_space<semaphore_mem>>) src(%arg9 : memref<128x128xf32, #tpu.memory_space<vmem>>) dst(%dma_wait3A_97 : memref<128x128xf32, #tpu.memory_space<vmem_shared>>)
        tpu.yield
      }) : () -> ()
    }
    %scan3A_59 = arith.constant 5 : i32
    %barrier3A = arith.constant 0 : index
    tpu.barrier barrier_id(%barrier3A)
    %scan3A_60 = arith.constant 0 : i32
    %scan3A_61 = arith.constant 0 : i32
    %scan3A_62 = arith.constant 20 : i32
    %scan3A_63 = arith.addi %scan3A_61, %scan3A_62 : i32
    %scan3A_64 = arith.constant 1 : i32
    scf.for %scan3A_84 = %scan3A_61 to %scan3A_63 step %scan3A_64  : i32 {
      %mul3A_85 = arith.constant 4 : i32
      %mul3A_86 = arith.muli %scan3A_84, %mul3A_85 : i32
      %add3A_87 = arith.constant 0 : i32
      %add3A_88 = arith.addi %mul3A_86, %add3A_87 : i32
      %ge3A = arith.constant 2 : i32
      %ge3A_89 = arith.cmpi sge, %add3A_88, %ge3A : i32
      %convert_element_type3A = arith.extui %ge3A_89 : i1 to i32
      %cond3A = arith.constant 0 : i32
      %cond3A_90 = arith.cmpi ne, %convert_element_type3A, %cond3A : i32
      scf.if %cond3A_90 {
        %dma_wait3A_246 = arith.constant 1 : i32
        %dma_wait3A_247 = arith.constant 0 : i32
        %dma_wait3A_248 = tpu.memref_slice %arg7[%dma_wait3A_246, %dma_wait3A_247] : memref<2x128xi32, #tpu.memory_space<vmem>> -> memref<1x128xi32, #tpu.memory_space<vmem>>
        %dma_wait3A_249 = tpu.memref_squeeze %dma_wait3A_248 : memref<1x128xi32, #tpu.memory_space<vmem>> -> memref<128xi32, #tpu.memory_space<vmem>>
        %dma_wait3A_250 = arith.constant 0 : i32
        %dma_wait3A_251 = arith.constant 0 : i32
        %dma_wait3A_252 = tpu.memref_slice %arg11[%dma_wait3A_250, %dma_wait3A_251] : memref<10240x128xf32, #tpu.memory_space<vmem_shared>> -> memref<10240x128xf32, #tpu.memory_space<vmem_shared>>
        tpu.wait_indirect_dma semaphore(%arg18 : memref<!tpu.dma_semaphore, #tpu.memory_space<semaphore_mem>>) src(%arg9 : memref<128x128xf32, #tpu.memory_space<vmem>>) dst(%dma_wait3A_252 : memref<10240x128xf32, #tpu.memory_space<vmem_shared>>)
        %add3A_253 = arith.constant 2 : i32
        %add3A_254 = arith.addi %add3A_88, %add3A_253 : i32
        %lt3A = arith.constant 80 : i32
        %lt3A_255 = arith.cmpi slt, %add3A_254, %lt3A : i32
        %convert_element_type3A_256 = arith.extui %lt3A_255 : i1 to i32
        %cond3A_257 = arith.constant 0 : i32
        %cond3A_258 = arith.cmpi ne, %convert_element_type3A_256, %cond3A_257 : i32
        scf.if %cond3A_258 {
          %mul3A_259 = arith.constant 80 : i32
          %mul3A_260 = arith.muli %add3A, %mul3A_259 : i32
          %add3A_261 = arith.addi %mul3A_260, %add3A_88 : i32
          %add3A_262 = arith.constant 2 : i32
          %add3A_263 = arith.addi %add3A_261, %add3A_262 : i32
          %dma_start3A_264 = arith.constant 0 : i32
          %dma_start3A_265 = arith.constant 0 : i32
          %dma_start3A_266 = tpu.memref_slice %arg3[%add3A_263, %dma_start3A_264, %dma_start3A_265] : memref<2560x2x128xi32, #tpu.memory_space<hbm>> -> memref<1x2x128xi32, #tpu.memory_space<hbm>>
          %dma_start3A_267 = tpu.memref_squeeze %dma_start3A_266 : memref<1x2x128xi32, #tpu.memory_space<hbm>> -> memref<2x128xi32, #tpu.memory_space<hbm>>
          %dma_start3A_268 = arith.constant 0 : i32
          %dma_start3A_269 = arith.constant 0 : i32
          %dma_start3A_270 = tpu.memref_slice %arg3[%add3A_263, %dma_start3A_268, %dma_start3A_269] : memref<2560x2x128xi32, #tpu.memory_space<hbm>> -> memref<1x2x128xi32, #tpu.memory_space<hbm>>
          %dma_start3A_271 = tpu.memref_squeeze %dma_start3A_270 : memref<1x2x128xi32, #tpu.memory_space<hbm>> -> memref<2x128xi32, #tpu.memory_space<hbm>>
          tpu.enqueue_dma source(%dma_start3A_271 : memref<2x128xi32, #tpu.memory_space<hbm>>) target(%arg7 : memref<2x128xi32, #tpu.memory_space<vmem>>) target_semaphore(%arg14 : memref<!tpu.dma_semaphore, #tpu.memory_space<semaphore_mem>>)
        } else {
        }
      } else {
      }
      %mul3A_91 = arith.constant 80 : i32
      %mul3A_92 = arith.muli %add3A, %mul3A_91 : i32
      %add3A_93 = arith.addi %mul3A_92, %add3A_88 : i32
      %dma_wait3A_94 = arith.constant 0 : i32
      %dma_wait3A_95 = arith.constant 0 : i32
      %dma_wait3A_96 = tpu.memref_slice %arg3[%add3A_93, %dma_wait3A_94, %dma_wait3A_95] : memref<2560x2x128xi32, #tpu.memory_space<hbm>> -> memref<1x2x128xi32, #tpu.memory_space<hbm>>
      %dma_wait3A_97 = tpu.memref_squeeze %dma_wait3A_96 : memref<1x2x128xi32, #tpu.memory_space<hbm>> -> memref<2x128xi32, #tpu.memory_space<hbm>>
      %dma_wait3A_98 = arith.constant 0 : i32
      %dma_wait3A_99 = arith.constant 0 : i32
      %dma_wait3A_100 = tpu.memref_slice %arg3[%add3A_93, %dma_wait3A_98, %dma_wait3A_99] : memref<2560x2x128xi32, #tpu.memory_space<hbm>> -> memref<1x2x128xi32, #tpu.memory_space<hbm>>
      %dma_wait3A_101 = tpu.memref_squeeze %dma_wait3A_100 : memref<1x2x128xi32, #tpu.memory_space<hbm>> -> memref<2x128xi32, #tpu.memory_space<hbm>>
      tpu.wait_dma2 semaphore(%arg12 : memref<!tpu.dma_semaphore, #tpu.memory_space<semaphore_mem>>) src(%dma_wait3A_101 : memref<2x128xi32, #tpu.memory_space<hbm>>) dst(%arg5 : memref<2x128xi32, #tpu.memory_space<vmem>>)
      %dma_start3A_102 = arith.constant 0 : i32
      %dma_start3A_103 = arith.constant 0 : i32
      %dma_start3A_104 = tpu.memref_slice %arg5[%dma_start3A_102, %dma_start3A_103] : memref<2x128xi32, #tpu.memory_space<vmem>> -> memref<1x128xi32, #tpu.memory_space<vmem>>
      %dma_start3A_105 = tpu.memref_squeeze %dma_start3A_104 : memref<1x128xi32, #tpu.memory_space<vmem>> -> memref<128xi32, #tpu.memory_space<vmem>>
      %dma_start3A_106 = arith.constant 0 : i32
      %dma_start3A_107 = arith.constant 0 : i32
      %dma_start3A_108 = tpu.memref_slice %arg2[%dma_start3A_106, %dma_start3A_107] : memref<10240x128xf32, #tpu.memory_space<hbm>> -> memref<10240x128xf32, #tpu.memory_space<hbm>>
      tpu.enqueue_indirect_dma source(%dma_start3A_108 : memref<10240x128xf32, #tpu.memory_space<hbm>>) target(%arg9 : memref<128x128xf32, #tpu.memory_space<vmem>>) offsets(%dma_start3A_105 : memref<128xi32, #tpu.memory_space<vmem>>) semaphore(%arg16 : memref<!tpu.dma_semaphore, #tpu.memory_space<semaphore_mem>>)
      %dma_wait3A_109 = arith.constant 0 : i32
      %dma_wait3A_110 = arith.constant 0 : i32
      %dma_wait3A_111 = tpu.memref_slice %arg5[%dma_wait3A_109, %dma_wait3A_110] : memref<2x128xi32, #tpu.memory_space<vmem>> -> memref<1x128xi32, #tpu.memory_space<vmem>>
      %dma_wait3A_112 = tpu.memref_squeeze %dma_wait3A_111 : memref<1x128xi32, #tpu.memory_space<vmem>> -> memref<128xi32, #tpu.memory_space<vmem>>
      %dma_wait3A_113 = arith.constant 0 : i32
      %dma_wait3A_114 = arith.constant 0 : i32
      %dma_wait3A_115 = tpu.memref_slice %arg2[%dma_wait3A_113, %dma_wait3A_114] : memref<10240x128xf32, #tpu.memory_space<hbm>> -> memref<10240x128xf32, #tpu.memory_space<hbm>>
      tpu.wait_indirect_dma semaphore(%arg16 : memref<!tpu.dma_semaphore, #tpu.memory_space<semaphore_mem>>) src(%dma_wait3A_115 : memref<10240x128xf32, #tpu.memory_space<hbm>>) dst(%arg9 : memref<128x128xf32, #tpu.memory_space<vmem>>)
      %dma_start3A_116 = arith.constant 1 : i32
      %dma_start3A_117 = arith.constant 0 : i32
      %dma_start3A_118 = tpu.memref_slice %arg5[%dma_start3A_116, %dma_start3A_117] : memref<2x128xi32, #tpu.memory_space<vmem>> -> memref<1x128xi32, #tpu.memory_space<vmem>>
      %dma_start3A_119 = tpu.memref_squeeze %dma_start3A_118 : memref<1x128xi32, #tpu.memory_space<vmem>> -> memref<128xi32, #tpu.memory_space<vmem>>
      %dma_start3A_120 = arith.constant 0 : i32
      %dma_start3A_121 = arith.constant 0 : i32
      %dma_start3A_122 = tpu.memref_slice %arg11[%dma_start3A_120, %dma_start3A_121] : memref<10240x128xf32, #tpu.memory_space<vmem_shared>> -> memref<10240x128xf32, #tpu.memory_space<vmem_shared>>
      tpu.enqueue_indirect_dma source(%arg9 : memref<128x128xf32, #tpu.memory_space<vmem>>) target(%dma_start3A_122 : memref<10240x128xf32, #tpu.memory_space<vmem_shared>>) offsets(%dma_start3A_119 : memref<128xi32, #tpu.memory_space<vmem>>) semaphore(%arg18 : memref<!tpu.dma_semaphore, #tpu.memory_space<semaphore_mem>>) {add = true}
      %mul3A_123 = arith.constant 4 : i32
      %mul3A_124 = arith.muli %scan3A_84, %mul3A_123 : i32
      %add3A_125 = arith.constant 1 : i32
      %add3A_126 = arith.addi %mul3A_124, %add3A_125 : i32
      %ge3A_127 = arith.constant 2 : i32
      %ge3A_128 = arith.cmpi sge, %add3A_126, %ge3A_127 : i32
      %convert_element_type3A_129 = arith.extui %ge3A_128 : i1 to i32
      %cond3A_130 = arith.constant 0 : i32
      %cond3A_131 = arith.cmpi ne, %convert_element_type3A_129, %cond3A_130 : i32
      scf.if %cond3A_131 {
        %dma_wait3A_246 = arith.constant 1 : i32
        %dma_wait3A_247 = arith.constant 0 : i32
        %dma_wait3A_248 = tpu.memref_slice %arg8[%dma_wait3A_246, %dma_wait3A_247] : memref<2x128xi32, #tpu.memory_space<vmem>> -> memref<1x128xi32, #tpu.memory_space<vmem>>
        %dma_wait3A_249 = tpu.memref_squeeze %dma_wait3A_248 : memref<1x128xi32, #tpu.memory_space<vmem>> -> memref<128xi32, #tpu.memory_space<vmem>>
        %dma_wait3A_250 = arith.constant 0 : i32
        %dma_wait3A_251 = arith.constant 0 : i32
        %dma_wait3A_252 = tpu.memref_slice %arg11[%dma_wait3A_250, %dma_wait3A_251] : memref<10240x128xf32, #tpu.memory_space<vmem_shared>> -> memref<10240x128xf32, #tpu.memory_space<vmem_shared>>
        tpu.wait_indirect_dma semaphore(%arg19 : memref<!tpu.dma_semaphore, #tpu.memory_space<semaphore_mem>>) src(%arg10 : memref<128x128xf32, #tpu.memory_space<vmem>>) dst(%dma_wait3A_252 : memref<10240x128xf32, #tpu.memory_space<vmem_shared>>)
        %add3A_253 = arith.constant 2 : i32
        %add3A_254 = arith.addi %add3A_126, %add3A_253 : i32
        %lt3A = arith.constant 80 : i32
        %lt3A_255 = arith.cmpi slt, %add3A_254, %lt3A : i32
        %convert_element_type3A_256 = arith.extui %lt3A_255 : i1 to i32
        %cond3A_257 = arith.constant 0 : i32
        %cond3A_258 = arith.cmpi ne, %convert_element_type3A_256, %cond3A_257 : i32
        scf.if %cond3A_258 {
          %mul3A_259 = arith.constant 80 : i32
          %mul3A_260 = arith.muli %add3A, %mul3A_259 : i32
          %add3A_261 = arith.addi %mul3A_260, %add3A_126 : i32
          %add3A_262 = arith.constant 2 : i32
          %add3A_263 = arith.addi %add3A_261, %add3A_262 : i32
          %dma_start3A_264 = arith.constant 0 : i32
          %dma_start3A_265 = arith.constant 0 : i32
          %dma_start3A_266 = tpu.memref_slice %arg3[%add3A_263, %dma_start3A_264, %dma_start3A_265] : memref<2560x2x128xi32, #tpu.memory_space<hbm>> -> memref<1x2x128xi32, #tpu.memory_space<hbm>>
          %dma_start3A_267 = tpu.memref_squeeze %dma_start3A_266 : memref<1x2x128xi32, #tpu.memory_space<hbm>> -> memref<2x128xi32, #tpu.memory_space<hbm>>
          %dma_start3A_268 = arith.constant 0 : i32
          %dma_start3A_269 = arith.constant 0 : i32
          %dma_start3A_270 = tpu.memref_slice %arg3[%add3A_263, %dma_start3A_268, %dma_start3A_269] : memref<2560x2x128xi32, #tpu.memory_space<hbm>> -> memref<1x2x128xi32, #tpu.memory_space<hbm>>
          %dma_start3A_271 = tpu.memref_squeeze %dma_start3A_270 : memref<1x2x128xi32, #tpu.memory_space<hbm>> -> memref<2x128xi32, #tpu.memory_space<hbm>>
          tpu.enqueue_dma source(%dma_start3A_271 : memref<2x128xi32, #tpu.memory_space<hbm>>) target(%arg8 : memref<2x128xi32, #tpu.memory_space<vmem>>) target_semaphore(%arg15 : memref<!tpu.dma_semaphore, #tpu.memory_space<semaphore_mem>>)
        } else {
        }
      } else {
      }
      %mul3A_132 = arith.constant 80 : i32
      %mul3A_133 = arith.muli %add3A, %mul3A_132 : i32
      %add3A_134 = arith.addi %mul3A_133, %add3A_126 : i32
      %dma_wait3A_135 = arith.constant 0 : i32
      %dma_wait3A_136 = arith.constant 0 : i32
      %dma_wait3A_137 = tpu.memref_slice %arg3[%add3A_134, %dma_wait3A_135, %dma_wait3A_136] : memref<2560x2x128xi32, #tpu.memory_space<hbm>> -> memref<1x2x128xi32, #tpu.memory_space<hbm>>
      %dma_wait3A_138 = tpu.memref_squeeze %dma_wait3A_137 : memref<1x2x128xi32, #tpu.memory_space<hbm>> -> memref<2x128xi32, #tpu.memory_space<hbm>>
      %dma_wait3A_139 = arith.constant 0 : i32
      %dma_wait3A_140 = arith.constant 0 : i32
      %dma_wait3A_141 = tpu.memref_slice %arg3[%add3A_134, %dma_wait3A_139, %dma_wait3A_140] : memref<2560x2x128xi32, #tpu.memory_space<hbm>> -> memref<1x2x128xi32, #tpu.memory_space<hbm>>
      %dma_wait3A_142 = tpu.memref_squeeze %dma_wait3A_141 : memref<1x2x128xi32, #tpu.memory_space<hbm>> -> memref<2x128xi32, #tpu.memory_space<hbm>>
      tpu.wait_dma2 semaphore(%arg13 : memref<!tpu.dma_semaphore, #tpu.memory_space<semaphore_mem>>) src(%dma_wait3A_142 : memref<2x128xi32, #tpu.memory_space<hbm>>) dst(%arg6 : memref<2x128xi32, #tpu.memory_space<vmem>>)
      %dma_start3A_143 = arith.constant 0 : i32
      %dma_start3A_144 = arith.constant 0 : i32
      %dma_start3A_145 = tpu.memref_slice %arg6[%dma_start3A_143, %dma_start3A_144] : memref<2x128xi32, #tpu.memory_space<vmem>> -> memref<1x128xi32, #tpu.memory_space<vmem>>
      %dma_start3A_146 = tpu.memref_squeeze %dma_start3A_145 : memref<1x128xi32, #tpu.memory_space<vmem>> -> memref<128xi32, #tpu.memory_space<vmem>>
      %dma_start3A_147 = arith.constant 0 : i32
      %dma_start3A_148 = arith.constant 0 : i32
      %dma_start3A_149 = tpu.memref_slice %arg2[%dma_start3A_147, %dma_start3A_148] : memref<10240x128xf32, #tpu.memory_space<hbm>> -> memref<10240x128xf32, #tpu.memory_space<hbm>>
      tpu.enqueue_indirect_dma source(%dma_start3A_149 : memref<10240x128xf32, #tpu.memory_space<hbm>>) target(%arg10 : memref<128x128xf32, #tpu.memory_space<vmem>>) offsets(%dma_start3A_146 : memref<128xi32, #tpu.memory_space<vmem>>) semaphore(%arg17 : memref<!tpu.dma_semaphore, #tpu.memory_space<semaphore_mem>>)
      %dma_wait3A_150 = arith.constant 0 : i32
      %dma_wait3A_151 = arith.constant 0 : i32
      %dma_wait3A_152 = tpu.memref_slice %arg6[%dma_wait3A_150, %dma_wait3A_151] : memref<2x128xi32, #tpu.memory_space<vmem>> -> memref<1x128xi32, #tpu.memory_space<vmem>>
      %dma_wait3A_153 = tpu.memref_squeeze %dma_wait3A_152 : memref<1x128xi32, #tpu.memory_space<vmem>> -> memref<128xi32, #tpu.memory_space<vmem>>
      %dma_wait3A_154 = arith.constant 0 : i32
      %dma_wait3A_155 = arith.constant 0 : i32
      %dma_wait3A_156 = tpu.memref_slice %arg2[%dma_wait3A_154, %dma_wait3A_155] : memref<10240x128xf32, #tpu.memory_space<hbm>> -> memref<10240x128xf32, #tpu.memory_space<hbm>>
      tpu.wait_indirect_dma semaphore(%arg17 : memref<!tpu.dma_semaphore, #tpu.memory_space<semaphore_mem>>) src(%dma_wait3A_156 : memref<10240x128xf32, #tpu.memory_space<hbm>>) dst(%arg10 : memref<128x128xf32, #tpu.memory_space<vmem>>)
      %dma_start3A_157 = arith.constant 1 : i32
      %dma_start3A_158 = arith.constant 0 : i32
      %dma_start3A_159 = tpu.memref_slice %arg6[%dma_start3A_157, %dma_start3A_158] : memref<2x128xi32, #tpu.memory_space<vmem>> -> memref<1x128xi32, #tpu.memory_space<vmem>>
      %dma_start3A_160 = tpu.memref_squeeze %dma_start3A_159 : memref<1x128xi32, #tpu.memory_space<vmem>> -> memref<128xi32, #tpu.memory_space<vmem>>
      %dma_start3A_161 = arith.constant 0 : i32
      %dma_start3A_162 = arith.constant 0 : i32
      %dma_start3A_163 = tpu.memref_slice %arg11[%dma_start3A_161, %dma_start3A_162] : memref<10240x128xf32, #tpu.memory_space<vmem_shared>> -> memref<10240x128xf32, #tpu.memory_space<vmem_shared>>
      tpu.enqueue_indirect_dma source(%arg10 : memref<128x128xf32, #tpu.memory_space<vmem>>) target(%dma_start3A_163 : memref<10240x128xf32, #tpu.memory_space<vmem_shared>>) offsets(%dma_start3A_160 : memref<128xi32, #tpu.memory_space<vmem>>) semaphore(%arg19 : memref<!tpu.dma_semaphore, #tpu.memory_space<semaphore_mem>>) {add = true}
      %mul3A_164 = arith.constant 4 : i32
      %mul3A_165 = arith.muli %scan3A_84, %mul3A_164 : i32
      %add3A_166 = arith.constant 2 : i32
      %add3A_167 = arith.addi %mul3A_165, %add3A_166 : i32
      %ge3A_168 = arith.constant 2 : i32
      %ge3A_169 = arith.cmpi sge, %add3A_167, %ge3A_168 : i32
      %convert_element_type3A_170 = arith.extui %ge3A_169 : i1 to i32
      %cond3A_171 = arith.constant 0 : i32
      %cond3A_172 = arith.cmpi ne, %convert_element_type3A_170, %cond3A_171 : i32
      scf.if %cond3A_172 {
        %dma_wait3A_246 = arith.constant 1 : i32
        %dma_wait3A_247 = arith.constant 0 : i32
        %dma_wait3A_248 = tpu.memref_slice %arg5[%dma_wait3A_246, %dma_wait3A_247] : memref<2x128xi32, #tpu.memory_space<vmem>> -> memref<1x128xi32, #tpu.memory_space<vmem>>
        %dma_wait3A_249 = tpu.memref_squeeze %dma_wait3A_248 : memref<1x128xi32, #tpu.memory_space<vmem>> -> memref<128xi32, #tpu.memory_space<vmem>>
        %dma_wait3A_250 = arith.constant 0 : i32
        %dma_wait3A_251 = arith.constant 0 : i32
        %dma_wait3A_252 = tpu.memref_slice %arg11[%dma_wait3A_250, %dma_wait3A_251] : memref<10240x128xf32, #tpu.memory_space<vmem_shared>> -> memref<10240x128xf32, #tpu.memory_space<vmem_shared>>
        tpu.wait_indirect_dma semaphore(%arg18 : memref<!tpu.dma_semaphore, #tpu.memory_space<semaphore_mem>>) src(%arg9 : memref<128x128xf32, #tpu.memory_space<vmem>>) dst(%dma_wait3A_252 : memref<10240x128xf32, #tpu.memory_space<vmem_shared>>)
        %add3A_253 = arith.constant 2 : i32
        %add3A_254 = arith.addi %add3A_167, %add3A_253 : i32
        %lt3A = arith.constant 80 : i32
        %lt3A_255 = arith.cmpi slt, %add3A_254, %lt3A : i32
        %convert_element_type3A_256 = arith.extui %lt3A_255 : i1 to i32
        %cond3A_257 = arith.constant 0 : i32
        %cond3A_258 = arith.cmpi ne, %convert_element_type3A_256, %cond3A_257 : i32
        scf.if %cond3A_258 {
          %mul3A_259 = arith.constant 80 : i32
          %mul3A_260 = arith.muli %add3A, %mul3A_259 : i32
          %add3A_261 = arith.addi %mul3A_260, %add3A_167 : i32
          %add3A_262 = arith.constant 2 : i32
          %add3A_263 = arith.addi %add3A_261, %add3A_262 : i32
          %dma_start3A_264 = arith.constant 0 : i32
          %dma_start3A_265 = arith.constant 0 : i32
          %dma_start3A_266 = tpu.memref_slice %arg3[%add3A_263, %dma_start3A_264, %dma_start3A_265] : memref<2560x2x128xi32, #tpu.memory_space<hbm>> -> memref<1x2x128xi32, #tpu.memory_space<hbm>>
          %dma_start3A_267 = tpu.memref_squeeze %dma_start3A_266 : memref<1x2x128xi32, #tpu.memory_space<hbm>> -> memref<2x128xi32, #tpu.memory_space<hbm>>
          %dma_start3A_268 = arith.constant 0 : i32
          %dma_start3A_269 = arith.constant 0 : i32
          %dma_start3A_270 = tpu.memref_slice %arg3[%add3A_263, %dma_start3A_268, %dma_start3A_269] : memref<2560x2x128xi32, #tpu.memory_space<hbm>> -> memref<1x2x128xi32, #tpu.memory_space<hbm>>
          %dma_start3A_271 = tpu.memref_squeeze %dma_start3A_270 : memref<1x2x128xi32, #tpu.memory_space<hbm>> -> memref<2x128xi32, #tpu.memory_space<hbm>>
          tpu.enqueue_dma source(%dma_start3A_271 : memref<2x128xi32, #tpu.memory_space<hbm>>) target(%arg5 : memref<2x128xi32, #tpu.memory_space<vmem>>) target_semaphore(%arg12 : memref<!tpu.dma_semaphore, #tpu.memory_space<semaphore_mem>>)
        } else {
        }
      } else {
      }
      %mul3A_173 = arith.constant 80 : i32
      %mul3A_174 = arith.muli %add3A, %mul3A_173 : i32
      %add3A_175 = arith.addi %mul3A_174, %add3A_167 : i32
      %dma_wait3A_176 = arith.constant 0 : i32
      %dma_wait3A_177 = arith.constant 0 : i32
      %dma_wait3A_178 = tpu.memref_slice %arg3[%add3A_175, %dma_wait3A_176, %dma_wait3A_177] : memref<2560x2x128xi32, #tpu.memory_space<hbm>> -> memref<1x2x128xi32, #tpu.memory_space<hbm>>
      %dma_wait3A_179 = tpu.memref_squeeze %dma_wait3A_178 : memref<1x2x128xi32, #tpu.memory_space<hbm>> -> memref<2x128xi32, #tpu.memory_space<hbm>>
      %dma_wait3A_180 = arith.constant 0 : i32
      %dma_wait3A_181 = arith.constant 0 : i32
      %dma_wait3A_182 = tpu.memref_slice %arg3[%add3A_175, %dma_wait3A_180, %dma_wait3A_181] : memref<2560x2x128xi32, #tpu.memory_space<hbm>> -> memref<1x2x128xi32, #tpu.memory_space<hbm>>
      %dma_wait3A_183 = tpu.memref_squeeze %dma_wait3A_182 : memref<1x2x128xi32, #tpu.memory_space<hbm>> -> memref<2x128xi32, #tpu.memory_space<hbm>>
      tpu.wait_dma2 semaphore(%arg14 : memref<!tpu.dma_semaphore, #tpu.memory_space<semaphore_mem>>) src(%dma_wait3A_183 : memref<2x128xi32, #tpu.memory_space<hbm>>) dst(%arg7 : memref<2x128xi32, #tpu.memory_space<vmem>>)
      %dma_start3A_184 = arith.constant 0 : i32
      %dma_start3A_185 = arith.constant 0 : i32
      %dma_start3A_186 = tpu.memref_slice %arg7[%dma_start3A_184, %dma_start3A_185] : memref<2x128xi32, #tpu.memory_space<vmem>> -> memref<1x128xi32, #tpu.memory_space<vmem>>
      %dma_start3A_187 = tpu.memref_squeeze %dma_start3A_186 : memref<1x128xi32, #tpu.memory_space<vmem>> -> memref<128xi32, #tpu.memory_space<vmem>>
      %dma_start3A_188 = arith.constant 0 : i32
      %dma_start3A_189 = arith.constant 0 : i32
      %dma_start3A_190 = tpu.memref_slice %arg2[%dma_start3A_188, %dma_start3A_189] : memref<10240x128xf32, #tpu.memory_space<hbm>> -> memref<10240x128xf32, #tpu.memory_space<hbm>>
      tpu.enqueue_indirect_dma source(%dma_start3A_190 : memref<10240x128xf32, #tpu.memory_space<hbm>>) target(%arg9 : memref<128x128xf32, #tpu.memory_space<vmem>>) offsets(%dma_start3A_187 : memref<128xi32, #tpu.memory_space<vmem>>) semaphore(%arg16 : memref<!tpu.dma_semaphore, #tpu.memory_space<semaphore_mem>>)
      %dma_wait3A_191 = arith.constant 0 : i32
      %dma_wait3A_192 = arith.constant 0 : i32
      %dma_wait3A_193 = tpu.memref_slice %arg7[%dma_wait3A_191, %dma_wait3A_192] : memref<2x128xi32, #tpu.memory_space<vmem>> -> memref<1x128xi32, #tpu.memory_space<vmem>>
      %dma_wait3A_194 = tpu.memref_squeeze %dma_wait3A_193 : memref<1x128xi32, #tpu.memory_space<vmem>> -> memref<128xi32, #tpu.memory_space<vmem>>
      %dma_wait3A_195 = arith.constant 0 : i32
      %dma_wait3A_196 = arith.constant 0 : i32
      %dma_wait3A_197 = tpu.memref_slice %arg2[%dma_wait3A_195, %dma_wait3A_196] : memref<10240x128xf32, #tpu.memory_space<hbm>> -> memref<10240x128xf32, #tpu.memory_space<hbm>>
      tpu.wait_indirect_dma semaphore(%arg16 : memref<!tpu.dma_semaphore, #tpu.memory_space<semaphore_mem>>) src(%dma_wait3A_197 : memref<10240x128xf32, #tpu.memory_space<hbm>>) dst(%arg9 : memref<128x128xf32, #tpu.memory_space<vmem>>)
      %dma_start3A_198 = arith.constant 1 : i32
      %dma_start3A_199 = arith.constant 0 : i32
      %dma_start3A_200 = tpu.memref_slice %arg7[%dma_start3A_198, %dma_start3A_199] : memref<2x128xi32, #tpu.memory_space<vmem>> -> memref<1x128xi32, #tpu.memory_space<vmem>>
      %dma_start3A_201 = tpu.memref_squeeze %dma_start3A_200 : memref<1x128xi32, #tpu.memory_space<vmem>> -> memref<128xi32, #tpu.memory_space<vmem>>
      %dma_start3A_202 = arith.constant 0 : i32
      %dma_start3A_203 = arith.constant 0 : i32
      %dma_start3A_204 = tpu.memref_slice %arg11[%dma_start3A_202, %dma_start3A_203] : memref<10240x128xf32, #tpu.memory_space<vmem_shared>> -> memref<10240x128xf32, #tpu.memory_space<vmem_shared>>
      tpu.enqueue_indirect_dma source(%arg9 : memref<128x128xf32, #tpu.memory_space<vmem>>) target(%dma_start3A_204 : memref<10240x128xf32, #tpu.memory_space<vmem_shared>>) offsets(%dma_start3A_201 : memref<128xi32, #tpu.memory_space<vmem>>) semaphore(%arg18 : memref<!tpu.dma_semaphore, #tpu.memory_space<semaphore_mem>>) {add = true}
      %mul3A_205 = arith.constant 4 : i32
      %mul3A_206 = arith.muli %scan3A_84, %mul3A_205 : i32
      %add3A_207 = arith.constant 3 : i32
      %add3A_208 = arith.addi %mul3A_206, %add3A_207 : i32
      %ge3A_209 = arith.constant 2 : i32
      %ge3A_210 = arith.cmpi sge, %add3A_208, %ge3A_209 : i32
      %convert_element_type3A_211 = arith.extui %ge3A_210 : i1 to i32
      %cond3A_212 = arith.constant 0 : i32
      %cond3A_213 = arith.cmpi ne, %convert_element_type3A_211, %cond3A_212 : i32
      scf.if %cond3A_213 {
        %dma_wait3A_246 = arith.constant 1 : i32
        %dma_wait3A_247 = arith.constant 0 : i32
        %dma_wait3A_248 = tpu.memref_slice %arg6[%dma_wait3A_246, %dma_wait3A_247] : memref<2x128xi32, #tpu.memory_space<vmem>> -> memref<1x128xi32, #tpu.memory_space<vmem>>
        %dma_wait3A_249 = tpu.memref_squeeze %dma_wait3A_248 : memref<1x128xi32, #tpu.memory_space<vmem>> -> memref<128xi32, #tpu.memory_space<vmem>>
        %dma_wait3A_250 = arith.constant 0 : i32
        %dma_wait3A_251 = arith.constant 0 : i32
        %dma_wait3A_252 = tpu.memref_slice %arg11[%dma_wait3A_250, %dma_wait3A_251] : memref<10240x128xf32, #tpu.memory_space<vmem_shared>> -> memref<10240x128xf32, #tpu.memory_space<vmem_shared>>
        tpu.wait_indirect_dma semaphore(%arg19 : memref<!tpu.dma_semaphore, #tpu.memory_space<semaphore_mem>>) src(%arg10 : memref<128x128xf32, #tpu.memory_space<vmem>>) dst(%dma_wait3A_252 : memref<10240x128xf32, #tpu.memory_space<vmem_shared>>)
        %add3A_253 = arith.constant 2 : i32
        %add3A_254 = arith.addi %add3A_208, %add3A_253 : i32
        %lt3A = arith.constant 80 : i32
        %lt3A_255 = arith.cmpi slt, %add3A_254, %lt3A : i32
        %convert_element_type3A_256 = arith.extui %lt3A_255 : i1 to i32
        %cond3A_257 = arith.constant 0 : i32
        %cond3A_258 = arith.cmpi ne, %convert_element_type3A_256, %cond3A_257 : i32
        scf.if %cond3A_258 {
          %mul3A_259 = arith.constant 80 : i32
          %mul3A_260 = arith.muli %add3A, %mul3A_259 : i32
          %add3A_261 = arith.addi %mul3A_260, %add3A_208 : i32
          %add3A_262 = arith.constant 2 : i32
          %add3A_263 = arith.addi %add3A_261, %add3A_262 : i32
          %dma_start3A_264 = arith.constant 0 : i32
          %dma_start3A_265 = arith.constant 0 : i32
          %dma_start3A_266 = tpu.memref_slice %arg3[%add3A_263, %dma_start3A_264, %dma_start3A_265] : memref<2560x2x128xi32, #tpu.memory_space<hbm>> -> memref<1x2x128xi32, #tpu.memory_space<hbm>>
          %dma_start3A_267 = tpu.memref_squeeze %dma_start3A_266 : memref<1x2x128xi32, #tpu.memory_space<hbm>> -> memref<2x128xi32, #tpu.memory_space<hbm>>
          %dma_start3A_268 = arith.constant 0 : i32
          %dma_start3A_269 = arith.constant 0 : i32
          %dma_start3A_270 = tpu.memref_slice %arg3[%add3A_263, %dma_start3A_268, %dma_start3A_269] : memref<2560x2x128xi32, #tpu.memory_space<hbm>> -> memref<1x2x128xi32, #tpu.memory_space<hbm>>
          %dma_start3A_271 = tpu.memref_squeeze %dma_start3A_270 : memref<1x2x128xi32, #tpu.memory_space<hbm>> -> memref<2x128xi32, #tpu.memory_space<hbm>>
          tpu.enqueue_dma source(%dma_start3A_271 : memref<2x128xi32, #tpu.memory_space<hbm>>) target(%arg6 : memref<2x128xi32, #tpu.memory_space<vmem>>) target_semaphore(%arg13 : memref<!tpu.dma_semaphore, #tpu.memory_space<semaphore_mem>>)
        } else {
        }
      } else {
      }
      %mul3A_214 = arith.constant 80 : i32
      %mul3A_215 = arith.muli %add3A, %mul3A_214 : i32
      %add3A_216 = arith.addi %mul3A_215, %add3A_208 : i32
      %dma_wait3A_217 = arith.constant 0 : i32
      %dma_wait3A_218 = arith.constant 0 : i32
      %dma_wait3A_219 = tpu.memref_slice %arg3[%add3A_216, %dma_wait3A_217, %dma_wait3A_218] : memref<2560x2x128xi32, #tpu.memory_space<hbm>> -> memref<1x2x128xi32, #tpu.memory_space<hbm>>
      %dma_wait3A_220 = tpu.memref_squeeze %dma_wait3A_219 : memref<1x2x128xi32, #tpu.memory_space<hbm>> -> memref<2x128xi32, #tpu.memory_space<hbm>>
      %dma_wait3A_221 = arith.constant 0 : i32
      %dma_wait3A_222 = arith.constant 0 : i32
      %dma_wait3A_223 = tpu.memref_slice %arg3[%add3A_216, %dma_wait3A_221, %dma_wait3A_222] : memref<2560x2x128xi32, #tpu.memory_space<hbm>> -> memref<1x2x128xi32, #tpu.memory_space<hbm>>
      %dma_wait3A_224 = tpu.memref_squeeze %dma_wait3A_223 : memref<1x2x128xi32, #tpu.memory_space<hbm>> -> memref<2x128xi32, #tpu.memory_space<hbm>>
      tpu.wait_dma2 semaphore(%arg15 : memref<!tpu.dma_semaphore, #tpu.memory_space<semaphore_mem>>) src(%dma_wait3A_224 : memref<2x128xi32, #tpu.memory_space<hbm>>) dst(%arg8 : memref<2x128xi32, #tpu.memory_space<vmem>>)
      %dma_start3A_225 = arith.constant 0 : i32
      %dma_start3A_226 = arith.constant 0 : i32
      %dma_start3A_227 = tpu.memref_slice %arg8[%dma_start3A_225, %dma_start3A_226] : memref<2x128xi32, #tpu.memory_space<vmem>> -> memref<1x128xi32, #tpu.memory_space<vmem>>
      %dma_start3A_228 = tpu.memref_squeeze %dma_start3A_227 : memref<1x128xi32, #tpu.memory_space<vmem>> -> memref<128xi32, #tpu.memory_space<vmem>>
      %dma_start3A_229 = arith.constant 0 : i32
      %dma_start3A_230 = arith.constant 0 : i32
      %dma_start3A_231 = tpu.memref_slice %arg2[%dma_start3A_229, %dma_start3A_230] : memref<10240x128xf32, #tpu.memory_space<hbm>> -> memref<10240x128xf32, #tpu.memory_space<hbm>>
      tpu.enqueue_indirect_dma source(%dma_start3A_231 : memref<10240x128xf32, #tpu.memory_space<hbm>>) target(%arg10 : memref<128x128xf32, #tpu.memory_space<vmem>>) offsets(%dma_start3A_228 : memref<128xi32, #tpu.memory_space<vmem>>) semaphore(%arg17 : memref<!tpu.dma_semaphore, #tpu.memory_space<semaphore_mem>>)
      %dma_wait3A_232 = arith.constant 0 : i32
      %dma_wait3A_233 = arith.constant 0 : i32
      %dma_wait3A_234 = tpu.memref_slice %arg8[%dma_wait3A_232, %dma_wait3A_233] : memref<2x128xi32, #tpu.memory_space<vmem>> -> memref<1x128xi32, #tpu.memory_space<vmem>>
      %dma_wait3A_235 = tpu.memref_squeeze %dma_wait3A_234 : memref<1x128xi32, #tpu.memory_space<vmem>> -> memref<128xi32, #tpu.memory_space<vmem>>
      %dma_wait3A_236 = arith.constant 0 : i32
      %dma_wait3A_237 = arith.constant 0 : i32
      %dma_wait3A_238 = tpu.memref_slice %arg2[%dma_wait3A_236, %dma_wait3A_237] : memref<10240x128xf32, #tpu.memory_space<hbm>> -> memref<10240x128xf32, #tpu.memory_space<hbm>>
      tpu.wait_indirect_dma semaphore(%arg17 : memref<!tpu.dma_semaphore, #tpu.memory_space<semaphore_mem>>) src(%dma_wait3A_238 : memref<10240x128xf32, #tpu.memory_space<hbm>>) dst(%arg10 : memref<128x128xf32, #tpu.memory_space<vmem>>)
      %dma_start3A_239 = arith.constant 1 : i32
      %dma_start3A_240 = arith.constant 0 : i32
      %dma_start3A_241 = tpu.memref_slice %arg8[%dma_start3A_239, %dma_start3A_240] : memref<2x128xi32, #tpu.memory_space<vmem>> -> memref<1x128xi32, #tpu.memory_space<vmem>>
      %dma_start3A_242 = tpu.memref_squeeze %dma_start3A_241 : memref<1x128xi32, #tpu.memory_space<vmem>> -> memref<128xi32, #tpu.memory_space<vmem>>
      %dma_start3A_243 = arith.constant 0 : i32
      %dma_start3A_244 = arith.constant 0 : i32
      %dma_start3A_245 = tpu.memref_slice %arg11[%dma_start3A_243, %dma_start3A_244] : memref<10240x128xf32, #tpu.memory_space<vmem_shared>> -> memref<10240x128xf32, #tpu.memory_space<vmem_shared>>
      tpu.enqueue_indirect_dma source(%arg10 : memref<128x128xf32, #tpu.memory_space<vmem>>) target(%dma_start3A_245 : memref<10240x128xf32, #tpu.memory_space<vmem_shared>>) offsets(%dma_start3A_242 : memref<128xi32, #tpu.memory_space<vmem>>) semaphore(%arg19 : memref<!tpu.dma_semaphore, #tpu.memory_space<semaphore_mem>>) {add = true}
    }
    %scan3A_65 = arith.constant 20 : i32
    %dma_wait3A = arith.constant 1 : i32
    %dma_wait3A_66 = arith.constant 0 : i32
    %dma_wait3A_67 = tpu.memref_slice %arg7[%dma_wait3A, %dma_wait3A_66] : memref<2x128xi32, #tpu.memory_space<vmem>> -> memref<1x128xi32, #tpu.memory_space<vmem>>
    %dma_wait3A_68 = tpu.memref_squeeze %dma_wait3A_67 : memref<1x128xi32, #tpu.memory_space<vmem>> -> memref<128xi32, #tpu.memory_space<vmem>>
    %dma_wait3A_69 = arith.constant 0 : i32
    %dma_wait3A_70 = arith.constant 0 : i32
    %dma_wait3A_71 = tpu.memref_slice %arg11[%dma_wait3A_69, %dma_wait3A_70] : memref<10240x128xf32, #tpu.memory_space<vmem_shared>> -> memref<10240x128xf32, #tpu.memory_space<vmem_shared>>
    tpu.wait_indirect_dma semaphore(%arg18 : memref<!tpu.dma_semaphore, #tpu.memory_space<semaphore_mem>>) src(%arg9 : memref<128x128xf32, #tpu.memory_space<vmem>>) dst(%dma_wait3A_71 : memref<10240x128xf32, #tpu.memory_space<vmem_shared>>)
    %dma_wait3A_72 = arith.constant 1 : i32
    %dma_wait3A_73 = arith.constant 0 : i32
    %dma_wait3A_74 = tpu.memref_slice %arg8[%dma_wait3A_72, %dma_wait3A_73] : memref<2x128xi32, #tpu.memory_space<vmem>> -> memref<1x128xi32, #tpu.memory_space<vmem>>
    %dma_wait3A_75 = tpu.memref_squeeze %dma_wait3A_74 : memref<1x128xi32, #tpu.memory_space<vmem>> -> memref<128xi32, #tpu.memory_space<vmem>>
    %dma_wait3A_76 = arith.constant 0 : i32
    %dma_wait3A_77 = arith.constant 0 : i32
    %dma_wait3A_78 = tpu.memref_slice %arg11[%dma_wait3A_76, %dma_wait3A_77] : memref<10240x128xf32, #tpu.memory_space<vmem_shared>> -> memref<10240x128xf32, #tpu.memory_space<vmem_shared>>
    tpu.wait_indirect_dma semaphore(%arg19 : memref<!tpu.dma_semaphore, #tpu.memory_space<semaphore_mem>>) src(%arg10 : memref<128x128xf32, #tpu.memory_space<vmem>>) dst(%dma_wait3A_78 : memref<10240x128xf32, #tpu.memory_space<vmem_shared>>)
    %barrier3A_79 = arith.constant 0 : index
    tpu.barrier barrier_id(%barrier3A_79)
    %mul3A_80 = arith.constant 640 : i32
    %mul3A_81 = arith.muli %arg1, %mul3A_80 : i32
    %mul3A_82 = arith.constant 640 : i32
    %mul3A_83 = arith.muli %arg1, %mul3A_82 : i32
    "tpu.region"() ({
      %run_scoped3A = tpu.sem_alloc : memref<!tpu.dma_semaphore, #tpu.memory_space<semaphore_mem>>
      %dma_start3A_84 = arith.constant 0 : i32
      %dma_start3A_85 = tpu.memref_slice %arg4[%arg0, %mul3A_83, %dma_start3A_84] : memref<2x10240x128xf32, #tpu.memory_space<hbm>> -> memref<1x640x128xf32, #tpu.memory_space<hbm>>
      %dma_start3A_86 = tpu.memref_squeeze %dma_start3A_85 : memref<1x640x128xf32, #tpu.memory_space<hbm>> -> memref<640x128xf32, #tpu.memory_space<hbm>>
      %dma_start3A_87 = arith.constant 0 : i32
      %dma_start3A_88 = tpu.memref_slice %arg11[%mul3A_81, %dma_start3A_87] : memref<10240x128xf32, #tpu.memory_space<vmem_shared>> -> memref<640x128xf32, #tpu.memory_space<vmem_shared>>
      tpu.enqueue_dma source(%dma_start3A_88 : memref<640x128xf32, #tpu.memory_space<vmem_shared>>) target(%dma_start3A_86 : memref<640x128xf32, #tpu.memory_space<hbm>>) target_semaphore(%run_scoped3A : memref<!tpu.dma_semaphore, #tpu.memory_space<semaphore_mem>>)
      %dma_wait3A_89 = arith.constant 0 : i32
      %dma_wait3A_90 = tpu.memref_slice %arg4[%arg0, %mul3A_83, %dma_wait3A_89] : memref<2x10240x128xf32, #tpu.memory_space<hbm>> -> memref<1x640x128xf32, #tpu.memory_space<hbm>>
      %dma_wait3A_91 = tpu.memref_squeeze %dma_wait3A_90 : memref<1x640x128xf32, #tpu.memory_space<hbm>> -> memref<640x128xf32, #tpu.memory_space<hbm>>
      %dma_wait3A_92 = arith.constant 0 : i32
      %dma_wait3A_93 = tpu.memref_slice %arg11[%mul3A_81, %dma_wait3A_92] : memref<10240x128xf32, #tpu.memory_space<vmem_shared>> -> memref<640x128xf32, #tpu.memory_space<vmem_shared>>
      tpu.wait_dma2 semaphore(%run_scoped3A : memref<!tpu.dma_semaphore, #tpu.memory_space<semaphore_mem>>) src(%dma_wait3A_93 : memref<640x128xf32, #tpu.memory_space<vmem_shared>>) dst(%dma_wait3A_91 : memref<640x128xf32, #tpu.memory_space<hbm>>)
      tpu.yield
    }) : () -> ()
    return
  }
}

#map = affine_map<(d0, d1) -> (0, 0)>
#map1 = affine_map<(d0, d1) -> (0, 0, 0)>
module attributes {stable_mosaic.version = 14 : i64} {
  func.func @_sc_scatter(%arg0: i32, %arg1: i32, %arg2: memref<10240x128xf32, #tpu.memory_space<hbm>>, %arg3: memref<2560x2x128xi32, #tpu.memory_space<hbm>>, %arg4: memref<2x10240x128xf32, #tpu.memory_space<hbm>>, %arg5: memref<2x128xi32, #tpu.memory_space<vmem>>, %arg6: memref<2x128xi32, #tpu.memory_space<vmem>>, %arg7: memref<2x128xi32, #tpu.memory_space<vmem>>, %arg8: memref<2x128xi32, #tpu.memory_space<vmem>>, %arg9: memref<128x128xf32, #tpu.memory_space<vmem>>, %arg10: memref<128x128xf32, #tpu.memory_space<vmem>>, %arg11: memref<10240x128xf32, #tpu.memory_space<vmem_shared>>, %arg12: memref<!tpu.dma_semaphore, #tpu.memory_space<semaphore_mem>>, %arg13: memref<!tpu.dma_semaphore, #tpu.memory_space<semaphore_mem>>, %arg14: memref<!tpu.dma_semaphore, #tpu.memory_space<semaphore_mem>>, %arg15: memref<!tpu.dma_semaphore, #tpu.memory_space<semaphore_mem>>, %arg16: memref<!tpu.dma_semaphore, #tpu.memory_space<semaphore_mem>>, %arg17: memref<!tpu.dma_semaphore, #tpu.memory_space<semaphore_mem>>, %arg18: memref<!tpu.dma_semaphore, #tpu.memory_space<semaphore_mem>>, %arg19: memref<!tpu.dma_semaphore, #tpu.memory_space<semaphore_mem>>) attributes {dimension_semantics = [#tpu.dimension_semantics<core_parallel>, #tpu.dimension_semantics<subcore_parallel>], iteration_bounds = array<i64: 2, 16>, scalar_prefetch = 0 : i64, scratch_operands = 15 : i64, tpu.core_type = #tpu.core_type<sc_vector_subcore>, window_params = [{transform_indices = #map}, {transform_indices = #map1}, {transform_indices = #map1}]} {
    %mul3A = arith.constant 2 : i32
    %mul3A_0 = arith.muli %arg1, %mul3A : i32
    %add3A = arith.addi %mul3A_0, %arg0 : i32
    %mul3A_1 = arith.constant 80 : i32
    %mul3A_2 = arith.muli %add3A, %mul3A_1 : i32
    %add3A_3 = arith.constant 0 : i32
    %add3A_4 = arith.addi %mul3A_2, %add3A_3 : i32
    %dma_start3A = arith.constant 0 : i32
    %dma_start3A_5 = arith.constant 0 : i32
    %dma_start3A_6 = tpu.memref_slice %arg3[%add3A_4, %dma_start3A, %dma_start3A_5] : memref<2560x2x128xi32, #tpu.memory_space<hbm>> -> memref<1x2x128xi32, #tpu.memory_space<hbm>>
    %dma_start3A_7 = tpu.memref_squeeze %dma_start3A_6 : memref<1x2x128xi32, #tpu.memory_space<hbm>> -> memref<2x128xi32, #tpu.memory_space<hbm>>
    %dma_start3A_8 = arith.constant 0 : i32
    %dma_start3A_9 = arith.constant 0 : i32
    %dma_start3A_10 = tpu.memref_slice %arg3[%add3A_4, %dma_start3A_8, %dma_start3A_9] : memref<2560x2x128xi32, #tpu.memory_space<hbm>> -> memref<1x2x128xi32, #tpu.memory_space<hbm>>
    %dma_start3A_11 = tpu.memref_squeeze %dma_start3A_10 : memref<1x2x128xi32, #tpu.memory_space<hbm>> -> memref<2x128xi32, #tpu.memory_space<hbm>>
    tpu.enqueue_dma source(%dma_start3A_11 : memref<2x128xi32, #tpu.memory_space<hbm>>) target(%arg5 : memref<2x128xi32, #tpu.memory_space<vmem>>) target_semaphore(%arg12 : memref<!tpu.dma_semaphore, #tpu.memory_space<semaphore_mem>>)
    %mul3A_12 = arith.constant 80 : i32
    %mul3A_13 = arith.muli %add3A, %mul3A_12 : i32
    %add3A_14 = arith.constant 1 : i32
    %add3A_15 = arith.addi %mul3A_13, %add3A_14 : i32
    %dma_start3A_16 = arith.constant 0 : i32
    %dma_start3A_17 = arith.constant 0 : i32
    %dma_start3A_18 = tpu.memref_slice %arg3[%add3A_15, %dma_start3A_16, %dma_start3A_17] : memref<2560x2x128xi32, #tpu.memory_space<hbm>> -> memref<1x2x128xi32, #tpu.memory_space<hbm>>
    %dma_start3A_19 = tpu.memref_squeeze %dma_start3A_18 : memref<1x2x128xi32, #tpu.memory_space<hbm>> -> memref<2x128xi32, #tpu.memory_space<hbm>>
    %dma_start3A_20 = arith.constant 0 : i32
    %dma_start3A_21 = arith.constant 0 : i32
    %dma_start3A_22 = tpu.memref_slice %arg3[%add3A_15, %dma_start3A_20, %dma_start3A_21] : memref<2560x2x128xi32, #tpu.memory_space<hbm>> -> memref<1x2x128xi32, #tpu.memory_space<hbm>>
    %dma_start3A_23 = tpu.memref_squeeze %dma_start3A_22 : memref<1x2x128xi32, #tpu.memory_space<hbm>> -> memref<2x128xi32, #tpu.memory_space<hbm>>
    tpu.enqueue_dma source(%dma_start3A_23 : memref<2x128xi32, #tpu.memory_space<hbm>>) target(%arg6 : memref<2x128xi32, #tpu.memory_space<vmem>>) target_semaphore(%arg13 : memref<!tpu.dma_semaphore, #tpu.memory_space<semaphore_mem>>)
    %mul3A_24 = arith.constant 80 : i32
    %mul3A_25 = arith.muli %add3A, %mul3A_24 : i32
    %add3A_26 = arith.constant 2 : i32
    %add3A_27 = arith.addi %mul3A_25, %add3A_26 : i32
    %dma_start3A_28 = arith.constant 0 : i32
    %dma_start3A_29 = arith.constant 0 : i32
    %dma_start3A_30 = tpu.memref_slice %arg3[%add3A_27, %dma_start3A_28, %dma_start3A_29] : memref<2560x2x128xi32, #tpu.memory_space<hbm>> -> memref<1x2x128xi32, #tpu.memory_space<hbm>>
    %dma_start3A_31 = tpu.memref_squeeze %dma_start3A_30 : memref<1x2x128xi32, #tpu.memory_space<hbm>> -> memref<2x128xi32, #tpu.memory_space<hbm>>
    %dma_start3A_32 = arith.constant 0 : i32
    %dma_start3A_33 = arith.constant 0 : i32
    %dma_start3A_34 = tpu.memref_slice %arg3[%add3A_27, %dma_start3A_32, %dma_start3A_33] : memref<2560x2x128xi32, #tpu.memory_space<hbm>> -> memref<1x2x128xi32, #tpu.memory_space<hbm>>
    %dma_start3A_35 = tpu.memref_squeeze %dma_start3A_34 : memref<1x2x128xi32, #tpu.memory_space<hbm>> -> memref<2x128xi32, #tpu.memory_space<hbm>>
    tpu.enqueue_dma source(%dma_start3A_35 : memref<2x128xi32, #tpu.memory_space<hbm>>) target(%arg7 : memref<2x128xi32, #tpu.memory_space<vmem>>) target_semaphore(%arg14 : memref<!tpu.dma_semaphore, #tpu.memory_space<semaphore_mem>>)
    %mul3A_36 = arith.constant 80 : i32
    %mul3A_37 = arith.muli %add3A, %mul3A_36 : i32
    %add3A_38 = arith.constant 3 : i32
    %add3A_39 = arith.addi %mul3A_37, %add3A_38 : i32
    %dma_start3A_40 = arith.constant 0 : i32
    %dma_start3A_41 = arith.constant 0 : i32
    %dma_start3A_42 = tpu.memref_slice %arg3[%add3A_39, %dma_start3A_40, %dma_start3A_41] : memref<2560x2x128xi32, #tpu.memory_space<hbm>> -> memref<1x2x128xi32, #tpu.memory_space<hbm>>
    %dma_start3A_43 = tpu.memref_squeeze %dma_start3A_42 : memref<1x2x128xi32, #tpu.memory_space<hbm>> -> memref<2x128xi32, #tpu.memory_space<hbm>>
    %dma_start3A_44 = arith.constant 0 : i32
    %dma_start3A_45 = arith.constant 0 : i32
    %dma_start3A_46 = tpu.memref_slice %arg3[%add3A_39, %dma_start3A_44, %dma_start3A_45] : memref<2560x2x128xi32, #tpu.memory_space<hbm>> -> memref<1x2x128xi32, #tpu.memory_space<hbm>>
    %dma_start3A_47 = tpu.memref_squeeze %dma_start3A_46 : memref<1x2x128xi32, #tpu.memory_space<hbm>> -> memref<2x128xi32, #tpu.memory_space<hbm>>
    tpu.enqueue_dma source(%dma_start3A_47 : memref<2x128xi32, #tpu.memory_space<hbm>>) target(%arg8 : memref<2x128xi32, #tpu.memory_space<vmem>>) target_semaphore(%arg15 : memref<!tpu.dma_semaphore, #tpu.memory_space<semaphore_mem>>)
    %broadcast_in_dim3A = arith.constant 0.000000e+00 : f32
    %broadcast_in_dim3A_48 = vector.broadcast %broadcast_in_dim3A : f32 to vector<16xf32>
    %scan3A = arith.constant 0 : i32
    %scan3A_49 = arith.constant 0 : i32
    %scan3A_50 = arith.constant 1024 : i32
    %scan3A_51 = arith.addi %scan3A_49, %scan3A_50 : i32
    %scan3A_52 = arith.constant 1 : i32
    scf.for %scan3A_84 = %scan3A_49 to %scan3A_51 step %scan3A_52  : i32 {
      %jit3A = arith.constant 8 : i32
      %div3A = arith.divsi %scan3A_84, %jit3A : i32
      %sign3A = arith.constant 0 : i32
      %sign3A_85 = arith.cmpi sgt, %scan3A_84, %sign3A : i32
      %sign3A_86 = arith.extui %sign3A_85 : i1 to i32
      %sign3A_87 = arith.constant 0 : i32
      %sign3A_88 = arith.cmpi slt, %scan3A_84, %sign3A_87 : i32
      %sign3A_89 = arith.extui %sign3A_88 : i1 to i32
      %sign3A_90 = arith.subi %sign3A_86, %sign3A_89 : i32
      %sign3A_91 = arith.constant 0 : i32
      %sign3A_92 = arith.cmpi sgt, %jit3A, %sign3A_91 : i32
      %sign3A_93 = arith.extui %sign3A_92 : i1 to i32
      %sign3A_94 = arith.constant 0 : i32
      %sign3A_95 = arith.cmpi slt, %jit3A, %sign3A_94 : i32
      %sign3A_96 = arith.extui %sign3A_95 : i1 to i32
      %sign3A_97 = arith.subi %sign3A_93, %sign3A_96 : i32
      %ne3A = arith.cmpi ne, %sign3A_90, %sign3A_97 : i32
      %rem3A = arith.remsi %scan3A_84, %jit3A : i32
      %ne3A_98 = arith.constant 0 : i32
      %ne3A_99 = arith.cmpi ne, %rem3A, %ne3A_98 : i32
      %and3A = arith.andi %ne3A, %ne3A_99 : i1
      %sub3A = arith.constant 1 : i32
      %sub3A_100 = arith.subi %div3A, %sub3A : i32
      %select_n3A = arith.select %and3A, %sub3A_100, %div3A : i32
      %jit3A_101 = arith.constant 8 : i32
      %eq3A = arith.constant 0 : i32
      %eq3A_102 = arith.cmpi eq, %jit3A_101, %eq3A : i32
      %jit3A_103 = arith.constant 1 : i32
      %select_n3A_104 = arith.select %eq3A_102, %jit3A_103, %jit3A_101 : i32
      %rem3A_105 = arith.remsi %scan3A_84, %select_n3A_104 : i32
      %ne3A_106 = arith.constant 0 : i32
      %ne3A_107 = arith.cmpi ne, %rem3A_105, %ne3A_106 : i32
      %lt3A = arith.constant 0 : i32
      %lt3A_108 = arith.cmpi slt, %rem3A_105, %lt3A : i32
      %lt3A_109 = arith.constant 0 : i32
      %lt3A_110 = arith.cmpi slt, %select_n3A_104, %lt3A_109 : i32
      %ne3A_111 = arith.xori %lt3A_108, %lt3A_110 : i1
      %and3A_112 = arith.andi %ne3A_111, %ne3A_107 : i1
      %add3A_113 = arith.addi %rem3A_105, %select_n3A_104 : i32
      %select_n3A_114 = arith.select %and3A_112, %add3A_113, %rem3A_105 : i32
      %mul3A_115 = arith.constant 16 : i32
      %mul3A_116 = arith.muli %select_n3A_114, %mul3A_115 : i32
      %swap3A = arith.index_cast %select_n3A : i32 to index
      %swap3A_117 = arith.index_cast %mul3A_116 : i32 to index
      %swap3A_118 = tpu.vector_load %arg9[%swap3A, %swap3A_117] {strides = array<i32>} : memref<128x128xf32, #tpu.memory_space<vmem>>, vector<1x16xf32>,
      %swap3A_119 = vector.shape_cast %swap3A_118 : vector<1x16xf32> to vector<16xf32>
      %swap3A_120 = vector.shape_cast %broadcast_in_dim3A_48 : vector<16xf32> to vector<1x16xf32>
      tpu.vector_store %arg9[%swap3A, %swap3A_117], %swap3A_120 {strides = array<i32>} : memref<128x128xf32, #tpu.memory_space<vmem>>, vector<1x16xf32>,
    }
    %scan3A_53 = arith.constant 1024 : i32
    %scan3A_54 = arith.constant 0 : i32
    %scan3A_55 = arith.constant 0 : i32
    %scan3A_56 = arith.constant 5 : i32
    %scan3A_57 = arith.addi %scan3A_55, %scan3A_56 : i32
    %scan3A_58 = arith.constant 1 : i32
    scf.for %scan3A_84 = %scan3A_55 to %scan3A_57 step %scan3A_58  : i32 {
      %mul3A_85 = arith.constant 640 : i32
      %mul3A_86 = arith.muli %arg1, %mul3A_85 : i32
      %mul3A_87 = arith.constant 128 : i32
      %mul3A_88 = arith.muli %scan3A_84, %mul3A_87 : i32
      %add3A_89 = arith.addi %mul3A_86, %mul3A_88 : i32
      "tpu.region"() ({
        %run_scoped3A = tpu.sem_alloc : memref<!tpu.dma_semaphore, #tpu.memory_space<semaphore_mem>>
        %dma_start3A_90 = arith.constant 0 : i32
        %dma_start3A_91 = tpu.memref_slice %arg11[%add3A_89, %dma_start3A_90] : memref<10240x128xf32, #tpu.memory_space<vmem_shared>> -> memref<128x128xf32, #tpu.memory_space<vmem_shared>>
        %dma_start3A_92 = arith.constant 0 : i32
        %dma_start3A_93 = tpu.memref_slice %arg11[%add3A_89, %dma_start3A_92] : memref<10240x128xf32, #tpu.memory_space<vmem_shared>> -> memref<128x128xf32, #tpu.memory_space<vmem_shared>>
        tpu.enqueue_dma source(%arg9 : memref<128x128xf32, #tpu.memory_space<vmem>>) target(%dma_start3A_93 : memref<128x128xf32, #tpu.memory_space<vmem_shared>>) target_semaphore(%run_scoped3A : memref<!tpu.dma_semaphore, #tpu.memory_space<semaphore_mem>>)
        %dma_wait3A_94 = arith.constant 0 : i32
        %dma_wait3A_95 = tpu.memref_slice %arg11[%add3A_89, %dma_wait3A_94] : memref<10240x128xf32, #tpu.memory_space<vmem_shared>> -> memref<128x128xf32, #tpu.memory_space<vmem_shared>>
        %dma_wait3A_96 = arith.constant 0 : i32
        %dma_wait3A_97 = tpu.memref_slice %arg11[%add3A_89, %dma_wait3A_96] : memref<10240x128xf32, #tpu.memory_space<vmem_shared>> -> memref<128x128xf32, #tpu.memory_space<vmem_shared>>
        tpu.wait_dma2 semaphore(%run_scoped3A : memref<!tpu.dma_semaphore, #tpu.memory_space<semaphore_mem>>) src(%arg9 : memref<128x128xf32, #tpu.memory_space<vmem>>) dst(%dma_wait3A_97 : memref<128x128xf32, #tpu.memory_space<vmem_shared>>)
        tpu.yield
      }) : () -> ()
    }
    %scan3A_59 = arith.constant 5 : i32
    %barrier3A = arith.constant 0 : index
    tpu.barrier barrier_id(%barrier3A)
    %scan3A_60 = arith.constant 0 : i32
    %scan3A_61 = arith.constant 0 : i32
    %scan3A_62 = arith.constant 20 : i32
    %scan3A_63 = arith.addi %scan3A_61, %scan3A_62 : i32
    %scan3A_64 = arith.constant 1 : i32
    scf.for %scan3A_84 = %scan3A_61 to %scan3A_63 step %scan3A_64  : i32 {
      %mul3A_85 = arith.constant 4 : i32
      %mul3A_86 = arith.muli %scan3A_84, %mul3A_85 : i32
      %add3A_87 = arith.constant 0 : i32
      %add3A_88 = arith.addi %mul3A_86, %add3A_87 : i32
      %ge3A = arith.constant 2 : i32
      %ge3A_89 = arith.cmpi sge, %add3A_88, %ge3A : i32
      %convert_element_type3A = arith.extui %ge3A_89 : i1 to i32
      %cond3A = arith.constant 0 : i32
      %cond3A_90 = arith.cmpi ne, %convert_element_type3A, %cond3A : i32
      scf.if %cond3A_90 {
        %dma_wait3A_246 = arith.constant 1 : i32
        %dma_wait3A_247 = arith.constant 0 : i32
        %dma_wait3A_248 = tpu.memref_slice %arg7[%dma_wait3A_246, %dma_wait3A_247] : memref<2x128xi32, #tpu.memory_space<vmem>> -> memref<1x128xi32, #tpu.memory_space<vmem>>
        %dma_wait3A_249 = tpu.memref_squeeze %dma_wait3A_248 : memref<1x128xi32, #tpu.memory_space<vmem>> -> memref<128xi32, #tpu.memory_space<vmem>>
        %dma_wait3A_250 = arith.constant 0 : i32
        %dma_wait3A_251 = arith.constant 0 : i32
        %dma_wait3A_252 = tpu.memref_slice %arg11[%dma_wait3A_250, %dma_wait3A_251] : memref<10240x128xf32, #tpu.memory_space<vmem_shared>> -> memref<10240x128xf32, #tpu.memory_space<vmem_shared>>
        tpu.wait_indirect_dma semaphore(%arg18 : memref<!tpu.dma_semaphore, #tpu.memory_space<semaphore_mem>>) src(%arg9 : memref<128x128xf32, #tpu.memory_space<vmem>>) dst(%dma_wait3A_252 : memref<10240x128xf32, #tpu.memory_space<vmem_shared>>)
        %add3A_253 = arith.constant 2 : i32
        %add3A_254 = arith.addi %add3A_88, %add3A_253 : i32
        %lt3A = arith.constant 80 : i32
        %lt3A_255 = arith.cmpi slt, %add3A_254, %lt3A : i32
        %convert_element_type3A_256 = arith.extui %lt3A_255 : i1 to i32
        %cond3A_257 = arith.constant 0 : i32
        %cond3A_258 = arith.cmpi ne, %convert_element_type3A_256, %cond3A_257 : i32
        scf.if %cond3A_258 {
          %mul3A_259 = arith.constant 80 : i32
          %mul3A_260 = arith.muli %add3A, %mul3A_259 : i32
          %add3A_261 = arith.addi %mul3A_260, %add3A_88 : i32
          %add3A_262 = arith.constant 2 : i32
          %add3A_263 = arith.addi %add3A_261, %add3A_262 : i32
          %dma_start3A_264 = arith.constant 0 : i32
          %dma_start3A_265 = arith.constant 0 : i32
          %dma_start3A_266 = tpu.memref_slice %arg3[%add3A_263, %dma_start3A_264, %dma_start3A_265] : memref<2560x2x128xi32, #tpu.memory_space<hbm>> -> memref<1x2x128xi32, #tpu.memory_space<hbm>>
          %dma_start3A_267 = tpu.memref_squeeze %dma_start3A_266 : memref<1x2x128xi32, #tpu.memory_space<hbm>> -> memref<2x128xi32, #tpu.memory_space<hbm>>
          %dma_start3A_268 = arith.constant 0 : i32
          %dma_start3A_269 = arith.constant 0 : i32
          %dma_start3A_270 = tpu.memref_slice %arg3[%add3A_263, %dma_start3A_268, %dma_start3A_269] : memref<2560x2x128xi32, #tpu.memory_space<hbm>> -> memref<1x2x128xi32, #tpu.memory_space<hbm>>
          %dma_start3A_271 = tpu.memref_squeeze %dma_start3A_270 : memref<1x2x128xi32, #tpu.memory_space<hbm>> -> memref<2x128xi32, #tpu.memory_space<hbm>>
          tpu.enqueue_dma source(%dma_start3A_271 : memref<2x128xi32, #tpu.memory_space<hbm>>) target(%arg7 : memref<2x128xi32, #tpu.memory_space<vmem>>) target_semaphore(%arg14 : memref<!tpu.dma_semaphore, #tpu.memory_space<semaphore_mem>>)
        } else {
        }
      } else {
      }
      %mul3A_91 = arith.constant 80 : i32
      %mul3A_92 = arith.muli %add3A, %mul3A_91 : i32
      %add3A_93 = arith.addi %mul3A_92, %add3A_88 : i32
      %dma_wait3A_94 = arith.constant 0 : i32
      %dma_wait3A_95 = arith.constant 0 : i32
      %dma_wait3A_96 = tpu.memref_slice %arg3[%add3A_93, %dma_wait3A_94, %dma_wait3A_95] : memref<2560x2x128xi32, #tpu.memory_space<hbm>> -> memref<1x2x128xi32, #tpu.memory_space<hbm>>
      %dma_wait3A_97 = tpu.memref_squeeze %dma_wait3A_96 : memref<1x2x128xi32, #tpu.memory_space<hbm>> -> memref<2x128xi32, #tpu.memory_space<hbm>>
      %dma_wait3A_98 = arith.constant 0 : i32
      %dma_wait3A_99 = arith.constant 0 : i32
      %dma_wait3A_100 = tpu.memref_slice %arg3[%add3A_93, %dma_wait3A_98, %dma_wait3A_99] : memref<2560x2x128xi32, #tpu.memory_space<hbm>> -> memref<1x2x128xi32, #tpu.memory_space<hbm>>
      %dma_wait3A_101 = tpu.memref_squeeze %dma_wait3A_100 : memref<1x2x128xi32, #tpu.memory_space<hbm>> -> memref<2x128xi32, #tpu.memory_space<hbm>>
      tpu.wait_dma2 semaphore(%arg12 : memref<!tpu.dma_semaphore, #tpu.memory_space<semaphore_mem>>) src(%dma_wait3A_101 : memref<2x128xi32, #tpu.memory_space<hbm>>) dst(%arg5 : memref<2x128xi32, #tpu.memory_space<vmem>>)
      %dma_start3A_102 = arith.constant 0 : i32
      %dma_start3A_103 = arith.constant 0 : i32
      %dma_start3A_104 = tpu.memref_slice %arg5[%dma_start3A_102, %dma_start3A_103] : memref<2x128xi32, #tpu.memory_space<vmem>> -> memref<1x128xi32, #tpu.memory_space<vmem>>
      %dma_start3A_105 = tpu.memref_squeeze %dma_start3A_104 : memref<1x128xi32, #tpu.memory_space<vmem>> -> memref<128xi32, #tpu.memory_space<vmem>>
      %dma_start3A_106 = arith.constant 0 : i32
      %dma_start3A_107 = arith.constant 0 : i32
      %dma_start3A_108 = tpu.memref_slice %arg2[%dma_start3A_106, %dma_start3A_107] : memref<10240x128xf32, #tpu.memory_space<hbm>> -> memref<10240x128xf32, #tpu.memory_space<hbm>>
      tpu.enqueue_indirect_dma source(%dma_start3A_108 : memref<10240x128xf32, #tpu.memory_space<hbm>>) target(%arg9 : memref<128x128xf32, #tpu.memory_space<vmem>>) offsets(%dma_start3A_105 : memref<128xi32, #tpu.memory_space<vmem>>) semaphore(%arg16 : memref<!tpu.dma_semaphore, #tpu.memory_space<semaphore_mem>>)
      %dma_wait3A_109 = arith.constant 0 : i32
      %dma_wait3A_110 = arith.constant 0 : i32
      %dma_wait3A_111 = tpu.memref_slice %arg5[%dma_wait3A_109, %dma_wait3A_110] : memref<2x128xi32, #tpu.memory_space<vmem>> -> memref<1x128xi32, #tpu.memory_space<vmem>>
      %dma_wait3A_112 = tpu.memref_squeeze %dma_wait3A_111 : memref<1x128xi32, #tpu.memory_space<vmem>> -> memref<128xi32, #tpu.memory_space<vmem>>
      %dma_wait3A_113 = arith.constant 0 : i32
      %dma_wait3A_114 = arith.constant 0 : i32
      %dma_wait3A_115 = tpu.memref_slice %arg2[%dma_wait3A_113, %dma_wait3A_114] : memref<10240x128xf32, #tpu.memory_space<hbm>> -> memref<10240x128xf32, #tpu.memory_space<hbm>>
      tpu.wait_indirect_dma semaphore(%arg16 : memref<!tpu.dma_semaphore, #tpu.memory_space<semaphore_mem>>) src(%dma_wait3A_115 : memref<10240x128xf32, #tpu.memory_space<hbm>>) dst(%arg9 : memref<128x128xf32, #tpu.memory_space<vmem>>)
      %dma_start3A_116 = arith.constant 1 : i32
      %dma_start3A_117 = arith.constant 0 : i32
      %dma_start3A_118 = tpu.memref_slice %arg5[%dma_start3A_116, %dma_start3A_117] : memref<2x128xi32, #tpu.memory_space<vmem>> -> memref<1x128xi32, #tpu.memory_space<vmem>>
      %dma_start3A_119 = tpu.memref_squeeze %dma_start3A_118 : memref<1x128xi32, #tpu.memory_space<vmem>> -> memref<128xi32, #tpu.memory_space<vmem>>
      %dma_start3A_120 = arith.constant 0 : i32
      %dma_start3A_121 = arith.constant 0 : i32
      %dma_start3A_122 = tpu.memref_slice %arg11[%dma_start3A_120, %dma_start3A_121] : memref<10240x128xf32, #tpu.memory_space<vmem_shared>> -> memref<10240x128xf32, #tpu.memory_space<vmem_shared>>
      tpu.enqueue_indirect_dma source(%arg9 : memref<128x128xf32, #tpu.memory_space<vmem>>) target(%dma_start3A_122 : memref<10240x128xf32, #tpu.memory_space<vmem_shared>>) offsets(%dma_start3A_119 : memref<128xi32, #tpu.memory_space<vmem>>) semaphore(%arg18 : memref<!tpu.dma_semaphore, #tpu.memory_space<semaphore_mem>>) {add = true}
      %mul3A_123 = arith.constant 4 : i32
      %mul3A_124 = arith.muli %scan3A_84, %mul3A_123 : i32
      %add3A_125 = arith.constant 1 : i32
      %add3A_126 = arith.addi %mul3A_124, %add3A_125 : i32
      %ge3A_127 = arith.constant 2 : i32
      %ge3A_128 = arith.cmpi sge, %add3A_126, %ge3A_127 : i32
      %convert_element_type3A_129 = arith.extui %ge3A_128 : i1 to i32
      %cond3A_130 = arith.constant 0 : i32
      %cond3A_131 = arith.cmpi ne, %convert_element_type3A_129, %cond3A_130 : i32
      scf.if %cond3A_131 {
        %dma_wait3A_246 = arith.constant 1 : i32
        %dma_wait3A_247 = arith.constant 0 : i32
        %dma_wait3A_248 = tpu.memref_slice %arg8[%dma_wait3A_246, %dma_wait3A_247] : memref<2x128xi32, #tpu.memory_space<vmem>> -> memref<1x128xi32, #tpu.memory_space<vmem>>
        %dma_wait3A_249 = tpu.memref_squeeze %dma_wait3A_248 : memref<1x128xi32, #tpu.memory_space<vmem>> -> memref<128xi32, #tpu.memory_space<vmem>>
        %dma_wait3A_250 = arith.constant 0 : i32
        %dma_wait3A_251 = arith.constant 0 : i32
        %dma_wait3A_252 = tpu.memref_slice %arg11[%dma_wait3A_250, %dma_wait3A_251] : memref<10240x128xf32, #tpu.memory_space<vmem_shared>> -> memref<10240x128xf32, #tpu.memory_space<vmem_shared>>
        tpu.wait_indirect_dma semaphore(%arg19 : memref<!tpu.dma_semaphore, #tpu.memory_space<semaphore_mem>>) src(%arg10 : memref<128x128xf32, #tpu.memory_space<vmem>>) dst(%dma_wait3A_252 : memref<10240x128xf32, #tpu.memory_space<vmem_shared>>)
        %add3A_253 = arith.constant 2 : i32
        %add3A_254 = arith.addi %add3A_126, %add3A_253 : i32
        %lt3A = arith.constant 80 : i32
        %lt3A_255 = arith.cmpi slt, %add3A_254, %lt3A : i32
        %convert_element_type3A_256 = arith.extui %lt3A_255 : i1 to i32
        %cond3A_257 = arith.constant 0 : i32
        %cond3A_258 = arith.cmpi ne, %convert_element_type3A_256, %cond3A_257 : i32
        scf.if %cond3A_258 {
          %mul3A_259 = arith.constant 80 : i32
          %mul3A_260 = arith.muli %add3A, %mul3A_259 : i32
          %add3A_261 = arith.addi %mul3A_260, %add3A_126 : i32
          %add3A_262 = arith.constant 2 : i32
          %add3A_263 = arith.addi %add3A_261, %add3A_262 : i32
          %dma_start3A_264 = arith.constant 0 : i32
          %dma_start3A_265 = arith.constant 0 : i32
          %dma_start3A_266 = tpu.memref_slice %arg3[%add3A_263, %dma_start3A_264, %dma_start3A_265] : memref<2560x2x128xi32, #tpu.memory_space<hbm>> -> memref<1x2x128xi32, #tpu.memory_space<hbm>>
          %dma_start3A_267 = tpu.memref_squeeze %dma_start3A_266 : memref<1x2x128xi32, #tpu.memory_space<hbm>> -> memref<2x128xi32, #tpu.memory_space<hbm>>
          %dma_start3A_268 = arith.constant 0 : i32
          %dma_start3A_269 = arith.constant 0 : i32
          %dma_start3A_270 = tpu.memref_slice %arg3[%add3A_263, %dma_start3A_268, %dma_start3A_269] : memref<2560x2x128xi32, #tpu.memory_space<hbm>> -> memref<1x2x128xi32, #tpu.memory_space<hbm>>
          %dma_start3A_271 = tpu.memref_squeeze %dma_start3A_270 : memref<1x2x128xi32, #tpu.memory_space<hbm>> -> memref<2x128xi32, #tpu.memory_space<hbm>>
          tpu.enqueue_dma source(%dma_start3A_271 : memref<2x128xi32, #tpu.memory_space<hbm>>) target(%arg8 : memref<2x128xi32, #tpu.memory_space<vmem>>) target_semaphore(%arg15 : memref<!tpu.dma_semaphore, #tpu.memory_space<semaphore_mem>>)
        } else {
        }
      } else {
      }
      %mul3A_132 = arith.constant 80 : i32
      %mul3A_133 = arith.muli %add3A, %mul3A_132 : i32
      %add3A_134 = arith.addi %mul3A_133, %add3A_126 : i32
      %dma_wait3A_135 = arith.constant 0 : i32
      %dma_wait3A_136 = arith.constant 0 : i32
      %dma_wait3A_137 = tpu.memref_slice %arg3[%add3A_134, %dma_wait3A_135, %dma_wait3A_136] : memref<2560x2x128xi32, #tpu.memory_space<hbm>> -> memref<1x2x128xi32, #tpu.memory_space<hbm>>
      %dma_wait3A_138 = tpu.memref_squeeze %dma_wait3A_137 : memref<1x2x128xi32, #tpu.memory_space<hbm>> -> memref<2x128xi32, #tpu.memory_space<hbm>>
      %dma_wait3A_139 = arith.constant 0 : i32
      %dma_wait3A_140 = arith.constant 0 : i32
      %dma_wait3A_141 = tpu.memref_slice %arg3[%add3A_134, %dma_wait3A_139, %dma_wait3A_140] : memref<2560x2x128xi32, #tpu.memory_space<hbm>> -> memref<1x2x128xi32, #tpu.memory_space<hbm>>
      %dma_wait3A_142 = tpu.memref_squeeze %dma_wait3A_141 : memref<1x2x128xi32, #tpu.memory_space<hbm>> -> memref<2x128xi32, #tpu.memory_space<hbm>>
      tpu.wait_dma2 semaphore(%arg13 : memref<!tpu.dma_semaphore, #tpu.memory_space<semaphore_mem>>) src(%dma_wait3A_142 : memref<2x128xi32, #tpu.memory_space<hbm>>) dst(%arg6 : memref<2x128xi32, #tpu.memory_space<vmem>>)
      %dma_start3A_143 = arith.constant 0 : i32
      %dma_start3A_144 = arith.constant 0 : i32
      %dma_start3A_145 = tpu.memref_slice %arg6[%dma_start3A_143, %dma_start3A_144] : memref<2x128xi32, #tpu.memory_space<vmem>> -> memref<1x128xi32, #tpu.memory_space<vmem>>
      %dma_start3A_146 = tpu.memref_squeeze %dma_start3A_145 : memref<1x128xi32, #tpu.memory_space<vmem>> -> memref<128xi32, #tpu.memory_space<vmem>>
      %dma_start3A_147 = arith.constant 0 : i32
      %dma_start3A_148 = arith.constant 0 : i32
      %dma_start3A_149 = tpu.memref_slice %arg2[%dma_start3A_147, %dma_start3A_148] : memref<10240x128xf32, #tpu.memory_space<hbm>> -> memref<10240x128xf32, #tpu.memory_space<hbm>>
      tpu.enqueue_indirect_dma source(%dma_start3A_149 : memref<10240x128xf32, #tpu.memory_space<hbm>>) target(%arg10 : memref<128x128xf32, #tpu.memory_space<vmem>>) offsets(%dma_start3A_146 : memref<128xi32, #tpu.memory_space<vmem>>) semaphore(%arg17 : memref<!tpu.dma_semaphore, #tpu.memory_space<semaphore_mem>>)
      %dma_wait3A_150 = arith.constant 0 : i32
      %dma_wait3A_151 = arith.constant 0 : i32
      %dma_wait3A_152 = tpu.memref_slice %arg6[%dma_wait3A_150, %dma_wait3A_151] : memref<2x128xi32, #tpu.memory_space<vmem>> -> memref<1x128xi32, #tpu.memory_space<vmem>>
      %dma_wait3A_153 = tpu.memref_squeeze %dma_wait3A_152 : memref<1x128xi32, #tpu.memory_space<vmem>> -> memref<128xi32, #tpu.memory_space<vmem>>
      %dma_wait3A_154 = arith.constant 0 : i32
      %dma_wait3A_155 = arith.constant 0 : i32
      %dma_wait3A_156 = tpu.memref_slice %arg2[%dma_wait3A_154, %dma_wait3A_155] : memref<10240x128xf32, #tpu.memory_space<hbm>> -> memref<10240x128xf32, #tpu.memory_space<hbm>>
      tpu.wait_indirect_dma semaphore(%arg17 : memref<!tpu.dma_semaphore, #tpu.memory_space<semaphore_mem>>) src(%dma_wait3A_156 : memref<10240x128xf32, #tpu.memory_space<hbm>>) dst(%arg10 : memref<128x128xf32, #tpu.memory_space<vmem>>)
      %dma_start3A_157 = arith.constant 1 : i32
      %dma_start3A_158 = arith.constant 0 : i32
      %dma_start3A_159 = tpu.memref_slice %arg6[%dma_start3A_157, %dma_start3A_158] : memref<2x128xi32, #tpu.memory_space<vmem>> -> memref<1x128xi32, #tpu.memory_space<vmem>>
      %dma_start3A_160 = tpu.memref_squeeze %dma_start3A_159 : memref<1x128xi32, #tpu.memory_space<vmem>> -> memref<128xi32, #tpu.memory_space<vmem>>
      %dma_start3A_161 = arith.constant 0 : i32
      %dma_start3A_162 = arith.constant 0 : i32
      %dma_start3A_163 = tpu.memref_slice %arg11[%dma_start3A_161, %dma_start3A_162] : memref<10240x128xf32, #tpu.memory_space<vmem_shared>> -> memref<10240x128xf32, #tpu.memory_space<vmem_shared>>
      tpu.enqueue_indirect_dma source(%arg10 : memref<128x128xf32, #tpu.memory_space<vmem>>) target(%dma_start3A_163 : memref<10240x128xf32, #tpu.memory_space<vmem_shared>>) offsets(%dma_start3A_160 : memref<128xi32, #tpu.memory_space<vmem>>) semaphore(%arg19 : memref<!tpu.dma_semaphore, #tpu.memory_space<semaphore_mem>>) {add = true}
      %mul3A_164 = arith.constant 4 : i32
      %mul3A_165 = arith.muli %scan3A_84, %mul3A_164 : i32
      %add3A_166 = arith.constant 2 : i32
      %add3A_167 = arith.addi %mul3A_165, %add3A_166 : i32
      %ge3A_168 = arith.constant 2 : i32
      %ge3A_169 = arith.cmpi sge, %add3A_167, %ge3A_168 : i32
      %convert_element_type3A_170 = arith.extui %ge3A_169 : i1 to i32
      %cond3A_171 = arith.constant 0 : i32
      %cond3A_172 = arith.cmpi ne, %convert_element_type3A_170, %cond3A_171 : i32
      scf.if %cond3A_172 {
        %dma_wait3A_246 = arith.constant 1 : i32
        %dma_wait3A_247 = arith.constant 0 : i32
        %dma_wait3A_248 = tpu.memref_slice %arg5[%dma_wait3A_246, %dma_wait3A_247] : memref<2x128xi32, #tpu.memory_space<vmem>> -> memref<1x128xi32, #tpu.memory_space<vmem>>
        %dma_wait3A_249 = tpu.memref_squeeze %dma_wait3A_248 : memref<1x128xi32, #tpu.memory_space<vmem>> -> memref<128xi32, #tpu.memory_space<vmem>>
        %dma_wait3A_250 = arith.constant 0 : i32
        %dma_wait3A_251 = arith.constant 0 : i32
        %dma_wait3A_252 = tpu.memref_slice %arg11[%dma_wait3A_250, %dma_wait3A_251] : memref<10240x128xf32, #tpu.memory_space<vmem_shared>> -> memref<10240x128xf32, #tpu.memory_space<vmem_shared>>
        tpu.wait_indirect_dma semaphore(%arg18 : memref<!tpu.dma_semaphore, #tpu.memory_space<semaphore_mem>>) src(%arg9 : memref<128x128xf32, #tpu.memory_space<vmem>>) dst(%dma_wait3A_252 : memref<10240x128xf32, #tpu.memory_space<vmem_shared>>)
        %add3A_253 = arith.constant 2 : i32
        %add3A_254 = arith.addi %add3A_167, %add3A_253 : i32
        %lt3A = arith.constant 80 : i32
        %lt3A_255 = arith.cmpi slt, %add3A_254, %lt3A : i32
        %convert_element_type3A_256 = arith.extui %lt3A_255 : i1 to i32
        %cond3A_257 = arith.constant 0 : i32
        %cond3A_258 = arith.cmpi ne, %convert_element_type3A_256, %cond3A_257 : i32
        scf.if %cond3A_258 {
          %mul3A_259 = arith.constant 80 : i32
          %mul3A_260 = arith.muli %add3A, %mul3A_259 : i32
          %add3A_261 = arith.addi %mul3A_260, %add3A_167 : i32
          %add3A_262 = arith.constant 2 : i32
          %add3A_263 = arith.addi %add3A_261, %add3A_262 : i32
          %dma_start3A_264 = arith.constant 0 : i32
          %dma_start3A_265 = arith.constant 0 : i32
          %dma_start3A_266 = tpu.memref_slice %arg3[%add3A_263, %dma_start3A_264, %dma_start3A_265] : memref<2560x2x128xi32, #tpu.memory_space<hbm>> -> memref<1x2x128xi32, #tpu.memory_space<hbm>>
          %dma_start3A_267 = tpu.memref_squeeze %dma_start3A_266 : memref<1x2x128xi32, #tpu.memory_space<hbm>> -> memref<2x128xi32, #tpu.memory_space<hbm>>
          %dma_start3A_268 = arith.constant 0 : i32
          %dma_start3A_269 = arith.constant 0 : i32
          %dma_start3A_270 = tpu.memref_slice %arg3[%add3A_263, %dma_start3A_268, %dma_start3A_269] : memref<2560x2x128xi32, #tpu.memory_space<hbm>> -> memref<1x2x128xi32, #tpu.memory_space<hbm>>
          %dma_start3A_271 = tpu.memref_squeeze %dma_start3A_270 : memref<1x2x128xi32, #tpu.memory_space<hbm>> -> memref<2x128xi32, #tpu.memory_space<hbm>>
          tpu.enqueue_dma source(%dma_start3A_271 : memref<2x128xi32, #tpu.memory_space<hbm>>) target(%arg5 : memref<2x128xi32, #tpu.memory_space<vmem>>) target_semaphore(%arg12 : memref<!tpu.dma_semaphore, #tpu.memory_space<semaphore_mem>>)
        } else {
        }
      } else {
      }
      %mul3A_173 = arith.constant 80 : i32
      %mul3A_174 = arith.muli %add3A, %mul3A_173 : i32
      %add3A_175 = arith.addi %mul3A_174, %add3A_167 : i32
      %dma_wait3A_176 = arith.constant 0 : i32
      %dma_wait3A_177 = arith.constant 0 : i32
      %dma_wait3A_178 = tpu.memref_slice %arg3[%add3A_175, %dma_wait3A_176, %dma_wait3A_177] : memref<2560x2x128xi32, #tpu.memory_space<hbm>> -> memref<1x2x128xi32, #tpu.memory_space<hbm>>
      %dma_wait3A_179 = tpu.memref_squeeze %dma_wait3A_178 : memref<1x2x128xi32, #tpu.memory_space<hbm>> -> memref<2x128xi32, #tpu.memory_space<hbm>>
      %dma_wait3A_180 = arith.constant 0 : i32
      %dma_wait3A_181 = arith.constant 0 : i32
      %dma_wait3A_182 = tpu.memref_slice %arg3[%add3A_175, %dma_wait3A_180, %dma_wait3A_181] : memref<2560x2x128xi32, #tpu.memory_space<hbm>> -> memref<1x2x128xi32, #tpu.memory_space<hbm>>
      %dma_wait3A_183 = tpu.memref_squeeze %dma_wait3A_182 : memref<1x2x128xi32, #tpu.memory_space<hbm>> -> memref<2x128xi32, #tpu.memory_space<hbm>>
      tpu.wait_dma2 semaphore(%arg14 : memref<!tpu.dma_semaphore, #tpu.memory_space<semaphore_mem>>) src(%dma_wait3A_183 : memref<2x128xi32, #tpu.memory_space<hbm>>) dst(%arg7 : memref<2x128xi32, #tpu.memory_space<vmem>>)
      %dma_start3A_184 = arith.constant 0 : i32
      %dma_start3A_185 = arith.constant 0 : i32
      %dma_start3A_186 = tpu.memref_slice %arg7[%dma_start3A_184, %dma_start3A_185] : memref<2x128xi32, #tpu.memory_space<vmem>> -> memref<1x128xi32, #tpu.memory_space<vmem>>
      %dma_start3A_187 = tpu.memref_squeeze %dma_start3A_186 : memref<1x128xi32, #tpu.memory_space<vmem>> -> memref<128xi32, #tpu.memory_space<vmem>>
      %dma_start3A_188 = arith.constant 0 : i32
      %dma_start3A_189 = arith.constant 0 : i32
      %dma_start3A_190 = tpu.memref_slice %arg2[%dma_start3A_188, %dma_start3A_189] : memref<10240x128xf32, #tpu.memory_space<hbm>> -> memref<10240x128xf32, #tpu.memory_space<hbm>>
      tpu.enqueue_indirect_dma source(%dma_start3A_190 : memref<10240x128xf32, #tpu.memory_space<hbm>>) target(%arg9 : memref<128x128xf32, #tpu.memory_space<vmem>>) offsets(%dma_start3A_187 : memref<128xi32, #tpu.memory_space<vmem>>) semaphore(%arg16 : memref<!tpu.dma_semaphore, #tpu.memory_space<semaphore_mem>>)
      %dma_wait3A_191 = arith.constant 0 : i32
      %dma_wait3A_192 = arith.constant 0 : i32
      %dma_wait3A_193 = tpu.memref_slice %arg7[%dma_wait3A_191, %dma_wait3A_192] : memref<2x128xi32, #tpu.memory_space<vmem>> -> memref<1x128xi32, #tpu.memory_space<vmem>>
      %dma_wait3A_194 = tpu.memref_squeeze %dma_wait3A_193 : memref<1x128xi32, #tpu.memory_space<vmem>> -> memref<128xi32, #tpu.memory_space<vmem>>
      %dma_wait3A_195 = arith.constant 0 : i32
      %dma_wait3A_196 = arith.constant 0 : i32
      %dma_wait3A_197 = tpu.memref_slice %arg2[%dma_wait3A_195, %dma_wait3A_196] : memref<10240x128xf32, #tpu.memory_space<hbm>> -> memref<10240x128xf32, #tpu.memory_space<hbm>>
      tpu.wait_indirect_dma semaphore(%arg16 : memref<!tpu.dma_semaphore, #tpu.memory_space<semaphore_mem>>) src(%dma_wait3A_197 : memref<10240x128xf32, #tpu.memory_space<hbm>>) dst(%arg9 : memref<128x128xf32, #tpu.memory_space<vmem>>)
      %dma_start3A_198 = arith.constant 1 : i32
      %dma_start3A_199 = arith.constant 0 : i32
      %dma_start3A_200 = tpu.memref_slice %arg7[%dma_start3A_198, %dma_start3A_199] : memref<2x128xi32, #tpu.memory_space<vmem>> -> memref<1x128xi32, #tpu.memory_space<vmem>>
      %dma_start3A_201 = tpu.memref_squeeze %dma_start3A_200 : memref<1x128xi32, #tpu.memory_space<vmem>> -> memref<128xi32, #tpu.memory_space<vmem>>
      %dma_start3A_202 = arith.constant 0 : i32
      %dma_start3A_203 = arith.constant 0 : i32
      %dma_start3A_204 = tpu.memref_slice %arg11[%dma_start3A_202, %dma_start3A_203] : memref<10240x128xf32, #tpu.memory_space<vmem_shared>> -> memref<10240x128xf32, #tpu.memory_space<vmem_shared>>
      tpu.enqueue_indirect_dma source(%arg9 : memref<128x128xf32, #tpu.memory_space<vmem>>) target(%dma_start3A_204 : memref<10240x128xf32, #tpu.memory_space<vmem_shared>>) offsets(%dma_start3A_201 : memref<128xi32, #tpu.memory_space<vmem>>) semaphore(%arg18 : memref<!tpu.dma_semaphore, #tpu.memory_space<semaphore_mem>>) {add = true}
      %mul3A_205 = arith.constant 4 : i32
      %mul3A_206 = arith.muli %scan3A_84, %mul3A_205 : i32
      %add3A_207 = arith.constant 3 : i32
      %add3A_208 = arith.addi %mul3A_206, %add3A_207 : i32
      %ge3A_209 = arith.constant 2 : i32
      %ge3A_210 = arith.cmpi sge, %add3A_208, %ge3A_209 : i32
      %convert_element_type3A_211 = arith.extui %ge3A_210 : i1 to i32
      %cond3A_212 = arith.constant 0 : i32
      %cond3A_213 = arith.cmpi ne, %convert_element_type3A_211, %cond3A_212 : i32
      scf.if %cond3A_213 {
        %dma_wait3A_246 = arith.constant 1 : i32
        %dma_wait3A_247 = arith.constant 0 : i32
        %dma_wait3A_248 = tpu.memref_slice %arg6[%dma_wait3A_246, %dma_wait3A_247] : memref<2x128xi32, #tpu.memory_space<vmem>> -> memref<1x128xi32, #tpu.memory_space<vmem>>
        %dma_wait3A_249 = tpu.memref_squeeze %dma_wait3A_248 : memref<1x128xi32, #tpu.memory_space<vmem>> -> memref<128xi32, #tpu.memory_space<vmem>>
        %dma_wait3A_250 = arith.constant 0 : i32
        %dma_wait3A_251 = arith.constant 0 : i32
        %dma_wait3A_252 = tpu.memref_slice %arg11[%dma_wait3A_250, %dma_wait3A_251] : memref<10240x128xf32, #tpu.memory_space<vmem_shared>> -> memref<10240x128xf32, #tpu.memory_space<vmem_shared>>
        tpu.wait_indirect_dma semaphore(%arg19 : memref<!tpu.dma_semaphore, #tpu.memory_space<semaphore_mem>>) src(%arg10 : memref<128x128xf32, #tpu.memory_space<vmem>>) dst(%dma_wait3A_252 : memref<10240x128xf32, #tpu.memory_space<vmem_shared>>)
        %add3A_253 = arith.constant 2 : i32
        %add3A_254 = arith.addi %add3A_208, %add3A_253 : i32
        %lt3A = arith.constant 80 : i32
        %lt3A_255 = arith.cmpi slt, %add3A_254, %lt3A : i32
        %convert_element_type3A_256 = arith.extui %lt3A_255 : i1 to i32
        %cond3A_257 = arith.constant 0 : i32
        %cond3A_258 = arith.cmpi ne, %convert_element_type3A_256, %cond3A_257 : i32
        scf.if %cond3A_258 {
          %mul3A_259 = arith.constant 80 : i32
          %mul3A_260 = arith.muli %add3A, %mul3A_259 : i32
          %add3A_261 = arith.addi %mul3A_260, %add3A_208 : i32
          %add3A_262 = arith.constant 2 : i32
          %add3A_263 = arith.addi %add3A_261, %add3A_262 : i32
          %dma_start3A_264 = arith.constant 0 : i32
          %dma_start3A_265 = arith.constant 0 : i32
          %dma_start3A_266 = tpu.memref_slice %arg3[%add3A_263, %dma_start3A_264, %dma_start3A_265] : memref<2560x2x128xi32, #tpu.memory_space<hbm>> -> memref<1x2x128xi32, #tpu.memory_space<hbm>>
          %dma_start3A_267 = tpu.memref_squeeze %dma_start3A_266 : memref<1x2x128xi32, #tpu.memory_space<hbm>> -> memref<2x128xi32, #tpu.memory_space<hbm>>
          %dma_start3A_268 = arith.constant 0 : i32
          %dma_start3A_269 = arith.constant 0 : i32
          %dma_start3A_270 = tpu.memref_slice %arg3[%add3A_263, %dma_start3A_268, %dma_start3A_269] : memref<2560x2x128xi32, #tpu.memory_space<hbm>> -> memref<1x2x128xi32, #tpu.memory_space<hbm>>
          %dma_start3A_271 = tpu.memref_squeeze %dma_start3A_270 : memref<1x2x128xi32, #tpu.memory_space<hbm>> -> memref<2x128xi32, #tpu.memory_space<hbm>>
          tpu.enqueue_dma source(%dma_start3A_271 : memref<2x128xi32, #tpu.memory_space<hbm>>) target(%arg6 : memref<2x128xi32, #tpu.memory_space<vmem>>) target_semaphore(%arg13 : memref<!tpu.dma_semaphore, #tpu.memory_space<semaphore_mem>>)
        } else {
        }
      } else {
      }
      %mul3A_214 = arith.constant 80 : i32
      %mul3A_215 = arith.muli %add3A, %mul3A_214 : i32
      %add3A_216 = arith.addi %mul3A_215, %add3A_208 : i32
      %dma_wait3A_217 = arith.constant 0 : i32
      %dma_wait3A_218 = arith.constant 0 : i32
      %dma_wait3A_219 = tpu.memref_slice %arg3[%add3A_216, %dma_wait3A_217, %dma_wait3A_218] : memref<2560x2x128xi32, #tpu.memory_space<hbm>> -> memref<1x2x128xi32, #tpu.memory_space<hbm>>
      %dma_wait3A_220 = tpu.memref_squeeze %dma_wait3A_219 : memref<1x2x128xi32, #tpu.memory_space<hbm>> -> memref<2x128xi32, #tpu.memory_space<hbm>>
      %dma_wait3A_221 = arith.constant 0 : i32
      %dma_wait3A_222 = arith.constant 0 : i32
      %dma_wait3A_223 = tpu.memref_slice %arg3[%add3A_216, %dma_wait3A_221, %dma_wait3A_222] : memref<2560x2x128xi32, #tpu.memory_space<hbm>> -> memref<1x2x128xi32, #tpu.memory_space<hbm>>
      %dma_wait3A_224 = tpu.memref_squeeze %dma_wait3A_223 : memref<1x2x128xi32, #tpu.memory_space<hbm>> -> memref<2x128xi32, #tpu.memory_space<hbm>>
      tpu.wait_dma2 semaphore(%arg15 : memref<!tpu.dma_semaphore, #tpu.memory_space<semaphore_mem>>) src(%dma_wait3A_224 : memref<2x128xi32, #tpu.memory_space<hbm>>) dst(%arg8 : memref<2x128xi32, #tpu.memory_space<vmem>>)
      %dma_start3A_225 = arith.constant 0 : i32
      %dma_start3A_226 = arith.constant 0 : i32
      %dma_start3A_227 = tpu.memref_slice %arg8[%dma_start3A_225, %dma_start3A_226] : memref<2x128xi32, #tpu.memory_space<vmem>> -> memref<1x128xi32, #tpu.memory_space<vmem>>
      %dma_start3A_228 = tpu.memref_squeeze %dma_start3A_227 : memref<1x128xi32, #tpu.memory_space<vmem>> -> memref<128xi32, #tpu.memory_space<vmem>>
      %dma_start3A_229 = arith.constant 0 : i32
      %dma_start3A_230 = arith.constant 0 : i32
      %dma_start3A_231 = tpu.memref_slice %arg2[%dma_start3A_229, %dma_start3A_230] : memref<10240x128xf32, #tpu.memory_space<hbm>> -> memref<10240x128xf32, #tpu.memory_space<hbm>>
      tpu.enqueue_indirect_dma source(%dma_start3A_231 : memref<10240x128xf32, #tpu.memory_space<hbm>>) target(%arg10 : memref<128x128xf32, #tpu.memory_space<vmem>>) offsets(%dma_start3A_228 : memref<128xi32, #tpu.memory_space<vmem>>) semaphore(%arg17 : memref<!tpu.dma_semaphore, #tpu.memory_space<semaphore_mem>>)
      %dma_wait3A_232 = arith.constant 0 : i32
      %dma_wait3A_233 = arith.constant 0 : i32
      %dma_wait3A_234 = tpu.memref_slice %arg8[%dma_wait3A_232, %dma_wait3A_233] : memref<2x128xi32, #tpu.memory_space<vmem>> -> memref<1x128xi32, #tpu.memory_space<vmem>>
      %dma_wait3A_235 = tpu.memref_squeeze %dma_wait3A_234 : memref<1x128xi32, #tpu.memory_space<vmem>> -> memref<128xi32, #tpu.memory_space<vmem>>
      %dma_wait3A_236 = arith.constant 0 : i32
      %dma_wait3A_237 = arith.constant 0 : i32
      %dma_wait3A_238 = tpu.memref_slice %arg2[%dma_wait3A_236, %dma_wait3A_237] : memref<10240x128xf32, #tpu.memory_space<hbm>> -> memref<10240x128xf32, #tpu.memory_space<hbm>>
      tpu.wait_indirect_dma semaphore(%arg17 : memref<!tpu.dma_semaphore, #tpu.memory_space<semaphore_mem>>) src(%dma_wait3A_238 : memref<10240x128xf32, #tpu.memory_space<hbm>>) dst(%arg10 : memref<128x128xf32, #tpu.memory_space<vmem>>)
      %dma_start3A_239 = arith.constant 1 : i32
      %dma_start3A_240 = arith.constant 0 : i32
      %dma_start3A_241 = tpu.memref_slice %arg8[%dma_start3A_239, %dma_start3A_240] : memref<2x128xi32, #tpu.memory_space<vmem>> -> memref<1x128xi32, #tpu.memory_space<vmem>>
      %dma_start3A_242 = tpu.memref_squeeze %dma_start3A_241 : memref<1x128xi32, #tpu.memory_space<vmem>> -> memref<128xi32, #tpu.memory_space<vmem>>
      %dma_start3A_243 = arith.constant 0 : i32
      %dma_start3A_244 = arith.constant 0 : i32
      %dma_start3A_245 = tpu.memref_slice %arg11[%dma_start3A_243, %dma_start3A_244] : memref<10240x128xf32, #tpu.memory_space<vmem_shared>> -> memref<10240x128xf32, #tpu.memory_space<vmem_shared>>
      tpu.enqueue_indirect_dma source(%arg10 : memref<128x128xf32, #tpu.memory_space<vmem>>) target(%dma_start3A_245 : memref<10240x128xf32, #tpu.memory_space<vmem_shared>>) offsets(%dma_start3A_242 : memref<128xi32, #tpu.memory_space<vmem>>) semaphore(%arg19 : memref<!tpu.dma_semaphore, #tpu.memory_space<semaphore_mem>>) {add = true}
    }
    %scan3A_65 = arith.constant 20 : i32
    %dma_wait3A = arith.constant 1 : i32
    %dma_wait3A_66 = arith.constant 0 : i32
    %dma_wait3A_67 = tpu.memref_slice %arg7[%dma_wait3A, %dma_wait3A_66] : memref<2x128xi32, #tpu.memory_space<vmem>> -> memref<1x128xi32, #tpu.memory_space<vmem>>
    %dma_wait3A_68 = tpu.memref_squeeze %dma_wait3A_67 : memref<1x128xi32, #tpu.memory_space<vmem>> -> memref<128xi32, #tpu.memory_space<vmem>>
    %dma_wait3A_69 = arith.constant 0 : i32
    %dma_wait3A_70 = arith.constant 0 : i32
    %dma_wait3A_71 = tpu.memref_slice %arg11[%dma_wait3A_69, %dma_wait3A_70] : memref<10240x128xf32, #tpu.memory_space<vmem_shared>> -> memref<10240x128xf32, #tpu.memory_space<vmem_shared>>
    tpu.wait_indirect_dma semaphore(%arg18 : memref<!tpu.dma_semaphore, #tpu.memory_space<semaphore_mem>>) src(%arg9 : memref<128x128xf32, #tpu.memory_space<vmem>>) dst(%dma_wait3A_71 : memref<10240x128xf32, #tpu.memory_space<vmem_shared>>)
    %dma_wait3A_72 = arith.constant 1 : i32
    %dma_wait3A_73 = arith.constant 0 : i32
    %dma_wait3A_74 = tpu.memref_slice %arg8[%dma_wait3A_72, %dma_wait3A_73] : memref<2x128xi32, #tpu.memory_space<vmem>> -> memref<1x128xi32, #tpu.memory_space<vmem>>
    %dma_wait3A_75 = tpu.memref_squeeze %dma_wait3A_74 : memref<1x128xi32, #tpu.memory_space<vmem>> -> memref<128xi32, #tpu.memory_space<vmem>>
    %dma_wait3A_76 = arith.constant 0 : i32
    %dma_wait3A_77 = arith.constant 0 : i32
    %dma_wait3A_78 = tpu.memref_slice %arg11[%dma_wait3A_76, %dma_wait3A_77] : memref<10240x128xf32, #tpu.memory_space<vmem_shared>> -> memref<10240x128xf32, #tpu.memory_space<vmem_shared>>
    tpu.wait_indirect_dma semaphore(%arg19 : memref<!tpu.dma_semaphore, #tpu.memory_space<semaphore_mem>>) src(%arg10 : memref<128x128xf32, #tpu.memory_space<vmem>>) dst(%dma_wait3A_78 : memref<10240x128xf32, #tpu.memory_space<vmem_shared>>)
    %barrier3A_79 = arith.constant 0 : index
    tpu.barrier barrier_id(%barrier3A_79)
    %mul3A_80 = arith.constant 640 : i32
    %mul3A_81 = arith.muli %arg1, %mul3A_80 : i32
    %mul3A_82 = arith.constant 640 : i32
    %mul3A_83 = arith.muli %arg1, %mul3A_82 : i32
    "tpu.region"() ({
      %run_scoped3A = tpu.sem_alloc : memref<!tpu.dma_semaphore, #tpu.memory_space<semaphore_mem>>
      %dma_start3A_84 = arith.constant 0 : i32
      %dma_start3A_85 = tpu.memref_slice %arg4[%arg0, %mul3A_83, %dma_start3A_84] : memref<2x10240x128xf32, #tpu.memory_space<hbm>> -> memref<1x640x128xf32, #tpu.memory_space<hbm>>
      %dma_start3A_86 = tpu.memref_squeeze %dma_start3A_85 : memref<1x640x128xf32, #tpu.memory_space<hbm>> -> memref<640x128xf32, #tpu.memory_space<hbm>>
      %dma_start3A_87 = arith.constant 0 : i32
      %dma_start3A_88 = tpu.memref_slice %arg11[%mul3A_81, %dma_start3A_87] : memref<10240x128xf32, #tpu.memory_space<vmem_shared>> -> memref<640x128xf32, #tpu.memory_space<vmem_shared>>
      tpu.enqueue_dma source(%dma_start3A_88 : memref<640x128xf32, #tpu.memory_space<vmem_shared>>) target(%dma_start3A_86 : memref<640x128xf32, #tpu.memory_space<hbm>>) target_semaphore(%run_scoped3A : memref<!tpu.dma_semaphore, #tpu.memory_space<semaphore_mem>>)
      %dma_wait3A_89 = arith.constant 0 : i32
      %dma_wait3A_90 = tpu.memref_slice %arg4[%arg0, %mul3A_83, %dma_wait3A_89] : memref<2x10240x128xf32, #tpu.memory_space<hbm>> -> memref<1x640x128xf32, #tpu.memory_space<hbm>>
      %dma_wait3A_91 = tpu.memref_squeeze %dma_wait3A_90 : memref<1x640x128xf32, #tpu.memory_space<hbm>> -> memref<640x128xf32, #tpu.memory_space<hbm>>
      %dma_wait3A_92 = arith.constant 0 : i32
      %dma_wait3A_93 = tpu.memref_slice %arg11[%mul3A_81, %dma_wait3A_92] : memref<10240x128xf32, #tpu.memory_space<vmem_shared>> -> memref<640x128xf32, #tpu.memory_space<vmem_shared>>
      tpu.wait_dma2 semaphore(%run_scoped3A : memref<!tpu.dma_semaphore, #tpu.memory_space<semaphore_mem>>) src(%dma_wait3A_93 : memref<640x128xf32, #tpu.memory_space<vmem_shared>>) dst(%dma_wait3A_91 : memref<640x128xf32, #tpu.memory_space<hbm>>)
      tpu.yield
    }) : () -> ()
    return
  }
}

module attributes {stable_mosaic.version = 14 : i64} {
  func.func @_tc_mid_body(%arg0: i32, %arg1: memref<2x512x128xf32, #tpu.memory_space<vmem>>, %arg2: memref<512x128xf32, #tpu.memory_space<vmem>>, %arg3: memref<2x512x128xf32, #tpu.memory_space<vmem>>, %arg4: memref<1x128xf32, #tpu.memory_space<vmem>>, %arg5: memref<128x128xf32, #tpu.memory_space<vmem>>, %arg6: memref<512x128xf32, #tpu.memory_space<vmem>>, %arg7: memref<512x128xf32, #tpu.memory_space<vmem>>) attributes {dimension_semantics = [#tpu.dimension_semantics<arbitrary>], iteration_bounds = array<i64: 20>, scalar_prefetch = 0 : i64, scratch_operands = 0 : i64, tpu.core_type = #tpu.core_type<tc>, window_params = [{transform_indices = @transform_0, window_bounds = array<i64: 2, 512, 128>}, {transform_indices = @transform_1, window_bounds = array<i64: 512, 128>}, {transform_indices = @transform_2, window_bounds = array<i64: 2, 512, 128>}, {pipeline_mode = #tpu.pipeline_mode<synchronous>, transform_indices = @transform_3, window_bounds = array<i64: 1, 128>}, {pipeline_mode = #tpu.pipeline_mode<synchronous>, transform_indices = @transform_4, window_bounds = array<i64: 128, 128>}, {transform_indices = @transform_5, window_bounds = array<i64: 512, 128>}, {transform_indices = @transform_6, window_bounds = array<i64: 512, 128>}]} {
    %get3A = arith.constant 0 : index
    %get3A_0 = arith.constant 0 : index
    %get3A_1 = arith.constant 0 : index
    %get3A_2 = vector.load %arg3[%get3A, %get3A_0, %get3A_1] : memref<2x512x128xf32, #tpu.memory_space<vmem>>, vector<1x512x1xf32>
    %get3A_3 = vector.shape_cast %get3A_2 : vector<1x512x1xf32> to vector<512x1xf32>
    %add3A = arith.constant 1.000000e+00 : f32
    %add3A_4 = vector.broadcast %add3A : f32 to vector<512x1xf32>
    %add3A_5 = arith.addf %add3A_4, %get3A_3 : vector<512x1xf32>
    %get3A_6 = arith.constant 1 : index
    %get3A_7 = arith.constant 0 : index
    %get3A_8 = arith.constant 0 : index
    %get3A_9 = vector.load %arg3[%get3A_6, %get3A_7, %get3A_8] : memref<2x512x128xf32, #tpu.memory_space<vmem>>, vector<1x512x1xf32>
    %get3A_10 = vector.shape_cast %get3A_9 : vector<1x512x1xf32> to vector<512x1xf32>
    %add3A_11 = arith.addf %add3A_5, %get3A_10 : vector<512x1xf32>
    %rsqrt3A = math.rsqrt %add3A_11 : vector<512x1xf32>
    %get3A_12 = arith.constant 0 : index
    %get3A_13 = arith.constant 0 : index
    %get3A_14 = vector.load %arg2[%get3A_12, %get3A_13] : memref<512x128xf32, #tpu.memory_space<vmem>>, vector<512x128xf32>
    %get3A_15 = arith.constant 0 : index
    %get3A_16 = arith.constant 0 : index
    %get3A_17 = arith.constant 0 : index
    %get3A_18 = vector.load %arg1[%get3A_15, %get3A_16, %get3A_17] : memref<2x512x128xf32, #tpu.memory_space<vmem>>, vector<1x512x128xf32>
    %get3A_19 = vector.shape_cast %get3A_18 : vector<1x512x128xf32> to vector<512x128xf32>
    %get3A_20 = arith.constant 1 : index
    %get3A_21 = arith.constant 0 : index
    %get3A_22 = arith.constant 0 : index
    %get3A_23 = vector.load %arg1[%get3A_20, %get3A_21, %get3A_22] : memref<2x512x128xf32, #tpu.memory_space<vmem>>, vector<1x512x128xf32>
    %get3A_24 = vector.shape_cast %get3A_23 : vector<1x512x128xf32> to vector<512x128xf32>
    %add3A_25 = arith.addf %get3A_19, %get3A_24 : vector<512x128xf32>
    %mul3A = vector.broadcast %rsqrt3A : vector<512x1xf32> to vector<512x128xf32>
    %mul3A_26 = arith.mulf %mul3A, %add3A_25 : vector<512x128xf32>
    %mul3A_27 = arith.mulf %rsqrt3A, %rsqrt3A : vector<512x1xf32>
    %mul3A_28 = vector.broadcast %mul3A_27 : vector<512x1xf32> to vector<512x128xf32>
    %mul3A_29 = arith.mulf %mul3A_28, %get3A_14 : vector<512x128xf32>
    %add3A_30 = arith.addf %mul3A_26, %mul3A_29 : vector<512x128xf32>
    %get3A_31 = arith.constant 0 : index
    %get3A_32 = arith.constant 0 : index
    %get3A_33 = vector.load %arg4[%get3A_31, %get3A_32] : memref<1x128xf32, #tpu.memory_space<vmem>>, vector<1x128xf32>
    %add3A_34 = vector.broadcast %get3A_33 : vector<1x128xf32> to vector<512x128xf32>
    %add3A_35 = arith.addf %add3A_30, %add3A_34 : vector<512x128xf32>
    %ge3A = arith.constant 0.000000e+00 : f32
    %ge3A_36 = vector.broadcast %ge3A : f32 to vector<512x128xf32>
    %ge3A_37 = arith.cmpf oge, %add3A_35, %ge3A_36 : vector<512x128xf32>
    %mul3A_38 = arith.constant 0.00999999977 : f32
    %mul3A_39 = vector.broadcast %mul3A_38 : f32 to vector<512x128xf32>
    %mul3A_40 = arith.mulf %mul3A_39, %add3A_35 : vector<512x128xf32>
    %select_n3A = arith.select %ge3A_37, %add3A_35, %mul3A_40 : vector<512x128xi1>, vector<512x128xf32>
    %get3A_41 = arith.constant 0 : index
    %get3A_42 = arith.constant 0 : index
    %get3A_43 = vector.load %arg5[%get3A_41, %get3A_42] : memref<128x128xf32, #tpu.memory_space<vmem>>, vector<128x128xf32>
    %dot_general3A = arith.constant dense<0.000000e+00> : vector<512x128xf32>
    %dot_general3A_44 = tpu.matmul %select_n3A, %get3A_43, %dot_general3A {dimension_numbers = #tpu.dot_dimension_numbers<[1], [0], [0], [1], [0, 0, 1, 1], [], []>, transpose_lhs_hint = false} : vector<512x128xf32>, vector<128x128xf32>, vector<512x128xf32> -> vector<512x128xf32>
    %swap3A = arith.constant 0 : index
    %swap3A_45 = arith.constant 0 : index
    %swap3A_46 = vector.load %arg6[%swap3A, %swap3A_45] : memref<512x128xf32, #tpu.memory_space<vmem>>, vector<512x128xf32>
    tpu.vector_store %arg6[%swap3A, %swap3A_45], %dot_general3A_44 {strides = array<i32>} : memref<512x128xf32, #tpu.memory_space<vmem>>, vector<512x128xf32>,
    %mul3A_47 = vector.broadcast %rsqrt3A : vector<512x1xf32> to vector<512x128xf32>
    %mul3A_48 = arith.mulf %dot_general3A_44, %mul3A_47 : vector<512x128xf32>
    %swap3A_49 = arith.constant 0 : index
    %swap3A_50 = arith.constant 0 : index
    %swap3A_51 = vector.load %arg7[%swap3A_49, %swap3A_50] : memref<512x128xf32, #tpu.memory_space<vmem>>, vector<512x128xf32>
    tpu.vector_store %arg7[%swap3A_49, %swap3A_50], %mul3A_48 {strides = array<i32>} : memref<512x128xf32, #tpu.memory_space<vmem>>, vector<512x128xf32>,
    return
  }
  func.func @transform_0(%arg0: i32) -> (i32, i32, i32) {
    %c0_i32 = arith.constant 0 : i32
    %c0_i32_0 = arith.constant 0 : i32
    %c0_i32_1 = arith.constant 0 : i32
    return %c0_i32, %arg0, %c0_i32_0 : i32, i32, i32
  }
  func.func @transform_1(%arg0: i32) -> (i32, i32) {
    %c0_i32 = arith.constant 0 : i32
    %c0_i32_0 = arith.constant 0 : i32
    return %arg0, %c0_i32 : i32, i32
  }
  func.func @transform_2(%arg0: i32) -> (i32, i32, i32) {
    %c0_i32 = arith.constant 0 : i32
    %c0_i32_0 = arith.constant 0 : i32
    %c0_i32_1 = arith.constant 0 : i32
    return %c0_i32, %arg0, %c0_i32_0 : i32, i32, i32
  }
  func.func @transform_3(%arg0: i32) -> (i32, i32) {
    %c0_i32 = arith.constant 0 : i32
    %c0_i32_0 = arith.constant 0 : i32
    %c0_i32_1 = arith.constant 0 : i32
    return %c0_i32, %c0_i32_0 : i32, i32
  }
  func.func @transform_4(%arg0: i32) -> (i32, i32) {
    %c0_i32 = arith.constant 0 : i32
    %c0_i32_0 = arith.constant 0 : i32
    %c0_i32_1 = arith.constant 0 : i32
    return %c0_i32, %c0_i32_0 : i32, i32
  }
  func.func @transform_5(%arg0: i32) -> (i32, i32) {
    %c0_i32 = arith.constant 0 : i32
    %c0_i32_0 = arith.constant 0 : i32
    return %arg0, %c0_i32 : i32, i32
  }
  func.func @transform_6(%arg0: i32) -> (i32, i32) {
    %c0_i32 = arith.constant 0 : i32
    %c0_i32_0 = arith.constant 0 : i32
    return %arg0, %c0_i32 : i32, i32
  }
}

module attributes {stable_mosaic.version = 14 : i64} {
  func.func @_tc_pre_body(%arg0: i32, %arg1: memref<512x128xf32, #tpu.memory_space<vmem>>, %arg2: memref<128x128xf32, #tpu.memory_space<vmem>>, %arg3: memref<2x512x128xf32, #tpu.memory_space<vmem>>, %arg4: memref<512x128xf32, #tpu.memory_space<vmem>>, %arg5: memref<512x128xf32, #tpu.memory_space<vmem>>) attributes {dimension_semantics = [#tpu.dimension_semantics<arbitrary>], iteration_bounds = array<i64: 20>, scalar_prefetch = 0 : i64, scratch_operands = 0 : i64, tpu.core_type = #tpu.core_type<tc>, window_params = [{transform_indices = @transform_0, window_bounds = array<i64: 512, 128>}, {pipeline_mode = #tpu.pipeline_mode<synchronous>, transform_indices = @transform_1, window_bounds = array<i64: 128, 128>}, {transform_indices = @transform_2, window_bounds = array<i64: 2, 512, 128>}, {transform_indices = @transform_3, window_bounds = array<i64: 512, 128>}, {transform_indices = @transform_4, window_bounds = array<i64: 512, 128>}]} {
    %get3A = arith.constant 0 : index
    %get3A_0 = arith.constant 0 : index
    %get3A_1 = vector.load %arg1[%get3A, %get3A_0] : memref<512x128xf32, #tpu.memory_space<vmem>>, vector<512x128xf32>
    %get3A_2 = arith.constant 0 : index
    %get3A_3 = arith.constant 0 : index
    %get3A_4 = vector.load %arg2[%get3A_2, %get3A_3] : memref<128x128xf32, #tpu.memory_space<vmem>>, vector<128x128xf32>
    %dot_general3A = arith.constant dense<0.000000e+00> : vector<512x128xf32>
    %dot_general3A_5 = tpu.matmul %get3A_1, %get3A_4, %dot_general3A {dimension_numbers = #tpu.dot_dimension_numbers<[1], [0], [0], [1], [0, 0, 1, 1], [], []>, transpose_lhs_hint = false} : vector<512x128xf32>, vector<128x128xf32>, vector<512x128xf32> -> vector<512x128xf32>
    %get3A_6 = arith.constant 0 : index
    %get3A_7 = arith.constant 0 : index
    %get3A_8 = arith.constant 0 : index
    %get3A_9 = vector.load %arg3[%get3A_6, %get3A_7, %get3A_8] : memref<2x512x128xf32, #tpu.memory_space<vmem>>, vector<1x512x1xf32>
    %get3A_10 = vector.shape_cast %get3A_9 : vector<1x512x1xf32> to vector<512x1xf32>
    %add3A = arith.constant 1.000000e+00 : f32
    %add3A_11 = vector.broadcast %add3A : f32 to vector<512x1xf32>
    %add3A_12 = arith.addf %add3A_11, %get3A_10 : vector<512x1xf32>
    %get3A_13 = arith.constant 1 : index
    %get3A_14 = arith.constant 0 : index
    %get3A_15 = arith.constant 0 : index
    %get3A_16 = vector.load %arg3[%get3A_13, %get3A_14, %get3A_15] : memref<2x512x128xf32, #tpu.memory_space<vmem>>, vector<1x512x1xf32>
    %get3A_17 = vector.shape_cast %get3A_16 : vector<1x512x1xf32> to vector<512x1xf32>
    %add3A_18 = arith.addf %add3A_12, %get3A_17 : vector<512x1xf32>
    %rsqrt3A = math.rsqrt %add3A_18 : vector<512x1xf32>
    %swap3A = arith.constant 0 : index
    %swap3A_19 = arith.constant 0 : index
    %swap3A_20 = vector.load %arg4[%swap3A, %swap3A_19] : memref<512x128xf32, #tpu.memory_space<vmem>>, vector<512x128xf32>
    tpu.vector_store %arg4[%swap3A, %swap3A_19], %dot_general3A_5 {strides = array<i32>} : memref<512x128xf32, #tpu.memory_space<vmem>>, vector<512x128xf32>,
    %mul3A = vector.broadcast %rsqrt3A : vector<512x1xf32> to vector<512x128xf32>
    %mul3A_21 = arith.mulf %dot_general3A_5, %mul3A : vector<512x128xf32>
    %swap3A_22 = arith.constant 0 : index
    %swap3A_23 = arith.constant 0 : index
    %swap3A_24 = vector.load %arg5[%swap3A_22, %swap3A_23] : memref<512x128xf32, #tpu.memory_space<vmem>>, vector<512x128xf32>
    tpu.vector_store %arg5[%swap3A_22, %swap3A_23], %mul3A_21 {strides = array<i32>} : memref<512x128xf32, #tpu.memory_space<vmem>>, vector<512x128xf32>,
    return
  }
  func.func @transform_0(%arg0: i32) -> (i32, i32) {
    %c0_i32 = arith.constant 0 : i32
    %c0_i32_0 = arith.constant 0 : i32
    return %arg0, %c0_i32 : i32, i32
  }
  func.func @transform_1(%arg0: i32) -> (i32, i32) {
    %c0_i32 = arith.constant 0 : i32
    %c0_i32_0 = arith.constant 0 : i32
    %c0_i32_1 = arith.constant 0 : i32
    return %c0_i32, %c0_i32_0 : i32, i32
  }
  func.func @transform_2(%arg0: i32) -> (i32, i32, i32) {
    %c0_i32 = arith.constant 0 : i32
    %c0_i32_0 = arith.constant 0 : i32
    %c0_i32_1 = arith.constant 0 : i32
    return %c0_i32, %arg0, %c0_i32_0 : i32, i32, i32
  }
  func.func @transform_3(%arg0: i32) -> (i32, i32) {
    %c0_i32 = arith.constant 0 : i32
    %c0_i32_0 = arith.constant 0 : i32
    return %arg0, %c0_i32 : i32, i32
  }
  func.func @transform_4(%arg0: i32) -> (i32, i32) {
    %c0_i32 = arith.constant 0 : i32
    %c0_i32_0 = arith.constant 0 : i32
    return %arg0, %c0_i32 : i32, i32
  }
}

module attributes {stable_mosaic.version = 14 : i64} {
  func.func @_tc_post_body(%arg0: i32, %arg1: memref<2x512x128xf32, #tpu.memory_space<vmem>>, %arg2: memref<512x128xf32, #tpu.memory_space<vmem>>, %arg3: memref<2x512x128xf32, #tpu.memory_space<vmem>>, %arg4: memref<1x128xf32, #tpu.memory_space<vmem>>, %arg5: memref<512x128xf32, #tpu.memory_space<vmem>>) attributes {dimension_semantics = [#tpu.dimension_semantics<arbitrary>], iteration_bounds = array<i64: 20>, scalar_prefetch = 0 : i64, scratch_operands = 0 : i64, tpu.core_type = #tpu.core_type<tc>, window_params = [{transform_indices = @transform_0, window_bounds = array<i64: 2, 512, 128>}, {transform_indices = @transform_1, window_bounds = array<i64: 512, 128>}, {transform_indices = @transform_2, window_bounds = array<i64: 2, 512, 128>}, {pipeline_mode = #tpu.pipeline_mode<synchronous>, transform_indices = @transform_3, window_bounds = array<i64: 1, 128>}, {transform_indices = @transform_4, window_bounds = array<i64: 512, 128>}]} {
    %get3A = arith.constant 0 : index
    %get3A_0 = arith.constant 0 : index
    %get3A_1 = arith.constant 0 : index
    %get3A_2 = vector.load %arg3[%get3A, %get3A_0, %get3A_1] : memref<2x512x128xf32, #tpu.memory_space<vmem>>, vector<1x512x1xf32>
    %get3A_3 = vector.shape_cast %get3A_2 : vector<1x512x1xf32> to vector<512x1xf32>
    %add3A = arith.constant 1.000000e+00 : f32
    %add3A_4 = vector.broadcast %add3A : f32 to vector<512x1xf32>
    %add3A_5 = arith.addf %add3A_4, %get3A_3 : vector<512x1xf32>
    %get3A_6 = arith.constant 1 : index
    %get3A_7 = arith.constant 0 : index
    %get3A_8 = arith.constant 0 : index
    %get3A_9 = vector.load %arg3[%get3A_6, %get3A_7, %get3A_8] : memref<2x512x128xf32, #tpu.memory_space<vmem>>, vector<1x512x1xf32>
    %get3A_10 = vector.shape_cast %get3A_9 : vector<1x512x1xf32> to vector<512x1xf32>
    %add3A_11 = arith.addf %add3A_5, %get3A_10 : vector<512x1xf32>
    %rsqrt3A = math.rsqrt %add3A_11 : vector<512x1xf32>
    %get3A_12 = arith.constant 0 : index
    %get3A_13 = arith.constant 0 : index
    %get3A_14 = vector.load %arg2[%get3A_12, %get3A_13] : memref<512x128xf32, #tpu.memory_space<vmem>>, vector<512x128xf32>
    %get3A_15 = arith.constant 0 : index
    %get3A_16 = arith.constant 0 : index
    %get3A_17 = arith.constant 0 : index
    %get3A_18 = vector.load %arg1[%get3A_15, %get3A_16, %get3A_17] : memref<2x512x128xf32, #tpu.memory_space<vmem>>, vector<1x512x128xf32>
    %get3A_19 = vector.shape_cast %get3A_18 : vector<1x512x128xf32> to vector<512x128xf32>
    %get3A_20 = arith.constant 1 : index
    %get3A_21 = arith.constant 0 : index
    %get3A_22 = arith.constant 0 : index
    %get3A_23 = vector.load %arg1[%get3A_20, %get3A_21, %get3A_22] : memref<2x512x128xf32, #tpu.memory_space<vmem>>, vector<1x512x128xf32>
    %get3A_24 = vector.shape_cast %get3A_23 : vector<1x512x128xf32> to vector<512x128xf32>
    %add3A_25 = arith.addf %get3A_19, %get3A_24 : vector<512x128xf32>
    %mul3A = vector.broadcast %rsqrt3A : vector<512x1xf32> to vector<512x128xf32>
    %mul3A_26 = arith.mulf %mul3A, %add3A_25 : vector<512x128xf32>
    %mul3A_27 = arith.mulf %rsqrt3A, %rsqrt3A : vector<512x1xf32>
    %mul3A_28 = vector.broadcast %mul3A_27 : vector<512x1xf32> to vector<512x128xf32>
    %mul3A_29 = arith.mulf %mul3A_28, %get3A_14 : vector<512x128xf32>
    %add3A_30 = arith.addf %mul3A_26, %mul3A_29 : vector<512x128xf32>
    %get3A_31 = arith.constant 0 : index
    %get3A_32 = arith.constant 0 : index
    %get3A_33 = vector.load %arg4[%get3A_31, %get3A_32] : memref<1x128xf32, #tpu.memory_space<vmem>>, vector<1x128xf32>
    %add3A_34 = vector.broadcast %get3A_33 : vector<1x128xf32> to vector<512x128xf32>
    %add3A_35 = arith.addf %add3A_30, %add3A_34 : vector<512x128xf32>
    %ge3A = arith.constant 0.000000e+00 : f32
    %ge3A_36 = vector.broadcast %ge3A : f32 to vector<512x128xf32>
    %ge3A_37 = arith.cmpf oge, %add3A_35, %ge3A_36 : vector<512x128xf32>
    %mul3A_38 = arith.constant 0.00999999977 : f32
    %mul3A_39 = vector.broadcast %mul3A_38 : f32 to vector<512x128xf32>
    %mul3A_40 = arith.mulf %mul3A_39, %add3A_35 : vector<512x128xf32>
    %select_n3A = arith.select %ge3A_37, %add3A_35, %mul3A_40 : vector<512x128xi1>, vector<512x128xf32>
    %swap3A = arith.constant 0 : index
    %swap3A_41 = arith.constant 0 : index
    %swap3A_42 = vector.load %arg5[%swap3A, %swap3A_41] : memref<512x128xf32, #tpu.memory_space<vmem>>, vector<512x128xf32>
    tpu.vector_store %arg5[%swap3A, %swap3A_41], %select_n3A {strides = array<i32>} : memref<512x128xf32, #tpu.memory_space<vmem>>, vector<512x128xf32>,
    return
  }
  func.func @transform_0(%arg0: i32) -> (i32, i32, i32) {
    %c0_i32 = arith.constant 0 : i32
    %c0_i32_0 = arith.constant 0 : i32
    %c0_i32_1 = arith.constant 0 : i32
    return %c0_i32, %arg0, %c0_i32_0 : i32, i32, i32
  }
  func.func @transform_1(%arg0: i32) -> (i32, i32) {
    %c0_i32 = arith.constant 0 : i32
    %c0_i32_0 = arith.constant 0 : i32
    return %arg0, %c0_i32 : i32, i32
  }
  func.func @transform_2(%arg0: i32) -> (i32, i32, i32) {
    %c0_i32 = arith.constant 0 : i32
    %c0_i32_0 = arith.constant 0 : i32
    %c0_i32_1 = arith.constant 0 : i32
    return %c0_i32, %arg0, %c0_i32_0 : i32, i32, i32
  }
  func.func @transform_3(%arg0: i32) -> (i32, i32) {
    %c0_i32 = arith.constant 0 : i32
    %c0_i32_0 = arith.constant 0 : i32
    %c0_i32_1 = arith.constant 0 : i32
    return %c0_i32, %c0_i32_0 : i32, i32
  }
  func.func @transform_4(%arg0: i32) -> (i32, i32) {
    %c0_i32 = arith.constant 0 : i32
    %c0_i32_0 = arith.constant 0 : i32
    return %arg0, %c0_i32 : i32, i32
  }
}

</mosaic_0001>

<sc_bundles>
// kernel: kernel.10.cloned.1.call-start
scs
__scs_entry_jumppad:
0x0: {  	(pc) =	sbr.rel $0x88, $3  }
0x1: {  	(tag) =	ssettag $0x0;
	lr =	simm.s32 $0x1  }
0x2: {  	[smem:$0x3F99] =	sst lr;
	_ =	strace $0xD0000000  }
0x3: {  	_ = 	snop  }
0x4: {  	_ = 	snop  }
0x5: {  	_ = 	snop  }
0x6: {  	_ = 	snop  }
0x7: {  	_ = 	snop  }
__scs_overlays_trampoline_lowered:
0x8: {  	[smem:$0x3FA8] =	sst s0  }
0x9: {  	[smem:$0x3FA9] =	sst s1  }
0xa: {  	[smem:$0x3FAA] =	sst s2  }
0xb: {  	[smem:$0x3FAB] =	sst s3  }
0xc: {  	[smem:$0x3FAC] =	sst s4  }
0xd: {  	[smem:$0x3FAD] =	sst s5  }
0xe: {  	[smem:$0x3FAE] =	sst s6  }
0xf: {  	[smem:$0x3FAF] =	sst s7  }
0x10: {  	[smem:$0x3FB0] =	sst s8  }
0x11: {  	[smem:$0x3FB1] =	sst s9;
	s0 =	simm.s32 @!p0 $0x0  }
0x12: {  	s1 =	sld [smem:$0x3F97];
	s0 =	simm.s32 @p0 $0x1  }
0x13: {  	[smem:$0x3FB2] =	sst s0;
	s0 =	simm.s32 @!p1 $0x0  }
0x14: {  	s2 =	sld [smem:$0x3F96];
	s0 =	simm.s32 @p1 $0x1  }
0x15: {  	[smem:$0x3FB3] =	sst s0;
	s0 =	simm.s32 @!p2 $0x0  }
0x16: {  	s3 =	sld [smem:$0x3FDB];
	s0 =	simm.s32 @p2 $0x1  }
0x17: {  	s4 =	simm.s32 $0x1BF5;
	[smem:$0x3FB5] =	sst s0  }
0x18: {  	s0 =	sld [smem:$0x3F98];
	_ =	swait.ge [sflag:s4], $0x0  }
0x19: {  	s7 =	sld [smem:$0x3F99]  }
0x1a: {  	s8 =	sadd.s32 $0xFFFFE003, lr  }
0x1b: {  	s9 =	sadd.s32 $0xFFFFFEF7, lr;
	s5 =	simm.s32 $0xFFFFFFFF;
	p2 =	slt.u32 s8, $0xFFFFF086  }
0x1c: {  	p1 =	slt.u32 s9, $0xF7A;
	s5 =	simm.s32 @!p2 $0x0  }
0x1d: {  	s5 =	simm.s32 @p1 $0x1;
	p0 =	seq.s32 s7, s2  }
0x1e: {  	s7 =	smul.u32 @!p0 $0xF7A, s2;
	p2 =	seq.s32 @!p0 s5, $0x0  }
0x1f: {  	s9 =	smul.u32 $0xF7A, s1;
	s8 =	simm.s32 @!p0 $0x1BF5;
	p2 =	por !p2, p0  }
0x20: {  	[sflag:s8] =	ssyncset.s32 @!p0 $0xFFFFF086;
	s6 =	sadd.s32 @!p0 s3, s7;
	s7 =	simm.s32 @!p0 $0x108  }
0x21: {  	s3 =	sadd.s32 s3, s9;
	s6 =	sadd.s32 @!p0 $0x88, s6;
	s7 =	simm.s32 @p2 $0x1082  }
0x22: {  	[simem:s7], [sflag:s8] =	dma.local @!p0 [hbm:s6], $0xF7A  }
0x23: {  	s9 =	sor.u32 $0xD0000000, s2;
	s6 =	simm.s32 $0x108;
	_ =	swait.ge @!p0 [sflag:s8], $0x0  }
0x24: {  	s3 =	sadd.s32 $0x88, s3;
	s6 =	simm.s32 @!p1 $0x1082;
	[sflag:s4] =	ssyncset.s32 $0xFFFFF086  }
0x25: {  	[simem:s6], [sflag:s4] =	dma.local [hbm:s3], $0xF7A  }
0x26: {  	[smem:$0x3F99] =	sst s1;
	(tag) =	ssettag s2;
	_ =	strace s9  }
0x27: {  	s1 =	sld [smem:$0x3FA9]  }
0x28: {  	s2 =	sld [smem:$0x3FAA]  }
0x29: {  	s4 =	sld [smem:$0x3FAC]  }
0x2a: {  	p0 =	seq.s32 s5, $0x0;
	s5 =	sld [smem:$0x3FAD]  }
0x2b: {  	s6 =	sld [smem:$0x3FAE]  }
0x2c: {  	s7 =	sld [smem:$0x3FAF]  }
0x2d: {  	s3 =	simm.s32 $0x108;
	s8 =	sld [smem:$0x3FB0]  }
0x2e: {  	s3 =	simm.s32 @!p0 $0x1082;
	s9 =	sld [smem:$0x3FB1]  }
0x2f: {  	lr =	sadd.s32 s0, s3;
	s0 =	sld [smem:$0x3FA8]  }
0x30: {  	s3 =	sld [smem:$0x3FAB]  }
0x31: {  	[smem:$0x3FB4] =	sst s10  }
0x32: {  	s10 =	sld [smem:$0x3FB2];
	_ =	sdelay $0x3  }
0x33: {  	p0 =	seq.s32 s10, $0x1;
	s10 =	sld [smem:$0x3FB4];
	_ =	sdelay $0x3  }
0x34: {  	[smem:$0x3FB4] =	sst s10  }
0x35: {  	s10 =	sld [smem:$0x3FB3];
	_ =	sdelay $0x3  }
0x36: {  	p1 =	seq.s32 s10, $0x1;
	s10 =	sld [smem:$0x3FB4];
	_ =	sdelay $0x3  }
0x37: {  	[smem:$0x3FB4] =	sst s10  }
0x38: {  	s10 =	sld [smem:$0x3FB5]  }
0x39: {  	_ = 	snop;
	(pc) =	sbr.ind lr, $3  }
0x3a: {  	_ = 	snop  }
0x3b: {  	_ = 	snop  }
0x3c: {  	p2 =	seq.s32 s10, $0x1;
	s10 =	sld [smem:$0x3FB4]  }
0x3d: {  	_ =	shalt  }
0x3e: {  	_ =	shalt  }
0x3f: {  	_ =	shalt  }
0x40: {  	_ =	shalt  }
0x41: {  	_ =	shalt  }
0x42: {  	_ =	shalt  }
0x43: {  	_ =	shalt  }
0x44: {  	_ =	shalt  }
0x45: {  	_ =	shalt  }
0x46: {  	_ =	shalt  }
0x47: {  	_ =	shalt  }
0x48: {  	_ =	shalt  }
0x49: {  	_ =	shalt  }
0x4a: {  	_ =	shalt  }
0x4b: {  	_ =	shalt  }
0x4c: {  	_ =	shalt  }
0x4d: {  	_ =	shalt  }
0x4e: {  	_ =	shalt  }
0x4f: {  	_ =	shalt  }
0x50: {  	_ =	shalt  }
0x51: {  	_ =	shalt  }
0x52: {  	_ =	shalt  }
0x53: {  	_ =	shalt  }
0x54: {  	_ =	shalt  }
0x55: {  	_ =	shalt  }
0x56: {  	_ =	shalt  }
0x57: {  	_ =	shalt  }
0x58: {  	_ =	shalt  }
0x59: {  	_ =	shalt  }
0x5a: {  	_ =	shalt  }
0x5b: {  	_ =	shalt  }
0x5c: {  	_ =	shalt  }
0x5d: {  	_ =	shalt  }
0x5e: {  	_ =	shalt  }
0x5f: {  	_ =	shalt  }
0x60: {  	_ =	shalt  }
0x61: {  	_ =	shalt  }
0x62: {  	_ =	shalt  }
0x63: {  	_ =	shalt  }
0x64: {  	_ =	shalt  }
0x65: {  	_ =	shalt  }
0x66: {  	_ =	shalt  }
0x67: {  	_ =	shalt  }
0x68: {  	_ =	shalt  }
0x69: {  	_ =	shalt  }
0x6a: {  	_ =	shalt  }
0x6b: {  	_ =	shalt  }
0x6c: {  	_ =	shalt  }
0x6d: {  	_ =	shalt  }
0x6e: {  	_ =	shalt  }
0x6f: {  	_ =	shalt  }
0x70: {  	_ =	shalt  }
0x71: {  	_ =	shalt  }
0x72: {  	_ =	shalt  }
0x73: {  	_ =	shalt  }
0x74: {  	_ =	shalt  }
0x75: {  	_ =	shalt  }
0x76: {  	_ =	shalt  }
0x77: {  	_ =	shalt  }
0x78: {  	_ =	shalt  }
0x79: {  	_ =	shalt  }
0x7a: {  	_ =	shalt  }
0x7b: {  	_ =	shalt  }
0x7c: {  	_ =	shalt  }
0x7d: {  	_ =	shalt  }
0x7e: {  	_ =	shalt  }
0x7f: {  	_ =	shalt  }
0x80: {  	_ =	shalt  }
0x81: {  	_ =	shalt  }
0x82: {  	_ =	shalt  }
0x83: {  	_ =	shalt  }
0x84: {  	_ =	shalt  }
0x85: {  	_ =	shalt  }
0x86: {  	_ =	shalt  }
0x87: {  	_ =	shalt  }
.Lfunc_end0:
.L_simem_size_0:
called_computation_lowered:
.L_overlay_start_0:
0x88: {  	s2 =	sld [smem:$0x3FD9]  }
0x89: {  	s3 =	sld [smem:$0x3FFE];
	_ =	sdelay $0x1  }
0x8a: {  	s1 =	srdreg.scid  }
0x8b: {  	s0 =	sand.u32 $0x1, s1  }
0x8c: {  	s16 =	sshll.u32 s0, $0xA;
	s2 =	sadd.s32 s3, s2  }
0x8d: {  	s2 =	sadd.s32 s2, s16  }
0x8e: {  	[smem:$0x3FC0] =	sst s2  }
0x8f: {  	_ = 	snop  }
0x90: {  	(tm) =	ssettm $0x1  }
0x91: {  	s17 =	sld [smem:$0x3FFB];
	_ =	sdelay $0x3  }
0x92: {  	_ =	strace s17  }
0x93: {  	s2 =	sld [smem:$0x3FFC];
	_ =	sdelay $0x3  }
0x94: {  	_ =	strace s2  }
0x95: {  	s2 =	sld [smem:$0x3FFD];
	_ =	sdelay $0x3  }
0x96: {  	_ =	strace s2  }
0x97: {  	_ =	strace $0x8FFFFFFF  }
0x98: {  	s18 =	sld [smem:$0x3FDB];
	_ =	sdelay $0x1  }
0x99: {  	s19 =	simm.s32 $_scs_section_size  }
0x9a: {  	s4 =	simm.s32 $_size__tile_overlayer_lowered;
	s5 =	simm.s32 $_tile_overlayer_lowered  }
0x9b: {  	s22 =	simm.s32 $0x1BFF;
	s21 =	sshll.u32 s5, $0x1;
	s2 =	sadd.s32 s19, s18  }
0x9c: {  	s6 =	simm.s32 $0x0;
	s20 =	sshll.u32 s4, $0x1;
	s4 =	sadd.s32 s21, s2  }
0x9d: {  	[timem:s6], [sflag:s22] =	dma.local [hbm:s4], s20  }
0x9e: {  	_ =	swait.ge [sflag:s22], s20  }
0x9f: {  	s3 =	ssub.s32 $0x0, s20;
	[sflag:s22] =	ssyncset.done $0x0  }
0xa0: {  	[sflag:s22] =	ssyncadd.s32 s3;
	_ =	sdelay $0x1  }
0xa1: {  	s23 =	simm.s32 $0x1B8B  }
0xa2: {  	_ =	swait.ge [sflag:s23], $0x1  }
0xa3: {  	[sflag:s23] =	ssyncset.done $0x0  }
0xa4: {  	s25 =	simm.s32 $0x1B8E;
	s24 =	sld [smem:$0x3FFE];
	[sflag:s23] =	ssyncadd.s32 $0xFFFFFFFF  }
0xa5: {  	s26 =	simm.s32 $execute0_lowered;
	[smem:$0x3FD2] =	sst s25  }
0xa6: {  	s4 =	sshll.u32 s26, $0x1;
	_ =	strace $0x80000046;
	[dreg:$0x1] =	wrdreg $0xFFFFFFFF  }
0xa7: {  	s28 =	simm.s32 $_size_execute0_lowered;
	s2 =	sadd.s32 s2, s4;
	[dreg:$0x0] =	wrdreg $0x0  }
0xa8: {  	s4 =	sshll.u32 s28, $0x1;
	[dreg:$0x2] =	wrdreg s2  }
0xa9: {  	[dreg:$0x3] =	wrdreg s4  }
0xaa: {  	[dreg:$0x4] =	wrdreg $0xC0  }
0xab: {  	_ =	task [dreg:s6], $0x5FFFF  }
0xac: {  	[dreg:$0x1] =	wrdreg $0xFFFFFFFF  }
0xad: {  	[dreg:$0x0] =	wrdreg $0x60  }
0xae: {  	[dreg:$0x2] =	wrdreg s24  }
0xaf: {  	[dreg:$0x3] =	wrdreg $0x30000  }
0xb0: {  	[dreg:$0x4] =	wrdreg $0x9  }
0xb1: {  	_ =	task.clear_ibuf [dreg:s6], $0x5FFFF;
	_ =	strace $0x90000046  }
0xb2: {  	s29 =	simm.s32 $0x9;
	_ =	strace $0x80000048  }
0xb3: {  	_ =	swait.ge [sflag:s29], $0x1  }
0xb4: {  	[sflag:s29] =	ssyncadd.s32 $0xFFFFFFFF  }
0xb5: {  	_ =	strace $0x90000048  }
0xb6: {  	_ =	sfence  }
0xb7: {  	s30 =	sld [smem:$0x0];
	_ =	sdelay $0x2  }
0xb8: {  	s31 =	sshll.u32 s1, $0xD;
	s1 =	sshrl.u32 s1, $0x2  }
0xb9: {  	s3 =	sand.u32 $0x4000, s31;
	s1 =	sadd.s32 s1, s30  }
0xba: {  	s0 =	sor.u32 s3, s0;
	s1 =	sshll.u32 s1, $0x11  }
0xbb: {  	s0 =	sor.u32 s1, s0  }
0xbc: {  	s0 =	sadd.s32 $0x8F2B, s0  }
0xbd: {  	[sflag:s0] =	ssyncadd.remote.s32 $0x1  }
0xbe: {  	_ =	sfence.sel $0xFFFF  }
0xbf: {  	[dreg:$0x0] =	wrdreg $0xFFFFFFFF;
	(pc) =	sbr.abs _section_cstart, $3  }
0xc0: {  	[dreg:$0x1] =	wrdreg $0xFFFFFFFF  }
0xc1: {  	_ =	task.clear_ibuf [dreg:s6], $0x2FFFF;
	_ =	strace $0x9FFFFFFF  }
0xc2: {  	(tm) =	ssettm $0x7FFFFFFF  }
0xc3: {  	_ =	shalt  }
tec
execute0_lowered:
.L_overlay_start_1:
0x0: {  	(tag) =	ssettag $0x1  }
0x1: {  	s4 =	rddreg [dreg:$0x0]  }
0x2: {  	s2 =	rddreg [dreg:$0x1];
	s1 =	srdreg.scid  }
0x3: {  	s0 =	rddreg [dreg:$0x2];
	s3 =	simm.s32 $0x0;
	s10 =	simm.s32 $0x1  }
0x4: {  	s11 =	simm.s32 $0x2;
	s12 =	simm.s32 $0x3;
	s13 =	simm.s32 $0x4  }
0x5: {  	s14 =	simm.s32 $0x5;
	s15 =	simm.s32 $0x6;
	s5 =	sand.u32 $0x1, s1  }
0x6: {  	s16 =	simm.s32 $0x0;
	s1 =	stileid.u32;
	s6 =	smul.u32 $0x140000, s5  }
0x7: {  	[smem:$0x7FF] =	sst s3;
	s7 =	sshll.u32 s1, $0x1;
	s8 =	smul.u32 $0x14000, s1  }
0x8: {  	_ =	strace $0x80000047;
	s29 =	smul.u32 $0x50000, s1;
	s7 =	sor.u32 s5, s7  }
0x9: {  	s5 =	ssub.s32 $0x2, s5;
	s7 =	smul.u32 $0x500, s7;
	s6 =	sadd.s32 s8, s6  }
0xa: {  	s30 =	sshrl.u32 s5, $0x1;
	s31 =	sshrl.u32 s29, $0x2;
	s8 =	simm.s32 $0x2800  }
0xb: {  	s6 =	sshrl.u32 s6, $0x3;
	s9 =	ssub.s32 s5, s30;
	s7 =	sadd.s32 s7, s4  }
0xc: {  	s5 =	sadd.s32 s31, s2;
	s6 =	sadd.s32 s6, s4;
	s4 =	sadd.s32 $0x2E00, s7  }
0xd: {  	v0 =	vimm.f32 $0.0e+00;
	v1 =	vimm.f32 $1.000000000e+00;
	vm0 =	vmmov $0xffff;
	s6 =	sadd.s32 $0xCE00, s6;
	s7 =	smax.u32 s9, $0x1;
	s9 =	simm.s32 $0x7  }
.LBB2_1:
0xe: {  	[tilespmem:s3], [sflag:$0x1] =	stream.linear.gather [hbm4b:s4+s3], $0x2800, $0x38;
	[tilespmem:$0x17000] =	vst v63  }
0xf: {  	s17 =	sand.u32 $0x1E00, s3  }
0x10: {  	s19 =	sand.u32 $0x70, s3;
	s17 =	sshrl.u32 s17, $0x2  }
0x11: {  	s18 =	simm.s32 $0x40;
	s20 =	sor.u32 s19, s17;
	s19 =	simm.s32 $0x0  }
.LBB2_2:
0x12: {  	p0 =	sne.s32 s18, $0x1FC0  }
0x13: {  	[tilespmem:s20+$0x2800] =	vst v0;
	s19 =	sadd.s32 $0x10, s19;
	s17 =	smov.u32 s18;
	s18 =	sadd.s32 $0x40, s18  }
.Ltmp0:
0x14: {  	(pc) =	sbr.rel @p0 .LBB2_2-.Ltmp0, $4  }
0x15: {  	_ = 	snop  }
0x16: {  	s17 =	sand.u32 $0x1E00, s17  }
0x17: {  	s20 =	sand.u32 $0x70, s19;
	s17 =	sshrl.u32 s17, $0x2  }
0x18: {  	s20 =	sor.u32 s20, s17;
	s17 =	simm.s32 $0x0  }
0x19: {  	[tilespmem:s20+$0x2800] =	vst v0;
	s18 =	sadd.s32 $0x0, s5  }
0x1a: {  	[spmem:s18] =	stream.linear.scatter [tilespmem:s8], [sflag:$0x7], $0x800, $0x38;
	[tilespmem:$0x17000] =	vst v63  }
0x1b: {  	s18 =	simm.s32 $0x2000;
	_ =	swait.ge [sflag:s9], $0x800  }
.LBB2_4:
0x1c: {  	s19 =	sshra.s32 s18, $0x2;
	[sflag:s9] =	ssyncset.done $0x0;
	p0 =	sne.s32 s18, $0x4E000  }
.Ltmp1:
0x1d: {  	s19 =	sadd.s32 s19, s5;
	[sflag:s9] =	ssyncadd.s32 $0xFFFFF800;
	(pc) =	sbr.rel @p0 .LBB2_4-.Ltmp1, $3  }
0x1e: {  	[spmem:s19] =	stream.linear.scatter [tilespmem:s8], [sflag:$0x7], $0x800, $0x38;
	[tilespmem:$0x17000] =	vst v63  }
0x1f: {  	s18 =	sadd.s32 $0x2000, s18;
	_ =	sdelay $0x1  }
0x20: {  	_ =	swait.ge [sflag:s9], $0x800  }
0x21: {  	s18 =	sand.u32 $0x1E00, s17  }
0x22: {  	[sflag:s9] =	ssyncset.done $0x0;
	s19 =	sand.u32 $0x70, s17;
	s20 =	sshrl.u32 s18, $0x2  }
0x23: {  	[sflag:s9] =	ssyncadd.s32 $0xFFFFF800;
	s18 =	simm.s32 $0x40;
	s19 =	sor.u32 s19, s20  }
.LBB2_6:
0x24: {  	p0 =	sne.s32 s18, $0x1FC0  }
0x25: {  	[tilespmem:s19+$0x2800] =	vst v1;
	s17 =	sadd.s32 $0x10, s17;
	s19 =	smov.u32 s18;
	s18 =	sadd.s32 $0x40, s18  }
.Ltmp2:
0x26: {  	(pc) =	sbr.rel @p0 .LBB2_6-.Ltmp2, $4  }
0x27: {  	_ = 	snop  }
0x28: {  	s19 =	sand.u32 $0x1E00, s19  }
0x29: {  	s20 =	sand.u32 $0x70, s17;
	s19 =	sshrl.u32 s19, $0x2  }
0x2a: {  	s19 =	sor.u32 s20, s19  }
0x2b: {  	[tilespmem:s19+$0x2800] =	vst v1  }
0x2c: {  	_ =	swait.ge [sflag:s10], $0x2800  }
0x2d: {  	[sflag:s10] =	ssyncset.done $0x0  }
0x2e: {  	[sflag:s10] =	ssyncadd.s32 $0xFFFFD800  }
0x2f: {  	[bflag:$0x0] =	sbarrier.arrive $0xFFFF  }
0x30: {  	v2 =	vld [tilespmem:$0x0];
	_ =	sdelay $0x7  }
0x31: {  	[spmem:s2] =	stream.indirect_vreg.scatter.add.f32 [tilespmem:s8], [sflag:$0x2], $0x80, v2, vm0, $0xb8;
	[tilespmem:$0x17000] =	vst v63  }
0x32: {  	v2 =	vld [tilespmem:$0x10];
	_ =	sdelay $0x7  }
0x33: {  	[spmem:s2] =	stream.indirect_vreg.scatter.add.f32 [tilespmem:s8], [sflag:$0x3], $0x80, v2, vm0, $0xb8;
	[tilespmem:$0x17000] =	vst v63  }
0x34: {  	v2 =	vld [tilespmem:$0x20];
	_ =	sdelay $0x7  }
0x35: {  	[spmem:s2] =	stream.indirect_vreg.scatter.add.f32 [tilespmem:s8], [sflag:$0x4], $0x80, v2, vm0, $0xb8;
	[tilespmem:$0x17000] =	vst v63  }
0x36: {  	v2 =	vld [tilespmem:$0x30];
	_ =	sdelay $0x7  }
0x37: {  	[spmem:s2] =	stream.indirect_vreg.scatter.add.f32 [tilespmem:s8], [sflag:$0x5], $0x80, v2, vm0, $0xb8;
	[tilespmem:$0x17000] =	vst v63  }
0x38: {  	v2 =	vld [tilespmem:$0x40];
	_ =	sdelay $0x6  }
0x39: {  	s17 =	simm.s32 $0x240;
	s18 =	simm.s32 $0x90  }
0x3a: {  	[spmem:s2] =	stream.indirect_vreg.scatter.add.f32 [tilespmem:s8], [sflag:$0x6], $0x80, v2, vm0, $0xb8;
	[tilespmem:$0x17000] =	vst v63  }
.LBB2_8:
0x3b: {  	s19 =	sadd.s32 $0xFFFFFF00, s17  }
0x3c: {  	_ =	swait.ge [sflag:s11], $0x800;
	s20 =	sadd.s32 $0xFFFFFFC0, s18;
	s19 =	sand.u32 $0x1FE00, s19  }
0x3d: {  	[sflag:s11] =	ssyncset.done $0x0;
	s20 =	sand.u32 $0x70, s20;
	s19 =	sshrl.u32 s19, $0x2  }
0x3e: {  	[sflag:s11] =	ssyncadd.s32 $0xFFFFF800;
	s19 =	sor.u32 s20, s19  }
0x3f: {  	v2 =	vld [tilespmem:s19+$0x0];
	_ =	sdelay $0x6  }
0x40: {  	s23 =	sadd.s32 $0xFFFFFF40, s17  }
0x41: {  	[spmem:s2] =	stream.indirect_vreg.scatter.add.f32 [tilespmem:s8], [sflag:$0x2], $0x80, v2, vm0, $0xb8;
	[tilespmem:$0x17000] =	vst v63  }
0x42: {  	s24 =	sadd.s32 $0xFFFFFFD0, s18;
	s19 =	sand.u32 $0x1FE00, s23;
	_ =	swait.ge [sflag:s12], $0x800  }
0x43: {  	s20 =	sand.u32 $0x70, s24;
	s19 =	sshrl.u32 s19, $0x2;
	[sflag:s12] =	ssyncset.done $0x0  }
0x44: {  	s19 =	sor.u32 s20, s19;
	[sflag:s12] =	ssyncadd.s32 $0xFFFFF800  }
0x45: {  	v2 =	vld [tilespmem:s19+$0x0];
	_ =	sdelay $0x6  }
0x46: {  	s25 =	sadd.s32 $0xFFFFFF80, s17  }
0x47: {  	[spmem:s2] =	stream.indirect_vreg.scatter.add.f32 [tilespmem:s8], [sflag:$0x3], $0x80, v2, vm0, $0xb8;
	[tilespmem:$0x17000] =	vst v63  }
0x48: {  	s26 =	sadd.s32 $0xFFFFFFE0, s18;
	s19 =	sand.u32 $0x1FE00, s25;
	_ =	swait.ge [sflag:s13], $0x800  }
0x49: {  	s20 =	sand.u32 $0x70, s26;
	s19 =	sshrl.u32 s19, $0x2;
	[sflag:s13] =	ssyncset.done $0x0  }
0x4a: {  	s19 =	sor.u32 s20, s19;
	[sflag:s13] =	ssyncadd.s32 $0xFFFFF800  }
0x4b: {  	v2 =	vld [tilespmem:s19+$0x0];
	_ =	sdelay $0x6  }
0x4c: {  	s28 =	sadd.s32 $0xFFFFFFC0, s17  }
0x4d: {  	[spmem:s2] =	stream.indirect_vreg.scatter.add.f32 [tilespmem:s8], [sflag:$0x4], $0x80, v2, vm0, $0xb8;
	[tilespmem:$0x17000] =	vst v63  }
0x4e: {  	s29 =	sadd.s32 $0xFFFFFF70, s18;
	s19 =	sand.u32 $0x1FE00, s28;
	_ =	swait.ge [sflag:s14], $0x800  }
0x4f: {  	s20 =	sand.u32 $0x70, s29;
	s19 =	sshrl.u32 s19, $0x2;
	[sflag:s14] =	ssyncset.done $0x0  }
0x50: {  	s19 =	sor.u32 s20, s19;
	[sflag:s14] =	ssyncadd.s32 $0xFFFFF800  }
0x51: {  	v2 =	vld [tilespmem:s19+$0x0];
	_ =	sdelay $0x7  }
0x52: {  	[spmem:s2] =	stream.indirect_vreg.scatter.add.f32 [tilespmem:s8], [sflag:$0x5], $0x80, v2, vm0, $0xb8;
	[tilespmem:$0x17000] =	vst v63  }
0x53: {  	s30 =	sand.u32 $0x1FE00, s17;
	_ =	swait.ge [sflag:s15], $0x800  }
0x54: {  	s31 =	sand.u32 $0x70, s18;
	s19 =	sshrl.u32 s30, $0x2;
	[sflag:s15] =	ssyncset.done $0x0  }
0x55: {  	s19 =	sor.u32 s31, s19;
	[sflag:s15] =	ssyncadd.s32 $0xFFFFF800  }
0x56: {  	v2 =	vld [tilespmem:s19+$0x0];
	_ =	sdelay $0x2  }
0x57: {  	p0 =	sne.s32 s17, $0x9FC0  }
.Ltmp3:
0x58: {  	_ = 	snop;
	(pc) =	sbr.rel @p0 .LBB2_8-.Ltmp3, $3  }
0x59: {  	_ =	sdelay $0x1  }
0x5a: {  	s18 =	sadd.s32 $0x50, s18;
	s17 =	sadd.s32 $0x140, s17  }
0x5b: {  	[spmem:s2] =	stream.indirect_vreg.scatter.add.f32 [tilespmem:s8], [sflag:$0x6], $0x80, v2, vm0, $0xb8;
	[tilespmem:$0x17000] =	vst v63  }
0x5c: {  	_ =	swait.ge [sflag:s11], $0x800  }
0x5d: {  	[sflag:s11] =	ssyncset.done $0x0  }
0x5e: {  	[sflag:s11] =	ssyncadd.s32 $0xFFFFF800  }
0x5f: {  	_ =	swait.ge [sflag:s12], $0x800  }
0x60: {  	[sflag:s12] =	ssyncset.done $0x0  }
0x61: {  	[sflag:s12] =	ssyncadd.s32 $0xFFFFF800  }
0x62: {  	_ =	swait.ge [sflag:s13], $0x800  }
0x63: {  	[sflag:s13] =	ssyncset.done $0x0  }
0x64: {  	[sflag:s13] =	ssyncadd.s32 $0xFFFFF800  }
0x65: {  	_ =	swait.ge [sflag:s14], $0x800  }
0x66: {  	[sflag:s14] =	ssyncset.done $0x0  }
0x67: {  	[sflag:s14] =	ssyncadd.s32 $0xFFFFF800  }
0x68: {  	_ =	swait.ge [sflag:s15], $0x800  }
0x69: {  	s17 =	sshll.u32 s1, $0x6;
	s16 =	sadd.s32 $0x1, s16;
	[sflag:s15] =	ssyncset.done $0x0  }
0x6a: {  	s18 =	sshrl.u32 s5, $0x3;
	p0 =	sne.s32 s16, s7;
	[sflag:s15] =	ssyncadd.s32 $0xFFFFF800  }
.Ltmp4:
0x6b: {  	s17 =	sor.u32 $0x1C07, s17;
	[bflag:$0x0] =	sbarrier.arrive $0xFFFF;
	(pc) =	sbr.rel @p0 .LBB2_1-.Ltmp4, $4  }
0x6c: {  	[hbm:s6], [sflag:s17] =	dma.local [spmem:s18], $0x2800  }
0x6d: {  	_ =	swait.ge [sflag:s9], $0x2800  }
0x6e: {  	[sflag:s9] =	ssyncset.done $0x0  }
0x6f: {  	[sflag:s9] =	ssyncadd.s32 $0xFFFFD800  }
0x70: {  	_ =	sfence.sel $0x180000  }
0x71: {  	[bflag:$0x0] =	sbarrier.arrive $0xFFFF  }
0x72: {  	p0 =	sne.s32 s1, $0x0;
	_ =	strace $0x90000047  }
0x73: {  	s0 =	sadd.s32 @!p0 $0x100000, s0;
	[bflag:$0x2] =	sbarrier.arrive $0xFFFF  }
0x74: {  	[sflag:s0] =	ssyncadd.tile.s32 @!p0 $0x1;
	_ =	shalt  }
.Lfunc_end2:
_tile_overlayer_lowered:
.L_overlay_start_2:
0x75: {  	(tag) =	ssettag $0x2  }
0x76: {  	s0 =	rddreg [dreg:$0x0];
	s2 =	stileid.u32  }
0x77: {  	s1 =	rddreg [dreg:$0x1];
	p0 =	sne.s32 s2, $0x0  }
0x78: {  	s3 =	rddreg [dreg:$0x2];
	[bflag:$0x3] =	sbarrier.arrive $0xFFFF;
	s2 =	simm.s32 @!p0 $0x1C07  }
0x79: {  	[timem:s3], [sflag:s2] =	dma.local @!p0 [hbm:s0], s1  }
0x7a: {  	s0 =	simm.s32 @!p0 $0x7  }
0x7b: {  	_ =	swait.ge @!p0 [sflag:s0], s1  }
0x7c: {  	s1 =	ssub.s32 @!p0 $0x0, s1;
	[sflag:s0] =	ssyncset.done @!p0 $0x0  }
0x7d: {  	[sflag:s0] =	ssyncadd.s32 @!p0 s1  }
0x7e: {  	[bflag:$0x3] =	sbarrier.arrive $0xFFFF  }
0x7f: {  	_ =	shalt  }

// kernel: kernel.13.cloned.1.call-start
scs
__scs_entry_jumppad:
0x0: {  	(pc) =	sbr.rel $0x88, $3  }
0x1: {  	(tag) =	ssettag $0x0;
	lr =	simm.s32 $0x1  }
0x2: {  	[smem:$0x3F99] =	sst lr;
	_ =	strace $0xD0000000  }
0x3: {  	_ = 	snop  }
0x4: {  	_ = 	snop  }
0x5: {  	_ = 	snop  }
0x6: {  	_ = 	snop  }
0x7: {  	_ = 	snop  }
__scs_overlays_trampoline_lowered:
0x8: {  	[smem:$0x3FA8] =	sst s0  }
0x9: {  	[smem:$0x3FA9] =	sst s1  }
0xa: {  	[smem:$0x3FAA] =	sst s2  }
0xb: {  	[smem:$0x3FAB] =	sst s3  }
0xc: {  	[smem:$0x3FAC] =	sst s4  }
0xd: {  	[smem:$0x3FAD] =	sst s5  }
0xe: {  	[smem:$0x3FAE] =	sst s6  }
0xf: {  	[smem:$0x3FAF] =	sst s7  }
0x10: {  	[smem:$0x3FB0] =	sst s8  }
0x11: {  	[smem:$0x3FB1] =	sst s9;
	s0 =	simm.s32 @!p0 $0x0  }
0x12: {  	s1 =	sld [smem:$0x3F97];
	s0 =	simm.s32 @p0 $0x1  }
0x13: {  	[smem:$0x3FB2] =	sst s0;
	s0 =	simm.s32 @!p1 $0x0  }
0x14: {  	s2 =	sld [smem:$0x3F96];
	s0 =	simm.s32 @p1 $0x1  }
0x15: {  	[smem:$0x3FB3] =	sst s0;
	s0 =	simm.s32 @!p2 $0x0  }
0x16: {  	s3 =	sld [smem:$0x3FDB];
	s0 =	simm.s32 @p2 $0x1  }
0x17: {  	s4 =	simm.s32 $0x1BF5;
	[smem:$0x3FB5] =	sst s0  }
0x18: {  	s0 =	sld [smem:$0x3F98];
	_ =	swait.ge [sflag:s4], $0x0  }
0x19: {  	s7 =	sld [smem:$0x3F99]  }
0x1a: {  	s8 =	sadd.s32 $0xFFFFE003, lr  }
0x1b: {  	s9 =	sadd.s32 $0xFFFFFEF7, lr;
	s5 =	simm.s32 $0xFFFFFFFF;
	p2 =	slt.u32 s8, $0xFFFFF086  }
0x1c: {  	p1 =	slt.u32 s9, $0xF7A;
	s5 =	simm.s32 @!p2 $0x0  }
0x1d: {  	s5 =	simm.s32 @p1 $0x1;
	p0 =	seq.s32 s7, s2  }
0x1e: {  	s7 =	smul.u32 @!p0 $0xF7A, s2;
	p2 =	seq.s32 @!p0 s5, $0x0  }
0x1f: {  	s9 =	smul.u32 $0xF7A, s1;
	s8 =	simm.s32 @!p0 $0x1BF5;
	p2 =	por !p2, p0  }
0x20: {  	[sflag:s8] =	ssyncset.s32 @!p0 $0xFFFFF086;
	s6 =	sadd.s32 @!p0 s3, s7;
	s7 =	simm.s32 @!p0 $0x108  }
0x21: {  	s3 =	sadd.s32 s3, s9;
	s6 =	sadd.s32 @!p0 $0x88, s6;
	s7 =	simm.s32 @p2 $0x1082  }
0x22: {  	[simem:s7], [sflag:s8] =	dma.local @!p0 [hbm:s6], $0xF7A  }
0x23: {  	s9 =	sor.u32 $0xD0000000, s2;
	s6 =	simm.s32 $0x108;
	_ =	swait.ge @!p0 [sflag:s8], $0x0  }
0x24: {  	s3 =	sadd.s32 $0x88, s3;
	s6 =	simm.s32 @!p1 $0x1082;
	[sflag:s4] =	ssyncset.s32 $0xFFFFF086  }
0x25: {  	[simem:s6], [sflag:s4] =	dma.local [hbm:s3], $0xF7A  }
0x26: {  	[smem:$0x3F99] =	sst s1;
	(tag) =	ssettag s2;
	_ =	strace s9  }
0x27: {  	s1 =	sld [smem:$0x3FA9]  }
0x28: {  	s2 =	sld [smem:$0x3FAA]  }
0x29: {  	s4 =	sld [smem:$0x3FAC]  }
0x2a: {  	p0 =	seq.s32 s5, $0x0;
	s5 =	sld [smem:$0x3FAD]  }
0x2b: {  	s6 =	sld [smem:$0x3FAE]  }
0x2c: {  	s7 =	sld [smem:$0x3FAF]  }
0x2d: {  	s3 =	simm.s32 $0x108;
	s8 =	sld [smem:$0x3FB0]  }
0x2e: {  	s3 =	simm.s32 @!p0 $0x1082;
	s9 =	sld [smem:$0x3FB1]  }
0x2f: {  	lr =	sadd.s32 s0, s3;
	s0 =	sld [smem:$0x3FA8]  }
0x30: {  	s3 =	sld [smem:$0x3FAB]  }
0x31: {  	[smem:$0x3FB4] =	sst s10  }
0x32: {  	s10 =	sld [smem:$0x3FB2];
	_ =	sdelay $0x3  }
0x33: {  	p0 =	seq.s32 s10, $0x1;
	s10 =	sld [smem:$0x3FB4];
	_ =	sdelay $0x3  }
0x34: {  	[smem:$0x3FB4] =	sst s10  }
0x35: {  	s10 =	sld [smem:$0x3FB3];
	_ =	sdelay $0x3  }
0x36: {  	p1 =	seq.s32 s10, $0x1;
	s10 =	sld [smem:$0x3FB4];
	_ =	sdelay $0x3  }
0x37: {  	[smem:$0x3FB4] =	sst s10  }
0x38: {  	s10 =	sld [smem:$0x3FB5]  }
0x39: {  	_ = 	snop;
	(pc) =	sbr.ind lr, $3  }
0x3a: {  	_ = 	snop  }
0x3b: {  	_ = 	snop  }
0x3c: {  	p2 =	seq.s32 s10, $0x1;
	s10 =	sld [smem:$0x3FB4]  }
0x3d: {  	_ =	shalt  }
0x3e: {  	_ =	shalt  }
0x3f: {  	_ =	shalt  }
0x40: {  	_ =	shalt  }
0x41: {  	_ =	shalt  }
0x42: {  	_ =	shalt  }
0x43: {  	_ =	shalt  }
0x44: {  	_ =	shalt  }
0x45: {  	_ =	shalt  }
0x46: {  	_ =	shalt  }
0x47: {  	_ =	shalt  }
0x48: {  	_ =	shalt  }
0x49: {  	_ =	shalt  }
0x4a: {  	_ =	shalt  }
0x4b: {  	_ =	shalt  }
0x4c: {  	_ =	shalt  }
0x4d: {  	_ =	shalt  }
0x4e: {  	_ =	shalt  }
0x4f: {  	_ =	shalt  }
0x50: {  	_ =	shalt  }
0x51: {  	_ =	shalt  }
0x52: {  	_ =	shalt  }
0x53: {  	_ =	shalt  }
0x54: {  	_ =	shalt  }
0x55: {  	_ =	shalt  }
0x56: {  	_ =	shalt  }
0x57: {  	_ =	shalt  }
0x58: {  	_ =	shalt  }
0x59: {  	_ =	shalt  }
0x5a: {  	_ =	shalt  }
0x5b: {  	_ =	shalt  }
0x5c: {  	_ =	shalt  }
0x5d: {  	_ =	shalt  }
0x5e: {  	_ =	shalt  }
0x5f: {  	_ =	shalt  }
0x60: {  	_ =	shalt  }
0x61: {  	_ =	shalt  }
0x62: {  	_ =	shalt  }
0x63: {  	_ =	shalt  }
0x64: {  	_ =	shalt  }
0x65: {  	_ =	shalt  }
0x66: {  	_ =	shalt  }
0x67: {  	_ =	shalt  }
0x68: {  	_ =	shalt  }
0x69: {  	_ =	shalt  }
0x6a: {  	_ =	shalt  }
0x6b: {  	_ =	shalt  }
0x6c: {  	_ =	shalt  }
0x6d: {  	_ =	shalt  }
0x6e: {  	_ =	shalt  }
0x6f: {  	_ =	shalt  }
0x70: {  	_ =	shalt  }
0x71: {  	_ =	shalt  }
0x72: {  	_ =	shalt  }
0x73: {  	_ =	shalt  }
0x74: {  	_ =	shalt  }
0x75: {  	_ =	shalt  }
0x76: {  	_ =	shalt  }
0x77: {  	_ =	shalt  }
0x78: {  	_ =	shalt  }
0x79: {  	_ =	shalt  }
0x7a: {  	_ =	shalt  }
0x7b: {  	_ =	shalt  }
0x7c: {  	_ =	shalt  }
0x7d: {  	_ =	shalt  }
0x7e: {  	_ =	shalt  }
0x7f: {  	_ =	shalt  }
0x80: {  	_ =	shalt  }
0x81: {  	_ =	shalt  }
0x82: {  	_ =	shalt  }
0x83: {  	_ =	shalt  }
0x84: {  	_ =	shalt  }
0x85: {  	_ =	shalt  }
0x86: {  	_ =	shalt  }
0x87: {  	_ =	shalt  }
.Lfunc_end0:
.L_simem_size_0:
called_computation.1_lowered:
.L_overlay_start_0:
0x88: {  	s2 =	sld [smem:$0x3FD9]  }
0x89: {  	s3 =	sld [smem:$0x3FFE];
	_ =	sdelay $0x1  }
0x8a: {  	s1 =	srdreg.scid  }
0x8b: {  	s0 =	sand.u32 $0x1, s1  }
0x8c: {  	s17 =	sshll.u32 s0, $0xA;
	s2 =	sadd.s32 s3, s2  }
0x8d: {  	s2 =	sadd.s32 s2, s17  }
0x8e: {  	[smem:$0x3FC0] =	sst s2  }
0x8f: {  	_ = 	snop  }
0x90: {  	s2 =	sld [smem:$0x3FD0];
	(tm) =	ssettm $0x1  }
0x91: {  	s18 =	sld [smem:$0x3FFB];
	_ =	sdelay $0x3  }
0x92: {  	_ =	strace s18  }
0x93: {  	s3 =	sld [smem:$0x3FFC];
	_ =	sdelay $0x3  }
0x94: {  	_ =	strace s3  }
0x95: {  	s3 =	sld [smem:$0x3FFD];
	_ =	sdelay $0x3  }
0x96: {  	_ =	strace s3  }
0x97: {  	_ =	strace $0x8FFFFFFF  }
0x98: {  	s19 =	sld [smem:$0x3FDB];
	_ =	sdelay $0x1  }
0x99: {  	s4 =	simm.s32 $_scs_section_size  }
0x9a: {  	s5 =	simm.s32 $_size__tile_overlayer_lowered;
	s6 =	simm.s32 $_tile_overlayer_lowered  }
0x9b: {  	s22 =	simm.s32 $0x1BFF;
	s21 =	sshll.u32 s6, $0x1;
	s3 =	sadd.s32 s4, s19  }
0x9c: {  	s7 =	simm.s32 $0x0;
	s20 =	sshll.u32 s5, $0x1;
	s5 =	sadd.s32 s21, s3  }
0x9d: {  	[timem:s7], [sflag:s22] =	dma.local [hbm:s5], s20  }
0x9e: {  	_ =	swait.ge [sflag:s22], s20  }
0x9f: {  	s4 =	ssub.s32 $0x0, s20;
	[sflag:s22] =	ssyncset.done $0x0  }
0xa0: {  	[sflag:s22] =	ssyncadd.s32 s4;
	_ =	sdelay $0x1  }
0xa1: {  	s23 =	simm.s32 $0x1B8B  }
0xa2: {  	_ =	swait.ge [sflag:s23], $0x1  }
0xa3: {  	[sflag:s23] =	ssyncset.done $0x0  }
0xa4: {  	s25 =	simm.s32 $0x1B8E;
	s24 =	sld [smem:$0x3FFE];
	[sflag:s23] =	ssyncadd.s32 $0xFFFFFFFF  }
0xa5: {  	s26 =	simm.s32 $execute0_lowered;
	[smem:$0x3FD2] =	sst s25  }
0xa6: {  	s5 =	sshll.u32 s26, $0x1;
	_ =	strace $0x80000049;
	[dreg:$0x1] =	wrdreg $0xFFFFFFFF  }
0xa7: {  	s28 =	simm.s32 $_size_execute0_lowered;
	s3 =	sadd.s32 s3, s5;
	[dreg:$0x0] =	wrdreg $0x0  }
0xa8: {  	s5 =	sshll.u32 s28, $0x1;
	[dreg:$0x2] =	wrdreg s3  }
0xa9: {  	[dreg:$0x3] =	wrdreg s5  }
0xaa: {  	[dreg:$0x4] =	wrdreg $0xC0  }
0xab: {  	_ =	task [dreg:s7], $0x5FFFF  }
0xac: {  	[dreg:$0x1] =	wrdreg $0xFFFFFFFF  }
0xad: {  	[dreg:$0x0] =	wrdreg $0x60  }
0xae: {  	[dreg:$0x2] =	wrdreg s24  }
0xaf: {  	[dreg:$0x3] =	wrdreg s2  }
0xb0: {  	[dreg:$0x4] =	wrdreg $0x84000  }
0xb1: {  	[dreg:$0x5] =	wrdreg $0x9  }
0xb2: {  	_ =	task.clear_ibuf [dreg:s7], $0x6FFFF;
	_ =	strace $0x90000049  }
0xb3: {  	s29 =	simm.s32 $0x9;
	_ =	strace $0x8000004B  }
0xb4: {  	_ =	swait.ge [sflag:s29], $0x1  }
0xb5: {  	[sflag:s29] =	ssyncadd.s32 $0xFFFFFFFF  }
0xb6: {  	_ =	strace $0x9000004B  }
0xb7: {  	_ =	sfence  }
0xb8: {  	s30 =	sld [smem:$0x0];
	_ =	sdelay $0x2  }
0xb9: {  	s31 =	sshll.u32 s1, $0xD;
	s1 =	sshrl.u32 s1, $0x2  }
0xba: {  	s3 =	sand.u32 $0x4000, s31;
	s1 =	sadd.s32 s1, s30  }
0xbb: {  	s0 =	sor.u32 s3, s0;
	s1 =	sshll.u32 s1, $0x11  }
0xbc: {  	s0 =	sor.u32 s1, s0  }
0xbd: {  	s0 =	sadd.s32 $0x8F2B, s0  }
0xbe: {  	[sflag:s0] =	ssyncadd.remote.s32 $0x1  }
0xbf: {  	_ =	sfence.sel $0xFFFF  }
0xc0: {  	[dreg:$0x0] =	wrdreg $0xFFFFFFFF;
	(pc) =	sbr.abs _section_cstart, $3  }
0xc1: {  	[dreg:$0x1] =	wrdreg $0xFFFFFFFF  }
0xc2: {  	_ =	task.clear_ibuf [dreg:s7], $0x2FFFF;
	_ =	strace $0x9FFFFFFF  }
0xc3: {  	(tm) =	ssettm $0x7FFFFFFF  }
tec
execute0_lowered:
.L_overlay_start_1:
0x0: {  	(tag) =	ssettag $0x1  }
0x1: {  	s0 =	rddreg [dreg:$0x0]  }
0x2: {  	s1 =	rddreg [dreg:$0x1]  }
0x3: {  	s2 =	rddreg [dreg:$0x2]  }
0x4: {  	s3 =	srdreg.scid;
	s10 =	stileid.u32  }
0x5: {  	s24 =	simm.s32 $0x180;
	s25 =	simm.s32 $0x280;
	s26 =	simm.s32 $0x380  }
0x6: {  	s28 =	simm.s32 $0x3;
	s29 =	simm.s32 $0x5;
	s5 =	smul.u32 $0x14000, s10  }
0x7: {  	s30 =	simm.s32 $0x8;
	s31 =	simm.s32 $0x4;
	s14 =	smul.u32 $0x50000, s10  }
0x8: {  	s6 =	sand.u32 $0x1, s3;
	s3 =	simm.s32 $0x0;
	s19 =	smul.u32 $0x1400, s10  }
0x9: {  	s7 =	sshll.u32 s10, $0x1;
	s15 =	sadd.s32 $0x60, s1;
	s4 =	smul.u32 $0x140000, s6  }
0xa: {  	[smem:$0x7FF] =	sst s3;
	s7 =	sor.u32 s6, s7;
	s8 =	ssub.s32 $0x2, s6  }
0xb: {  	_ =	strace $0x8000004A;
	s7 =	smul.u32 $0xA00, s7;
	s9 =	sshrl.u32 s8, $0x1  }
0xc: {  	s16 =	sshrl.u32 s14, $0x2;
	s14 =	smul.u32 $0x50, s6;
	[dreg:$0x5] =	wrdreg s24  }
0xd: {  	s6 =	smul.u32 $0xA00, s6;
	[dreg:$0x6] =	wrdreg s25;
	s24 =	simm.s32 $0x4400  }
0xe: {  	[dreg:$0x7] =	wrdreg s26;
	s25 =	simm.s32 $0x6;
	s26 =	simm.s32 $0x7  }
0xf: {  	s5 =	sadd.s32 s5, s4;
	s4 =	sadd.s32 $0x5CE00, s0;
	s8 =	ssub.s32 s8, s9  }
0x10: {  	s9 =	sadd.s32 s16, s2;
	s5 =	sshrl.u32 s5, $0x3;
	s17 =	smax.u32 s8, $0x1  }
0x11: {  	s18 =	sadd.s32 $0x4000, s9;
	s21 =	sadd.s32 $0x8000, s9;
	[dreg:$0xc] =	wrdreg s17  }
0x12: {  	s22 =	sadd.s32 $0xC000, s9;
	s0 =	sadd.s32 s5, s0;
	[dreg:$0xd] =	wrdreg s18  }
0x13: {  	s5 =	sadd.s32 s1, s7;
	s7 =	sadd.s32 s7, s15;
	[dreg:$0xe] =	wrdreg s21  }
0x14: {  	[dreg:$0xf] =	wrdreg s22;
	s17 =	simm.s32 $0x100;
	s18 =	simm.s32 $0x200  }
0x15: {  	s21 =	simm.s32 $0x9;
	s13 =	sadd.s32 $0x20, s5;
	[dreg:$0xa] =	wrdreg s7  }
0x16: {  	s11 =	sadd.s32 $0x40, s5;
	[dreg:$0x8] =	wrdreg s13;
	s13 =	smul.u32 $0xA0, s10  }
0x17: {  	s22 =	simm.s32 $0x2;
	s0 =	sadd.s32 $0x84E00, s0;
	[dreg:$0x9] =	wrdreg s11  }
0x18: {  	[dreg:$0xb] =	wrdreg s0;
	s0 =	sadd.s32 s19, s1;
	s20 =	sadd.s32 s14, s13  }
0x19: {  	s19 =	simm.s32 $0x300;
	s16 =	sadd.s32 s6, s0;
	s7 =	sshll.u32 s20, $0x5  }
0x1a: {  	s0 =	simm.s32 $0x0;
	s20 =	simm.s32 $0x400;
	s23 =	sadd.s32 s7, s15  }
0x1b: {  	v0 =	vimm.f32 $0.0e+00;
	s15 =	sadd.s32 $0x10000, s9;
	[dreg:$0x4] =	wrdreg s23;
	s23 =	simm.s32 $0x80  }
.LBB2_1:
0x1c: {  	[tilespmem:s3], [sflag:$0x1] =	stream.linear.gather [hbm4b:s5+s3], $0x100, $0x38;
	[tilespmem:$0x1C400] =	vst v63  }
0x1d: {  	s1 =	rddreg [dreg:$0x8]  }
0x1e: {  	s12 =	rddreg [dreg:$0x9];
	s14 =	sand.u32 $0xFE00, s3  }
0x1f: {  	[tilespmem:s17], [sflag:$0x2] =	stream.linear.gather [hbm4b:s1+s3], $0x100, $0x38;
	[tilespmem:$0x1C400] =	vst v63  }
0x20: {  	s13 =	rddreg [dreg:$0xa];
	s6 =	sand.u32 $0x70, s3;
	s7 =	sshrl.u32 s14, $0x2  }
0x21: {  	[tilespmem:s18], [sflag:$0x3] =	stream.linear.gather [hbm4b:s12+s3], $0x100, $0x38;
	[tilespmem:$0x1C400] =	vst v63  }
0x22: {  	s1 =	simm.s32 $0x40;
	s7 =	sor.u32 s6, s7;
	s6 =	simm.s32 $0x0  }
0x23: {  	[tilespmem:s19], [sflag:$0x4] =	stream.linear.gather [hbm4b:s13+s3], $0x100, $0x38;
	[tilespmem:$0x1C400] =	vst v63  }
.LBB2_2:
0x24: {  	p0 =	sne.s32 s1, $0xFFC0  }
0x25: {  	[tilespmem:s7+$0x400] =	vst v0;
	s6 =	sadd.s32 $0x10, s6;
	s7 =	smov.u32 s1;
	s1 =	sadd.s32 $0x40, s1  }
.Ltmp0:
0x26: {  	(pc) =	sbr.rel @p0 .LBB2_2-.Ltmp0, $4  }
0x27: {  	_ = 	snop  }
0x28: {  	s7 =	sand.u32 $0xFE00, s7  }
0x29: {  	s8 =	sand.u32 $0x70, s6;
	s7 =	sshrl.u32 s7, $0x2  }
0x2a: {  	s7 =	sor.u32 s8, s7  }
0x2b: {  	[tilespmem:s7+$0x400] =	vst v0  }
0x2c: {  	[spmem:s9] =	stream.linear.scatter [tilespmem:s20], [sflag:$0x9], $0x4000, $0x38;
	[tilespmem:$0x1C400] =	vst v63  }
0x2d: {  	_ =	swait.ge [sflag:s21], $0x4000  }
0x2e: {  	[sflag:s21] =	ssyncset.done $0x0  }
0x2f: {  	s1 =	rddreg [dreg:$0xd];
	[sflag:s21] =	ssyncadd.s32 $0xFFFFC000  }
0x30: {  	[spmem:s1] =	stream.linear.scatter [tilespmem:s20], [sflag:$0x9], $0x4000, $0x38;
	[tilespmem:$0x1C400] =	vst v63  }
0x31: {  	_ =	swait.ge [sflag:s21], $0x4000  }
0x32: {  	[sflag:s21] =	ssyncset.done $0x0  }
0x33: {  	s11 =	rddreg [dreg:$0xe];
	[sflag:s21] =	ssyncadd.s32 $0xFFFFC000  }
0x34: {  	[spmem:s11] =	stream.linear.scatter [tilespmem:s20], [sflag:$0x9], $0x4000, $0x38;
	[tilespmem:$0x1C400] =	vst v63  }
0x35: {  	_ =	swait.ge [sflag:s21], $0x4000  }
0x36: {  	[sflag:s21] =	ssyncset.done $0x0  }
0x37: {  	s12 =	rddreg [dreg:$0xf];
	[sflag:s21] =	ssyncadd.s32 $0xFFFFC000  }
0x38: {  	[spmem:s12] =	stream.linear.scatter [tilespmem:s20], [sflag:$0x9], $0x4000, $0x38;
	[tilespmem:$0x1C400] =	vst v63  }
0x39: {  	_ =	swait.ge [sflag:s21], $0x4000  }
0x3a: {  	[sflag:s21] =	ssyncset.done $0x0  }
0x3b: {  	[sflag:s21] =	ssyncadd.s32 $0xFFFFC000  }
0x3c: {  	[spmem:s15] =	stream.linear.scatter [tilespmem:s20], [sflag:$0x9], $0x4000, $0x38;
	[tilespmem:$0x1C400] =	vst v63  }
0x3d: {  	_ =	swait.ge [sflag:s21], $0x4000  }
0x3e: {  	p1 =	por $0x1, $0x1;
	[sflag:s21] =	ssyncset.done $0x0  }
0x3f: {  	p0 =	por p1, p1;
	[sflag:s21] =	ssyncadd.s32 $0xFFFFC000  }
0x40: {  	s1 =	simm.s32 @p0 $0x1;
	[bflag:$0x0] =	sbarrier.arrive $0xFFFF  }
0x41: {  	_ =	swait.ge @p0 [sflag:s1], $0x100  }
0x42: {  	s6 =	simm.s32 @p0 $0x400;
	s7 =	simm.s32 @p0 $0x5;
	[sflag:s1] =	ssyncset.done @p0 $0x0  }
0x43: {  	s8 =	simm.s32 @p0 $0x0;
	[sflag:s1] =	ssyncadd.s32 @p0 $0xFFFFFF00;
	s1 =	simm.s32 @p0 $0x80  }
0x44: {  	[tilespmem:s6], [sflag:$0x5] =	stream.indirect.gather @p0 [hbm4b:s4+s1], $0x80, s8, s1, $0xb8;
	[tilespmem:$0x1C400] =	vst v63  }
0x45: {  	_ =	swait.ge @p0 [sflag:s7], $0x4000  }
0x46: {  	[sflag:s7] =	ssyncset.done @p0 $0x0  }
0x47: {  	[sflag:s7] =	ssyncadd.s32 @p0 $0xFFFFC000;
	s7 =	simm.s32 @!p0 $0x7  }
0x48: {  	[spmem:s2] =	stream.indirect.scatter.add.f32 @p0 [tilespmem:s6], [sflag:$0x7], $0x80, s1, s1, $0xb8;
	[tilespmem:$0x1C400] =	vst v63  }
0x49: {  	s8 =	simm.s32 @!p0 $0x200;
	_ =	swait.ge @!p0 [sflag:s7], $0x4000  }
0x4a: {  	s1 =	sadd.s32 @!p1 $0x0, s16;
	s6 =	simm.s32 @!p0 $0x1;
	[sflag:s7] =	ssyncset.done @!p0 $0x0  }
0x4b: {  	s1 =	sadd.s32 @!p1 $0x40, s1;
	[sflag:s7] =	ssyncadd.s32 @!p0 $0xFFFFC000;
	s7 =	simm.s32 @!p0 $0x0  }
0x4c: {  	[tilespmem:s8], [sflag:$0x3] =	stream.linear.gather @!p0 [hbm4b:s1+s7], $0x100, $0x38;
	[tilespmem:$0x1C400] =	vst v63  }
0x4d: {  	_ =	swait.ge @!p0 [sflag:s6], $0x100  }
0x4e: {  	s1 =	simm.s32 @!p0 $0x5;
	[sflag:s6] =	ssyncset.done @!p0 $0x0  }
0x4f: {  	s8 =	simm.s32 @!p0 $0x400;
	[sflag:s6] =	ssyncadd.s32 @!p0 $0xFFFFFF00;
	s6 =	simm.s32 @!p0 $0x80  }
0x50: {  	[tilespmem:s8], [sflag:$0x5] =	stream.indirect.gather @!p0 [hbm4b:s4+s6], $0x80, s7, s6, $0xb8;
	[tilespmem:$0x1C400] =	vst v63  }
0x51: {  	_ =	swait.ge @!p0 [sflag:s1], $0x4000  }
0x52: {  	[sflag:s1] =	ssyncset.done @!p0 $0x0  }
0x53: {  	[sflag:s1] =	ssyncadd.s32 @!p0 $0xFFFFC000;
	s1 =	simm.s32 @!p0 $0x8  }
0x54: {  	[spmem:s2] =	stream.indirect.scatter.add.f32 @!p0 [tilespmem:s8], [sflag:$0x7], $0x80, s6, s6, $0xb8;
	[tilespmem:$0x1C400] =	vst v63  }
0x55: {  	_ =	swait.ge @!p0 [sflag:s1], $0x4000  }
0x56: {  	s6 =	rddreg [dreg:$0x4];
	[sflag:s1] =	ssyncset.done @!p0 $0x0  }
0x57: {  	[sflag:s1] =	ssyncadd.s32 @!p0 $0xFFFFC000;
	s1 =	sadd.s32 @!p0 $0x0, s6;
	s6 =	simm.s32 @!p0 $0x300  }
0x58: {  	[tilespmem:s6], [sflag:$0x4] =	stream.linear.gather @!p0 [hbm4b:s1+s7], $0x100, $0x38;
	[tilespmem:$0x1C400] =	vst v63  }
0x59: {  	_ =	swait.ge [sflag:s22], $0x100  }
0x5a: {  	[sflag:s22] =	ssyncset.done $0x0  }
0x5b: {  	[sflag:s22] =	ssyncadd.s32 $0xFFFFFF00  }
0x5c: {  	[tilespmem:s24], [sflag:$0x6] =	stream.indirect.gather [hbm4b:s4+s23], $0x80, s17, s23, $0xb8;
	[tilespmem:$0x1C400] =	vst v63  }
0x5d: {  	_ =	swait.ge [sflag:s25], $0x4000  }
0x5e: {  	[sflag:s25] =	ssyncset.done $0x0  }
0x5f: {  	s13 =	rddreg [dreg:$0x5];
	[sflag:s25] =	ssyncadd.s32 $0xFFFFC000  }
0x60: {  	[spmem:s2] =	stream.indirect.scatter.add.f32 [tilespmem:s24], [sflag:$0x8], $0x80, s13, s23, $0xb8;
	[tilespmem:$0x1C400] =	vst v63  }
0x61: {  	p0 =	por $0x0, $0x0;
	_ =	swait.ge [sflag:s26], $0x4000  }
0x62: {  	s1 =	sadd.s32 @!p0 $0x0, s16;
	[sflag:s26] =	ssyncset.done $0x0  }
0x63: {  	s7 =	simm.s32 @!p0 $0x0;
	s6 =	sadd.s32 @!p0 $0x80, s1;
	[sflag:s26] =	ssyncadd.s32 $0xFFFFC000  }
0x64: {  	[tilespmem:s7], [sflag:$0x1] =	stream.linear.gather @!p0 [hbm4b:s6+s7], $0x100, $0x38;
	[tilespmem:$0x1C400] =	vst v63  }
0x65: {  	_ =	swait.ge [sflag:s28], $0x100  }
0x66: {  	[sflag:s28] =	ssyncset.done $0x0  }
0x67: {  	[sflag:s28] =	ssyncadd.s32 $0xFFFFFF00  }
0x68: {  	[tilespmem:s20], [sflag:$0x5] =	stream.indirect.gather [hbm4b:s4+s23], $0x80, s18, s23, $0xb8;
	[tilespmem:$0x1C400] =	vst v63  }
0x69: {  	_ =	swait.ge [sflag:s29], $0x4000  }
0x6a: {  	[sflag:s29] =	ssyncset.done $0x0  }
0x6b: {  	s14 =	rddreg [dreg:$0x6];
	[sflag:s29] =	ssyncadd.s32 $0xFFFFC000  }
0x6c: {  	[spmem:s2] =	stream.indirect.scatter.add.f32 [tilespmem:s20], [sflag:$0x7], $0x80, s14, s23, $0xb8;
	[tilespmem:$0x1C400] =	vst v63  }
0x6d: {  	_ =	swait.ge [sflag:s30], $0x4000  }
0x6e: {  	[sflag:s30] =	ssyncset.done $0x0  }
0x6f: {  	s1 =	sadd.s32 @!p0 $0xA0, s1;
	s6 =	simm.s32 @!p0 $0x100;
	[sflag:s30] =	ssyncadd.s32 $0xFFFFC000  }
0x70: {  	[tilespmem:s6], [sflag:$0x2] =	stream.linear.gather @!p0 [hbm4b:s1+s7], $0x100, $0x38;
	[tilespmem:$0x1C400] =	vst v63  }
0x71: {  	_ =	swait.ge [sflag:s31], $0x100  }
0x72: {  	[sflag:s31] =	ssyncset.done $0x0  }
0x73: {  	p0 =	por $0x0, $0x0;
	[sflag:s31] =	ssyncadd.s32 $0xFFFFFF00  }
0x74: {  	[tilespmem:s24], [sflag:$0x6] =	stream.indirect.gather [hbm4b:s4+s23], $0x80, s19, s23, $0xb8;
	[tilespmem:$0x1C400] =	vst v63  }
0x75: {  	s1 =	simm.s32 $0x80;
	s6 =	sadd.s32 @!p0 $0x80, s16;
	_ =	swait.ge [sflag:s25], $0x4000  }
0x76: {  	s7 =	simm.s32 $0x100;
	s6 =	sadd.s32 @!p0 $0x40, s6;
	[sflag:s25] =	ssyncset.done $0x0  }
0x77: {  	p0 =	por p0, p0;
	s8 =	rddreg [dreg:$0x7];
	[sflag:s25] =	ssyncadd.s32 $0xFFFFC000  }
.LBB2_4:
0x78: {  	[spmem:s2] =	stream.indirect.scatter.add.f32 [tilespmem:s24], [sflag:$0x8], $0x80, s8, s23, $0xb8;
	[tilespmem:$0x1C400] =	vst v63  }
0x79: {  	s10 =	simm.s32 @p0 $0x1  }
0x7a: {  	_ =	swait.ge @p0 [sflag:s10], $0x100  }
0x7b: {  	s12 =	simm.s32 @p0 $0x400;
	s13 =	simm.s32 @p0 $0x5;
	[sflag:s10] =	ssyncset.done @p0 $0x0  }
0x7c: {  	s14 =	simm.s32 @p0 $0x0;
	[sflag:s10] =	ssyncadd.s32 @p0 $0xFFFFFF00;
	s10 =	simm.s32 @p0 $0x80  }
0x7d: {  	[tilespmem:s12], [sflag:$0x5] =	stream.indirect.gather @p0 [hbm4b:s4+s10], $0x80, s14, s10, $0xb8;
	[tilespmem:$0x1C400] =	vst v63  }
0x7e: {  	_ =	swait.ge @p0 [sflag:s13], $0x4000  }
0x7f: {  	[sflag:s13] =	ssyncset.done @p0 $0x0  }
0x80: {  	s8 =	smov.u32 s7;
	[sflag:s13] =	ssyncadd.s32 @p0 $0xFFFFC000;
	s13 =	simm.s32 @!p0 $0x7  }
0x81: {  	[spmem:s2] =	stream.indirect.scatter.add.f32 @p0 [tilespmem:s12], [sflag:$0x7], $0x80, s10, s10, $0xb8;
	[tilespmem:$0x1C400] =	vst v63  }
0x82: {  	p2 =	seq.s32 s8, $0x0;
	_ =	swait.ge @!p0 [sflag:s13], $0x4000  }
0x83: {  	s11 =	sadd.s32 @!p2 s8, s16;
	s10 =	simm.s32 @!p0 $0x1;
	[sflag:s13] =	ssyncset.done @!p0 $0x0  }
0x84: {  	s12 =	simm.s32 @!p0 $0x0;
	[sflag:s13] =	ssyncadd.s32 @!p0 $0xFFFFC000;
	s13 =	simm.s32 @!p0 $0x200  }
0x85: {  	[tilespmem:s13], [sflag:$0x3] =	stream.linear.gather @!p0 [hbm4b:s6+s12], $0x100, $0x38;
	[tilespmem:$0x1C400] =	vst v63  }
0x86: {  	s11 =	sadd.s32 @!p2 $0x40, s11;
	_ =	swait.ge @!p0 [sflag:s10], $0x100  }
0x87: {  	s6 =	smov.u32 s11;
	s11 =	simm.s32 @!p0 $0x5;
	[sflag:s10] =	ssyncset.done @!p0 $0x0  }
0x88: {  	s13 =	simm.s32 @!p0 $0x400;
	[sflag:s10] =	ssyncadd.s32 @!p0 $0xFFFFFF00;
	s10 =	simm.s32 @!p0 $0x80  }
0x89: {  	[tilespmem:s13], [sflag:$0x5] =	stream.indirect.gather @!p0 [hbm4b:s4+s10], $0x80, s12, s10, $0xb8;
	[tilespmem:$0x1C400] =	vst v63  }
0x8a: {  	_ =	swait.ge @!p0 [sflag:s11], $0x4000  }
0x8b: {  	[sflag:s11] =	ssyncset.done @!p0 $0x0  }
0x8c: {  	[sflag:s11] =	ssyncadd.s32 @!p0 $0xFFFFC000;
	s11 =	simm.s32 @!p0 $0x8  }
0x8d: {  	[spmem:s2] =	stream.indirect.scatter.add.f32 @!p0 [tilespmem:s13], [sflag:$0x7], $0x80, s10, s10, $0xb8;
	[tilespmem:$0x1C400] =	vst v63  }
0x8e: {  	_ =	swait.ge @!p0 [sflag:s11], $0x4000  }
0x8f: {  	s10 =	rddreg [dreg:$0x4];
	[sflag:s11] =	ssyncset.done @!p0 $0x0  }
0x90: {  	[sflag:s11] =	ssyncadd.s32 @!p0 $0xFFFFC000;
	s10 =	sadd.s32 @!p0 s1, s10;
	s11 =	simm.s32 @!p0 $0x300  }
0x91: {  	[tilespmem:s11], [sflag:$0x4] =	stream.linear.gather @!p0 [hbm4b:s10+s12], $0x100, $0x38;
	[tilespmem:$0x1C400] =	vst v63  }
0x92: {  	_ =	swait.ge [sflag:s22], $0x100  }
0x93: {  	[sflag:s22] =	ssyncset.done $0x0  }
0x94: {  	[sflag:s22] =	ssyncadd.s32 $0xFFFFFF00  }
0x95: {  	[tilespmem:s24], [sflag:$0x6] =	stream.indirect.gather [hbm4b:s4+s23], $0x80, s17, s23, $0xb8;
	[tilespmem:$0x1C400] =	vst v63  }
0x96: {  	_ =	swait.ge [sflag:s25], $0x4000  }
0x97: {  	[sflag:s25] =	ssyncset.done $0x0  }
0x98: {  	s13 =	rddreg [dreg:$0x5];
	[sflag:s25] =	ssyncadd.s32 $0xFFFFC000  }
0x99: {  	[spmem:s2] =	stream.indirect.scatter.add.f32 [tilespmem:s24], [sflag:$0x8], $0x80, s13, s23, $0xb8;
	[tilespmem:$0x1C400] =	vst v63  }
0x9a: {  	p0 =	por p2, p2;
	p2 =	seq.s32 s1, $0x980;
	_ =	swait.ge [sflag:s26], $0x4000  }
0x9b: {  	s10 =	sadd.s32 @!p2 s1, s16;
	s1 =	smov.u32 s8;
	[sflag:s26] =	ssyncset.done $0x0  }
0x9c: {  	s11 =	simm.s32 @!p2 $0x0;
	s8 =	sadd.s32 @!p2 $0x80, s10;
	[sflag:s26] =	ssyncadd.s32 $0xFFFFC000  }
0x9d: {  	[tilespmem:s11], [sflag:$0x1] =	stream.linear.gather @!p2 [hbm4b:s8+s11], $0x100, $0x38;
	[tilespmem:$0x1C400] =	vst v63  }
0x9e: {  	_ =	swait.ge [sflag:s28], $0x100  }
0x9f: {  	[sflag:s28] =	ssyncset.done $0x0  }
0xa0: {  	[sflag:s28] =	ssyncadd.s32 $0xFFFFFF00  }
0xa1: {  	[tilespmem:s20], [sflag:$0x5] =	stream.indirect.gather [hbm4b:s4+s23], $0x80, s18, s23, $0xb8;
	[tilespmem:$0x1C400] =	vst v63  }
0xa2: {  	_ =	swait.ge [sflag:s29], $0x4000  }
0xa3: {  	[sflag:s29] =	ssyncset.done $0x0  }
0xa4: {  	s14 =	rddreg [dreg:$0x6];
	[sflag:s29] =	ssyncadd.s32 $0xFFFFC000  }
0xa5: {  	[spmem:s2] =	stream.indirect.scatter.add.f32 [tilespmem:s20], [sflag:$0x7], $0x80, s14, s23, $0xb8;
	[tilespmem:$0x1C400] =	vst v63  }
0xa6: {  	_ =	swait.ge [sflag:s30], $0x4000  }
0xa7: {  	[sflag:s30] =	ssyncset.done $0x0  }
0xa8: {  	s8 =	sadd.s32 @!p2 $0xA0, s10;
	s10 =	simm.s32 @!p2 $0x100;
	[sflag:s30] =	ssyncadd.s32 $0xFFFFC000  }
0xa9: {  	[tilespmem:s10], [sflag:$0x2] =	stream.linear.gather @!p2 [hbm4b:s8+s11], $0x100, $0x38;
	[tilespmem:$0x1C400] =	vst v63  }
0xaa: {  	s7 =	sadd.s32 $0x80, s7;
	_ =	swait.ge [sflag:s31], $0x100  }
0xab: {  	p1 =	sne.s32 s7, $0xA00;
	[sflag:s31] =	ssyncset.done $0x0  }
.Ltmp1:
0xac: {  	[sflag:s31] =	ssyncadd.s32 $0xFFFFFF00;
	(pc) =	sbr.rel @p1 .LBB2_4-.Ltmp1, $4  }
0xad: {  	[tilespmem:s24], [sflag:$0x6] =	stream.indirect.gather [hbm4b:s4+s23], $0x80, s19, s23, $0xb8;
	[tilespmem:$0x1C400] =	vst v63  }
0xae: {  	_ =	swait.ge [sflag:s25], $0x4000  }
0xaf: {  	[sflag:s25] =	ssyncset.done $0x0  }
0xb0: {  	s8 =	rddreg [dreg:$0x7];
	[sflag:s25] =	ssyncadd.s32 $0xFFFFC000  }
0xb1: {  	[spmem:s2] =	stream.indirect.scatter.add.f32 [tilespmem:s24], [sflag:$0x8], $0x80, s8, s23, $0xb8;
	[tilespmem:$0x1C400] =	vst v63  }
0xb2: {  	s7 =	simm.s32 @p0 $0x1  }
0xb3: {  	_ =	swait.ge @p0 [sflag:s7], $0x100  }
0xb4: {  	s8 =	simm.s32 @p0 $0x400;
	[sflag:s7] =	ssyncset.done @p0 $0x0  }
0xb5: {  	s10 =	simm.s32 @p0 $0x0;
	[sflag:s7] =	ssyncadd.s32 @p0 $0xFFFFFF00;
	s7 =	simm.s32 @p0 $0x80  }
0xb6: {  	[tilespmem:s8], [sflag:$0x5] =	stream.indirect.gather @p0 [hbm4b:s4+s7], $0x80, s10, s7, $0xb8;
	[tilespmem:$0x1C400] =	vst v63  }
0xb7: {  	s10 =	simm.s32 @p0 $0x5  }
0xb8: {  	_ =	swait.ge @p0 [sflag:s10], $0x4000  }
0xb9: {  	[sflag:s10] =	ssyncset.done @p0 $0x0  }
0xba: {  	[sflag:s10] =	ssyncadd.s32 @p0 $0xFFFFC000;
	s10 =	simm.s32 @!p0 $0x7  }
0xbb: {  	[spmem:s2] =	stream.indirect.scatter.add.f32 @p0 [tilespmem:s8], [sflag:$0x7], $0x80, s7, s7, $0xb8;
	[tilespmem:$0x1C400] =	vst v63  }
0xbc: {  	_ =	swait.ge @!p0 [sflag:s10], $0x4000  }
0xbd: {  	s7 =	simm.s32 @!p0 $0x1;
	[sflag:s10] =	ssyncset.done @!p0 $0x0  }
0xbe: {  	s8 =	simm.s32 @!p0 $0x0;
	[sflag:s10] =	ssyncadd.s32 @!p0 $0xFFFFC000;
	s10 =	simm.s32 @!p0 $0x200  }
0xbf: {  	[tilespmem:s10], [sflag:$0x3] =	stream.linear.gather @!p0 [hbm4b:s6+s8], $0x100, $0x38;
	[tilespmem:$0x1C400] =	vst v63  }
0xc0: {  	_ =	swait.ge @!p0 [sflag:s7], $0x100  }
0xc1: {  	s6 =	simm.s32 @!p0 $0x5;
	[sflag:s7] =	ssyncset.done @!p0 $0x0  }
0xc2: {  	s10 =	simm.s32 @!p0 $0x400;
	[sflag:s7] =	ssyncadd.s32 @!p0 $0xFFFFFF00;
	s7 =	simm.s32 @!p0 $0x80  }
0xc3: {  	[tilespmem:s10], [sflag:$0x5] =	stream.indirect.gather @!p0 [hbm4b:s4+s7], $0x80, s8, s7, $0xb8;
	[tilespmem:$0x1C400] =	vst v63  }
0xc4: {  	_ =	swait.ge @!p0 [sflag:s6], $0x4000  }
0xc5: {  	[sflag:s6] =	ssyncset.done @!p0 $0x0  }
0xc6: {  	[sflag:s6] =	ssyncadd.s32 @!p0 $0xFFFFC000;
	s6 =	simm.s32 @!p0 $0x8  }
0xc7: {  	[spmem:s2] =	stream.indirect.scatter.add.f32 @!p0 [tilespmem:s10], [sflag:$0x7], $0x80, s7, s7, $0xb8;
	[tilespmem:$0x1C400] =	vst v63  }
0xc8: {  	_ =	swait.ge @!p0 [sflag:s6], $0x4000  }
0xc9: {  	s7 =	rddreg [dreg:$0x4];
	[sflag:s6] =	ssyncset.done @!p0 $0x0  }
0xca: {  	[sflag:s6] =	ssyncadd.s32 @!p0 $0xFFFFC000;
	s6 =	sadd.s32 @!p0 s1, s7;
	s7 =	simm.s32 @!p0 $0x300  }
0xcb: {  	[tilespmem:s7], [sflag:$0x4] =	stream.linear.gather @!p0 [hbm4b:s6+s8], $0x100, $0x38;
	[tilespmem:$0x1C400] =	vst v63  }
0xcc: {  	_ =	swait.ge [sflag:s22], $0x100  }
0xcd: {  	[sflag:s22] =	ssyncset.done $0x0  }
0xce: {  	[sflag:s22] =	ssyncadd.s32 $0xFFFFFF00  }
0xcf: {  	[tilespmem:s24], [sflag:$0x6] =	stream.indirect.gather [hbm4b:s4+s23], $0x80, s17, s23, $0xb8;
	[tilespmem:$0x1C400] =	vst v63  }
0xd0: {  	_ =	swait.ge [sflag:s25], $0x4000  }
0xd1: {  	[sflag:s25] =	ssyncset.done $0x0  }
0xd2: {  	s7 =	rddreg [dreg:$0x5];
	[sflag:s25] =	ssyncadd.s32 $0xFFFFC000  }
0xd3: {  	[spmem:s2] =	stream.indirect.scatter.add.f32 [tilespmem:s24], [sflag:$0x8], $0x80, s7, s23, $0xb8;
	[tilespmem:$0x1C400] =	vst v63  }
0xd4: {  	p0 =	seq.s32 s1, $0x980;
	_ =	swait.ge [sflag:s26], $0x4000  }
0xd5: {  	s1 =	sadd.s32 @!p0 s1, s16;
	[sflag:s26] =	ssyncset.done $0x0  }
0xd6: {  	s6 =	sadd.s32 @!p0 $0x80, s1;
	s7 =	simm.s32 @!p0 $0x0;
	[sflag:s26] =	ssyncadd.s32 $0xFFFFC000  }
0xd7: {  	[tilespmem:s7], [sflag:$0x1] =	stream.linear.gather @!p0 [hbm4b:s6+s7], $0x100, $0x38;
	[tilespmem:$0x1C400] =	vst v63  }
0xd8: {  	_ =	swait.ge [sflag:s28], $0x100  }
0xd9: {  	[sflag:s28] =	ssyncset.done $0x0  }
0xda: {  	[sflag:s28] =	ssyncadd.s32 $0xFFFFFF00  }
0xdb: {  	[tilespmem:s20], [sflag:$0x5] =	stream.indirect.gather [hbm4b:s4+s23], $0x80, s18, s23, $0xb8;
	[tilespmem:$0x1C400] =	vst v63  }
0xdc: {  	_ =	swait.ge [sflag:s29], $0x4000  }
0xdd: {  	[sflag:s29] =	ssyncset.done $0x0  }
0xde: {  	s8 =	rddreg [dreg:$0x6];
	[sflag:s29] =	ssyncadd.s32 $0xFFFFC000  }
0xdf: {  	[spmem:s2] =	stream.indirect.scatter.add.f32 [tilespmem:s20], [sflag:$0x7], $0x80, s8, s23, $0xb8;
	[tilespmem:$0x1C400] =	vst v63  }
0xe0: {  	_ =	swait.ge [sflag:s30], $0x4000  }
0xe1: {  	[sflag:s30] =	ssyncset.done $0x0  }
0xe2: {  	s1 =	sadd.s32 @!p0 $0xA0, s1;
	s6 =	simm.s32 @!p0 $0x100;
	[sflag:s30] =	ssyncadd.s32 $0xFFFFC000  }
0xe3: {  	[tilespmem:s6], [sflag:$0x2] =	stream.linear.gather @!p0 [hbm4b:s1+s7], $0x100, $0x38;
	[tilespmem:$0x1C400] =	vst v63  }
0xe4: {  	_ =	swait.ge [sflag:s31], $0x100  }
0xe5: {  	[sflag:s31] =	ssyncset.done $0x0  }
0xe6: {  	[sflag:s31] =	ssyncadd.s32 $0xFFFFFF00  }
0xe7: {  	[tilespmem:s24], [sflag:$0x6] =	stream.indirect.gather [hbm4b:s4+s23], $0x80, s19, s23, $0xb8;
	[tilespmem:$0x1C400] =	vst v63  }
0xe8: {  	_ =	swait.ge [sflag:s25], $0x4000  }
0xe9: {  	[sflag:s25] =	ssyncset.done $0x0  }
0xea: {  	s10 =	rddreg [dreg:$0x7];
	[sflag:s25] =	ssyncadd.s32 $0xFFFFC000  }
0xeb: {  	[spmem:s2] =	stream.indirect.scatter.add.f32 [tilespmem:s24], [sflag:$0x8], $0x80, s10, s23, $0xb8;
	[tilespmem:$0x1C400] =	vst v63  }
0xec: {  	_ =	swait.ge [sflag:s26], $0x4000  }
0xed: {  	[sflag:s26] =	ssyncset.done $0x0  }
0xee: {  	[sflag:s26] =	ssyncadd.s32 $0xFFFFC000  }
0xef: {  	_ =	swait.ge [sflag:s30], $0x4000  }
0xf0: {  	[sflag:s30] =	ssyncset.done $0x0  }
0xf1: {  	s11 =	stileid.u32;
	[sflag:s30] =	ssyncadd.s32 $0xFFFFC000  }
0xf2: {  	s1 =	sshll.u32 s11, $0x6;
	[bflag:$0x0] =	sbarrier.arrive $0xFFFF  }
0xf3: {  	s12 =	sshrl.u32 s9, $0x3;
	s1 =	sor.u32 $0x1C09, s1;
	s13 =	rddreg [dreg:$0xb]  }
0xf4: {  	[hbm:s13], [sflag:s1] =	dma.local [spmem:s12], $0x2800  }
0xf5: {  	_ =	swait.ge [sflag:s21], $0x2800  }
0xf6: {  	s0 =	sadd.s32 $0x1, s0;
	s14 =	rddreg [dreg:$0xc]  }
0xf7: {  	p0 =	sne.s32 s0, s14  }
.Ltmp2:
0xf8: {  	_ = 	snop;
	(pc) =	sbr.rel @p0 .LBB2_1-.Ltmp2, $3  }
0xf9: {  	_ =	sdelay $0x1  }
0xfa: {  	[sflag:s21] =	ssyncset.done $0x0  }
0xfb: {  	[sflag:s21] =	ssyncadd.s32 $0xFFFFD800  }
0xfc: {  	_ =	sfence.sel $0x180000  }
0xfd: {  	[bflag:$0x0] =	sbarrier.arrive $0xFFFF  }
0xfe: {  	_ =	strace $0x9000004A  }
0xff: {  	s0 =	stileid.u32;
	[bflag:$0x2] =	sbarrier.arrive $0xFFFF  }
0x100: {  	p0 =	sne.s32 s0, $0x0;
	s0 =	rddreg [dreg:$0x3]  }
0x101: {  	s0 =	sadd.s32 @!p0 $0x100000, s0  }
0x102: {  	[sflag:s0] =	ssyncadd.tile.s32 @!p0 $0x1;
	_ =	shalt  }
.Lfunc_end2:
_tile_overlayer_lowered:
.L_overlay_start_2:
0x103: {  	(tag) =	ssettag $0x2  }
0x104: {  	s0 =	rddreg [dreg:$0x0];
	s2 =	stileid.u32  }
0x105: {  	s1 =	rddreg [dreg:$0x1];
	p0 =	sne.s32 s2, $0x0  }
0x106: {  	s3 =	rddreg [dreg:$0x2];
	[bflag:$0x3] =	sbarrier.arrive $0xFFFF;
	s2 =	simm.s32 @!p0 $0x1C09  }
0x107: {  	[timem:s3], [sflag:s2] =	dma.local @!p0 [hbm:s0], s1  }
0x108: {  	s0 =	simm.s32 @!p0 $0x9  }
0x109: {  	_ =	swait.ge @!p0 [sflag:s0], s1  }
0x10a: {  	s1 =	ssub.s32 @!p0 $0x0, s1;
	[sflag:s0] =	ssyncset.done @!p0 $0x0  }
0x10b: {  	[sflag:s0] =	ssyncadd.s32 @!p0 s1  }
0x10c: {  	[bflag:$0x3] =	sbarrier.arrive $0xFFFF  }
0x10d: {  	_ =	shalt  }

// kernel: kernel.16.cloned.1.call-start
scs
__scs_entry_jumppad:
0x0: {  	(pc) =	sbr.rel $0x88, $3  }
0x1: {  	(tag) =	ssettag $0x0;
	lr =	simm.s32 $0x1  }
0x2: {  	[smem:$0x3F99] =	sst lr;
	_ =	strace $0xD0000000  }
0x3: {  	_ = 	snop  }
0x4: {  	_ = 	snop  }
0x5: {  	_ = 	snop  }
0x6: {  	_ = 	snop  }
0x7: {  	_ = 	snop  }
__scs_overlays_trampoline_lowered:
0x8: {  	[smem:$0x3FA8] =	sst s0  }
0x9: {  	[smem:$0x3FA9] =	sst s1  }
0xa: {  	[smem:$0x3FAA] =	sst s2  }
0xb: {  	[smem:$0x3FAB] =	sst s3  }
0xc: {  	[smem:$0x3FAC] =	sst s4  }
0xd: {  	[smem:$0x3FAD] =	sst s5  }
0xe: {  	[smem:$0x3FAE] =	sst s6  }
0xf: {  	[smem:$0x3FAF] =	sst s7  }
0x10: {  	[smem:$0x3FB0] =	sst s8  }
0x11: {  	[smem:$0x3FB1] =	sst s9;
	s0 =	simm.s32 @!p0 $0x0  }
0x12: {  	s1 =	sld [smem:$0x3F97];
	s0 =	simm.s32 @p0 $0x1  }
0x13: {  	[smem:$0x3FB2] =	sst s0;
	s0 =	simm.s32 @!p1 $0x0  }
0x14: {  	s2 =	sld [smem:$0x3F96];
	s0 =	simm.s32 @p1 $0x1  }
0x15: {  	[smem:$0x3FB3] =	sst s0;
	s0 =	simm.s32 @!p2 $0x0  }
0x16: {  	s3 =	sld [smem:$0x3FDB];
	s0 =	simm.s32 @p2 $0x1  }
0x17: {  	s4 =	simm.s32 $0x1BF5;
	[smem:$0x3FB5] =	sst s0  }
0x18: {  	s0 =	sld [smem:$0x3F98];
	_ =	swait.ge [sflag:s4], $0x0  }
0x19: {  	s7 =	sld [smem:$0x3F99]  }
0x1a: {  	s8 =	sadd.s32 $0xFFFFE003, lr  }
0x1b: {  	s9 =	sadd.s32 $0xFFFFFEF7, lr;
	s5 =	simm.s32 $0xFFFFFFFF;
	p2 =	slt.u32 s8, $0xFFFFF086  }
0x1c: {  	p1 =	slt.u32 s9, $0xF7A;
	s5 =	simm.s32 @!p2 $0x0  }
0x1d: {  	s5 =	simm.s32 @p1 $0x1;
	p0 =	seq.s32 s7, s2  }
0x1e: {  	s7 =	smul.u32 @!p0 $0xF7A, s2;
	p2 =	seq.s32 @!p0 s5, $0x0  }
0x1f: {  	s9 =	smul.u32 $0xF7A, s1;
	s8 =	simm.s32 @!p0 $0x1BF5;
	p2 =	por !p2, p0  }
0x20: {  	[sflag:s8] =	ssyncset.s32 @!p0 $0xFFFFF086;
	s6 =	sadd.s32 @!p0 s3, s7;
	s7 =	simm.s32 @!p0 $0x108  }
0x21: {  	s3 =	sadd.s32 s3, s9;
	s6 =	sadd.s32 @!p0 $0x88, s6;
	s7 =	simm.s32 @p2 $0x1082  }
0x22: {  	[simem:s7], [sflag:s8] =	dma.local @!p0 [hbm:s6], $0xF7A  }
0x23: {  	s9 =	sor.u32 $0xD0000000, s2;
	s6 =	simm.s32 $0x108;
	_ =	swait.ge @!p0 [sflag:s8], $0x0  }
0x24: {  	s3 =	sadd.s32 $0x88, s3;
	s6 =	simm.s32 @!p1 $0x1082;
	[sflag:s4] =	ssyncset.s32 $0xFFFFF086  }
0x25: {  	[simem:s6], [sflag:s4] =	dma.local [hbm:s3], $0xF7A  }
0x26: {  	[smem:$0x3F99] =	sst s1;
	(tag) =	ssettag s2;
	_ =	strace s9  }
0x27: {  	s1 =	sld [smem:$0x3FA9]  }
0x28: {  	s2 =	sld [smem:$0x3FAA]  }
0x29: {  	s4 =	sld [smem:$0x3FAC]  }
0x2a: {  	p0 =	seq.s32 s5, $0x0;
	s5 =	sld [smem:$0x3FAD]  }
0x2b: {  	s6 =	sld [smem:$0x3FAE]  }
0x2c: {  	s7 =	sld [smem:$0x3FAF]  }
0x2d: {  	s3 =	simm.s32 $0x108;
	s8 =	sld [smem:$0x3FB0]  }
0x2e: {  	s3 =	simm.s32 @!p0 $0x1082;
	s9 =	sld [smem:$0x3FB1]  }
0x2f: {  	lr =	sadd.s32 s0, s3;
	s0 =	sld [smem:$0x3FA8]  }
0x30: {  	s3 =	sld [smem:$0x3FAB]  }
0x31: {  	[smem:$0x3FB4] =	sst s10  }
0x32: {  	s10 =	sld [smem:$0x3FB2];
	_ =	sdelay $0x3  }
0x33: {  	p0 =	seq.s32 s10, $0x1;
	s10 =	sld [smem:$0x3FB4];
	_ =	sdelay $0x3  }
0x34: {  	[smem:$0x3FB4] =	sst s10  }
0x35: {  	s10 =	sld [smem:$0x3FB3];
	_ =	sdelay $0x3  }
0x36: {  	p1 =	seq.s32 s10, $0x1;
	s10 =	sld [smem:$0x3FB4];
	_ =	sdelay $0x3  }
0x37: {  	[smem:$0x3FB4] =	sst s10  }
0x38: {  	s10 =	sld [smem:$0x3FB5]  }
0x39: {  	_ = 	snop;
	(pc) =	sbr.ind lr, $3  }
0x3a: {  	_ = 	snop  }
0x3b: {  	_ = 	snop  }
0x3c: {  	p2 =	seq.s32 s10, $0x1;
	s10 =	sld [smem:$0x3FB4]  }
0x3d: {  	_ =	shalt  }
0x3e: {  	_ =	shalt  }
0x3f: {  	_ =	shalt  }
0x40: {  	_ =	shalt  }
0x41: {  	_ =	shalt  }
0x42: {  	_ =	shalt  }
0x43: {  	_ =	shalt  }
0x44: {  	_ =	shalt  }
0x45: {  	_ =	shalt  }
0x46: {  	_ =	shalt  }
0x47: {  	_ =	shalt  }
0x48: {  	_ =	shalt  }
0x49: {  	_ =	shalt  }
0x4a: {  	_ =	shalt  }
0x4b: {  	_ =	shalt  }
0x4c: {  	_ =	shalt  }
0x4d: {  	_ =	shalt  }
0x4e: {  	_ =	shalt  }
0x4f: {  	_ =	shalt  }
0x50: {  	_ =	shalt  }
0x51: {  	_ =	shalt  }
0x52: {  	_ =	shalt  }
0x53: {  	_ =	shalt  }
0x54: {  	_ =	shalt  }
0x55: {  	_ =	shalt  }
0x56: {  	_ =	shalt  }
0x57: {  	_ =	shalt  }
0x58: {  	_ =	shalt  }
0x59: {  	_ =	shalt  }
0x5a: {  	_ =	shalt  }
0x5b: {  	_ =	shalt  }
0x5c: {  	_ =	shalt  }
0x5d: {  	_ =	shalt  }
0x5e: {  	_ =	shalt  }
0x5f: {  	_ =	shalt  }
0x60: {  	_ =	shalt  }
0x61: {  	_ =	shalt  }
0x62: {  	_ =	shalt  }
0x63: {  	_ =	shalt  }
0x64: {  	_ =	shalt  }
0x65: {  	_ =	shalt  }
0x66: {  	_ =	shalt  }
0x67: {  	_ =	shalt  }
0x68: {  	_ =	shalt  }
0x69: {  	_ =	shalt  }
0x6a: {  	_ =	shalt  }
0x6b: {  	_ =	shalt  }
0x6c: {  	_ =	shalt  }
0x6d: {  	_ =	shalt  }
0x6e: {  	_ =	shalt  }
0x6f: {  	_ =	shalt  }
0x70: {  	_ =	shalt  }
0x71: {  	_ =	shalt  }
0x72: {  	_ =	shalt  }
0x73: {  	_ =	shalt  }
0x74: {  	_ =	shalt  }
0x75: {  	_ =	shalt  }
0x76: {  	_ =	shalt  }
0x77: {  	_ =	shalt  }
0x78: {  	_ =	shalt  }
0x79: {  	_ =	shalt  }
0x7a: {  	_ =	shalt  }
0x7b: {  	_ =	shalt  }
0x7c: {  	_ =	shalt  }
0x7d: {  	_ =	shalt  }
0x7e: {  	_ =	shalt  }
0x7f: {  	_ =	shalt  }
0x80: {  	_ =	shalt  }
0x81: {  	_ =	shalt  }
0x82: {  	_ =	shalt  }
0x83: {  	_ =	shalt  }
0x84: {  	_ =	shalt  }
0x85: {  	_ =	shalt  }
0x86: {  	_ =	shalt  }
0x87: {  	_ =	shalt  }
.Lfunc_end0:
.L_simem_size_0:
called_computation.2_lowered:
.L_overlay_start_0:
0x88: {  	s2 =	sld [smem:$0x3FD9]  }
0x89: {  	s3 =	sld [smem:$0x3FFE];
	_ =	sdelay $0x1  }
0x8a: {  	s1 =	srdreg.scid  }
0x8b: {  	s0 =	sand.u32 $0x1, s1  }
0x8c: {  	s17 =	sshll.u32 s0, $0xA;
	s2 =	sadd.s32 s3, s2  }
0x8d: {  	s2 =	sadd.s32 s2, s17  }
0x8e: {  	[smem:$0x3FC0] =	sst s2  }
0x8f: {  	_ = 	snop  }
0x90: {  	s2 =	sld [smem:$0x3FD0];
	(tm) =	ssettm $0x1  }
0x91: {  	s18 =	sld [smem:$0x3FFB];
	_ =	sdelay $0x3  }
0x92: {  	_ =	strace s18  }
0x93: {  	s3 =	sld [smem:$0x3FFC];
	_ =	sdelay $0x3  }
0x94: {  	_ =	strace s3  }
0x95: {  	s3 =	sld [smem:$0x3FFD];
	_ =	sdelay $0x3  }
0x96: {  	_ =	strace s3  }
0x97: {  	_ =	strace $0x8FFFFFFF  }
0x98: {  	s19 =	sld [smem:$0x3FDB];
	_ =	sdelay $0x1  }
0x99: {  	s4 =	simm.s32 $_scs_section_size  }
0x9a: {  	s5 =	simm.s32 $_size__tile_overlayer_lowered;
	s6 =	simm.s32 $_tile_overlayer_lowered  }
0x9b: {  	s22 =	simm.s32 $0x1BFF;
	s21 =	sshll.u32 s6, $0x1;
	s3 =	sadd.s32 s4, s19  }
0x9c: {  	s7 =	simm.s32 $0x0;
	s20 =	sshll.u32 s5, $0x1;
	s5 =	sadd.s32 s21, s3  }
0x9d: {  	[timem:s7], [sflag:s22] =	dma.local [hbm:s5], s20  }
0x9e: {  	_ =	swait.ge [sflag:s22], s20  }
0x9f: {  	s4 =	ssub.s32 $0x0, s20;
	[sflag:s22] =	ssyncset.done $0x0  }
0xa0: {  	[sflag:s22] =	ssyncadd.s32 s4;
	_ =	sdelay $0x1  }
0xa1: {  	s23 =	simm.s32 $0x1B8B  }
0xa2: {  	_ =	swait.ge [sflag:s23], $0x1  }
0xa3: {  	[sflag:s23] =	ssyncset.done $0x0  }
0xa4: {  	s25 =	simm.s32 $0x1B8E;
	s24 =	sld [smem:$0x3FFE];
	[sflag:s23] =	ssyncadd.s32 $0xFFFFFFFF  }
0xa5: {  	s26 =	simm.s32 $execute0_lowered;
	[smem:$0x3FD2] =	sst s25  }
0xa6: {  	s5 =	sshll.u32 s26, $0x1;
	_ =	strace $0x8000004C;
	[dreg:$0x1] =	wrdreg $0xFFFFFFFF  }
0xa7: {  	s28 =	simm.s32 $_size_execute0_lowered;
	s3 =	sadd.s32 s3, s5;
	[dreg:$0x0] =	wrdreg $0x0  }
0xa8: {  	s5 =	sshll.u32 s28, $0x1;
	[dreg:$0x2] =	wrdreg s3  }
0xa9: {  	[dreg:$0x3] =	wrdreg s5  }
0xaa: {  	[dreg:$0x4] =	wrdreg $0xC0  }
0xab: {  	_ =	task [dreg:s7], $0x5FFFF  }
0xac: {  	[dreg:$0x1] =	wrdreg $0xFFFFFFFF  }
0xad: {  	[dreg:$0x0] =	wrdreg $0x60  }
0xae: {  	[dreg:$0x2] =	wrdreg s24  }
0xaf: {  	[dreg:$0x3] =	wrdreg s2  }
0xb0: {  	[dreg:$0x4] =	wrdreg $0x84000  }
0xb1: {  	[dreg:$0x5] =	wrdreg $0x9  }
0xb2: {  	_ =	task.clear_ibuf [dreg:s7], $0x6FFFF;
	_ =	strace $0x9000004C  }
0xb3: {  	s29 =	simm.s32 $0x9;
	_ =	strace $0x8000004E  }
0xb4: {  	_ =	swait.ge [sflag:s29], $0x1  }
0xb5: {  	[sflag:s29] =	ssyncadd.s32 $0xFFFFFFFF  }
0xb6: {  	_ =	strace $0x9000004E  }
0xb7: {  	_ =	sfence  }
0xb8: {  	s30 =	sld [smem:$0x0];
	_ =	sdelay $0x2  }
0xb9: {  	s31 =	sshll.u32 s1, $0xD;
	s1 =	sshrl.u32 s1, $0x2  }
0xba: {  	s3 =	sand.u32 $0x4000, s31;
	s1 =	sadd.s32 s1, s30  }
0xbb: {  	s0 =	sor.u32 s3, s0;
	s1 =	sshll.u32 s1, $0x11  }
0xbc: {  	s0 =	sor.u32 s1, s0  }
0xbd: {  	s0 =	sadd.s32 $0x8F2B, s0  }
0xbe: {  	[sflag:s0] =	ssyncadd.remote.s32 $0x1  }
0xbf: {  	_ =	sfence.sel $0xFFFF  }
0xc0: {  	[dreg:$0x0] =	wrdreg $0xFFFFFFFF;
	(pc) =	sbr.abs _section_cstart, $3  }
0xc1: {  	[dreg:$0x1] =	wrdreg $0xFFFFFFFF  }
0xc2: {  	_ =	task.clear_ibuf [dreg:s7], $0x2FFFF;
	_ =	strace $0x9FFFFFFF  }
0xc3: {  	(tm) =	ssettm $0x7FFFFFFF  }
tec
execute0_lowered:
.L_overlay_start_1:
0x0: {  	(tag) =	ssettag $0x1  }
0x1: {  	s0 =	rddreg [dreg:$0x0]  }
0x2: {  	s1 =	rddreg [dreg:$0x1]  }
0x3: {  	s2 =	rddreg [dreg:$0x2]  }
0x4: {  	s3 =	srdreg.scid;
	s10 =	stileid.u32  }
0x5: {  	s24 =	simm.s32 $0x180;
	s25 =	simm.s32 $0x280;
	s26 =	simm.s32 $0x380  }
0x6: {  	s28 =	simm.s32 $0x3;
	s29 =	simm.s32 $0x5;
	s5 =	smul.u32 $0x14000, s10  }
0x7: {  	s30 =	simm.s32 $0x8;
	s31 =	simm.s32 $0x4;
	s14 =	smul.u32 $0x50000, s10  }
0x8: {  	s6 =	sand.u32 $0x1, s3;
	s3 =	simm.s32 $0x0;
	s19 =	smul.u32 $0x1400, s10  }
0x9: {  	s7 =	sshll.u32 s10, $0x1;
	s15 =	sadd.s32 $0x60, s1;
	s4 =	smul.u32 $0x140000, s6  }
0xa: {  	[smem:$0x7FF] =	sst s3;
	s7 =	sor.u32 s6, s7;
	s8 =	ssub.s32 $0x2, s6  }
0xb: {  	_ =	strace $0x8000004D;
	s7 =	smul.u32 $0xA00, s7;
	s9 =	sshrl.u32 s8, $0x1  }
0xc: {  	s16 =	sshrl.u32 s14, $0x2;
	s14 =	smul.u32 $0x50, s6;
	[dreg:$0x5] =	wrdreg s24  }
0xd: {  	s6 =	smul.u32 $0xA00, s6;
	[dreg:$0x6] =	wrdreg s25;
	s24 =	simm.s32 $0x4400  }
0xe: {  	[dreg:$0x7] =	wrdreg s26;
	s25 =	simm.s32 $0x6;
	s26 =	simm.s32 $0x7  }
0xf: {  	s5 =	sadd.s32 s5, s4;
	s4 =	sadd.s32 $0x5CE00, s0;
	s8 =	ssub.s32 s8, s9  }
0x10: {  	s9 =	sadd.s32 s16, s2;
	s5 =	sshrl.u32 s5, $0x3;
	s17 =	smax.u32 s8, $0x1  }
0x11: {  	s18 =	sadd.s32 $0x4000, s9;
	s21 =	sadd.s32 $0x8000, s9;
	[dreg:$0xc] =	wrdreg s17  }
0x12: {  	s22 =	sadd.s32 $0xC000, s9;
	s0 =	sadd.s32 s5, s0;
	[dreg:$0xd] =	wrdreg s18  }
0x13: {  	s5 =	sadd.s32 s1, s7;
	s7 =	sadd.s32 s7, s15;
	[dreg:$0xe] =	wrdreg s21  }
0x14: {  	[dreg:$0xf] =	wrdreg s22;
	s17 =	simm.s32 $0x100;
	s18 =	simm.s32 $0x200  }
0x15: {  	s21 =	simm.s32 $0x9;
	s13 =	sadd.s32 $0x20, s5;
	[dreg:$0xa] =	wrdreg s7  }
0x16: {  	s11 =	sadd.s32 $0x40, s5;
	[dreg:$0x8] =	wrdreg s13;
	s13 =	smul.u32 $0xA0, s10  }
0x17: {  	s22 =	simm.s32 $0x2;
	s0 =	sadd.s32 $0x84E00, s0;
	[dreg:$0x9] =	wrdreg s11  }
0x18: {  	[dreg:$0xb] =	wrdreg s0;
	s0 =	sadd.s32 s19, s1;
	s20 =	sadd.s32 s14, s13  }
0x19: {  	s19 =	simm.s32 $0x300;
	s16 =	sadd.s32 s6, s0;
	s7 =	sshll.u32 s20, $0x5  }
0x1a: {  	s0 =	simm.s32 $0x0;
	s20 =	simm.s32 $0x400;
	s23 =	sadd.s32 s7, s15  }
0x1b: {  	v0 =	vimm.f32 $0.0e+00;
	s15 =	sadd.s32 $0x10000, s9;
	[dreg:$0x4] =	wrdreg s23;
	s23 =	simm.s32 $0x80  }
.LBB2_1:
0x1c: {  	[tilespmem:s3], [sflag:$0x1] =	stream.linear.gather [hbm4b:s5+s3], $0x100, $0x38;
	[tilespmem:$0x1C400] =	vst v63  }
0x1d: {  	s1 =	rddreg [dreg:$0x8]  }
0x1e: {  	s12 =	rddreg [dreg:$0x9];
	s14 =	sand.u32 $0xFE00, s3  }
0x1f: {  	[tilespmem:s17], [sflag:$0x2] =	stream.linear.gather [hbm4b:s1+s3], $0x100, $0x38;
	[tilespmem:$0x1C400] =	vst v63  }
0x20: {  	s13 =	rddreg [dreg:$0xa];
	s6 =	sand.u32 $0x70, s3;
	s7 =	sshrl.u32 s14, $0x2  }
0x21: {  	[tilespmem:s18], [sflag:$0x3] =	stream.linear.gather [hbm4b:s12+s3], $0x100, $0x38;
	[tilespmem:$0x1C400] =	vst v63  }
0x22: {  	s1 =	simm.s32 $0x40;
	s7 =	sor.u32 s6, s7;
	s6 =	simm.s32 $0x0  }
0x23: {  	[tilespmem:s19], [sflag:$0x4] =	stream.linear.gather [hbm4b:s13+s3], $0x100, $0x38;
	[tilespmem:$0x1C400] =	vst v63  }
.LBB2_2:
0x24: {  	p0 =	sne.s32 s1, $0xFFC0  }
0x25: {  	[tilespmem:s7+$0x400] =	vst v0;
	s6 =	sadd.s32 $0x10, s6;
	s7 =	smov.u32 s1;
	s1 =	sadd.s32 $0x40, s1  }
.Ltmp0:
0x26: {  	(pc) =	sbr.rel @p0 .LBB2_2-.Ltmp0, $4  }
0x27: {  	_ = 	snop  }
0x28: {  	s7 =	sand.u32 $0xFE00, s7  }
0x29: {  	s8 =	sand.u32 $0x70, s6;
	s7 =	sshrl.u32 s7, $0x2  }
0x2a: {  	s7 =	sor.u32 s8, s7  }
0x2b: {  	[tilespmem:s7+$0x400] =	vst v0  }
0x2c: {  	[spmem:s9] =	stream.linear.scatter [tilespmem:s20], [sflag:$0x9], $0x4000, $0x38;
	[tilespmem:$0x1C400] =	vst v63  }
0x2d: {  	_ =	swait.ge [sflag:s21], $0x4000  }
0x2e: {  	[sflag:s21] =	ssyncset.done $0x0  }
0x2f: {  	s1 =	rddreg [dreg:$0xd];
	[sflag:s21] =	ssyncadd.s32 $0xFFFFC000  }
0x30: {  	[spmem:s1] =	stream.linear.scatter [tilespmem:s20], [sflag:$0x9], $0x4000, $0x38;
	[tilespmem:$0x1C400] =	vst v63  }
0x31: {  	_ =	swait.ge [sflag:s21], $0x4000  }
0x32: {  	[sflag:s21] =	ssyncset.done $0x0  }
0x33: {  	s11 =	rddreg [dreg:$0xe];
	[sflag:s21] =	ssyncadd.s32 $0xFFFFC000  }
0x34: {  	[spmem:s11] =	stream.linear.scatter [tilespmem:s20], [sflag:$0x9], $0x4000, $0x38;
	[tilespmem:$0x1C400] =	vst v63  }
0x35: {  	_ =	swait.ge [sflag:s21], $0x4000  }
0x36: {  	[sflag:s21] =	ssyncset.done $0x0  }
0x37: {  	s12 =	rddreg [dreg:$0xf];
	[sflag:s21] =	ssyncadd.s32 $0xFFFFC000  }
0x38: {  	[spmem:s12] =	stream.linear.scatter [tilespmem:s20], [sflag:$0x9], $0x4000, $0x38;
	[tilespmem:$0x1C400] =	vst v63  }
0x39: {  	_ =	swait.ge [sflag:s21], $0x4000  }
0x3a: {  	[sflag:s21] =	ssyncset.done $0x0  }
0x3b: {  	[sflag:s21] =	ssyncadd.s32 $0xFFFFC000  }
0x3c: {  	[spmem:s15] =	stream.linear.scatter [tilespmem:s20], [sflag:$0x9], $0x4000, $0x38;
	[tilespmem:$0x1C400] =	vst v63  }
0x3d: {  	_ =	swait.ge [sflag:s21], $0x4000  }
0x3e: {  	p1 =	por $0x1, $0x1;
	[sflag:s21] =	ssyncset.done $0x0  }
0x3f: {  	p0 =	por p1, p1;
	[sflag:s21] =	ssyncadd.s32 $0xFFFFC000  }
0x40: {  	s1 =	simm.s32 @p0 $0x1;
	[bflag:$0x0] =	sbarrier.arrive $0xFFFF  }
0x41: {  	_ =	swait.ge @p0 [sflag:s1], $0x100  }
0x42: {  	s6 =	simm.s32 @p0 $0x400;
	s7 =	simm.s32 @p0 $0x5;
	[sflag:s1] =	ssyncset.done @p0 $0x0  }
0x43: {  	s8 =	simm.s32 @p0 $0x0;
	[sflag:s1] =	ssyncadd.s32 @p0 $0xFFFFFF00;
	s1 =	simm.s32 @p0 $0x80  }
0x44: {  	[tilespmem:s6], [sflag:$0x5] =	stream.indirect.gather @p0 [hbm4b:s4+s1], $0x80, s8, s1, $0xb8;
	[tilespmem:$0x1C400] =	vst v63  }
0x45: {  	_ =	swait.ge @p0 [sflag:s7], $0x4000  }
0x46: {  	[sflag:s7] =	ssyncset.done @p0 $0x0  }
0x47: {  	[sflag:s7] =	ssyncadd.s32 @p0 $0xFFFFC000;
	s7 =	simm.s32 @!p0 $0x7  }
0x48: {  	[spmem:s2] =	stream.indirect.scatter.add.f32 @p0 [tilespmem:s6], [sflag:$0x7], $0x80, s1, s1, $0xb8;
	[tilespmem:$0x1C400] =	vst v63  }
0x49: {  	s8 =	simm.s32 @!p0 $0x200;
	_ =	swait.ge @!p0 [sflag:s7], $0x4000  }
0x4a: {  	s1 =	sadd.s32 @!p1 $0x0, s16;
	s6 =	simm.s32 @!p0 $0x1;
	[sflag:s7] =	ssyncset.done @!p0 $0x0  }
0x4b: {  	s1 =	sadd.s32 @!p1 $0x40, s1;
	[sflag:s7] =	ssyncadd.s32 @!p0 $0xFFFFC000;
	s7 =	simm.s32 @!p0 $0x0  }
0x4c: {  	[tilespmem:s8], [sflag:$0x3] =	stream.linear.gather @!p0 [hbm4b:s1+s7], $0x100, $0x38;
	[tilespmem:$0x1C400] =	vst v63  }
0x4d: {  	_ =	swait.ge @!p0 [sflag:s6], $0x100  }
0x4e: {  	s1 =	simm.s32 @!p0 $0x5;
	[sflag:s6] =	ssyncset.done @!p0 $0x0  }
0x4f: {  	s8 =	simm.s32 @!p0 $0x400;
	[sflag:s6] =	ssyncadd.s32 @!p0 $0xFFFFFF00;
	s6 =	simm.s32 @!p0 $0x80  }
0x50: {  	[tilespmem:s8], [sflag:$0x5] =	stream.indirect.gather @!p0 [hbm4b:s4+s6], $0x80, s7, s6, $0xb8;
	[tilespmem:$0x1C400] =	vst v63  }
0x51: {  	_ =	swait.ge @!p0 [sflag:s1], $0x4000  }
0x52: {  	[sflag:s1] =	ssyncset.done @!p0 $0x0  }
0x53: {  	[sflag:s1] =	ssyncadd.s32 @!p0 $0xFFFFC000;
	s1 =	simm.s32 @!p0 $0x8  }
0x54: {  	[spmem:s2] =	stream.indirect.scatter.add.f32 @!p0 [tilespmem:s8], [sflag:$0x7], $0x80, s6, s6, $0xb8;
	[tilespmem:$0x1C400] =	vst v63  }
0x55: {  	_ =	swait.ge @!p0 [sflag:s1], $0x4000  }
0x56: {  	s6 =	rddreg [dreg:$0x4];
	[sflag:s1] =	ssyncset.done @!p0 $0x0  }
0x57: {  	[sflag:s1] =	ssyncadd.s32 @!p0 $0xFFFFC000;
	s1 =	sadd.s32 @!p0 $0x0, s6;
	s6 =	simm.s32 @!p0 $0x300  }
0x58: {  	[tilespmem:s6], [sflag:$0x4] =	stream.linear.gather @!p0 [hbm4b:s1+s7], $0x100, $0x38;
	[tilespmem:$0x1C400] =	vst v63  }
0x59: {  	_ =	swait.ge [sflag:s22], $0x100  }
0x5a: {  	[sflag:s22] =	ssyncset.done $0x0  }
0x5b: {  	[sflag:s22] =	ssyncadd.s32 $0xFFFFFF00  }
0x5c: {  	[tilespmem:s24], [sflag:$0x6] =	stream.indirect.gather [hbm4b:s4+s23], $0x80, s17, s23, $0xb8;
	[tilespmem:$0x1C400] =	vst v63  }
0x5d: {  	_ =	swait.ge [sflag:s25], $0x4000  }
0x5e: {  	[sflag:s25] =	ssyncset.done $0x0  }
0x5f: {  	s13 =	rddreg [dreg:$0x5];
	[sflag:s25] =	ssyncadd.s32 $0xFFFFC000  }
0x60: {  	[spmem:s2] =	stream.indirect.scatter.add.f32 [tilespmem:s24], [sflag:$0x8], $0x80, s13, s23, $0xb8;
	[tilespmem:$0x1C400] =	vst v63  }
0x61: {  	p0 =	por $0x0, $0x0;
	_ =	swait.ge [sflag:s26], $0x4000  }
0x62: {  	s1 =	sadd.s32 @!p0 $0x0, s16;
	[sflag:s26] =	ssyncset.done $0x0  }
0x63: {  	s7 =	simm.s32 @!p0 $0x0;
	s6 =	sadd.s32 @!p0 $0x80, s1;
	[sflag:s26] =	ssyncadd.s32 $0xFFFFC000  }
0x64: {  	[tilespmem:s7], [sflag:$0x1] =	stream.linear.gather @!p0 [hbm4b:s6+s7], $0x100, $0x38;
	[tilespmem:$0x1C400] =	vst v63  }
0x65: {  	_ =	swait.ge [sflag:s28], $0x100  }
0x66: {  	[sflag:s28] =	ssyncset.done $0x0  }
0x67: {  	[sflag:s28] =	ssyncadd.s32 $0xFFFFFF00  }
0x68: {  	[tilespmem:s20], [sflag:$0x5] =	stream.indirect.gather [hbm4b:s4+s23], $0x80, s18, s23, $0xb8;
	[tilespmem:$0x1C400] =	vst v63  }
0x69: {  	_ =	swait.ge [sflag:s29], $0x4000  }
0x6a: {  	[sflag:s29] =	ssyncset.done $0x0  }
0x6b: {  	s14 =	rddreg [dreg:$0x6];
	[sflag:s29] =	ssyncadd.s32 $0xFFFFC000  }
0x6c: {  	[spmem:s2] =	stream.indirect.scatter.add.f32 [tilespmem:s20], [sflag:$0x7], $0x80, s14, s23, $0xb8;
	[tilespmem:$0x1C400] =	vst v63  }
0x6d: {  	_ =	swait.ge [sflag:s30], $0x4000  }
0x6e: {  	[sflag:s30] =	ssyncset.done $0x0  }
0x6f: {  	s1 =	sadd.s32 @!p0 $0xA0, s1;
	s6 =	simm.s32 @!p0 $0x100;
	[sflag:s30] =	ssyncadd.s32 $0xFFFFC000  }
0x70: {  	[tilespmem:s6], [sflag:$0x2] =	stream.linear.gather @!p0 [hbm4b:s1+s7], $0x100, $0x38;
	[tilespmem:$0x1C400] =	vst v63  }
0x71: {  	_ =	swait.ge [sflag:s31], $0x100  }
0x72: {  	[sflag:s31] =	ssyncset.done $0x0  }
0x73: {  	p0 =	por $0x0, $0x0;
	[sflag:s31] =	ssyncadd.s32 $0xFFFFFF00  }
0x74: {  	[tilespmem:s24], [sflag:$0x6] =	stream.indirect.gather [hbm4b:s4+s23], $0x80, s19, s23, $0xb8;
	[tilespmem:$0x1C400] =	vst v63  }
0x75: {  	s1 =	simm.s32 $0x80;
	s6 =	sadd.s32 @!p0 $0x80, s16;
	_ =	swait.ge [sflag:s25], $0x4000  }
0x76: {  	s7 =	simm.s32 $0x100;
	s6 =	sadd.s32 @!p0 $0x40, s6;
	[sflag:s25] =	ssyncset.done $0x0  }
0x77: {  	p0 =	por p0, p0;
	s8 =	rddreg [dreg:$0x7];
	[sflag:s25] =	ssyncadd.s32 $0xFFFFC000  }
.LBB2_4:
0x78: {  	[spmem:s2] =	stream.indirect.scatter.add.f32 [tilespmem:s24], [sflag:$0x8], $0x80, s8, s23, $0xb8;
	[tilespmem:$0x1C400] =	vst v63  }
0x79: {  	s10 =	simm.s32 @p0 $0x1  }
0x7a: {  	_ =	swait.ge @p0 [sflag:s10], $0x100  }
0x7b: {  	s12 =	simm.s32 @p0 $0x400;
	s13 =	simm.s32 @p0 $0x5;
	[sflag:s10] =	ssyncset.done @p0 $0x0  }
0x7c: {  	s14 =	simm.s32 @p0 $0x0;
	[sflag:s10] =	ssyncadd.s32 @p0 $0xFFFFFF00;
	s10 =	simm.s32 @p0 $0x80  }
0x7d: {  	[tilespmem:s12], [sflag:$0x5] =	stream.indirect.gather @p0 [hbm4b:s4+s10], $0x80, s14, s10, $0xb8;
	[tilespmem:$0x1C400] =	vst v63  }
0x7e: {  	_ =	swait.ge @p0 [sflag:s13], $0x4000  }
0x7f: {  	[sflag:s13] =	ssyncset.done @p0 $0x0  }
0x80: {  	s8 =	smov.u32 s7;
	[sflag:s13] =	ssyncadd.s32 @p0 $0xFFFFC000;
	s13 =	simm.s32 @!p0 $0x7  }
0x81: {  	[spmem:s2] =	stream.indirect.scatter.add.f32 @p0 [tilespmem:s12], [sflag:$0x7], $0x80, s10, s10, $0xb8;
	[tilespmem:$0x1C400] =	vst v63  }
0x82: {  	p2 =	seq.s32 s8, $0x0;
	_ =	swait.ge @!p0 [sflag:s13], $0x4000  }
0x83: {  	s11 =	sadd.s32 @!p2 s8, s16;
	s10 =	simm.s32 @!p0 $0x1;
	[sflag:s13] =	ssyncset.done @!p0 $0x0  }
0x84: {  	s12 =	simm.s32 @!p0 $0x0;
	[sflag:s13] =	ssyncadd.s32 @!p0 $0xFFFFC000;
	s13 =	simm.s32 @!p0 $0x200  }
0x85: {  	[tilespmem:s13], [sflag:$0x3] =	stream.linear.gather @!p0 [hbm4b:s6+s12], $0x100, $0x38;
	[tilespmem:$0x1C400] =	vst v63  }
0x86: {  	s11 =	sadd.s32 @!p2 $0x40, s11;
	_ =	swait.ge @!p0 [sflag:s10], $0x100  }
0x87: {  	s6 =	smov.u32 s11;
	s11 =	simm.s32 @!p0 $0x5;
	[sflag:s10] =	ssyncset.done @!p0 $0x0  }
0x88: {  	s13 =	simm.s32 @!p0 $0x400;
	[sflag:s10] =	ssyncadd.s32 @!p0 $0xFFFFFF00;
	s10 =	simm.s32 @!p0 $0x80  }
0x89: {  	[tilespmem:s13], [sflag:$0x5] =	stream.indirect.gather @!p0 [hbm4b:s4+s10], $0x80, s12, s10, $0xb8;
	[tilespmem:$0x1C400] =	vst v63  }
0x8a: {  	_ =	swait.ge @!p0 [sflag:s11], $0x4000  }
0x8b: {  	[sflag:s11] =	ssyncset.done @!p0 $0x0  }
0x8c: {  	[sflag:s11] =	ssyncadd.s32 @!p0 $0xFFFFC000;
	s11 =	simm.s32 @!p0 $0x8  }
0x8d: {  	[spmem:s2] =	stream.indirect.scatter.add.f32 @!p0 [tilespmem:s13], [sflag:$0x7], $0x80, s10, s10, $0xb8;
	[tilespmem:$0x1C400] =	vst v63  }
0x8e: {  	_ =	swait.ge @!p0 [sflag:s11], $0x4000  }
0x8f: {  	s10 =	rddreg [dreg:$0x4];
	[sflag:s11] =	ssyncset.done @!p0 $0x0  }
0x90: {  	[sflag:s11] =	ssyncadd.s32 @!p0 $0xFFFFC000;
	s10 =	sadd.s32 @!p0 s1, s10;
	s11 =	simm.s32 @!p0 $0x300  }
0x91: {  	[tilespmem:s11], [sflag:$0x4] =	stream.linear.gather @!p0 [hbm4b:s10+s12], $0x100, $0x38;
	[tilespmem:$0x1C400] =	vst v63  }
0x92: {  	_ =	swait.ge [sflag:s22], $0x100  }
0x93: {  	[sflag:s22] =	ssyncset.done $0x0  }
0x94: {  	[sflag:s22] =	ssyncadd.s32 $0xFFFFFF00  }
0x95: {  	[tilespmem:s24], [sflag:$0x6] =	stream.indirect.gather [hbm4b:s4+s23], $0x80, s17, s23, $0xb8;
	[tilespmem:$0x1C400] =	vst v63  }
0x96: {  	_ =	swait.ge [sflag:s25], $0x4000  }
0x97: {  	[sflag:s25] =	ssyncset.done $0x0  }
0x98: {  	s13 =	rddreg [dreg:$0x5];
	[sflag:s25] =	ssyncadd.s32 $0xFFFFC000  }
0x99: {  	[spmem:s2] =	stream.indirect.scatter.add.f32 [tilespmem:s24], [sflag:$0x8], $0x80, s13, s23, $0xb8;
	[tilespmem:$0x1C400] =	vst v63  }
0x9a: {  	p0 =	por p2, p2;
	p2 =	seq.s32 s1, $0x980;
	_ =	swait.ge [sflag:s26], $0x4000  }
0x9b: {  	s10 =	sadd.s32 @!p2 s1, s16;
	s1 =	smov.u32 s8;
	[sflag:s26] =	ssyncset.done $0x0  }
0x9c: {  	s11 =	simm.s32 @!p2 $0x0;
	s8 =	sadd.s32 @!p2 $0x80, s10;
	[sflag:s26] =	ssyncadd.s32 $0xFFFFC000  }
0x9d: {  	[tilespmem:s11], [sflag:$0x1] =	stream.linear.gather @!p2 [hbm4b:s8+s11], $0x100, $0x38;
	[tilespmem:$0x1C400] =	vst v63  }
0x9e: {  	_ =	swait.ge [sflag:s28], $0x100  }
0x9f: {  	[sflag:s28] =	ssyncset.done $0x0  }
0xa0: {  	[sflag:s28] =	ssyncadd.s32 $0xFFFFFF00  }
0xa1: {  	[tilespmem:s20], [sflag:$0x5] =	stream.indirect.gather [hbm4b:s4+s23], $0x80, s18, s23, $0xb8;
	[tilespmem:$0x1C400] =	vst v63  }
0xa2: {  	_ =	swait.ge [sflag:s29], $0x4000  }
0xa3: {  	[sflag:s29] =	ssyncset.done $0x0  }
0xa4: {  	s14 =	rddreg [dreg:$0x6];
	[sflag:s29] =	ssyncadd.s32 $0xFFFFC000  }
0xa5: {  	[spmem:s2] =	stream.indirect.scatter.add.f32 [tilespmem:s20], [sflag:$0x7], $0x80, s14, s23, $0xb8;
	[tilespmem:$0x1C400] =	vst v63  }
0xa6: {  	_ =	swait.ge [sflag:s30], $0x4000  }
0xa7: {  	[sflag:s30] =	ssyncset.done $0x0  }
0xa8: {  	s8 =	sadd.s32 @!p2 $0xA0, s10;
	s10 =	simm.s32 @!p2 $0x100;
	[sflag:s30] =	ssyncadd.s32 $0xFFFFC000  }
0xa9: {  	[tilespmem:s10], [sflag:$0x2] =	stream.linear.gather @!p2 [hbm4b:s8+s11], $0x100, $0x38;
	[tilespmem:$0x1C400] =	vst v63  }
0xaa: {  	s7 =	sadd.s32 $0x80, s7;
	_ =	swait.ge [sflag:s31], $0x100  }
0xab: {  	p1 =	sne.s32 s7, $0xA00;
	[sflag:s31] =	ssyncset.done $0x0  }
.Ltmp1:
0xac: {  	[sflag:s31] =	ssyncadd.s32 $0xFFFFFF00;
	(pc) =	sbr.rel @p1 .LBB2_4-.Ltmp1, $4  }
0xad: {  	[tilespmem:s24], [sflag:$0x6] =	stream.indirect.gather [hbm4b:s4+s23], $0x80, s19, s23, $0xb8;
	[tilespmem:$0x1C400] =	vst v63  }
0xae: {  	_ =	swait.ge [sflag:s25], $0x4000  }
0xaf: {  	[sflag:s25] =	ssyncset.done $0x0  }
0xb0: {  	s8 =	rddreg [dreg:$0x7];
	[sflag:s25] =	ssyncadd.s32 $0xFFFFC000  }
0xb1: {  	[spmem:s2] =	stream.indirect.scatter.add.f32 [tilespmem:s24], [sflag:$0x8], $0x80, s8, s23, $0xb8;
	[tilespmem:$0x1C400] =	vst v63  }
0xb2: {  	s7 =	simm.s32 @p0 $0x1  }
0xb3: {  	_ =	swait.ge @p0 [sflag:s7], $0x100  }
0xb4: {  	s8 =	simm.s32 @p0 $0x400;
	[sflag:s7] =	ssyncset.done @p0 $0x0  }
0xb5: {  	s10 =	simm.s32 @p0 $0x0;
	[sflag:s7] =	ssyncadd.s32 @p0 $0xFFFFFF00;
	s7 =	simm.s32 @p0 $0x80  }
0xb6: {  	[tilespmem:s8], [sflag:$0x5] =	stream.indirect.gather @p0 [hbm4b:s4+s7], $0x80, s10, s7, $0xb8;
	[tilespmem:$0x1C400] =	vst v63  }
0xb7: {  	s10 =	simm.s32 @p0 $0x5  }
0xb8: {  	_ =	swait.ge @p0 [sflag:s10], $0x4000  }
0xb9: {  	[sflag:s10] =	ssyncset.done @p0 $0x0  }
0xba: {  	[sflag:s10] =	ssyncadd.s32 @p0 $0xFFFFC000;
	s10 =	simm.s32 @!p0 $0x7  }
0xbb: {  	[spmem:s2] =	stream.indirect.scatter.add.f32 @p0 [tilespmem:s8], [sflag:$0x7], $0x80, s7, s7, $0xb8;
	[tilespmem:$0x1C400] =	vst v63  }
0xbc: {  	_ =	swait.ge @!p0 [sflag:s10], $0x4000  }
0xbd: {  	s7 =	simm.s32 @!p0 $0x1;
	[sflag:s10] =	ssyncset.done @!p0 $0x0  }
0xbe: {  	s8 =	simm.s32 @!p0 $0x0;
	[sflag:s10] =	ssyncadd.s32 @!p0 $0xFFFFC000;
	s10 =	simm.s32 @!p0 $0x200  }
0xbf: {  	[tilespmem:s10], [sflag:$0x3] =	stream.linear.gather @!p0 [hbm4b:s6+s8], $0x100, $0x38;
	[tilespmem:$0x1C400] =	vst v63  }
0xc0: {  	_ =	swait.ge @!p0 [sflag:s7], $0x100  }
0xc1: {  	s6 =	simm.s32 @!p0 $0x5;
	[sflag:s7] =	ssyncset.done @!p0 $0x0  }
0xc2: {  	s10 =	simm.s32 @!p0 $0x400;
	[sflag:s7] =	ssyncadd.s32 @!p0 $0xFFFFFF00;
	s7 =	simm.s32 @!p0 $0x80  }
0xc3: {  	[tilespmem:s10], [sflag:$0x5] =	stream.indirect.gather @!p0 [hbm4b:s4+s7], $0x80, s8, s7, $0xb8;
	[tilespmem:$0x1C400] =	vst v63  }
0xc4: {  	_ =	swait.ge @!p0 [sflag:s6], $0x4000  }
0xc5: {  	[sflag:s6] =	ssyncset.done @!p0 $0x0  }
0xc6: {  	[sflag:s6] =	ssyncadd.s32 @!p0 $0xFFFFC000;
	s6 =	simm.s32 @!p0 $0x8  }
0xc7: {  	[spmem:s2] =	stream.indirect.scatter.add.f32 @!p0 [tilespmem:s10], [sflag:$0x7], $0x80, s7, s7, $0xb8;
	[tilespmem:$0x1C400] =	vst v63  }
0xc8: {  	_ =	swait.ge @!p0 [sflag:s6], $0x4000  }
0xc9: {  	s7 =	rddreg [dreg:$0x4];
	[sflag:s6] =	ssyncset.done @!p0 $0x0  }
0xca: {  	[sflag:s6] =	ssyncadd.s32 @!p0 $0xFFFFC000;
	s6 =	sadd.s32 @!p0 s1, s7;
	s7 =	simm.s32 @!p0 $0x300  }
0xcb: {  	[tilespmem:s7], [sflag:$0x4] =	stream.linear.gather @!p0 [hbm4b:s6+s8], $0x100, $0x38;
	[tilespmem:$0x1C400] =	vst v63  }
0xcc: {  	_ =	swait.ge [sflag:s22], $0x100  }
0xcd: {  	[sflag:s22] =	ssyncset.done $0x0  }
0xce: {  	[sflag:s22] =	ssyncadd.s32 $0xFFFFFF00  }
0xcf: {  	[tilespmem:s24], [sflag:$0x6] =	stream.indirect.gather [hbm4b:s4+s23], $0x80, s17, s23, $0xb8;
	[tilespmem:$0x1C400] =	vst v63  }
0xd0: {  	_ =	swait.ge [sflag:s25], $0x4000  }
0xd1: {  	[sflag:s25] =	ssyncset.done $0x0  }
0xd2: {  	s7 =	rddreg [dreg:$0x5];
	[sflag:s25] =	ssyncadd.s32 $0xFFFFC000  }
0xd3: {  	[spmem:s2] =	stream.indirect.scatter.add.f32 [tilespmem:s24], [sflag:$0x8], $0x80, s7, s23, $0xb8;
	[tilespmem:$0x1C400] =	vst v63  }
0xd4: {  	p0 =	seq.s32 s1, $0x980;
	_ =	swait.ge [sflag:s26], $0x4000  }
0xd5: {  	s1 =	sadd.s32 @!p0 s1, s16;
	[sflag:s26] =	ssyncset.done $0x0  }
0xd6: {  	s6 =	sadd.s32 @!p0 $0x80, s1;
	s7 =	simm.s32 @!p0 $0x0;
	[sflag:s26] =	ssyncadd.s32 $0xFFFFC000  }
0xd7: {  	[tilespmem:s7], [sflag:$0x1] =	stream.linear.gather @!p0 [hbm4b:s6+s7], $0x100, $0x38;
	[tilespmem:$0x1C400] =	vst v63  }
0xd8: {  	_ =	swait.ge [sflag:s28], $0x100  }
0xd9: {  	[sflag:s28] =	ssyncset.done $0x0  }
0xda: {  	[sflag:s28] =	ssyncadd.s32 $0xFFFFFF00  }
0xdb: {  	[tilespmem:s20], [sflag:$0x5] =	stream.indirect.gather [hbm4b:s4+s23], $0x80, s18, s23, $0xb8;
	[tilespmem:$0x1C400] =	vst v63  }
0xdc: {  	_ =	swait.ge [sflag:s29], $0x4000  }
0xdd: {  	[sflag:s29] =	ssyncset.done $0x0  }
0xde: {  	s8 =	rddreg [dreg:$0x6];
	[sflag:s29] =	ssyncadd.s32 $0xFFFFC000  }
0xdf: {  	[spmem:s2] =	stream.indirect.scatter.add.f32 [tilespmem:s20], [sflag:$0x7], $0x80, s8, s23, $0xb8;
	[tilespmem:$0x1C400] =	vst v63  }
0xe0: {  	_ =	swait.ge [sflag:s30], $0x4000  }
0xe1: {  	[sflag:s30] =	ssyncset.done $0x0  }
0xe2: {  	s1 =	sadd.s32 @!p0 $0xA0, s1;
	s6 =	simm.s32 @!p0 $0x100;
	[sflag:s30] =	ssyncadd.s32 $0xFFFFC000  }
0xe3: {  	[tilespmem:s6], [sflag:$0x2] =	stream.linear.gather @!p0 [hbm4b:s1+s7], $0x100, $0x38;
	[tilespmem:$0x1C400] =	vst v63  }
0xe4: {  	_ =	swait.ge [sflag:s31], $0x100  }
0xe5: {  	[sflag:s31] =	ssyncset.done $0x0  }
0xe6: {  	[sflag:s31] =	ssyncadd.s32 $0xFFFFFF00  }
0xe7: {  	[tilespmem:s24], [sflag:$0x6] =	stream.indirect.gather [hbm4b:s4+s23], $0x80, s19, s23, $0xb8;
	[tilespmem:$0x1C400] =	vst v63  }
0xe8: {  	_ =	swait.ge [sflag:s25], $0x4000  }
0xe9: {  	[sflag:s25] =	ssyncset.done $0x0  }
0xea: {  	s10 =	rddreg [dreg:$0x7];
	[sflag:s25] =	ssyncadd.s32 $0xFFFFC000  }
0xeb: {  	[spmem:s2] =	stream.indirect.scatter.add.f32 [tilespmem:s24], [sflag:$0x8], $0x80, s10, s23, $0xb8;
	[tilespmem:$0x1C400] =	vst v63  }
0xec: {  	_ =	swait.ge [sflag:s26], $0x4000  }
0xed: {  	[sflag:s26] =	ssyncset.done $0x0  }
0xee: {  	[sflag:s26] =	ssyncadd.s32 $0xFFFFC000  }
0xef: {  	_ =	swait.ge [sflag:s30], $0x4000  }
0xf0: {  	[sflag:s30] =	ssyncset.done $0x0  }
0xf1: {  	s11 =	stileid.u32;
	[sflag:s30] =	ssyncadd.s32 $0xFFFFC000  }
0xf2: {  	s1 =	sshll.u32 s11, $0x6;
	[bflag:$0x0] =	sbarrier.arrive $0xFFFF  }
0xf3: {  	s12 =	sshrl.u32 s9, $0x3;
	s1 =	sor.u32 $0x1C09, s1;
	s13 =	rddreg [dreg:$0xb]  }
0xf4: {  	[hbm:s13], [sflag:s1] =	dma.local [spmem:s12], $0x2800  }
0xf5: {  	_ =	swait.ge [sflag:s21], $0x2800  }
0xf6: {  	s0 =	sadd.s32 $0x1, s0;
	s14 =	rddreg [dreg:$0xc]  }
0xf7: {  	p0 =	sne.s32 s0, s14  }
.Ltmp2:
0xf8: {  	_ = 	snop;
	(pc) =	sbr.rel @p0 .LBB2_1-.Ltmp2, $3  }
0xf9: {  	_ =	sdelay $0x1  }
0xfa: {  	[sflag:s21] =	ssyncset.done $0x0  }
0xfb: {  	[sflag:s21] =	ssyncadd.s32 $0xFFFFD800  }
0xfc: {  	_ =	sfence.sel $0x180000  }
0xfd: {  	[bflag:$0x0] =	sbarrier.arrive $0xFFFF  }
0xfe: {  	_ =	strace $0x9000004D  }
0xff: {  	s0 =	stileid.u32;
	[bflag:$0x2] =	sbarrier.arrive $0xFFFF  }
0x100: {  	p0 =	sne.s32 s0, $0x0;
	s0 =	rddreg [dreg:$0x3]  }
0x101: {  	s0 =	sadd.s32 @!p0 $0x100000, s0  }
0x102: {  	[sflag:s0] =	ssyncadd.tile.s32 @!p0 $0x1;
	_ =	shalt  }
.Lfunc_end2:
_tile_overlayer_lowered:
.L_overlay_start_2:
0x103: {  	(tag) =	ssettag $0x2  }
0x104: {  	s0 =	rddreg [dreg:$0x0];
	s2 =	stileid.u32  }
0x105: {  	s1 =	rddreg [dreg:$0x1];
	p0 =	sne.s32 s2, $0x0  }
0x106: {  	s3 =	rddreg [dreg:$0x2];
	[bflag:$0x3] =	sbarrier.arrive $0xFFFF;
	s2 =	simm.s32 @!p0 $0x1C09  }
0x107: {  	[timem:s3], [sflag:s2] =	dma.local @!p0 [hbm:s0], s1  }
0x108: {  	s0 =	simm.s32 @!p0 $0x9  }
0x109: {  	_ =	swait.ge @!p0 [sflag:s0], s1  }
0x10a: {  	s1 =	ssub.s32 @!p0 $0x0, s1;
	[sflag:s0] =	ssyncset.done @!p0 $0x0  }
0x10b: {  	[sflag:s0] =	ssyncadd.s32 @!p0 s1  }
0x10c: {  	[bflag:$0x3] =	sbarrier.arrive $0xFFFF  }
0x10d: {  	_ =	shalt  }

// kernel: kernel.19.cloned.1.call-start
scs
__scs_entry_jumppad:
0x0: {  	(pc) =	sbr.rel $0x88, $3  }
0x1: {  	(tag) =	ssettag $0x0;
	lr =	simm.s32 $0x1  }
0x2: {  	[smem:$0x3F99] =	sst lr;
	_ =	strace $0xD0000000  }
0x3: {  	_ = 	snop  }
0x4: {  	_ = 	snop  }
0x5: {  	_ = 	snop  }
0x6: {  	_ = 	snop  }
0x7: {  	_ = 	snop  }
__scs_overlays_trampoline_lowered:
0x8: {  	[smem:$0x3FA8] =	sst s0  }
0x9: {  	[smem:$0x3FA9] =	sst s1  }
0xa: {  	[smem:$0x3FAA] =	sst s2  }
0xb: {  	[smem:$0x3FAB] =	sst s3  }
0xc: {  	[smem:$0x3FAC] =	sst s4  }
0xd: {  	[smem:$0x3FAD] =	sst s5  }
0xe: {  	[smem:$0x3FAE] =	sst s6  }
0xf: {  	[smem:$0x3FAF] =	sst s7  }
0x10: {  	[smem:$0x3FB0] =	sst s8  }
0x11: {  	[smem:$0x3FB1] =	sst s9;
	s0 =	simm.s32 @!p0 $0x0  }
0x12: {  	s1 =	sld [smem:$0x3F97];
	s0 =	simm.s32 @p0 $0x1  }
0x13: {  	[smem:$0x3FB2] =	sst s0;
	s0 =	simm.s32 @!p1 $0x0  }
0x14: {  	s2 =	sld [smem:$0x3F96];
	s0 =	simm.s32 @p1 $0x1  }
0x15: {  	[smem:$0x3FB3] =	sst s0;
	s0 =	simm.s32 @!p2 $0x0  }
0x16: {  	s3 =	sld [smem:$0x3FDB];
	s0 =	simm.s32 @p2 $0x1  }
0x17: {  	s4 =	simm.s32 $0x1BF5;
	[smem:$0x3FB5] =	sst s0  }
0x18: {  	s0 =	sld [smem:$0x3F98];
	_ =	swait.ge [sflag:s4], $0x0  }
0x19: {  	s7 =	sld [smem:$0x3F99]  }
0x1a: {  	s8 =	sadd.s32 $0xFFFFE003, lr  }
0x1b: {  	s9 =	sadd.s32 $0xFFFFFEF7, lr;
	s5 =	simm.s32 $0xFFFFFFFF;
	p2 =	slt.u32 s8, $0xFFFFF086  }
0x1c: {  	p1 =	slt.u32 s9, $0xF7A;
	s5 =	simm.s32 @!p2 $0x0  }
0x1d: {  	s5 =	simm.s32 @p1 $0x1;
	p0 =	seq.s32 s7, s2  }
0x1e: {  	s7 =	smul.u32 @!p0 $0xF7A, s2;
	p2 =	seq.s32 @!p0 s5, $0x0  }
0x1f: {  	s9 =	smul.u32 $0xF7A, s1;
	s8 =	simm.s32 @!p0 $0x1BF5;
	p2 =	por !p2, p0  }
0x20: {  	[sflag:s8] =	ssyncset.s32 @!p0 $0xFFFFF086;
	s6 =	sadd.s32 @!p0 s3, s7;
	s7 =	simm.s32 @!p0 $0x108  }
0x21: {  	s3 =	sadd.s32 s3, s9;
	s6 =	sadd.s32 @!p0 $0x88, s6;
	s7 =	simm.s32 @p2 $0x1082  }
0x22: {  	[simem:s7], [sflag:s8] =	dma.local @!p0 [hbm:s6], $0xF7A  }
0x23: {  	s9 =	sor.u32 $0xD0000000, s2;
	s6 =	simm.s32 $0x108;
	_ =	swait.ge @!p0 [sflag:s8], $0x0  }
0x24: {  	s3 =	sadd.s32 $0x88, s3;
	s6 =	simm.s32 @!p1 $0x1082;
	[sflag:s4] =	ssyncset.s32 $0xFFFFF086  }
0x25: {  	[simem:s6], [sflag:s4] =	dma.local [hbm:s3], $0xF7A  }
0x26: {  	[smem:$0x3F99] =	sst s1;
	(tag) =	ssettag s2;
	_ =	strace s9  }
0x27: {  	s1 =	sld [smem:$0x3FA9]  }
0x28: {  	s2 =	sld [smem:$0x3FAA]  }
0x29: {  	s4 =	sld [smem:$0x3FAC]  }
0x2a: {  	p0 =	seq.s32 s5, $0x0;
	s5 =	sld [smem:$0x3FAD]  }
0x2b: {  	s6 =	sld [smem:$0x3FAE]  }
0x2c: {  	s7 =	sld [smem:$0x3FAF]  }
0x2d: {  	s3 =	simm.s32 $0x108;
	s8 =	sld [smem:$0x3FB0]  }
0x2e: {  	s3 =	simm.s32 @!p0 $0x1082;
	s9 =	sld [smem:$0x3FB1]  }
0x2f: {  	lr =	sadd.s32 s0, s3;
	s0 =	sld [smem:$0x3FA8]  }
0x30: {  	s3 =	sld [smem:$0x3FAB]  }
0x31: {  	[smem:$0x3FB4] =	sst s10  }
0x32: {  	s10 =	sld [smem:$0x3FB2];
	_ =	sdelay $0x3  }
0x33: {  	p0 =	seq.s32 s10, $0x1;
	s10 =	sld [smem:$0x3FB4];
	_ =	sdelay $0x3  }
0x34: {  	[smem:$0x3FB4] =	sst s10  }
0x35: {  	s10 =	sld [smem:$0x3FB3];
	_ =	sdelay $0x3  }
0x36: {  	p1 =	seq.s32 s10, $0x1;
	s10 =	sld [smem:$0x3FB4];
	_ =	sdelay $0x3  }
0x37: {  	[smem:$0x3FB4] =	sst s10  }
0x38: {  	s10 =	sld [smem:$0x3FB5]  }
0x39: {  	_ = 	snop;
	(pc) =	sbr.ind lr, $3  }
0x3a: {  	_ = 	snop  }
0x3b: {  	_ = 	snop  }
0x3c: {  	p2 =	seq.s32 s10, $0x1;
	s10 =	sld [smem:$0x3FB4]  }
0x3d: {  	_ =	shalt  }
0x3e: {  	_ =	shalt  }
0x3f: {  	_ =	shalt  }
0x40: {  	_ =	shalt  }
0x41: {  	_ =	shalt  }
0x42: {  	_ =	shalt  }
0x43: {  	_ =	shalt  }
0x44: {  	_ =	shalt  }
0x45: {  	_ =	shalt  }
0x46: {  	_ =	shalt  }
0x47: {  	_ =	shalt  }
0x48: {  	_ =	shalt  }
0x49: {  	_ =	shalt  }
0x4a: {  	_ =	shalt  }
0x4b: {  	_ =	shalt  }
0x4c: {  	_ =	shalt  }
0x4d: {  	_ =	shalt  }
0x4e: {  	_ =	shalt  }
0x4f: {  	_ =	shalt  }
0x50: {  	_ =	shalt  }
0x51: {  	_ =	shalt  }
0x52: {  	_ =	shalt  }
0x53: {  	_ =	shalt  }
0x54: {  	_ =	shalt  }
0x55: {  	_ =	shalt  }
0x56: {  	_ =	shalt  }
0x57: {  	_ =	shalt  }
0x58: {  	_ =	shalt  }
0x59: {  	_ =	shalt  }
0x5a: {  	_ =	shalt  }
0x5b: {  	_ =	shalt  }
0x5c: {  	_ =	shalt  }
0x5d: {  	_ =	shalt  }
0x5e: {  	_ =	shalt  }
0x5f: {  	_ =	shalt  }
0x60: {  	_ =	shalt  }
0x61: {  	_ =	shalt  }
0x62: {  	_ =	shalt  }
0x63: {  	_ =	shalt  }
0x64: {  	_ =	shalt  }
0x65: {  	_ =	shalt  }
0x66: {  	_ =	shalt  }
0x67: {  	_ =	shalt  }
0x68: {  	_ =	shalt  }
0x69: {  	_ =	shalt  }
0x6a: {  	_ =	shalt  }
0x6b: {  	_ =	shalt  }
0x6c: {  	_ =	shalt  }
0x6d: {  	_ =	shalt  }
0x6e: {  	_ =	shalt  }
0x6f: {  	_ =	shalt  }
0x70: {  	_ =	shalt  }
0x71: {  	_ =	shalt  }
0x72: {  	_ =	shalt  }
0x73: {  	_ =	shalt  }
0x74: {  	_ =	shalt  }
0x75: {  	_ =	shalt  }
0x76: {  	_ =	shalt  }
0x77: {  	_ =	shalt  }
0x78: {  	_ =	shalt  }
0x79: {  	_ =	shalt  }
0x7a: {  	_ =	shalt  }
0x7b: {  	_ =	shalt  }
0x7c: {  	_ =	shalt  }
0x7d: {  	_ =	shalt  }
0x7e: {  	_ =	shalt  }
0x7f: {  	_ =	shalt  }
0x80: {  	_ =	shalt  }
0x81: {  	_ =	shalt  }
0x82: {  	_ =	shalt  }
0x83: {  	_ =	shalt  }
0x84: {  	_ =	shalt  }
0x85: {  	_ =	shalt  }
0x86: {  	_ =	shalt  }
0x87: {  	_ =	shalt  }
.Lfunc_end0:
.L_simem_size_0:
called_computation.3_lowered:
.L_overlay_start_0:
0x88: {  	s2 =	sld [smem:$0x3FD9]  }
0x89: {  	s3 =	sld [smem:$0x3FFE];
	_ =	sdelay $0x1  }
0x8a: {  	s1 =	srdreg.scid  }
0x8b: {  	s0 =	sand.u32 $0x1, s1  }
0x8c: {  	s17 =	sshll.u32 s0, $0xA;
	s2 =	sadd.s32 s3, s2  }
0x8d: {  	s2 =	sadd.s32 s2, s17  }
0x8e: {  	[smem:$0x3FC0] =	sst s2  }
0x8f: {  	_ = 	snop  }
0x90: {  	s2 =	sld [smem:$0x3FD0];
	(tm) =	ssettm $0x1  }
0x91: {  	s18 =	sld [smem:$0x3FFB];
	_ =	sdelay $0x3  }
0x92: {  	_ =	strace s18  }
0x93: {  	s3 =	sld [smem:$0x3FFC];
	_ =	sdelay $0x3  }
0x94: {  	_ =	strace s3  }
0x95: {  	s3 =	sld [smem:$0x3FFD];
	_ =	sdelay $0x3  }
0x96: {  	_ =	strace s3  }
0x97: {  	_ =	strace $0x8FFFFFFF  }
0x98: {  	s19 =	sld [smem:$0x3FDB];
	_ =	sdelay $0x1  }
0x99: {  	s4 =	simm.s32 $_scs_section_size  }
0x9a: {  	s5 =	simm.s32 $_size__tile_overlayer_lowered;
	s6 =	simm.s32 $_tile_overlayer_lowered  }
0x9b: {  	s22 =	simm.s32 $0x1BFF;
	s21 =	sshll.u32 s6, $0x1;
	s3 =	sadd.s32 s4, s19  }
0x9c: {  	s7 =	simm.s32 $0x0;
	s20 =	sshll.u32 s5, $0x1;
	s5 =	sadd.s32 s21, s3  }
0x9d: {  	[timem:s7], [sflag:s22] =	dma.local [hbm:s5], s20  }
0x9e: {  	_ =	swait.ge [sflag:s22], s20  }
0x9f: {  	s4 =	ssub.s32 $0x0, s20;
	[sflag:s22] =	ssyncset.done $0x0  }
0xa0: {  	[sflag:s22] =	ssyncadd.s32 s4;
	_ =	sdelay $0x1  }
0xa1: {  	s23 =	simm.s32 $0x1B8B  }
0xa2: {  	_ =	swait.ge [sflag:s23], $0x1  }
0xa3: {  	[sflag:s23] =	ssyncset.done $0x0  }
0xa4: {  	s25 =	simm.s32 $0x1B8E;
	s24 =	sld [smem:$0x3FFE];
	[sflag:s23] =	ssyncadd.s32 $0xFFFFFFFF  }
0xa5: {  	s26 =	simm.s32 $execute0_lowered;
	[smem:$0x3FD2] =	sst s25  }
0xa6: {  	s5 =	sshll.u32 s26, $0x1;
	_ =	strace $0x8000004F;
	[dreg:$0x1] =	wrdreg $0xFFFFFFFF  }
0xa7: {  	s28 =	simm.s32 $_size_execute0_lowered;
	s3 =	sadd.s32 s3, s5;
	[dreg:$0x0] =	wrdreg $0x0  }
0xa8: {  	s5 =	sshll.u32 s28, $0x1;
	[dreg:$0x2] =	wrdreg s3  }
0xa9: {  	[dreg:$0x3] =	wrdreg s5  }
0xaa: {  	[dreg:$0x4] =	wrdreg $0xC0  }
0xab: {  	_ =	task [dreg:s7], $0x5FFFF  }
0xac: {  	[dreg:$0x1] =	wrdreg $0xFFFFFFFF  }
0xad: {  	[dreg:$0x0] =	wrdreg $0x60  }
0xae: {  	[dreg:$0x2] =	wrdreg s24  }
0xaf: {  	[dreg:$0x3] =	wrdreg s2  }
0xb0: {  	[dreg:$0x4] =	wrdreg $0x84000  }
0xb1: {  	[dreg:$0x5] =	wrdreg $0x9  }
0xb2: {  	_ =	task.clear_ibuf [dreg:s7], $0x6FFFF;
	_ =	strace $0x9000004F  }
0xb3: {  	s29 =	simm.s32 $0x9;
	_ =	strace $0x80000051  }
0xb4: {  	_ =	swait.ge [sflag:s29], $0x1  }
0xb5: {  	[sflag:s29] =	ssyncadd.s32 $0xFFFFFFFF  }
0xb6: {  	_ =	strace $0x90000051  }
0xb7: {  	_ =	sfence  }
0xb8: {  	s30 =	sld [smem:$0x0];
	_ =	sdelay $0x2  }
0xb9: {  	s31 =	sshll.u32 s1, $0xD;
	s1 =	sshrl.u32 s1, $0x2  }
0xba: {  	s3 =	sand.u32 $0x4000, s31;
	s1 =	sadd.s32 s1, s30  }
0xbb: {  	s0 =	sor.u32 s3, s0;
	s1 =	sshll.u32 s1, $0x11  }
0xbc: {  	s0 =	sor.u32 s1, s0  }
0xbd: {  	s0 =	sadd.s32 $0x8F2B, s0  }
0xbe: {  	[sflag:s0] =	ssyncadd.remote.s32 $0x1  }
0xbf: {  	_ =	sfence.sel $0xFFFF  }
0xc0: {  	[dreg:$0x0] =	wrdreg $0xFFFFFFFF;
	(pc) =	sbr.abs _section_cstart, $3  }
0xc1: {  	[dreg:$0x1] =	wrdreg $0xFFFFFFFF  }
0xc2: {  	_ =	task.clear_ibuf [dreg:s7], $0x2FFFF;
	_ =	strace $0x9FFFFFFF  }
0xc3: {  	(tm) =	ssettm $0x7FFFFFFF  }
tec
execute0_lowered:
.L_overlay_start_1:
0x0: {  	(tag) =	ssettag $0x1  }
0x1: {  	s0 =	rddreg [dreg:$0x0]  }
0x2: {  	s1 =	rddreg [dreg:$0x1]  }
0x3: {  	s2 =	rddreg [dreg:$0x2]  }
0x4: {  	s3 =	srdreg.scid;
	s10 =	stileid.u32  }
0x5: {  	s24 =	simm.s32 $0x180;
	s25 =	simm.s32 $0x280;
	s26 =	simm.s32 $0x380  }
0x6: {  	s28 =	simm.s32 $0x3;
	s29 =	simm.s32 $0x5;
	s5 =	smul.u32 $0x14000, s10  }
0x7: {  	s30 =	simm.s32 $0x8;
	s31 =	simm.s32 $0x4;
	s14 =	smul.u32 $0x50000, s10  }
0x8: {  	s6 =	sand.u32 $0x1, s3;
	s3 =	simm.s32 $0x0;
	s19 =	smul.u32 $0x1400, s10  }
0x9: {  	s7 =	sshll.u32 s10, $0x1;
	s15 =	sadd.s32 $0x60, s1;
	s4 =	smul.u32 $0x140000, s6  }
0xa: {  	[smem:$0x7FF] =	sst s3;
	s7 =	sor.u32 s6, s7;
	s8 =	ssub.s32 $0x2, s6  }
0xb: {  	_ =	strace $0x80000050;
	s7 =	smul.u32 $0xA00, s7;
	s9 =	sshrl.u32 s8, $0x1  }
0xc: {  	s16 =	sshrl.u32 s14, $0x2;
	s14 =	smul.u32 $0x50, s6;
	[dreg:$0x5] =	wrdreg s24  }
0xd: {  	s6 =	smul.u32 $0xA00, s6;
	[dreg:$0x6] =	wrdreg s25;
	s24 =	simm.s32 $0x4400  }
0xe: {  	[dreg:$0x7] =	wrdreg s26;
	s25 =	simm.s32 $0x6;
	s26 =	simm.s32 $0x7  }
0xf: {  	s5 =	sadd.s32 s5, s4;
	s4 =	sadd.s32 $0x5CE00, s0;
	s8 =	ssub.s32 s8, s9  }
0x10: {  	s9 =	sadd.s32 s16, s2;
	s5 =	sshrl.u32 s5, $0x3;
	s17 =	smax.u32 s8, $0x1  }
0x11: {  	s18 =	sadd.s32 $0x4000, s9;
	s21 =	sadd.s32 $0x8000, s9;
	[dreg:$0xc] =	wrdreg s17  }
0x12: {  	s22 =	sadd.s32 $0xC000, s9;
	s0 =	sadd.s32 s5, s0;
	[dreg:$0xd] =	wrdreg s18  }
0x13: {  	s5 =	sadd.s32 s1, s7;
	s7 =	sadd.s32 s7, s15;
	[dreg:$0xe] =	wrdreg s21  }
0x14: {  	[dreg:$0xf] =	wrdreg s22;
	s17 =	simm.s32 $0x100;
	s18 =	simm.s32 $0x200  }
0x15: {  	s21 =	simm.s32 $0x9;
	s13 =	sadd.s32 $0x20, s5;
	[dreg:$0xa] =	wrdreg s7  }
0x16: {  	s11 =	sadd.s32 $0x40, s5;
	[dreg:$0x8] =	wrdreg s13;
	s13 =	smul.u32 $0xA0, s10  }
0x17: {  	s22 =	simm.s32 $0x2;
	s0 =	sadd.s32 $0x84E00, s0;
	[dreg:$0x9] =	wrdreg s11  }
0x18: {  	[dreg:$0xb] =	wrdreg s0;
	s0 =	sadd.s32 s19, s1;
	s20 =	sadd.s32 s14, s13  }
0x19: {  	s19 =	simm.s32 $0x300;
	s16 =	sadd.s32 s6, s0;
	s7 =	sshll.u32 s20, $0x5  }
0x1a: {  	s0 =	simm.s32 $0x0;
	s20 =	simm.s32 $0x400;
	s23 =	sadd.s32 s7, s15  }
0x1b: {  	v0 =	vimm.f32 $0.0e+00;
	s15 =	sadd.s32 $0x10000, s9;
	[dreg:$0x4] =	wrdreg s23;
	s23 =	simm.s32 $0x80  }
.LBB2_1:
0x1c: {  	[tilespmem:s3], [sflag:$0x1] =	stream.linear.gather [hbm4b:s5+s3], $0x100, $0x38;
	[tilespmem:$0x1C400] =	vst v63  }
0x1d: {  	s1 =	rddreg [dreg:$0x8]  }
0x1e: {  	s12 =	rddreg [dreg:$0x9];
	s14 =	sand.u32 $0xFE00, s3  }
0x1f: {  	[tilespmem:s17], [sflag:$0x2] =	stream.linear.gather [hbm4b:s1+s3], $0x100, $0x38;
	[tilespmem:$0x1C400] =	vst v63  }
0x20: {  	s13 =	rddreg [dreg:$0xa];
	s6 =	sand.u32 $0x70, s3;
	s7 =	sshrl.u32 s14, $0x2  }
0x21: {  	[tilespmem:s18], [sflag:$0x3] =	stream.linear.gather [hbm4b:s12+s3], $0x100, $0x38;
	[tilespmem:$0x1C400] =	vst v63  }
0x22: {  	s1 =	simm.s32 $0x40;
	s7 =	sor.u32 s6, s7;
	s6 =	simm.s32 $0x0  }
0x23: {  	[tilespmem:s19], [sflag:$0x4] =	stream.linear.gather [hbm4b:s13+s3], $0x100, $0x38;
	[tilespmem:$0x1C400] =	vst v63  }
.LBB2_2:
0x24: {  	p0 =	sne.s32 s1, $0xFFC0  }
0x25: {  	[tilespmem:s7+$0x400] =	vst v0;
	s6 =	sadd.s32 $0x10, s6;
	s7 =	smov.u32 s1;
	s1 =	sadd.s32 $0x40, s1  }
.Ltmp0:
0x26: {  	(pc) =	sbr.rel @p0 .LBB2_2-.Ltmp0, $4  }
0x27: {  	_ = 	snop  }
0x28: {  	s7 =	sand.u32 $0xFE00, s7  }
0x29: {  	s8 =	sand.u32 $0x70, s6;
	s7 =	sshrl.u32 s7, $0x2  }
0x2a: {  	s7 =	sor.u32 s8, s7  }
0x2b: {  	[tilespmem:s7+$0x400] =	vst v0  }
0x2c: {  	[spmem:s9] =	stream.linear.scatter [tilespmem:s20], [sflag:$0x9], $0x4000, $0x38;
	[tilespmem:$0x1C400] =	vst v63  }
0x2d: {  	_ =	swait.ge [sflag:s21], $0x4000  }
0x2e: {  	[sflag:s21] =	ssyncset.done $0x0  }
0x2f: {  	s1 =	rddreg [dreg:$0xd];
	[sflag:s21] =	ssyncadd.s32 $0xFFFFC000  }
0x30: {  	[spmem:s1] =	stream.linear.scatter [tilespmem:s20], [sflag:$0x9], $0x4000, $0x38;
	[tilespmem:$0x1C400] =	vst v63  }
0x31: {  	_ =	swait.ge [sflag:s21], $0x4000  }
0x32: {  	[sflag:s21] =	ssyncset.done $0x0  }
0x33: {  	s11 =	rddreg [dreg:$0xe];
	[sflag:s21] =	ssyncadd.s32 $0xFFFFC000  }
0x34: {  	[spmem:s11] =	stream.linear.scatter [tilespmem:s20], [sflag:$0x9], $0x4000, $0x38;
	[tilespmem:$0x1C400] =	vst v63  }
0x35: {  	_ =	swait.ge [sflag:s21], $0x4000  }
0x36: {  	[sflag:s21] =	ssyncset.done $0x0  }
0x37: {  	s12 =	rddreg [dreg:$0xf];
	[sflag:s21] =	ssyncadd.s32 $0xFFFFC000  }
0x38: {  	[spmem:s12] =	stream.linear.scatter [tilespmem:s20], [sflag:$0x9], $0x4000, $0x38;
	[tilespmem:$0x1C400] =	vst v63  }
0x39: {  	_ =	swait.ge [sflag:s21], $0x4000  }
0x3a: {  	[sflag:s21] =	ssyncset.done $0x0  }
0x3b: {  	[sflag:s21] =	ssyncadd.s32 $0xFFFFC000  }
0x3c: {  	[spmem:s15] =	stream.linear.scatter [tilespmem:s20], [sflag:$0x9], $0x4000, $0x38;
	[tilespmem:$0x1C400] =	vst v63  }
0x3d: {  	_ =	swait.ge [sflag:s21], $0x4000  }
0x3e: {  	p1 =	por $0x1, $0x1;
	[sflag:s21] =	ssyncset.done $0x0  }
0x3f: {  	p0 =	por p1, p1;
	[sflag:s21] =	ssyncadd.s32 $0xFFFFC000  }
0x40: {  	s1 =	simm.s32 @p0 $0x1;
	[bflag:$0x0] =	sbarrier.arrive $0xFFFF  }
0x41: {  	_ =	swait.ge @p0 [sflag:s1], $0x100  }
0x42: {  	s6 =	simm.s32 @p0 $0x400;
	s7 =	simm.s32 @p0 $0x5;
	[sflag:s1] =	ssyncset.done @p0 $0x0  }
0x43: {  	s8 =	simm.s32 @p0 $0x0;
	[sflag:s1] =	ssyncadd.s32 @p0 $0xFFFFFF00;
	s1 =	simm.s32 @p0 $0x80  }
0x44: {  	[tilespmem:s6], [sflag:$0x5] =	stream.indirect.gather @p0 [hbm4b:s4+s1], $0x80, s8, s1, $0xb8;
	[tilespmem:$0x1C400] =	vst v63  }
0x45: {  	_ =	swait.ge @p0 [sflag:s7], $0x4000  }
0x46: {  	[sflag:s7] =	ssyncset.done @p0 $0x0  }
0x47: {  	[sflag:s7] =	ssyncadd.s32 @p0 $0xFFFFC000;
	s7 =	simm.s32 @!p0 $0x7  }
0x48: {  	[spmem:s2] =	stream.indirect.scatter.add.f32 @p0 [tilespmem:s6], [sflag:$0x7], $0x80, s1, s1, $0xb8;
	[tilespmem:$0x1C400] =	vst v63  }
0x49: {  	s8 =	simm.s32 @!p0 $0x200;
	_ =	swait.ge @!p0 [sflag:s7], $0x4000  }
0x4a: {  	s1 =	sadd.s32 @!p1 $0x0, s16;
	s6 =	simm.s32 @!p0 $0x1;
	[sflag:s7] =	ssyncset.done @!p0 $0x0  }
0x4b: {  	s1 =	sadd.s32 @!p1 $0x40, s1;
	[sflag:s7] =	ssyncadd.s32 @!p0 $0xFFFFC000;
	s7 =	simm.s32 @!p0 $0x0  }
0x4c: {  	[tilespmem:s8], [sflag:$0x3] =	stream.linear.gather @!p0 [hbm4b:s1+s7], $0x100, $0x38;
	[tilespmem:$0x1C400] =	vst v63  }
0x4d: {  	_ =	swait.ge @!p0 [sflag:s6], $0x100  }
0x4e: {  	s1 =	simm.s32 @!p0 $0x5;
	[sflag:s6] =	ssyncset.done @!p0 $0x0  }
0x4f: {  	s8 =	simm.s32 @!p0 $0x400;
	[sflag:s6] =	ssyncadd.s32 @!p0 $0xFFFFFF00;
	s6 =	simm.s32 @!p0 $0x80  }
0x50: {  	[tilespmem:s8], [sflag:$0x5] =	stream.indirect.gather @!p0 [hbm4b:s4+s6], $0x80, s7, s6, $0xb8;
	[tilespmem:$0x1C400] =	vst v63  }
0x51: {  	_ =	swait.ge @!p0 [sflag:s1], $0x4000  }
0x52: {  	[sflag:s1] =	ssyncset.done @!p0 $0x0  }
0x53: {  	[sflag:s1] =	ssyncadd.s32 @!p0 $0xFFFFC000;
	s1 =	simm.s32 @!p0 $0x8  }
0x54: {  	[spmem:s2] =	stream.indirect.scatter.add.f32 @!p0 [tilespmem:s8], [sflag:$0x7], $0x80, s6, s6, $0xb8;
	[tilespmem:$0x1C400] =	vst v63  }
0x55: {  	_ =	swait.ge @!p0 [sflag:s1], $0x4000  }
0x56: {  	s6 =	rddreg [dreg:$0x4];
	[sflag:s1] =	ssyncset.done @!p0 $0x0  }
0x57: {  	[sflag:s1] =	ssyncadd.s32 @!p0 $0xFFFFC000;
	s1 =	sadd.s32 @!p0 $0x0, s6;
	s6 =	simm.s32 @!p0 $0x300  }
0x58: {  	[tilespmem:s6], [sflag:$0x4] =	stream.linear.gather @!p0 [hbm4b:s1+s7], $0x100, $0x38;
	[tilespmem:$0x1C400] =	vst v63  }
0x59: {  	_ =	swait.ge [sflag:s22], $0x100  }
0x5a: {  	[sflag:s22] =	ssyncset.done $0x0  }
0x5b: {  	[sflag:s22] =	ssyncadd.s32 $0xFFFFFF00  }
0x5c: {  	[tilespmem:s24], [sflag:$0x6] =	stream.indirect.gather [hbm4b:s4+s23], $0x80, s17, s23, $0xb8;
	[tilespmem:$0x1C400] =	vst v63  }
0x5d: {  	_ =	swait.ge [sflag:s25], $0x4000  }
0x5e: {  	[sflag:s25] =	ssyncset.done $0x0  }
0x5f: {  	s13 =	rddreg [dreg:$0x5];
	[sflag:s25] =	ssyncadd.s32 $0xFFFFC000  }
0x60: {  	[spmem:s2] =	stream.indirect.scatter.add.f32 [tilespmem:s24], [sflag:$0x8], $0x80, s13, s23, $0xb8;
	[tilespmem:$0x1C400] =	vst v63  }
0x61: {  	p0 =	por $0x0, $0x0;
	_ =	swait.ge [sflag:s26], $0x4000  }
0x62: {  	s1 =	sadd.s32 @!p0 $0x0, s16;
	[sflag:s26] =	ssyncset.done $0x0  }
0x63: {  	s7 =	simm.s32 @!p0 $0x0;
	s6 =	sadd.s32 @!p0 $0x80, s1;
	[sflag:s26] =	ssyncadd.s32 $0xFFFFC000  }
0x64: {  	[tilespmem:s7], [sflag:$0x1] =	stream.linear.gather @!p0 [hbm4b:s6+s7], $0x100, $0x38;
	[tilespmem:$0x1C400] =	vst v63  }
0x65: {  	_ =	swait.ge [sflag:s28], $0x100  }
0x66: {  	[sflag:s28] =	ssyncset.done $0x0  }
0x67: {  	[sflag:s28] =	ssyncadd.s32 $0xFFFFFF00  }
0x68: {  	[tilespmem:s20], [sflag:$0x5] =	stream.indirect.gather [hbm4b:s4+s23], $0x80, s18, s23, $0xb8;
	[tilespmem:$0x1C400] =	vst v63  }
0x69: {  	_ =	swait.ge [sflag:s29], $0x4000  }
0x6a: {  	[sflag:s29] =	ssyncset.done $0x0  }
0x6b: {  	s14 =	rddreg [dreg:$0x6];
	[sflag:s29] =	ssyncadd.s32 $0xFFFFC000  }
0x6c: {  	[spmem:s2] =	stream.indirect.scatter.add.f32 [tilespmem:s20], [sflag:$0x7], $0x80, s14, s23, $0xb8;
	[tilespmem:$0x1C400] =	vst v63  }
0x6d: {  	_ =	swait.ge [sflag:s30], $0x4000  }
0x6e: {  	[sflag:s30] =	ssyncset.done $0x0  }
0x6f: {  	s1 =	sadd.s32 @!p0 $0xA0, s1;
	s6 =	simm.s32 @!p0 $0x100;
	[sflag:s30] =	ssyncadd.s32 $0xFFFFC000  }
0x70: {  	[tilespmem:s6], [sflag:$0x2] =	stream.linear.gather @!p0 [hbm4b:s1+s7], $0x100, $0x38;
	[tilespmem:$0x1C400] =	vst v63  }
0x71: {  	_ =	swait.ge [sflag:s31], $0x100  }
0x72: {  	[sflag:s31] =	ssyncset.done $0x0  }
0x73: {  	p0 =	por $0x0, $0x0;
	[sflag:s31] =	ssyncadd.s32 $0xFFFFFF00  }
0x74: {  	[tilespmem:s24], [sflag:$0x6] =	stream.indirect.gather [hbm4b:s4+s23], $0x80, s19, s23, $0xb8;
	[tilespmem:$0x1C400] =	vst v63  }
0x75: {  	s1 =	simm.s32 $0x80;
	s6 =	sadd.s32 @!p0 $0x80, s16;
	_ =	swait.ge [sflag:s25], $0x4000  }
0x76: {  	s7 =	simm.s32 $0x100;
	s6 =	sadd.s32 @!p0 $0x40, s6;
	[sflag:s25] =	ssyncset.done $0x0  }
0x77: {  	p0 =	por p0, p0;
	s8 =	rddreg [dreg:$0x7];
	[sflag:s25] =	ssyncadd.s32 $0xFFFFC000  }
.LBB2_4:
0x78: {  	[spmem:s2] =	stream.indirect.scatter.add.f32 [tilespmem:s24], [sflag:$0x8], $0x80, s8, s23, $0xb8;
	[tilespmem:$0x1C400] =	vst v63  }
0x79: {  	s10 =	simm.s32 @p0 $0x1  }
0x7a: {  	_ =	swait.ge @p0 [sflag:s10], $0x100  }
0x7b: {  	s12 =	simm.s32 @p0 $0x400;
	s13 =	simm.s32 @p0 $0x5;
	[sflag:s10] =	ssyncset.done @p0 $0x0  }
0x7c: {  	s14 =	simm.s32 @p0 $0x0;
	[sflag:s10] =	ssyncadd.s32 @p0 $0xFFFFFF00;
	s10 =	simm.s32 @p0 $0x80  }
0x7d: {  	[tilespmem:s12], [sflag:$0x5] =	stream.indirect.gather @p0 [hbm4b:s4+s10], $0x80, s14, s10, $0xb8;
	[tilespmem:$0x1C400] =	vst v63  }
0x7e: {  	_ =	swait.ge @p0 [sflag:s13], $0x4000  }
0x7f: {  	[sflag:s13] =	ssyncset.done @p0 $0x0  }
0x80: {  	s8 =	smov.u32 s7;
	[sflag:s13] =	ssyncadd.s32 @p0 $0xFFFFC000;
	s13 =	simm.s32 @!p0 $0x7  }
0x81: {  	[spmem:s2] =	stream.indirect.scatter.add.f32 @p0 [tilespmem:s12], [sflag:$0x7], $0x80, s10, s10, $0xb8;
	[tilespmem:$0x1C400] =	vst v63  }
0x82: {  	p2 =	seq.s32 s8, $0x0;
	_ =	swait.ge @!p0 [sflag:s13], $0x4000  }
0x83: {  	s11 =	sadd.s32 @!p2 s8, s16;
	s10 =	simm.s32 @!p0 $0x1;
	[sflag:s13] =	ssyncset.done @!p0 $0x0  }
0x84: {  	s12 =	simm.s32 @!p0 $0x0;
	[sflag:s13] =	ssyncadd.s32 @!p0 $0xFFFFC000;
	s13 =	simm.s32 @!p0 $0x200  }
0x85: {  	[tilespmem:s13], [sflag:$0x3] =	stream.linear.gather @!p0 [hbm4b:s6+s12], $0x100, $0x38;
	[tilespmem:$0x1C400] =	vst v63  }
0x86: {  	s11 =	sadd.s32 @!p2 $0x40, s11;
	_ =	swait.ge @!p0 [sflag:s10], $0x100  }
0x87: {  	s6 =	smov.u32 s11;
	s11 =	simm.s32 @!p0 $0x5;
	[sflag:s10] =	ssyncset.done @!p0 $0x0  }
0x88: {  	s13 =	simm.s32 @!p0 $0x400;
	[sflag:s10] =	ssyncadd.s32 @!p0 $0xFFFFFF00;
	s10 =	simm.s32 @!p0 $0x80  }
0x89: {  	[tilespmem:s13], [sflag:$0x5] =	stream.indirect.gather @!p0 [hbm4b:s4+s10], $0x80, s12, s10, $0xb8;
	[tilespmem:$0x1C400] =	vst v63  }
0x8a: {  	_ =	swait.ge @!p0 [sflag:s11], $0x4000  }
0x8b: {  	[sflag:s11] =	ssyncset.done @!p0 $0x0  }
0x8c: {  	[sflag:s11] =	ssyncadd.s32 @!p0 $0xFFFFC000;
	s11 =	simm.s32 @!p0 $0x8  }
0x8d: {  	[spmem:s2] =	stream.indirect.scatter.add.f32 @!p0 [tilespmem:s13], [sflag:$0x7], $0x80, s10, s10, $0xb8;
	[tilespmem:$0x1C400] =	vst v63  }
0x8e: {  	_ =	swait.ge @!p0 [sflag:s11], $0x4000  }
0x8f: {  	s10 =	rddreg [dreg:$0x4];
	[sflag:s11] =	ssyncset.done @!p0 $0x0  }
0x90: {  	[sflag:s11] =	ssyncadd.s32 @!p0 $0xFFFFC000;
	s10 =	sadd.s32 @!p0 s1, s10;
	s11 =	simm.s32 @!p0 $0x300  }
0x91: {  	[tilespmem:s11], [sflag:$0x4] =	stream.linear.gather @!p0 [hbm4b:s10+s12], $0x100, $0x38;
	[tilespmem:$0x1C400] =	vst v63  }
0x92: {  	_ =	swait.ge [sflag:s22], $0x100  }
0x93: {  	[sflag:s22] =	ssyncset.done $0x0  }
0x94: {  	[sflag:s22] =	ssyncadd.s32 $0xFFFFFF00  }
0x95: {  	[tilespmem:s24], [sflag:$0x6] =	stream.indirect.gather [hbm4b:s4+s23], $0x80, s17, s23, $0xb8;
	[tilespmem:$0x1C400] =	vst v63  }
0x96: {  	_ =	swait.ge [sflag:s25], $0x4000  }
0x97: {  	[sflag:s25] =	ssyncset.done $0x0  }
0x98: {  	s13 =	rddreg [dreg:$0x5];
	[sflag:s25] =	ssyncadd.s32 $0xFFFFC000  }
0x99: {  	[spmem:s2] =	stream.indirect.scatter.add.f32 [tilespmem:s24], [sflag:$0x8], $0x80, s13, s23, $0xb8;
	[tilespmem:$0x1C400] =	vst v63  }
0x9a: {  	p0 =	por p2, p2;
	p2 =	seq.s32 s1, $0x980;
	_ =	swait.ge [sflag:s26], $0x4000  }
0x9b: {  	s10 =	sadd.s32 @!p2 s1, s16;
	s1 =	smov.u32 s8;
	[sflag:s26] =	ssyncset.done $0x0  }
0x9c: {  	s11 =	simm.s32 @!p2 $0x0;
	s8 =	sadd.s32 @!p2 $0x80, s10;
	[sflag:s26] =	ssyncadd.s32 $0xFFFFC000  }
0x9d: {  	[tilespmem:s11], [sflag:$0x1] =	stream.linear.gather @!p2 [hbm4b:s8+s11], $0x100, $0x38;
	[tilespmem:$0x1C400] =	vst v63  }
0x9e: {  	_ =	swait.ge [sflag:s28], $0x100  }
0x9f: {  	[sflag:s28] =	ssyncset.done $0x0  }
0xa0: {  	[sflag:s28] =	ssyncadd.s32 $0xFFFFFF00  }
0xa1: {  	[tilespmem:s20], [sflag:$0x5] =	stream.indirect.gather [hbm4b:s4+s23], $0x80, s18, s23, $0xb8;
	[tilespmem:$0x1C400] =	vst v63  }
0xa2: {  	_ =	swait.ge [sflag:s29], $0x4000  }
0xa3: {  	[sflag:s29] =	ssyncset.done $0x0  }
0xa4: {  	s14 =	rddreg [dreg:$0x6];
	[sflag:s29] =	ssyncadd.s32 $0xFFFFC000  }
0xa5: {  	[spmem:s2] =	stream.indirect.scatter.add.f32 [tilespmem:s20], [sflag:$0x7], $0x80, s14, s23, $0xb8;
	[tilespmem:$0x1C400] =	vst v63  }
0xa6: {  	_ =	swait.ge [sflag:s30], $0x4000  }
0xa7: {  	[sflag:s30] =	ssyncset.done $0x0  }
0xa8: {  	s8 =	sadd.s32 @!p2 $0xA0, s10;
	s10 =	simm.s32 @!p2 $0x100;
	[sflag:s30] =	ssyncadd.s32 $0xFFFFC000  }
0xa9: {  	[tilespmem:s10], [sflag:$0x2] =	stream.linear.gather @!p2 [hbm4b:s8+s11], $0x100, $0x38;
	[tilespmem:$0x1C400] =	vst v63  }
0xaa: {  	s7 =	sadd.s32 $0x80, s7;
	_ =	swait.ge [sflag:s31], $0x100  }
0xab: {  	p1 =	sne.s32 s7, $0xA00;
	[sflag:s31] =	ssyncset.done $0x0  }
.Ltmp1:
0xac: {  	[sflag:s31] =	ssyncadd.s32 $0xFFFFFF00;
	(pc) =	sbr.rel @p1 .LBB2_4-.Ltmp1, $4  }
0xad: {  	[tilespmem:s24], [sflag:$0x6] =	stream.indirect.gather [hbm4b:s4+s23], $0x80, s19, s23, $0xb8;
	[tilespmem:$0x1C400] =	vst v63  }
0xae: {  	_ =	swait.ge [sflag:s25], $0x4000  }
0xaf: {  	[sflag:s25] =	ssyncset.done $0x0  }
0xb0: {  	s8 =	rddreg [dreg:$0x7];
	[sflag:s25] =	ssyncadd.s32 $0xFFFFC000  }
0xb1: {  	[spmem:s2] =	stream.indirect.scatter.add.f32 [tilespmem:s24], [sflag:$0x8], $0x80, s8, s23, $0xb8;
	[tilespmem:$0x1C400] =	vst v63  }
0xb2: {  	s7 =	simm.s32 @p0 $0x1  }
0xb3: {  	_ =	swait.ge @p0 [sflag:s7], $0x100  }
0xb4: {  	s8 =	simm.s32 @p0 $0x400;
	[sflag:s7] =	ssyncset.done @p0 $0x0  }
0xb5: {  	s10 =	simm.s32 @p0 $0x0;
	[sflag:s7] =	ssyncadd.s32 @p0 $0xFFFFFF00;
	s7 =	simm.s32 @p0 $0x80  }
0xb6: {  	[tilespmem:s8], [sflag:$0x5] =	stream.indirect.gather @p0 [hbm4b:s4+s7], $0x80, s10, s7, $0xb8;
	[tilespmem:$0x1C400] =	vst v63  }
0xb7: {  	s10 =	simm.s32 @p0 $0x5  }
0xb8: {  	_ =	swait.ge @p0 [sflag:s10], $0x4000  }
0xb9: {  	[sflag:s10] =	ssyncset.done @p0 $0x0  }
0xba: {  	[sflag:s10] =	ssyncadd.s32 @p0 $0xFFFFC000;
	s10 =	simm.s32 @!p0 $0x7  }
0xbb: {  	[spmem:s2] =	stream.indirect.scatter.add.f32 @p0 [tilespmem:s8], [sflag:$0x7], $0x80, s7, s7, $0xb8;
	[tilespmem:$0x1C400] =	vst v63  }
0xbc: {  	_ =	swait.ge @!p0 [sflag:s10], $0x4000  }
0xbd: {  	s7 =	simm.s32 @!p0 $0x1;
	[sflag:s10] =	ssyncset.done @!p0 $0x0  }
0xbe: {  	s8 =	simm.s32 @!p0 $0x0;
	[sflag:s10] =	ssyncadd.s32 @!p0 $0xFFFFC000;
	s10 =	simm.s32 @!p0 $0x200  }
0xbf: {  	[tilespmem:s10], [sflag:$0x3] =	stream.linear.gather @!p0 [hbm4b:s6+s8], $0x100, $0x38;
	[tilespmem:$0x1C400] =	vst v63  }
0xc0: {  	_ =	swait.ge @!p0 [sflag:s7], $0x100  }
0xc1: {  	s6 =	simm.s32 @!p0 $0x5;
	[sflag:s7] =	ssyncset.done @!p0 $0x0  }
0xc2: {  	s10 =	simm.s32 @!p0 $0x400;
	[sflag:s7] =	ssyncadd.s32 @!p0 $0xFFFFFF00;
	s7 =	simm.s32 @!p0 $0x80  }
0xc3: {  	[tilespmem:s10], [sflag:$0x5] =	stream.indirect.gather @!p0 [hbm4b:s4+s7], $0x80, s8, s7, $0xb8;
	[tilespmem:$0x1C400] =	vst v63  }
0xc4: {  	_ =	swait.ge @!p0 [sflag:s6], $0x4000  }
0xc5: {  	[sflag:s6] =	ssyncset.done @!p0 $0x0  }
0xc6: {  	[sflag:s6] =	ssyncadd.s32 @!p0 $0xFFFFC000;
	s6 =	simm.s32 @!p0 $0x8  }
0xc7: {  	[spmem:s2] =	stream.indirect.scatter.add.f32 @!p0 [tilespmem:s10], [sflag:$0x7], $0x80, s7, s7, $0xb8;
	[tilespmem:$0x1C400] =	vst v63  }
0xc8: {  	_ =	swait.ge @!p0 [sflag:s6], $0x4000  }
0xc9: {  	s7 =	rddreg [dreg:$0x4];
	[sflag:s6] =	ssyncset.done @!p0 $0x0  }
0xca: {  	[sflag:s6] =	ssyncadd.s32 @!p0 $0xFFFFC000;
	s6 =	sadd.s32 @!p0 s1, s7;
	s7 =	simm.s32 @!p0 $0x300  }
0xcb: {  	[tilespmem:s7], [sflag:$0x4] =	stream.linear.gather @!p0 [hbm4b:s6+s8], $0x100, $0x38;
	[tilespmem:$0x1C400] =	vst v63  }
0xcc: {  	_ =	swait.ge [sflag:s22], $0x100  }
0xcd: {  	[sflag:s22] =	ssyncset.done $0x0  }
0xce: {  	[sflag:s22] =	ssyncadd.s32 $0xFFFFFF00  }
0xcf: {  	[tilespmem:s24], [sflag:$0x6] =	stream.indirect.gather [hbm4b:s4+s23], $0x80, s17, s23, $0xb8;
	[tilespmem:$0x1C400] =	vst v63  }
0xd0: {  	_ =	swait.ge [sflag:s25], $0x4000  }
0xd1: {  	[sflag:s25] =	ssyncset.done $0x0  }
0xd2: {  	s7 =	rddreg [dreg:$0x5];
	[sflag:s25] =	ssyncadd.s32 $0xFFFFC000  }
0xd3: {  	[spmem:s2] =	stream.indirect.scatter.add.f32 [tilespmem:s24], [sflag:$0x8], $0x80, s7, s23, $0xb8;
	[tilespmem:$0x1C400] =	vst v63  }
0xd4: {  	p0 =	seq.s32 s1, $0x980;
	_ =	swait.ge [sflag:s26], $0x4000  }
0xd5: {  	s1 =	sadd.s32 @!p0 s1, s16;
	[sflag:s26] =	ssyncset.done $0x0  }
0xd6: {  	s6 =	sadd.s32 @!p0 $0x80, s1;
	s7 =	simm.s32 @!p0 $0x0;
	[sflag:s26] =	ssyncadd.s32 $0xFFFFC000  }
0xd7: {  	[tilespmem:s7], [sflag:$0x1] =	stream.linear.gather @!p0 [hbm4b:s6+s7], $0x100, $0x38;
	[tilespmem:$0x1C400] =	vst v63  }
0xd8: {  	_ =	swait.ge [sflag:s28], $0x100  }
0xd9: {  	[sflag:s28] =	ssyncset.done $0x0  }
0xda: {  	[sflag:s28] =	ssyncadd.s32 $0xFFFFFF00  }
0xdb: {  	[tilespmem:s20], [sflag:$0x5] =	stream.indirect.gather [hbm4b:s4+s23], $0x80, s18, s23, $0xb8;
	[tilespmem:$0x1C400] =	vst v63  }
0xdc: {  	_ =	swait.ge [sflag:s29], $0x4000  }
0xdd: {  	[sflag:s29] =	ssyncset.done $0x0  }
0xde: {  	s8 =	rddreg [dreg:$0x6];
	[sflag:s29] =	ssyncadd.s32 $0xFFFFC000  }
0xdf: {  	[spmem:s2] =	stream.indirect.scatter.add.f32 [tilespmem:s20], [sflag:$0x7], $0x80, s8, s23, $0xb8;
	[tilespmem:$0x1C400] =	vst v63  }
0xe0: {  	_ =	swait.ge [sflag:s30], $0x4000  }
0xe1: {  	[sflag:s30] =	ssyncset.done $0x0  }
0xe2: {  	s1 =	sadd.s32 @!p0 $0xA0, s1;
	s6 =	simm.s32 @!p0 $0x100;
	[sflag:s30] =	ssyncadd.s32 $0xFFFFC000  }
0xe3: {  	[tilespmem:s6], [sflag:$0x2] =	stream.linear.gather @!p0 [hbm4b:s1+s7], $0x100, $0x38;
	[tilespmem:$0x1C400] =	vst v63  }
0xe4: {  	_ =	swait.ge [sflag:s31], $0x100  }
0xe5: {  	[sflag:s31] =	ssyncset.done $0x0  }
0xe6: {  	[sflag:s31] =	ssyncadd.s32 $0xFFFFFF00  }
0xe7: {  	[tilespmem:s24], [sflag:$0x6] =	stream.indirect.gather [hbm4b:s4+s23], $0x80, s19, s23, $0xb8;
	[tilespmem:$0x1C400] =	vst v63  }
0xe8: {  	_ =	swait.ge [sflag:s25], $0x4000  }
0xe9: {  	[sflag:s25] =	ssyncset.done $0x0  }
0xea: {  	s10 =	rddreg [dreg:$0x7];
	[sflag:s25] =	ssyncadd.s32 $0xFFFFC000  }
0xeb: {  	[spmem:s2] =	stream.indirect.scatter.add.f32 [tilespmem:s24], [sflag:$0x8], $0x80, s10, s23, $0xb8;
	[tilespmem:$0x1C400] =	vst v63  }
0xec: {  	_ =	swait.ge [sflag:s26], $0x4000  }
0xed: {  	[sflag:s26] =	ssyncset.done $0x0  }
0xee: {  	[sflag:s26] =	ssyncadd.s32 $0xFFFFC000  }
0xef: {  	_ =	swait.ge [sflag:s30], $0x4000  }
0xf0: {  	[sflag:s30] =	ssyncset.done $0x0  }
0xf1: {  	s11 =	stileid.u32;
	[sflag:s30] =	ssyncadd.s32 $0xFFFFC000  }
0xf2: {  	s1 =	sshll.u32 s11, $0x6;
	[bflag:$0x0] =	sbarrier.arrive $0xFFFF  }
0xf3: {  	s12 =	sshrl.u32 s9, $0x3;
	s1 =	sor.u32 $0x1C09, s1;
	s13 =	rddreg [dreg:$0xb]  }
0xf4: {  	[hbm:s13], [sflag:s1] =	dma.local [spmem:s12], $0x2800  }
0xf5: {  	_ =	swait.ge [sflag:s21], $0x2800  }
0xf6: {  	s0 =	sadd.s32 $0x1, s0;
	s14 =	rddreg [dreg:$0xc]  }
0xf7: {  	p0 =	sne.s32 s0, s14  }
.Ltmp2:
0xf8: {  	_ = 	snop;
	(pc) =	sbr.rel @p0 .LBB2_1-.Ltmp2, $3  }
0xf9: {  	_ =	sdelay $0x1  }
0xfa: {  	[sflag:s21] =	ssyncset.done $0x0  }
0xfb: {  	[sflag:s21] =	ssyncadd.s32 $0xFFFFD800  }
0xfc: {  	_ =	sfence.sel $0x180000  }
0xfd: {  	[bflag:$0x0] =	sbarrier.arrive $0xFFFF  }
0xfe: {  	_ =	strace $0x90000050  }
0xff: {  	s0 =	stileid.u32;
	[bflag:$0x2] =	sbarrier.arrive $0xFFFF  }
0x100: {  	p0 =	sne.s32 s0, $0x0;
	s0 =	rddreg [dreg:$0x3]  }
0x101: {  	s0 =	sadd.s32 @!p0 $0x100000, s0  }
0x102: {  	[sflag:s0] =	ssyncadd.tile.s32 @!p0 $0x1;
	_ =	shalt  }
.Lfunc_end2:
_tile_overlayer_lowered:
.L_overlay_start_2:
0x103: {  	(tag) =	ssettag $0x2  }
0x104: {  	s0 =	rddreg [dreg:$0x0];
	s2 =	stileid.u32  }
0x105: {  	s1 =	rddreg [dreg:$0x1];
	p0 =	sne.s32 s2, $0x0  }
0x106: {  	s3 =	rddreg [dreg:$0x2];
	[bflag:$0x3] =	sbarrier.arrive $0xFFFF;
	s2 =	simm.s32 @!p0 $0x1C09  }
0x107: {  	[timem:s3], [sflag:s2] =	dma.local @!p0 [hbm:s0], s1  }
0x108: {  	s0 =	simm.s32 @!p0 $0x9  }
0x109: {  	_ =	swait.ge @!p0 [sflag:s0], s1  }
0x10a: {  	s1 =	ssub.s32 @!p0 $0x0, s1;
	[sflag:s0] =	ssyncset.done @!p0 $0x0  }
0x10b: {  	[sflag:s0] =	ssyncadd.s32 @!p0 s1  }
0x10c: {  	[bflag:$0x3] =	sbarrier.arrive $0xFFFF  }
0x10d: {  	_ =	shalt  }

</sc_bundles>
